<compile_context>
chip_gen: v7x
topology: tpu7x:2x2x1
jax: 0.10.2.dev20260603
libtpu: 0.0.44.dev20260713+nightly
codegen_flags: <defaults>
</compile_context>

<pallas_src>
import functools

import jax
import jax.numpy as jnp
from jax import lax
from jax.experimental import pallas as pl
from jax.experimental.pallas import tpu as pltpu
from jax.experimental.pallas import tpu_sc as plsc

_EPS = 1e-8
_BE = 2000
_NC = 2
_NS = 16
_NW = _NC * _NS
_CG = 200
_CS = 200


def _prep_body(x_ref, wa_ref, wc_ref, b1_ref, ta_ref, tc_ref):
    xb = x_ref[...]
    ta_ref[...] = jnp.dot(xb, wa_ref[...], preferred_element_type=jnp.float32) + b1_ref[...]
    tc_ref[...] = jnp.dot(xb, wc_ref[...], preferred_element_type=jnp.float32)


def _prep_call(x, wa, wc, b1):
    n, d = x.shape
    bn = 1000
    return pl.pallas_call(
        _prep_body,
        grid=(n // bn,),
        in_specs=[
            pl.BlockSpec((bn, d), lambda i: (i, 0)),
            pl.BlockSpec((d, 128), lambda i: (0, 0)),
            pl.BlockSpec((d, 128), lambda i: (0, 0)),
            pl.BlockSpec((1, 128), lambda i: (0, 0)),
        ],
        out_specs=[
            pl.BlockSpec((bn, 128), lambda i: (i, 0)),
            pl.BlockSpec((bn, 128), lambda i: (i, 0)),
        ],
        out_shape=[
            jax.ShapeDtypeStruct((n, 128), jnp.float32),
            jax.ShapeDtypeStruct((n, 128), jnp.float32),
        ],
    )(x, wa, wc, b1)


def _gather_call(ta, tc, src, dst):
    e = src.shape[0]
    per_w = e // _NW
    nchunks = per_w // _CG
    f32 = jnp.float32
    mesh = plsc.VectorSubcoreMesh(core_axis_name="c", subcore_axis_name="s",
                                  num_cores=_NC, num_subcores=_NS)

    @functools.partial(
        pl.kernel, mesh=mesh,
        out_type=[
            jax.ShapeDtypeStruct((e, 128), f32),
            jax.ShapeDtypeStruct((e, 128), f32),
        ],
        scratch_types=[
            pltpu.VMEM((_CG,), jnp.int32),
            pltpu.VMEM((_CG,), jnp.int32),
            pltpu.VMEM((_CG, 128), f32),
            pltpu.VMEM((_CG, 128), f32),
            pltpu.SemaphoreType.DMA,
        ],
    )
    def gather_k(ta_hbm, tc_hbm, src_hbm, dst_hbm, ga_hbm, gc_hbm,
                 sidx, didx, abuf, cbuf, sem):
        wid = lax.axis_index("s") * _NC + lax.axis_index("c")
        base = wid * per_w

        def body(i, carry):
            off = pl.multiple_of(base + i * _CG, 8)
            pltpu.sync_copy(src_hbm.at[pl.ds(off, _CG)], sidx)
            pltpu.sync_copy(dst_hbm.at[pl.ds(off, _CG)], didx)
            c1 = pltpu.async_copy(ta_hbm.at[sidx], abuf, sem)
            c2 = pltpu.async_copy(tc_hbm.at[didx], cbuf, sem)
            c1.wait(); c2.wait()
            pltpu.sync_copy(abuf, ga_hbm.at[pl.ds(off, _CG)])
            pltpu.sync_copy(cbuf, gc_hbm.at[pl.ds(off, _CG)])
            return carry

        lax.fori_loop(0, nchunks, body, 0)

    return gather_k(ta, tc, src, dst)


def _aux_call(nrm8, src, dst, zc, ones_in, np_):
    e = src.shape[0]
    per_w = e // _NW
    nchunks = per_w // _CG
    per_tile_n = np_ // _NS
    f32 = jnp.float32
    mesh = plsc.VectorSubcoreMesh(core_axis_name="c", subcore_axis_name="s",
                                  num_cores=_NC, num_subcores=_NS)

    @functools.partial(
        pl.kernel, mesh=mesh,
        out_type=[
            jax.ShapeDtypeStruct((e, 8), f32),
            jax.ShapeDtypeStruct((e, 8), f32),
            jax.ShapeDtypeStruct((_NC, np_, 8), f32),
        ],
        scratch_types=[
            pltpu.VMEM((_CG,), jnp.int32),
            pltpu.VMEM((_CG,), jnp.int32),
            pltpu.VMEM((_CG, 8), f32),
            pltpu.VMEM((_CG, 8), f32),
            pltpu.VMEM((_CG, 8), f32),
            pltpu.VMEM_SHARED((np_, 8), f32),
            pltpu.SemaphoreType.DMA,
        ],
        compiler_params=pltpu.CompilerParams(use_tc_tiling_on_sc=False),
    )
    def aux_k(nrm_hbm, src_hbm, dst_hbm, zc_hbm, ones_hbm,
              ns_hbm, nd_hbm, cnt_hbm,
              sidx, didx, nsbuf, ndbuf, obuf, acc1, sem):
        cid = lax.axis_index("c")
        sid = lax.axis_index("s")
        wid = sid * _NC + cid
        base = wid * per_w
        row0 = sid * per_tile_n
        pltpu.sync_copy(ones_hbm, obuf)
        pltpu.sync_copy(zc_hbm, acc1.at[pl.ds(row0, per_tile_n)])
        plsc.subcore_barrier()

        def body(i, carry):
            off = pl.multiple_of(base + i * _CG, 8)
            pltpu.sync_copy(src_hbm.at[pl.ds(off, _CG)], sidx)
            pltpu.sync_copy(dst_hbm.at[pl.ds(off, _CG)], didx)
            c1 = pltpu.async_copy(nrm_hbm.at[sidx], nsbuf, sem)
            c2 = pltpu.async_copy(nrm_hbm.at[didx], ndbuf, sem)
            c1.wait(); c2.wait()
            pltpu.sync_copy(nsbuf, ns_hbm.at[pl.ds(off, _CG)])
            pltpu.sync_copy(ndbuf, nd_hbm.at[pl.ds(off, _CG)])
            pltpu.sync_copy(obuf, acc1.at[didx], add=True)
            return carry

        lax.fori_loop(0, nchunks, body, 0)
        plsc.subcore_barrier()
        pltpu.sync_copy(acc1.at[pl.ds(row0, per_tile_n)],
                        cnt_hbm.at[cid, pl.ds(row0, per_tile_n)])

    return aux_k(nrm8, src, dst, zc, ones_in)


def _scatter_call(msg, dst, z128, np_):
    e = msg.shape[0]
    per_w = e // _NW
    nchunks = per_w // _CS
    per_tile_n = np_ // _NS
    f32 = jnp.float32
    mesh = plsc.VectorSubcoreMesh(core_axis_name="c", subcore_axis_name="s",
                                  num_cores=_NC, num_subcores=_NS)

    @functools.partial(
        pl.kernel, mesh=mesh,
        out_type=jax.ShapeDtypeStruct((_NC, np_, 128), f32),
        scratch_types=[
            pltpu.VMEM((_CS,), jnp.int32),
            pltpu.VMEM((_CS, 128), f32),
            pltpu.VMEM_SHARED((np_, 128), f32),
            pltpu.SemaphoreType.DMA,
        ],
    )
    def scatter_k(msg_hbm, dst_hbm, z_hbm, out_hbm, didx, mbuf, acc, sem):
        cid = lax.axis_index("c")
        sid = lax.axis_index("s")
        wid = sid * _NC + cid
        base = wid * per_w
        row0 = sid * per_tile_n
        pltpu.sync_copy(z_hbm, acc.at[pl.ds(row0, per_tile_n)])
        plsc.subcore_barrier()

        def body(i, carry):
            off = pl.multiple_of(base + i * _CS, 8)
            pltpu.sync_copy(dst_hbm.at[pl.ds(off, _CS)], didx)
            pltpu.async_copy(msg_hbm.at[pl.ds(off, _CS)], mbuf, sem).wait()
            pltpu.sync_copy(mbuf, acc.at[didx], add=True)
            return carry

        lax.fori_loop(0, nchunks, body, 0)
        plsc.subcore_barrier()
        pltpu.sync_copy(acc.at[pl.ds(row0, per_tile_n)],
                        out_hbm.at[cid, pl.ds(row0, per_tile_n)])

    return scatter_k(msg, dst, z128)


def _combine_body(p1_ref, p2_ref, c1_ref, c2_ref, out_ref):
    p1, p2 = p1_ref[...], p2_ref[...]
    c1, c2 = c1_ref[...], c2_ref[...]
    cnt = c1[0, :, 0:1] + c1[1, :, 0:1] + c2[0, :, 0:1] + c2[1, :, 0:1]
    out_ref[...] = (p1[0] + p1[1] + p2[0] + p2[1]) / jnp.maximum(cnt, 1.0)


def _combine_call(p1, p2, c1, c2, n):
    bn = 1000
    return pl.pallas_call(
        _combine_body,
        grid=(n // bn,),
        in_specs=[
            pl.BlockSpec((2, bn, 128), lambda i: (0, i, 0)),
            pl.BlockSpec((2, bn, 128), lambda i: (0, i, 0)),
            pl.BlockSpec((2, bn, 8), lambda i: (0, i, 0)),
            pl.BlockSpec((2, bn, 8), lambda i: (0, i, 0)),
        ],
        out_specs=pl.BlockSpec((bn, 128), lambda i: (i, 0)),
        out_shape=jax.ShapeDtypeStruct((n, 128), jnp.float32),
    )(p1, p2, c1, c2)


def _mix(m, w_ref):
    blocks = []
    for h in range(3):
        acc = (w_ref[0, h] * m[0:3] + w_ref[1, h] * m[3:6]
               + w_ref[2, h] * m[6:9])
        blocks.append(acc)
    return jnp.concatenate(blocks, axis=0)


def _norms(m):
    sq = m * m
    rows = [sq[3 * c:3 * c + 1] + sq[3 * c + 1:3 * c + 2] + sq[3 * c + 2:3 * c + 3]
            for c in range(3)]
    return jnp.sqrt(jnp.maximum(jnp.concatenate(rows, axis=0), _EPS))


def _gate(v):
    n = _norms(v)
    sig = 1.0 / (1.0 + jnp.exp(-n))
    return jnp.concatenate(
        [v[3 * c:3 * c + 3] * sig[c:c + 1] for c in range(3)], axis=0)


def _vn_dot(vnt, w_ref):
    return lax.dot_general(vnt, w_ref[...], (((0,), (0,)), ((), ())),
                           preferred_element_type=jnp.float32)


def _dense_body(ga_ref, gc_ref, es_ref, ns_ref, nd_ref, ev_ref,
                wes_ref, wvn1_ref, w2s_ref, b2_ref, wvn2_ref,
                w3s_ref, b3_ref, wvn3_ref,
                wh1_ref, wv1_ref, wh2_ref, wv2_ref, wh3_ref,
                out_ref):
    f32 = jnp.float32
    s_pre = (ga_ref[...] + gc_ref[...]
             + jnp.dot(es_ref[...], wes_ref[...], preferred_element_type=f32))

    m_em = jnp.concatenate(
        [ns_ref[...][:, 0:3], ev_ref[...], nd_ref[...][:, 0:3]], axis=1)
    mv0 = m_em.T
    vh1 = _mix(mv0, wh1_ref)
    vn1 = _norms(vh1)
    s1 = jnp.maximum(s_pre + _vn_dot(vn1, wvn1_ref), 0.0)
    v1 = _gate(_mix(vh1, wv1_ref))

    vh2 = _mix(v1, wh2_ref)
    vn2 = _norms(vh2)
    s2 = jnp.maximum(
        jnp.dot(s1, w2s_ref[...], preferred_element_type=f32)
        + _vn_dot(vn2, wvn2_ref) + b2_ref[...], 0.0)
    v2 = _gate(_mix(vh2, wv2_ref))

    vh3 = _mix(v2, wh3_ref)
    vn3 = _norms(vh3)
    out_ref[...] = (jnp.dot(s2, w3s_ref[...], preferred_element_type=f32)
                    + _vn_dot(vn3, wvn3_ref) + b3_ref[...])


def _dense_call(ga, gc, es, ns8, nd8, ev3, wes, wvn1, w2s, b2, wvn2,
                w3s, b3, wvn3, wh1, wv1, wh2, wv2, wh3, blk0):
    e = ga.shape[0]
    be = _BE
    smem = lambda s: pl.BlockSpec(s, lambda i: (0, 0), memory_space=pltpu.SMEM)
    full = lambda s: pl.BlockSpec(s, lambda i: (0, 0))
    return pl.pallas_call(
        _dense_body,
        grid=(e // be,),
        in_specs=[
            pl.BlockSpec((be, 128), lambda i: (i, 0)),
            pl.BlockSpec((be, 128), lambda i: (i, 0)),
            pl.BlockSpec((be, 16), lambda i, blk0=blk0: (i + blk0, 0)),
            pl.BlockSpec((be, 8), lambda i: (i, 0)),
            pl.BlockSpec((be, 8), lambda i: (i, 0)),
            pl.BlockSpec((be, 3), lambda i, blk0=blk0: (i + blk0, 0)),
            full((16, 128)), full((3, 128)),
            full((128, 128)), full((1, 128)), full((3, 128)),
            full((128, 128)), full((1, 128)), full((3, 128)),
            smem((3, 3)), smem((3, 3)), smem((3, 3)), smem((3, 3)),
            smem((3, 3)),
        ],
        out_specs=pl.BlockSpec((be, 128), lambda i: (i, 0)),
        out_shape=jax.ShapeDtypeStruct((e, 128), jnp.float32),
    )(ga, gc, es, ns8, nd8, ev3, wes, wvn1, w2s, b2, wvn2, w3s, b3,
      wvn3, wh1, wv1, wh2, wv2, wh3)


def kernel(x, normals, edge_s, edge_v, edge_index,
           wh1, ws1_w, ws1_b, wv1, wh2, ws2_w, ws2_b, wv2,
           wh3, ws3_w, ws3_b, wv3):
    n, din = x.shape
    e = edge_s.shape[0]
    wa = ws1_w[0:128]
    wes = ws1_w[128:144]
    wc = ws1_w[144:272]
    wvn1 = ws1_w[272:275]
    w2s, wvn2 = ws2_w[0:128], ws2_w[128:131]
    w3s, wvn3 = ws3_w[0:128], ws3_w[128:131]
    b1 = ws1_b.reshape(1, 128)
    b2 = ws2_b.reshape(1, 128)
    b3 = ws3_b.reshape(1, 128)

    ta, tc = _prep_call(x, wa, wc, b1)

    src = edge_index[0]
    dst = edge_index[1]
    np_ = ((n + 8 * _NS - 1) // (8 * _NS)) * (8 * _NS)

    nrm8 = jnp.pad(normals, ((0, 0), (0, 5)))
    zc = jnp.zeros((np_ // _NS, 8), jnp.float32)
    ones_in = jnp.ones((_CG, 8), jnp.float32)
    z128 = jnp.zeros((np_ // _NS, 128), jnp.float32)
    ev3 = edge_v.reshape(e, 3)

    h = e // 2
    parts, cnts = [], []
    msgs = []
    for lo in (0, h):
        s_h, d_h = src[lo:lo + h], dst[lo:lo + h]
        ga, gc = _gather_call(ta, tc, s_h, d_h)
        ns8, nd8, counts = _aux_call(nrm8, s_h, d_h, zc, ones_in, np_)
        msg = _dense_call(ga, gc, edge_s, ns8, nd8,
                          ev3, wes, wvn1, w2s, b2, wvn2, w3s, b3,
                          wvn3, wh1, wv1, wh2, wv2, wh3, lo // _BE)
        parts.append(_scatter_call(msg, d_h, z128, np_))
        cnts.append(counts)
    return _combine_call(parts[0], parts[1], cnts[0], cnts[1], n)

# --- scband reference (transcript-rebuilt; emitter-appended) ---
"""Pipeline reference for scband-gvpwrapper-73727408603598 (READ-ONLY COPY).

The authoritative reference and input builder live on the scoring server;
editing this copy changes nothing except your own understanding.
"""

import jax, jax.numpy as jnp
import numpy as np

N = 10000
E = 320000
DIM_IN = 128
DIM_OUT = 128
SE = 16

def _norm_no_nan(x, axis=-1, keepdims=False, eps=1e-8):
    out = jnp.maximum(jnp.sum(jnp.square(x), axis=axis, keepdims=keepdims), eps)
    return jnp.sqrt(out)

def _gvp(s, v, wh, ws_w, ws_b, wv, act):
    # v: [n, nv, 3]
    vt = jnp.swapaxes(v, -1, -2)            # [n, 3, nv]
    vh = jnp.matmul(vt, wh)                 # [n, 3, h]
    vn = _norm_no_nan(vh, axis=-2)          # [n, h]
    s = jnp.matmul(jnp.concatenate([s, vn], axis=-1), ws_w) + ws_b
    v = jnp.swapaxes(jnp.matmul(vh, wv), -1, -2)  # [n, vo, 3]
    if act:
        v = v * jax.nn.sigmoid(_norm_no_nan(v, axis=-1, keepdims=True))
        s = jax.nn.relu(s)
    return s, v

def setup_inputs(seed: int = 0):
    key = jax.random.key(seed)
    ks = jax.random.split(key, 16)
    si1 = 2 * DIM_IN + SE  # 272
    inp = {}
    inp["x"] = jax.random.normal(ks[0], (N, DIM_IN), dtype=jnp.float32)
    inp["normals"] = jax.random.normal(ks[1], (N, 3), dtype=jnp.float32)
    inp["edge_s"] = jax.random.normal(ks[2], (E, SE), dtype=jnp.float32)
    inp["edge_v"] = jax.random.normal(ks[3], (E, 1, 3), dtype=jnp.float32)
    inp["edge_index"] = jax.random.randint(ks[4], (2, E), 0, N, dtype=jnp.int32)
    # GVP layer 1: in=(272, 3), out=(128, 3), h=3
    inp["wh1"] = jax.random.normal(ks[5], (3, 3), dtype=jnp.float32) / np.sqrt(3.0)
    inp["ws1_w"] = jax.random.normal(ks[6], (3 + si1, DIM_OUT), dtype=jnp.float32) / np.sqrt(3.0 + si1)
    inp["ws1_b"] = jnp.zeros((DIM_OUT,), dtype=jnp.float32)
    inp["wv1"] = jax.random.normal(ks[7], (3, 3), dtype=jnp.float32) / np.sqrt(3.0)
    # GVP layer 2: (128, 3) -> (128, 3)
    inp["wh2"] = jax.random.normal(ks[8], (3, 3), dtype=jnp.float32) / np.sqrt(3.0)
    inp["ws2_w"] = jax.random.normal(ks[9], (3 + DIM_OUT, DIM_OUT), dtype=jnp.float32) / np.sqrt(3.0 + DIM_OUT)
    inp["ws2_b"] = jnp.zeros((DIM_OUT,), dtype=jnp.float32)
    inp["wv2"] = jax.random.normal(ks[10], (3, 3), dtype=jnp.float32) / np.sqrt(3.0)
    # GVP layer 3: (128, 3) -> (128, 3), no activations
    inp["wh3"] = jax.random.normal(ks[11], (3, 3), dtype=jnp.float32) / np.sqrt(3.0)
    inp["ws3_w"] = jax.random.normal(ks[12], (3 + DIM_OUT, DIM_OUT), dtype=jnp.float32) / np.sqrt(3.0 + DIM_OUT)
    inp["ws3_b"] = jnp.zeros((DIM_OUT,), dtype=jnp.float32)
    inp["wv3"] = jax.random.normal(ks[13], (3, 3), dtype=jnp.float32) / np.sqrt(3.0)
    return inp

def reference(x, normals, edge_s, edge_v, edge_index, wh1, ws1_w, ws1_b, wv1, wh2, ws2_w, ws2_b, wv2, wh3, ws3_w, ws3_b, wv3):
    x_v = normals[:, None, :]               # [N, 1, 3]
    src = edge_index[0]
    dst = edge_index[1]
    # message: tuple_cat((s_j, v_j), edge_attr, (s_i, v_i)); j=src, i=dst
    ms = jnp.concatenate([x[src], edge_s, x[dst]], axis=-1)        # [E, 272]
    mv = jnp.concatenate([x_v[src], edge_v, x_v[dst]], axis=1)     # [E, 3, 3]
    ms, mv = _gvp(ms, mv, wh1, ws1_w, ws1_b, wv1, True)
    ms, mv = _gvp(ms, mv, wh2, ws2_w, ws2_b, wv2, True)
    ms, mv = _gvp(ms, mv, wh3, ws3_w, ws3_b, wv3, False)
    msg = jnp.concatenate([ms, mv.reshape(mv.shape[0], 9)], axis=-1)  # _merge
    agg = jax.ops.segment_sum(msg, dst, num_segments=N)
    cnt = jax.ops.segment_sum(jnp.ones((E,), dtype=msg.dtype), dst, num_segments=N)
    agg = agg / jnp.maximum(cnt, 1.0)[:, None]                      # mean aggr
    return agg[:, :DIM_OUT]                                          # wrapper returns scalar channel only

if __name__ == "__main__":
    import jax
    _d = setup_inputs()
    print(jax.jit(kernel)(*tuple(_d.values())))

</pallas_src>

<mosaic_0001>
#map = affine_map<(d0, d1) -> (0, 0)>
#map1 = affine_map<(d0, d1) -> (0)>
module attributes {stable_mosaic.version = 14 : i64} {
  func.func @gather_k(%arg0: i32, %arg1: i32, %arg2: memref<10000x128xf32, #tpu.memory_space<hbm>>, %arg3: memref<10000x128xf32, #tpu.memory_space<hbm>>, %arg4: memref<160000xi32, #tpu.memory_space<hbm>>, %arg5: memref<160000xi32, #tpu.memory_space<hbm>>, %arg6: memref<160000x128xf32, #tpu.memory_space<hbm>>, %arg7: memref<160000x128xf32, #tpu.memory_space<hbm>>, %arg8: memref<200xi32, #tpu.memory_space<vmem>>, %arg9: memref<200xi32, #tpu.memory_space<vmem>>, %arg10: memref<200x128xf32, #tpu.memory_space<vmem>>, %arg11: memref<200x128xf32, #tpu.memory_space<vmem>>, %arg12: memref<!tpu.dma_semaphore, #tpu.memory_space<semaphore_mem>>) attributes {dimension_semantics = [#tpu.dimension_semantics<core_parallel>, #tpu.dimension_semantics<subcore_parallel>], iteration_bounds = array<i64: 2, 16>, scalar_prefetch = 0 : i64, scratch_operands = 5 : i64, tpu.core_type = #tpu.core_type<sc_vector_subcore>, window_params = [{transform_indices = #map}, {transform_indices = #map}, {transform_indices = #map1}, {transform_indices = #map1}, {transform_indices = #map}, {transform_indices = #map}]} {
    %mul3A = arith.constant 2 : i32
    %mul3A_0 = arith.muli %arg1, %mul3A : i32
    %add3A = arith.addi %mul3A_0, %arg0 : i32
    %mul3A_1 = arith.constant 5000 : i32
    %mul3A_2 = arith.muli %add3A, %mul3A_1 : i32
    %scan3A = arith.constant 0 : i32
    %scan3A_3 = arith.constant 0 : i32
    %scan3A_4 = arith.constant 25 : i32
    %scan3A_5 = arith.addi %scan3A_3, %scan3A_4 : i32
    %scan3A_6 = arith.constant 1 : i32
    scf.for %scan3A_8 = %scan3A_3 to %scan3A_5 step %scan3A_6  : i32 {
      %mul3A_9 = arith.constant 200 : i32
      %mul3A_10 = arith.muli %scan3A_8, %mul3A_9 : i32
      %add3A_11 = arith.addi %mul3A_2, %mul3A_10 : i32
      %multiple_of3A = tpu.assume_multiple %add3A_11, 8 : i32
      "tpu.region"() ({
        %run_scoped3A = tpu.sem_alloc : memref<!tpu.dma_semaphore, #tpu.memory_space<semaphore_mem>>
        %dma_start3A_22 = tpu.memref_slice %arg4[%multiple_of3A] : memref<160000xi32, #tpu.memory_space<hbm>> -> memref<200xi32, #tpu.memory_space<hbm>>
        %dma_start3A_23 = tpu.memref_slice %arg4[%multiple_of3A] : memref<160000xi32, #tpu.memory_space<hbm>> -> memref<200xi32, #tpu.memory_space<hbm>>
        tpu.enqueue_dma source(%dma_start3A_23 : memref<200xi32, #tpu.memory_space<hbm>>) target(%arg8 : memref<200xi32, #tpu.memory_space<vmem>>) target_semaphore(%run_scoped3A : memref<!tpu.dma_semaphore, #tpu.memory_space<semaphore_mem>>)
        %dma_wait3A_24 = tpu.memref_slice %arg4[%multiple_of3A] : memref<160000xi32, #tpu.memory_space<hbm>> -> memref<200xi32, #tpu.memory_space<hbm>>
        %dma_wait3A_25 = tpu.memref_slice %arg4[%multiple_of3A] : memref<160000xi32, #tpu.memory_space<hbm>> -> memref<200xi32, #tpu.memory_space<hbm>>
        tpu.wait_dma2 semaphore(%run_scoped3A : memref<!tpu.dma_semaphore, #tpu.memory_space<semaphore_mem>>) src(%dma_wait3A_25 : memref<200xi32, #tpu.memory_space<hbm>>) dst(%arg8 : memref<200xi32, #tpu.memory_space<vmem>>)
        tpu.yield
      }) : () -> ()
      "tpu.region"() ({
        %run_scoped3A = tpu.sem_alloc : memref<!tpu.dma_semaphore, #tpu.memory_space<semaphore_mem>>
        %dma_start3A_22 = tpu.memref_slice %arg5[%multiple_of3A] : memref<160000xi32, #tpu.memory_space<hbm>> -> memref<200xi32, #tpu.memory_space<hbm>>
        %dma_start3A_23 = tpu.memref_slice %arg5[%multiple_of3A] : memref<160000xi32, #tpu.memory_space<hbm>> -> memref<200xi32, #tpu.memory_space<hbm>>
        tpu.enqueue_dma source(%dma_start3A_23 : memref<200xi32, #tpu.memory_space<hbm>>) target(%arg9 : memref<200xi32, #tpu.memory_space<vmem>>) target_semaphore(%run_scoped3A : memref<!tpu.dma_semaphore, #tpu.memory_space<semaphore_mem>>)
        %dma_wait3A_24 = tpu.memref_slice %arg5[%multiple_of3A] : memref<160000xi32, #tpu.memory_space<hbm>> -> memref<200xi32, #tpu.memory_space<hbm>>
        %dma_wait3A_25 = tpu.memref_slice %arg5[%multiple_of3A] : memref<160000xi32, #tpu.memory_space<hbm>> -> memref<200xi32, #tpu.memory_space<hbm>>
        tpu.wait_dma2 semaphore(%run_scoped3A : memref<!tpu.dma_semaphore, #tpu.memory_space<semaphore_mem>>) src(%dma_wait3A_25 : memref<200xi32, #tpu.memory_space<hbm>>) dst(%arg9 : memref<200xi32, #tpu.memory_space<vmem>>)
        tpu.yield
      }) : () -> ()
      %dma_start3A = arith.constant 0 : i32
      %dma_start3A_12 = arith.constant 0 : i32
      %dma_start3A_13 = tpu.memref_slice %arg2[%dma_start3A, %dma_start3A_12] : memref<10000x128xf32, #tpu.memory_space<hbm>> -> memref<10000x128xf32, #tpu.memory_space<hbm>>
      tpu.enqueue_indirect_dma source(%dma_start3A_13 : memref<10000x128xf32, #tpu.memory_space<hbm>>) target(%arg10 : memref<200x128xf32, #tpu.memory_space<vmem>>) offsets(%arg8 : memref<200xi32, #tpu.memory_space<vmem>>) semaphore(%arg12 : memref<!tpu.dma_semaphore, #tpu.memory_space<semaphore_mem>>)
      %dma_start3A_14 = arith.constant 0 : i32
      %dma_start3A_15 = arith.constant 0 : i32
      %dma_start3A_16 = tpu.memref_slice %arg3[%dma_start3A_14, %dma_start3A_15] : memref<10000x128xf32, #tpu.memory_space<hbm>> -> memref<10000x128xf32, #tpu.memory_space<hbm>>
      tpu.enqueue_indirect_dma source(%dma_start3A_16 : memref<10000x128xf32, #tpu.memory_space<hbm>>) target(%arg11 : memref<200x128xf32, #tpu.memory_space<vmem>>) offsets(%arg9 : memref<200xi32, #tpu.memory_space<vmem>>) semaphore(%arg12 : memref<!tpu.dma_semaphore, #tpu.memory_space<semaphore_mem>>)
      %dma_wait3A = arith.constant 0 : i32
      %dma_wait3A_17 = arith.constant 0 : i32
      %dma_wait3A_18 = tpu.memref_slice %arg2[%dma_wait3A, %dma_wait3A_17] : memref<10000x128xf32, #tpu.memory_space<hbm>> -> memref<10000x128xf32, #tpu.memory_space<hbm>>
      tpu.wait_indirect_dma semaphore(%arg12 : memref<!tpu.dma_semaphore, #tpu.memory_space<semaphore_mem>>) src(%dma_wait3A_18 : memref<10000x128xf32, #tpu.memory_space<hbm>>) dst(%arg10 : memref<200x128xf32, #tpu.memory_space<vmem>>)
      %dma_wait3A_19 = arith.constant 0 : i32
      %dma_wait3A_20 = arith.constant 0 : i32
      %dma_wait3A_21 = tpu.memref_slice %arg3[%dma_wait3A_19, %dma_wait3A_20] : memref<10000x128xf32, #tpu.memory_space<hbm>> -> memref<10000x128xf32, #tpu.memory_space<hbm>>
      tpu.wait_indirect_dma semaphore(%arg12 : memref<!tpu.dma_semaphore, #tpu.memory_space<semaphore_mem>>) src(%dma_wait3A_21 : memref<10000x128xf32, #tpu.memory_space<hbm>>) dst(%arg11 : memref<200x128xf32, #tpu.memory_space<vmem>>)
      "tpu.region"() ({
        %run_scoped3A = tpu.sem_alloc : memref<!tpu.dma_semaphore, #tpu.memory_space<semaphore_mem>>
        %dma_start3A_22 = arith.constant 0 : i32
        %dma_start3A_23 = tpu.memref_slice %arg6[%multiple_of3A, %dma_start3A_22] : memref<160000x128xf32, #tpu.memory_space<hbm>> -> memref<200x128xf32, #tpu.memory_space<hbm>>
        %dma_start3A_24 = arith.constant 0 : i32
        %dma_start3A_25 = tpu.memref_slice %arg6[%multiple_of3A, %dma_start3A_24] : memref<160000x128xf32, #tpu.memory_space<hbm>> -> memref<200x128xf32, #tpu.memory_space<hbm>>
        tpu.enqueue_dma source(%arg10 : memref<200x128xf32, #tpu.memory_space<vmem>>) target(%dma_start3A_25 : memref<200x128xf32, #tpu.memory_space<hbm>>) target_semaphore(%run_scoped3A : memref<!tpu.dma_semaphore, #tpu.memory_space<semaphore_mem>>)
        %dma_wait3A_26 = arith.constant 0 : i32
        %dma_wait3A_27 = tpu.memref_slice %arg6[%multiple_of3A, %dma_wait3A_26] : memref<160000x128xf32, #tpu.memory_space<hbm>> -> memref<200x128xf32, #tpu.memory_space<hbm>>
        %dma_wait3A_28 = arith.constant 0 : i32
        %dma_wait3A_29 = tpu.memref_slice %arg6[%multiple_of3A, %dma_wait3A_28] : memref<160000x128xf32, #tpu.memory_space<hbm>> -> memref<200x128xf32, #tpu.memory_space<hbm>>
        tpu.wait_dma2 semaphore(%run_scoped3A : memref<!tpu.dma_semaphore, #tpu.memory_space<semaphore_mem>>) src(%arg10 : memref<200x128xf32, #tpu.memory_space<vmem>>) dst(%dma_wait3A_29 : memref<200x128xf32, #tpu.memory_space<hbm>>)
        tpu.yield
      }) : () -> ()
      "tpu.region"() ({
        %run_scoped3A = tpu.sem_alloc : memref<!tpu.dma_semaphore, #tpu.memory_space<semaphore_mem>>
        %dma_start3A_22 = arith.constant 0 : i32
        %dma_start3A_23 = tpu.memref_slice %arg7[%multiple_of3A, %dma_start3A_22] : memref<160000x128xf32, #tpu.memory_space<hbm>> -> memref<200x128xf32, #tpu.memory_space<hbm>>
        %dma_start3A_24 = arith.constant 0 : i32
        %dma_start3A_25 = tpu.memref_slice %arg7[%multiple_of3A, %dma_start3A_24] : memref<160000x128xf32, #tpu.memory_space<hbm>> -> memref<200x128xf32, #tpu.memory_space<hbm>>
        tpu.enqueue_dma source(%arg11 : memref<200x128xf32, #tpu.memory_space<vmem>>) target(%dma_start3A_25 : memref<200x128xf32, #tpu.memory_space<hbm>>) target_semaphore(%run_scoped3A : memref<!tpu.dma_semaphore, #tpu.memory_space<semaphore_mem>>)
        %dma_wait3A_26 = arith.constant 0 : i32
        %dma_wait3A_27 = tpu.memref_slice %arg7[%multiple_of3A, %dma_wait3A_26] : memref<160000x128xf32, #tpu.memory_space<hbm>> -> memref<200x128xf32, #tpu.memory_space<hbm>>
        %dma_wait3A_28 = arith.constant 0 : i32
        %dma_wait3A_29 = tpu.memref_slice %arg7[%multiple_of3A, %dma_wait3A_28] : memref<160000x128xf32, #tpu.memory_space<hbm>> -> memref<200x128xf32, #tpu.memory_space<hbm>>
        tpu.wait_dma2 semaphore(%run_scoped3A : memref<!tpu.dma_semaphore, #tpu.memory_space<semaphore_mem>>) src(%arg11 : memref<200x128xf32, #tpu.memory_space<vmem>>) dst(%dma_wait3A_29 : memref<200x128xf32, #tpu.memory_space<hbm>>)
        tpu.yield
      }) : () -> ()
    }
    %scan3A_7 = arith.constant 25 : i32
    return
  }
}

#map = affine_map<(d0, d1) -> (0, 0)>
#map1 = affine_map<(d0, d1) -> (0)>
#map2 = affine_map<(d0, d1) -> (0, 0, 0)>
module attributes {stable_mosaic.version = 14 : i64} {
  func.func @aux_k(%arg0: i32, %arg1: i32, %arg2: memref<10000x8xf32, #tpu.memory_space<hbm>>, %arg3: memref<160000xi32, #tpu.memory_space<hbm>>, %arg4: memref<160000xi32, #tpu.memory_space<hbm>>, %arg5: memref<632x8xf32, #tpu.memory_space<hbm>>, %arg6: memref<200x8xf32, #tpu.memory_space<hbm>>, %arg7: memref<160000x8xf32, #tpu.memory_space<hbm>>, %arg8: memref<160000x8xf32, #tpu.memory_space<hbm>>, %arg9: memref<2x10112x8xf32, #tpu.memory_space<hbm>>, %arg10: memref<200xi32, #tpu.memory_space<vmem>>, %arg11: memref<200xi32, #tpu.memory_space<vmem>>, %arg12: memref<200x8xf32, #tpu.memory_space<vmem>>, %arg13: memref<200x8xf32, #tpu.memory_space<vmem>>, %arg14: memref<200x8xf32, #tpu.memory_space<vmem>>, %arg15: memref<10112x8xf32, #tpu.memory_space<vmem_shared>>, %arg16: memref<!tpu.dma_semaphore, #tpu.memory_space<semaphore_mem>>) attributes {dimension_semantics = [#tpu.dimension_semantics<core_parallel>, #tpu.dimension_semantics<subcore_parallel>], iteration_bounds = array<i64: 2, 16>, scalar_prefetch = 0 : i64, scratch_operands = 7 : i64, tpu.core_type = #tpu.core_type<sc_vector_subcore>, window_params = [{transform_indices = #map}, {transform_indices = #map1}, {transform_indices = #map1}, {transform_indices = #map}, {transform_indices = #map}, {transform_indices = #map}, {transform_indices = #map}, {transform_indices = #map2}]} {
    %mul3A = arith.constant 2 : i32
    %mul3A_0 = arith.muli %arg1, %mul3A : i32
    %add3A = arith.addi %mul3A_0, %arg0 : i32
    %mul3A_1 = arith.constant 5000 : i32
    %mul3A_2 = arith.muli %add3A, %mul3A_1 : i32
    %mul3A_3 = arith.constant 632 : i32
    %mul3A_4 = arith.muli %arg1, %mul3A_3 : i32
    "tpu.region"() ({
      %run_scoped3A = tpu.sem_alloc : memref<!tpu.dma_semaphore, #tpu.memory_space<semaphore_mem>>
      tpu.enqueue_dma source(%arg6 : memref<200x8xf32, #tpu.memory_space<hbm>>) target(%arg14 : memref<200x8xf32, #tpu.memory_space<vmem>>) target_semaphore(%run_scoped3A : memref<!tpu.dma_semaphore, #tpu.memory_space<semaphore_mem>>)
      tpu.wait_dma2 semaphore(%run_scoped3A : memref<!tpu.dma_semaphore, #tpu.memory_space<semaphore_mem>>) src(%arg6 : memref<200x8xf32, #tpu.memory_space<hbm>>) dst(%arg14 : memref<200x8xf32, #tpu.memory_space<vmem>>)
      tpu.yield
    }) : () -> ()
    "tpu.region"() ({
      %run_scoped3A = tpu.sem_alloc : memref<!tpu.dma_semaphore, #tpu.memory_space<semaphore_mem>>
      %dma_start3A = arith.constant 0 : i32
      %dma_start3A_11 = tpu.memref_slice %arg15[%mul3A_4, %dma_start3A] : memref<10112x8xf32, #tpu.memory_space<vmem_shared>> -> memref<632x8xf32, #tpu.memory_space<vmem_shared>>
      tpu.enqueue_dma source(%arg5 : memref<632x8xf32, #tpu.memory_space<hbm>>) target(%dma_start3A_11 : memref<632x8xf32, #tpu.memory_space<vmem_shared>>) target_semaphore(%run_scoped3A : memref<!tpu.dma_semaphore, #tpu.memory_space<semaphore_mem>>)
      %dma_wait3A = arith.constant 0 : i32
      %dma_wait3A_12 = tpu.memref_slice %arg15[%mul3A_4, %dma_wait3A] : memref<10112x8xf32, #tpu.memory_space<vmem_shared>> -> memref<632x8xf32, #tpu.memory_space<vmem_shared>>
      tpu.wait_dma2 semaphore(%run_scoped3A : memref<!tpu.dma_semaphore, #tpu.memory_space<semaphore_mem>>) src(%arg5 : memref<632x8xf32, #tpu.memory_space<hbm>>) dst(%dma_wait3A_12 : memref<632x8xf32, #tpu.memory_space<vmem_shared>>)
      tpu.yield
    }) : () -> ()
    %barrier3A = arith.constant 0 : index
    tpu.barrier barrier_id(%barrier3A)
    %scan3A = arith.constant 0 : i32
    %scan3A_5 = arith.constant 0 : i32
    %scan3A_6 = arith.constant 25 : i32
    %scan3A_7 = arith.addi %scan3A_5, %scan3A_6 : i32
    %scan3A_8 = arith.constant 1 : i32
    scf.for %scan3A_11 = %scan3A_5 to %scan3A_7 step %scan3A_8  : i32 {
      %mul3A_12 = arith.constant 200 : i32
      %mul3A_13 = arith.muli %scan3A_11, %mul3A_12 : i32
      %add3A_14 = arith.addi %mul3A_2, %mul3A_13 : i32
      %multiple_of3A = tpu.assume_multiple %add3A_14, 8 : i32
      "tpu.region"() ({
        %run_scoped3A = tpu.sem_alloc : memref<!tpu.dma_semaphore, #tpu.memory_space<semaphore_mem>>
        %dma_start3A_25 = tpu.memref_slice %arg3[%multiple_of3A] : memref<160000xi32, #tpu.memory_space<hbm>> -> memref<200xi32, #tpu.memory_space<hbm>>
        %dma_start3A_26 = tpu.memref_slice %arg3[%multiple_of3A] : memref<160000xi32, #tpu.memory_space<hbm>> -> memref<200xi32, #tpu.memory_space<hbm>>
        tpu.enqueue_dma source(%dma_start3A_26 : memref<200xi32, #tpu.memory_space<hbm>>) target(%arg10 : memref<200xi32, #tpu.memory_space<vmem>>) target_semaphore(%run_scoped3A : memref<!tpu.dma_semaphore, #tpu.memory_space<semaphore_mem>>)
        %dma_wait3A_27 = tpu.memref_slice %arg3[%multiple_of3A] : memref<160000xi32, #tpu.memory_space<hbm>> -> memref<200xi32, #tpu.memory_space<hbm>>
        %dma_wait3A_28 = tpu.memref_slice %arg3[%multiple_of3A] : memref<160000xi32, #tpu.memory_space<hbm>> -> memref<200xi32, #tpu.memory_space<hbm>>
        tpu.wait_dma2 semaphore(%run_scoped3A : memref<!tpu.dma_semaphore, #tpu.memory_space<semaphore_mem>>) src(%dma_wait3A_28 : memref<200xi32, #tpu.memory_space<hbm>>) dst(%arg10 : memref<200xi32, #tpu.memory_space<vmem>>)
        tpu.yield
      }) : () -> ()
      "tpu.region"() ({
        %run_scoped3A = tpu.sem_alloc : memref<!tpu.dma_semaphore, #tpu.memory_space<semaphore_mem>>
        %dma_start3A_25 = tpu.memref_slice %arg4[%multiple_of3A] : memref<160000xi32, #tpu.memory_space<hbm>> -> memref<200xi32, #tpu.memory_space<hbm>>
        %dma_start3A_26 = tpu.memref_slice %arg4[%multiple_of3A] : memref<160000xi32, #tpu.memory_space<hbm>> -> memref<200xi32, #tpu.memory_space<hbm>>
        tpu.enqueue_dma source(%dma_start3A_26 : memref<200xi32, #tpu.memory_space<hbm>>) target(%arg11 : memref<200xi32, #tpu.memory_space<vmem>>) target_semaphore(%run_scoped3A : memref<!tpu.dma_semaphore, #tpu.memory_space<semaphore_mem>>)
        %dma_wait3A_27 = tpu.memref_slice %arg4[%multiple_of3A] : memref<160000xi32, #tpu.memory_space<hbm>> -> memref<200xi32, #tpu.memory_space<hbm>>
        %dma_wait3A_28 = tpu.memref_slice %arg4[%multiple_of3A] : memref<160000xi32, #tpu.memory_space<hbm>> -> memref<200xi32, #tpu.memory_space<hbm>>
        tpu.wait_dma2 semaphore(%run_scoped3A : memref<!tpu.dma_semaphore, #tpu.memory_space<semaphore_mem>>) src(%dma_wait3A_28 : memref<200xi32, #tpu.memory_space<hbm>>) dst(%arg11 : memref<200xi32, #tpu.memory_space<vmem>>)
        tpu.yield
      }) : () -> ()
      %dma_start3A = arith.constant 0 : i32
      %dma_start3A_15 = arith.constant 0 : i32
      %dma_start3A_16 = tpu.memref_slice %arg2[%dma_start3A, %dma_start3A_15] : memref<10000x8xf32, #tpu.memory_space<hbm>> -> memref<10000x8xf32, #tpu.memory_space<hbm>>
      tpu.enqueue_indirect_dma source(%dma_start3A_16 : memref<10000x8xf32, #tpu.memory_space<hbm>>) target(%arg12 : memref<200x8xf32, #tpu.memory_space<vmem>>) offsets(%arg10 : memref<200xi32, #tpu.memory_space<vmem>>) semaphore(%arg16 : memref<!tpu.dma_semaphore, #tpu.memory_space<semaphore_mem>>)
      %dma_start3A_17 = arith.constant 0 : i32
      %dma_start3A_18 = arith.constant 0 : i32
      %dma_start3A_19 = tpu.memref_slice %arg2[%dma_start3A_17, %dma_start3A_18] : memref<10000x8xf32, #tpu.memory_space<hbm>> -> memref<10000x8xf32, #tpu.memory_space<hbm>>
      tpu.enqueue_indirect_dma source(%dma_start3A_19 : memref<10000x8xf32, #tpu.memory_space<hbm>>) target(%arg13 : memref<200x8xf32, #tpu.memory_space<vmem>>) offsets(%arg11 : memref<200xi32, #tpu.memory_space<vmem>>) semaphore(%arg16 : memref<!tpu.dma_semaphore, #tpu.memory_space<semaphore_mem>>)
      %dma_wait3A = arith.constant 0 : i32
      %dma_wait3A_20 = arith.constant 0 : i32
      %dma_wait3A_21 = tpu.memref_slice %arg2[%dma_wait3A, %dma_wait3A_20] : memref<10000x8xf32, #tpu.memory_space<hbm>> -> memref<10000x8xf32, #tpu.memory_space<hbm>>
      tpu.wait_indirect_dma semaphore(%arg16 : memref<!tpu.dma_semaphore, #tpu.memory_space<semaphore_mem>>) src(%dma_wait3A_21 : memref<10000x8xf32, #tpu.memory_space<hbm>>) dst(%arg12 : memref<200x8xf32, #tpu.memory_space<vmem>>)
      %dma_wait3A_22 = arith.constant 0 : i32
      %dma_wait3A_23 = arith.constant 0 : i32
      %dma_wait3A_24 = tpu.memref_slice %arg2[%dma_wait3A_22, %dma_wait3A_23] : memref<10000x8xf32, #tpu.memory_space<hbm>> -> memref<10000x8xf32, #tpu.memory_space<hbm>>
      tpu.wait_indirect_dma semaphore(%arg16 : memref<!tpu.dma_semaphore, #tpu.memory_space<semaphore_mem>>) src(%dma_wait3A_24 : memref<10000x8xf32, #tpu.memory_space<hbm>>) dst(%arg13 : memref<200x8xf32, #tpu.memory_space<vmem>>)
      "tpu.region"() ({
        %run_scoped3A = tpu.sem_alloc : memref<!tpu.dma_semaphore, #tpu.memory_space<semaphore_mem>>
        %dma_start3A_25 = arith.constant 0 : i32
        %dma_start3A_26 = tpu.memref_slice %arg7[%multiple_of3A, %dma_start3A_25] : memref<160000x8xf32, #tpu.memory_space<hbm>> -> memref<200x8xf32, #tpu.memory_space<hbm>>
        %dma_start3A_27 = arith.constant 0 : i32
        %dma_start3A_28 = tpu.memref_slice %arg7[%multiple_of3A, %dma_start3A_27] : memref<160000x8xf32, #tpu.memory_space<hbm>> -> memref<200x8xf32, #tpu.memory_space<hbm>>
        tpu.enqueue_dma source(%arg12 : memref<200x8xf32, #tpu.memory_space<vmem>>) target(%dma_start3A_28 : memref<200x8xf32, #tpu.memory_space<hbm>>) target_semaphore(%run_scoped3A : memref<!tpu.dma_semaphore, #tpu.memory_space<semaphore_mem>>)
        %dma_wait3A_29 = arith.constant 0 : i32
        %dma_wait3A_30 = tpu.memref_slice %arg7[%multiple_of3A, %dma_wait3A_29] : memref<160000x8xf32, #tpu.memory_space<hbm>> -> memref<200x8xf32, #tpu.memory_space<hbm>>
        %dma_wait3A_31 = arith.constant 0 : i32
        %dma_wait3A_32 = tpu.memref_slice %arg7[%multiple_of3A, %dma_wait3A_31] : memref<160000x8xf32, #tpu.memory_space<hbm>> -> memref<200x8xf32, #tpu.memory_space<hbm>>
        tpu.wait_dma2 semaphore(%run_scoped3A : memref<!tpu.dma_semaphore, #tpu.memory_space<semaphore_mem>>) src(%arg12 : memref<200x8xf32, #tpu.memory_space<vmem>>) dst(%dma_wait3A_32 : memref<200x8xf32, #tpu.memory_space<hbm>>)
        tpu.yield
      }) : () -> ()
      "tpu.region"() ({
        %run_scoped3A = tpu.sem_alloc : memref<!tpu.dma_semaphore, #tpu.memory_space<semaphore_mem>>
        %dma_start3A_25 = arith.constant 0 : i32
        %dma_start3A_26 = tpu.memref_slice %arg8[%multiple_of3A, %dma_start3A_25] : memref<160000x8xf32, #tpu.memory_space<hbm>> -> memref<200x8xf32, #tpu.memory_space<hbm>>
        %dma_start3A_27 = arith.constant 0 : i32
        %dma_start3A_28 = tpu.memref_slice %arg8[%multiple_of3A, %dma_start3A_27] : memref<160000x8xf32, #tpu.memory_space<hbm>> -> memref<200x8xf32, #tpu.memory_space<hbm>>
        tpu.enqueue_dma source(%arg13 : memref<200x8xf32, #tpu.memory_space<vmem>>) target(%dma_start3A_28 : memref<200x8xf32, #tpu.memory_space<hbm>>) target_semaphore(%run_scoped3A : memref<!tpu.dma_semaphore, #tpu.memory_space<semaphore_mem>>)
        %dma_wait3A_29 = arith.constant 0 : i32
        %dma_wait3A_30 = tpu.memref_slice %arg8[%multiple_of3A, %dma_wait3A_29] : memref<160000x8xf32, #tpu.memory_space<hbm>> -> memref<200x8xf32, #tpu.memory_space<hbm>>
        %dma_wait3A_31 = arith.constant 0 : i32
        %dma_wait3A_32 = tpu.memref_slice %arg8[%multiple_of3A, %dma_wait3A_31] : memref<160000x8xf32, #tpu.memory_space<hbm>> -> memref<200x8xf32, #tpu.memory_space<hbm>>
        tpu.wait_dma2 semaphore(%run_scoped3A : memref<!tpu.dma_semaphore, #tpu.memory_space<semaphore_mem>>) src(%arg13 : memref<200x8xf32, #tpu.memory_space<vmem>>) dst(%dma_wait3A_32 : memref<200x8xf32, #tpu.memory_space<hbm>>)
        tpu.yield
      }) : () -> ()
      "tpu.region"() ({
        %run_scoped3A = tpu.sem_alloc : memref<!tpu.dma_semaphore, #tpu.memory_space<semaphore_mem>>
        %dma_start3A_25 = arith.constant 0 : i32
        %dma_start3A_26 = arith.constant 0 : i32
        %dma_start3A_27 = tpu.memref_slice %arg15[%dma_start3A_25, %dma_start3A_26] : memref<10112x8xf32, #tpu.memory_space<vmem_shared>> -> memref<10112x8xf32, #tpu.memory_space<vmem_shared>>
        tpu.enqueue_indirect_dma source(%arg14 : memref<200x8xf32, #tpu.memory_space<vmem>>) target(%dma_start3A_27 : memref<10112x8xf32, #tpu.memory_space<vmem_shared>>) offsets(%arg11 : memref<200xi32, #tpu.memory_space<vmem>>) semaphore(%run_scoped3A : memref<!tpu.dma_semaphore, #tpu.memory_space<semaphore_mem>>) {add = true}
        %dma_wait3A_28 = arith.constant 0 : i32
        %dma_wait3A_29 = arith.constant 0 : i32
        %dma_wait3A_30 = tpu.memref_slice %arg15[%dma_wait3A_28, %dma_wait3A_29] : memref<10112x8xf32, #tpu.memory_space<vmem_shared>> -> memref<10112x8xf32, #tpu.memory_space<vmem_shared>>
        tpu.wait_indirect_dma semaphore(%run_scoped3A : memref<!tpu.dma_semaphore, #tpu.memory_space<semaphore_mem>>) src(%arg14 : memref<200x8xf32, #tpu.memory_space<vmem>>) dst(%dma_wait3A_30 : memref<10112x8xf32, #tpu.memory_space<vmem_shared>>)
        tpu.yield
      }) : () -> ()
    }
    %scan3A_9 = arith.constant 25 : i32
    %barrier3A_10 = arith.constant 0 : index
    tpu.barrier barrier_id(%barrier3A_10)
    "tpu.region"() ({
      %run_scoped3A = tpu.sem_alloc : memref<!tpu.dma_semaphore, #tpu.memory_space<semaphore_mem>>
      %dma_start3A = arith.constant 0 : i32
      %dma_start3A_11 = tpu.memref_slice %arg9[%arg0, %mul3A_4, %dma_start3A] : memref<2x10112x8xf32, #tpu.memory_space<hbm>> -> memref<1x632x8xf32, #tpu.memory_space<hbm>>
      %dma_start3A_12 = tpu.memref_squeeze %dma_start3A_11 : memref<1x632x8xf32, #tpu.memory_space<hbm>> -> memref<632x8xf32, #tpu.memory_space<hbm>>
      %dma_start3A_13 = arith.constant 0 : i32
      %dma_start3A_14 = tpu.memref_slice %arg15[%mul3A_4, %dma_start3A_13] : memref<10112x8xf32, #tpu.memory_space<vmem_shared>> -> memref<632x8xf32, #tpu.memory_space<vmem_shared>>
      tpu.enqueue_dma source(%dma_start3A_14 : memref<632x8xf32, #tpu.memory_space<vmem_shared>>) target(%dma_start3A_12 : memref<632x8xf32, #tpu.memory_space<hbm>>) target_semaphore(%run_scoped3A : memref<!tpu.dma_semaphore, #tpu.memory_space<semaphore_mem>>)
      %dma_wait3A = arith.constant 0 : i32
      %dma_wait3A_15 = tpu.memref_slice %arg9[%arg0, %mul3A_4, %dma_wait3A] : memref<2x10112x8xf32, #tpu.memory_space<hbm>> -> memref<1x632x8xf32, #tpu.memory_space<hbm>>
      %dma_wait3A_16 = tpu.memref_squeeze %dma_wait3A_15 : memref<1x632x8xf32, #tpu.memory_space<hbm>> -> memref<632x8xf32, #tpu.memory_space<hbm>>
      %dma_wait3A_17 = arith.constant 0 : i32
      %dma_wait3A_18 = tpu.memref_slice %arg15[%mul3A_4, %dma_wait3A_17] : memref<10112x8xf32, #tpu.memory_space<vmem_shared>> -> memref<632x8xf32, #tpu.memory_space<vmem_shared>>
      tpu.wait_dma2 semaphore(%run_scoped3A : memref<!tpu.dma_semaphore, #tpu.memory_space<semaphore_mem>>) src(%dma_wait3A_18 : memref<632x8xf32, #tpu.memory_space<vmem_shared>>) dst(%dma_wait3A_16 : memref<632x8xf32, #tpu.memory_space<hbm>>)
      tpu.yield
    }) : () -> ()
    return
  }
}

#map = affine_map<(d0, d1) -> (0, 0)>
#map1 = affine_map<(d0, d1) -> (0)>
#map2 = affine_map<(d0, d1) -> (0, 0, 0)>
module attributes {stable_mosaic.version = 14 : i64} {
  func.func @aux_k(%arg0: i32, %arg1: i32, %arg2: memref<10000x8xf32, #tpu.memory_space<hbm>>, %arg3: memref<160000xi32, #tpu.memory_space<hbm>>, %arg4: memref<160000xi32, #tpu.memory_space<hbm>>, %arg5: memref<632x8xf32, #tpu.memory_space<hbm>>, %arg6: memref<200x8xf32, #tpu.memory_space<hbm>>, %arg7: memref<160000x8xf32, #tpu.memory_space<hbm>>, %arg8: memref<160000x8xf32, #tpu.memory_space<hbm>>, %arg9: memref<2x10112x8xf32, #tpu.memory_space<hbm>>, %arg10: memref<200xi32, #tpu.memory_space<vmem>>, %arg11: memref<200xi32, #tpu.memory_space<vmem>>, %arg12: memref<200x8xf32, #tpu.memory_space<vmem>>, %arg13: memref<200x8xf32, #tpu.memory_space<vmem>>, %arg14: memref<200x8xf32, #tpu.memory_space<vmem>>, %arg15: memref<10112x8xf32, #tpu.memory_space<vmem_shared>>, %arg16: memref<!tpu.dma_semaphore, #tpu.memory_space<semaphore_mem>>) attributes {dimension_semantics = [#tpu.dimension_semantics<core_parallel>, #tpu.dimension_semantics<subcore_parallel>], iteration_bounds = array<i64: 2, 16>, scalar_prefetch = 0 : i64, scratch_operands = 7 : i64, tpu.core_type = #tpu.core_type<sc_vector_subcore>, window_params = [{transform_indices = #map}, {transform_indices = #map1}, {transform_indices = #map1}, {transform_indices = #map}, {transform_indices = #map}, {transform_indices = #map}, {transform_indices = #map}, {transform_indices = #map2}]} {
    %mul3A = arith.constant 2 : i32
    %mul3A_0 = arith.muli %arg1, %mul3A : i32
    %add3A = arith.addi %mul3A_0, %arg0 : i32
    %mul3A_1 = arith.constant 5000 : i32
    %mul3A_2 = arith.muli %add3A, %mul3A_1 : i32
    %mul3A_3 = arith.constant 632 : i32
    %mul3A_4 = arith.muli %arg1, %mul3A_3 : i32
    "tpu.region"() ({
      %run_scoped3A = tpu.sem_alloc : memref<!tpu.dma_semaphore, #tpu.memory_space<semaphore_mem>>
      tpu.enqueue_dma source(%arg6 : memref<200x8xf32, #tpu.memory_space<hbm>>) target(%arg14 : memref<200x8xf32, #tpu.memory_space<vmem>>) target_semaphore(%run_scoped3A : memref<!tpu.dma_semaphore, #tpu.memory_space<semaphore_mem>>)
      tpu.wait_dma2 semaphore(%run_scoped3A : memref<!tpu.dma_semaphore, #tpu.memory_space<semaphore_mem>>) src(%arg6 : memref<200x8xf32, #tpu.memory_space<hbm>>) dst(%arg14 : memref<200x8xf32, #tpu.memory_space<vmem>>)
      tpu.yield
    }) : () -> ()
    "tpu.region"() ({
      %run_scoped3A = tpu.sem_alloc : memref<!tpu.dma_semaphore, #tpu.memory_space<semaphore_mem>>
      %dma_start3A = arith.constant 0 : i32
      %dma_start3A_11 = tpu.memref_slice %arg15[%mul3A_4, %dma_start3A] : memref<10112x8xf32, #tpu.memory_space<vmem_shared>> -> memref<632x8xf32, #tpu.memory_space<vmem_shared>>
      tpu.enqueue_dma source(%arg5 : memref<632x8xf32, #tpu.memory_space<hbm>>) target(%dma_start3A_11 : memref<632x8xf32, #tpu.memory_space<vmem_shared>>) target_semaphore(%run_scoped3A : memref<!tpu.dma_semaphore, #tpu.memory_space<semaphore_mem>>)
      %dma_wait3A = arith.constant 0 : i32
      %dma_wait3A_12 = tpu.memref_slice %arg15[%mul3A_4, %dma_wait3A] : memref<10112x8xf32, #tpu.memory_space<vmem_shared>> -> memref<632x8xf32, #tpu.memory_space<vmem_shared>>
      tpu.wait_dma2 semaphore(%run_scoped3A : memref<!tpu.dma_semaphore, #tpu.memory_space<semaphore_mem>>) src(%arg5 : memref<632x8xf32, #tpu.memory_space<hbm>>) dst(%dma_wait3A_12 : memref<632x8xf32, #tpu.memory_space<vmem_shared>>)
      tpu.yield
    }) : () -> ()
    %barrier3A = arith.constant 0 : index
    tpu.barrier barrier_id(%barrier3A)
    %scan3A = arith.constant 0 : i32
    %scan3A_5 = arith.constant 0 : i32
    %scan3A_6 = arith.constant 25 : i32
    %scan3A_7 = arith.addi %scan3A_5, %scan3A_6 : i32
    %scan3A_8 = arith.constant 1 : i32
    scf.for %scan3A_11 = %scan3A_5 to %scan3A_7 step %scan3A_8  : i32 {
      %mul3A_12 = arith.constant 200 : i32
      %mul3A_13 = arith.muli %scan3A_11, %mul3A_12 : i32
      %add3A_14 = arith.addi %mul3A_2, %mul3A_13 : i32
      %multiple_of3A = tpu.assume_multiple %add3A_14, 8 : i32
      "tpu.region"() ({
        %run_scoped3A = tpu.sem_alloc : memref<!tpu.dma_semaphore, #tpu.memory_space<semaphore_mem>>
        %dma_start3A_25 = tpu.memref_slice %arg3[%multiple_of3A] : memref<160000xi32, #tpu.memory_space<hbm>> -> memref<200xi32, #tpu.memory_space<hbm>>
        %dma_start3A_26 = tpu.memref_slice %arg3[%multiple_of3A] : memref<160000xi32, #tpu.memory_space<hbm>> -> memref<200xi32, #tpu.memory_space<hbm>>
        tpu.enqueue_dma source(%dma_start3A_26 : memref<200xi32, #tpu.memory_space<hbm>>) target(%arg10 : memref<200xi32, #tpu.memory_space<vmem>>) target_semaphore(%run_scoped3A : memref<!tpu.dma_semaphore, #tpu.memory_space<semaphore_mem>>)
        %dma_wait3A_27 = tpu.memref_slice %arg3[%multiple_of3A] : memref<160000xi32, #tpu.memory_space<hbm>> -> memref<200xi32, #tpu.memory_space<hbm>>
        %dma_wait3A_28 = tpu.memref_slice %arg3[%multiple_of3A] : memref<160000xi32, #tpu.memory_space<hbm>> -> memref<200xi32, #tpu.memory_space<hbm>>
        tpu.wait_dma2 semaphore(%run_scoped3A : memref<!tpu.dma_semaphore, #tpu.memory_space<semaphore_mem>>) src(%dma_wait3A_28 : memref<200xi32, #tpu.memory_space<hbm>>) dst(%arg10 : memref<200xi32, #tpu.memory_space<vmem>>)
        tpu.yield
      }) : () -> ()
      "tpu.region"() ({
        %run_scoped3A = tpu.sem_alloc : memref<!tpu.dma_semaphore, #tpu.memory_space<semaphore_mem>>
        %dma_start3A_25 = tpu.memref_slice %arg4[%multiple_of3A] : memref<160000xi32, #tpu.memory_space<hbm>> -> memref<200xi32, #tpu.memory_space<hbm>>
        %dma_start3A_26 = tpu.memref_slice %arg4[%multiple_of3A] : memref<160000xi32, #tpu.memory_space<hbm>> -> memref<200xi32, #tpu.memory_space<hbm>>
        tpu.enqueue_dma source(%dma_start3A_26 : memref<200xi32, #tpu.memory_space<hbm>>) target(%arg11 : memref<200xi32, #tpu.memory_space<vmem>>) target_semaphore(%run_scoped3A : memref<!tpu.dma_semaphore, #tpu.memory_space<semaphore_mem>>)
        %dma_wait3A_27 = tpu.memref_slice %arg4[%multiple_of3A] : memref<160000xi32, #tpu.memory_space<hbm>> -> memref<200xi32, #tpu.memory_space<hbm>>
        %dma_wait3A_28 = tpu.memref_slice %arg4[%multiple_of3A] : memref<160000xi32, #tpu.memory_space<hbm>> -> memref<200xi32, #tpu.memory_space<hbm>>
        tpu.wait_dma2 semaphore(%run_scoped3A : memref<!tpu.dma_semaphore, #tpu.memory_space<semaphore_mem>>) src(%dma_wait3A_28 : memref<200xi32, #tpu.memory_space<hbm>>) dst(%arg11 : memref<200xi32, #tpu.memory_space<vmem>>)
        tpu.yield
      }) : () -> ()
      %dma_start3A = arith.constant 0 : i32
      %dma_start3A_15 = arith.constant 0 : i32
      %dma_start3A_16 = tpu.memref_slice %arg2[%dma_start3A, %dma_start3A_15] : memref<10000x8xf32, #tpu.memory_space<hbm>> -> memref<10000x8xf32, #tpu.memory_space<hbm>>
      tpu.enqueue_indirect_dma source(%dma_start3A_16 : memref<10000x8xf32, #tpu.memory_space<hbm>>) target(%arg12 : memref<200x8xf32, #tpu.memory_space<vmem>>) offsets(%arg10 : memref<200xi32, #tpu.memory_space<vmem>>) semaphore(%arg16 : memref<!tpu.dma_semaphore, #tpu.memory_space<semaphore_mem>>)
      %dma_start3A_17 = arith.constant 0 : i32
      %dma_start3A_18 = arith.constant 0 : i32
      %dma_start3A_19 = tpu.memref_slice %arg2[%dma_start3A_17, %dma_start3A_18] : memref<10000x8xf32, #tpu.memory_space<hbm>> -> memref<10000x8xf32, #tpu.memory_space<hbm>>
      tpu.enqueue_indirect_dma source(%dma_start3A_19 : memref<10000x8xf32, #tpu.memory_space<hbm>>) target(%arg13 : memref<200x8xf32, #tpu.memory_space<vmem>>) offsets(%arg11 : memref<200xi32, #tpu.memory_space<vmem>>) semaphore(%arg16 : memref<!tpu.dma_semaphore, #tpu.memory_space<semaphore_mem>>)
      %dma_wait3A = arith.constant 0 : i32
      %dma_wait3A_20 = arith.constant 0 : i32
      %dma_wait3A_21 = tpu.memref_slice %arg2[%dma_wait3A, %dma_wait3A_20] : memref<10000x8xf32, #tpu.memory_space<hbm>> -> memref<10000x8xf32, #tpu.memory_space<hbm>>
      tpu.wait_indirect_dma semaphore(%arg16 : memref<!tpu.dma_semaphore, #tpu.memory_space<semaphore_mem>>) src(%dma_wait3A_21 : memref<10000x8xf32, #tpu.memory_space<hbm>>) dst(%arg12 : memref<200x8xf32, #tpu.memory_space<vmem>>)
      %dma_wait3A_22 = arith.constant 0 : i32
      %dma_wait3A_23 = arith.constant 0 : i32
      %dma_wait3A_24 = tpu.memref_slice %arg2[%dma_wait3A_22, %dma_wait3A_23] : memref<10000x8xf32, #tpu.memory_space<hbm>> -> memref<10000x8xf32, #tpu.memory_space<hbm>>
      tpu.wait_indirect_dma semaphore(%arg16 : memref<!tpu.dma_semaphore, #tpu.memory_space<semaphore_mem>>) src(%dma_wait3A_24 : memref<10000x8xf32, #tpu.memory_space<hbm>>) dst(%arg13 : memref<200x8xf32, #tpu.memory_space<vmem>>)
      "tpu.region"() ({
        %run_scoped3A = tpu.sem_alloc : memref<!tpu.dma_semaphore, #tpu.memory_space<semaphore_mem>>
        %dma_start3A_25 = arith.constant 0 : i32
        %dma_start3A_26 = tpu.memref_slice %arg7[%multiple_of3A, %dma_start3A_25] : memref<160000x8xf32, #tpu.memory_space<hbm>> -> memref<200x8xf32, #tpu.memory_space<hbm>>
        %dma_start3A_27 = arith.constant 0 : i32
        %dma_start3A_28 = tpu.memref_slice %arg7[%multiple_of3A, %dma_start3A_27] : memref<160000x8xf32, #tpu.memory_space<hbm>> -> memref<200x8xf32, #tpu.memory_space<hbm>>
        tpu.enqueue_dma source(%arg12 : memref<200x8xf32, #tpu.memory_space<vmem>>) target(%dma_start3A_28 : memref<200x8xf32, #tpu.memory_space<hbm>>) target_semaphore(%run_scoped3A : memref<!tpu.dma_semaphore, #tpu.memory_space<semaphore_mem>>)
        %dma_wait3A_29 = arith.constant 0 : i32
        %dma_wait3A_30 = tpu.memref_slice %arg7[%multiple_of3A, %dma_wait3A_29] : memref<160000x8xf32, #tpu.memory_space<hbm>> -> memref<200x8xf32, #tpu.memory_space<hbm>>
        %dma_wait3A_31 = arith.constant 0 : i32
        %dma_wait3A_32 = tpu.memref_slice %arg7[%multiple_of3A, %dma_wait3A_31] : memref<160000x8xf32, #tpu.memory_space<hbm>> -> memref<200x8xf32, #tpu.memory_space<hbm>>
        tpu.wait_dma2 semaphore(%run_scoped3A : memref<!tpu.dma_semaphore, #tpu.memory_space<semaphore_mem>>) src(%arg12 : memref<200x8xf32, #tpu.memory_space<vmem>>) dst(%dma_wait3A_32 : memref<200x8xf32, #tpu.memory_space<hbm>>)
        tpu.yield
      }) : () -> ()
      "tpu.region"() ({
        %run_scoped3A = tpu.sem_alloc : memref<!tpu.dma_semaphore, #tpu.memory_space<semaphore_mem>>
        %dma_start3A_25 = arith.constant 0 : i32
        %dma_start3A_26 = tpu.memref_slice %arg8[%multiple_of3A, %dma_start3A_25] : memref<160000x8xf32, #tpu.memory_space<hbm>> -> memref<200x8xf32, #tpu.memory_space<hbm>>
        %dma_start3A_27 = arith.constant 0 : i32
        %dma_start3A_28 = tpu.memref_slice %arg8[%multiple_of3A, %dma_start3A_27] : memref<160000x8xf32, #tpu.memory_space<hbm>> -> memref<200x8xf32, #tpu.memory_space<hbm>>
        tpu.enqueue_dma source(%arg13 : memref<200x8xf32, #tpu.memory_space<vmem>>) target(%dma_start3A_28 : memref<200x8xf32, #tpu.memory_space<hbm>>) target_semaphore(%run_scoped3A : memref<!tpu.dma_semaphore, #tpu.memory_space<semaphore_mem>>)
        %dma_wait3A_29 = arith.constant 0 : i32
        %dma_wait3A_30 = tpu.memref_slice %arg8[%multiple_of3A, %dma_wait3A_29] : memref<160000x8xf32, #tpu.memory_space<hbm>> -> memref<200x8xf32, #tpu.memory_space<hbm>>
        %dma_wait3A_31 = arith.constant 0 : i32
        %dma_wait3A_32 = tpu.memref_slice %arg8[%multiple_of3A, %dma_wait3A_31] : memref<160000x8xf32, #tpu.memory_space<hbm>> -> memref<200x8xf32, #tpu.memory_space<hbm>>
        tpu.wait_dma2 semaphore(%run_scoped3A : memref<!tpu.dma_semaphore, #tpu.memory_space<semaphore_mem>>) src(%arg13 : memref<200x8xf32, #tpu.memory_space<vmem>>) dst(%dma_wait3A_32 : memref<200x8xf32, #tpu.memory_space<hbm>>)
        tpu.yield
      }) : () -> ()
      "tpu.region"() ({
        %run_scoped3A = tpu.sem_alloc : memref<!tpu.dma_semaphore, #tpu.memory_space<semaphore_mem>>
        %dma_start3A_25 = arith.constant 0 : i32
        %dma_start3A_26 = arith.constant 0 : i32
        %dma_start3A_27 = tpu.memref_slice %arg15[%dma_start3A_25, %dma_start3A_26] : memref<10112x8xf32, #tpu.memory_space<vmem_shared>> -> memref<10112x8xf32, #tpu.memory_space<vmem_shared>>
        tpu.enqueue_indirect_dma source(%arg14 : memref<200x8xf32, #tpu.memory_space<vmem>>) target(%dma_start3A_27 : memref<10112x8xf32, #tpu.memory_space<vmem_shared>>) offsets(%arg11 : memref<200xi32, #tpu.memory_space<vmem>>) semaphore(%run_scoped3A : memref<!tpu.dma_semaphore, #tpu.memory_space<semaphore_mem>>) {add = true}
        %dma_wait3A_28 = arith.constant 0 : i32
        %dma_wait3A_29 = arith.constant 0 : i32
        %dma_wait3A_30 = tpu.memref_slice %arg15[%dma_wait3A_28, %dma_wait3A_29] : memref<10112x8xf32, #tpu.memory_space<vmem_shared>> -> memref<10112x8xf32, #tpu.memory_space<vmem_shared>>
        tpu.wait_indirect_dma semaphore(%run_scoped3A : memref<!tpu.dma_semaphore, #tpu.memory_space<semaphore_mem>>) src(%arg14 : memref<200x8xf32, #tpu.memory_space<vmem>>) dst(%dma_wait3A_30 : memref<10112x8xf32, #tpu.memory_space<vmem_shared>>)
        tpu.yield
      }) : () -> ()
    }
    %scan3A_9 = arith.constant 25 : i32
    %barrier3A_10 = arith.constant 0 : index
    tpu.barrier barrier_id(%barrier3A_10)
    "tpu.region"() ({
      %run_scoped3A = tpu.sem_alloc : memref<!tpu.dma_semaphore, #tpu.memory_space<semaphore_mem>>
      %dma_start3A = arith.constant 0 : i32
      %dma_start3A_11 = tpu.memref_slice %arg9[%arg0, %mul3A_4, %dma_start3A] : memref<2x10112x8xf32, #tpu.memory_space<hbm>> -> memref<1x632x8xf32, #tpu.memory_space<hbm>>
      %dma_start3A_12 = tpu.memref_squeeze %dma_start3A_11 : memref<1x632x8xf32, #tpu.memory_space<hbm>> -> memref<632x8xf32, #tpu.memory_space<hbm>>
      %dma_start3A_13 = arith.constant 0 : i32
      %dma_start3A_14 = tpu.memref_slice %arg15[%mul3A_4, %dma_start3A_13] : memref<10112x8xf32, #tpu.memory_space<vmem_shared>> -> memref<632x8xf32, #tpu.memory_space<vmem_shared>>
      tpu.enqueue_dma source(%dma_start3A_14 : memref<632x8xf32, #tpu.memory_space<vmem_shared>>) target(%dma_start3A_12 : memref<632x8xf32, #tpu.memory_space<hbm>>) target_semaphore(%run_scoped3A : memref<!tpu.dma_semaphore, #tpu.memory_space<semaphore_mem>>)
      %dma_wait3A = arith.constant 0 : i32
      %dma_wait3A_15 = tpu.memref_slice %arg9[%arg0, %mul3A_4, %dma_wait3A] : memref<2x10112x8xf32, #tpu.memory_space<hbm>> -> memref<1x632x8xf32, #tpu.memory_space<hbm>>
      %dma_wait3A_16 = tpu.memref_squeeze %dma_wait3A_15 : memref<1x632x8xf32, #tpu.memory_space<hbm>> -> memref<632x8xf32, #tpu.memory_space<hbm>>
      %dma_wait3A_17 = arith.constant 0 : i32
      %dma_wait3A_18 = tpu.memref_slice %arg15[%mul3A_4, %dma_wait3A_17] : memref<10112x8xf32, #tpu.memory_space<vmem_shared>> -> memref<632x8xf32, #tpu.memory_space<vmem_shared>>
      tpu.wait_dma2 semaphore(%run_scoped3A : memref<!tpu.dma_semaphore, #tpu.memory_space<semaphore_mem>>) src(%dma_wait3A_18 : memref<632x8xf32, #tpu.memory_space<vmem_shared>>) dst(%dma_wait3A_16 : memref<632x8xf32, #tpu.memory_space<hbm>>)
      tpu.yield
    }) : () -> ()
    return
  }
}

#map = affine_map<(d0, d1) -> (0, 0)>
#map1 = affine_map<(d0, d1) -> (0)>
module attributes {stable_mosaic.version = 14 : i64} {
  func.func @gather_k(%arg0: i32, %arg1: i32, %arg2: memref<10000x128xf32, #tpu.memory_space<hbm>>, %arg3: memref<10000x128xf32, #tpu.memory_space<hbm>>, %arg4: memref<160000xi32, #tpu.memory_space<hbm>>, %arg5: memref<160000xi32, #tpu.memory_space<hbm>>, %arg6: memref<160000x128xf32, #tpu.memory_space<hbm>>, %arg7: memref<160000x128xf32, #tpu.memory_space<hbm>>, %arg8: memref<200xi32, #tpu.memory_space<vmem>>, %arg9: memref<200xi32, #tpu.memory_space<vmem>>, %arg10: memref<200x128xf32, #tpu.memory_space<vmem>>, %arg11: memref<200x128xf32, #tpu.memory_space<vmem>>, %arg12: memref<!tpu.dma_semaphore, #tpu.memory_space<semaphore_mem>>) attributes {dimension_semantics = [#tpu.dimension_semantics<core_parallel>, #tpu.dimension_semantics<subcore_parallel>], iteration_bounds = array<i64: 2, 16>, scalar_prefetch = 0 : i64, scratch_operands = 5 : i64, tpu.core_type = #tpu.core_type<sc_vector_subcore>, window_params = [{transform_indices = #map}, {transform_indices = #map}, {transform_indices = #map1}, {transform_indices = #map1}, {transform_indices = #map}, {transform_indices = #map}]} {
    %mul3A = arith.constant 2 : i32
    %mul3A_0 = arith.muli %arg1, %mul3A : i32
    %add3A = arith.addi %mul3A_0, %arg0 : i32
    %mul3A_1 = arith.constant 5000 : i32
    %mul3A_2 = arith.muli %add3A, %mul3A_1 : i32
    %scan3A = arith.constant 0 : i32
    %scan3A_3 = arith.constant 0 : i32
    %scan3A_4 = arith.constant 25 : i32
    %scan3A_5 = arith.addi %scan3A_3, %scan3A_4 : i32
    %scan3A_6 = arith.constant 1 : i32
    scf.for %scan3A_8 = %scan3A_3 to %scan3A_5 step %scan3A_6  : i32 {
      %mul3A_9 = arith.constant 200 : i32
      %mul3A_10 = arith.muli %scan3A_8, %mul3A_9 : i32
      %add3A_11 = arith.addi %mul3A_2, %mul3A_10 : i32
      %multiple_of3A = tpu.assume_multiple %add3A_11, 8 : i32
      "tpu.region"() ({
        %run_scoped3A = tpu.sem_alloc : memref<!tpu.dma_semaphore, #tpu.memory_space<semaphore_mem>>
        %dma_start3A_22 = tpu.memref_slice %arg4[%multiple_of3A] : memref<160000xi32, #tpu.memory_space<hbm>> -> memref<200xi32, #tpu.memory_space<hbm>>
        %dma_start3A_23 = tpu.memref_slice %arg4[%multiple_of3A] : memref<160000xi32, #tpu.memory_space<hbm>> -> memref<200xi32, #tpu.memory_space<hbm>>
        tpu.enqueue_dma source(%dma_start3A_23 : memref<200xi32, #tpu.memory_space<hbm>>) target(%arg8 : memref<200xi32, #tpu.memory_space<vmem>>) target_semaphore(%run_scoped3A : memref<!tpu.dma_semaphore, #tpu.memory_space<semaphore_mem>>)
        %dma_wait3A_24 = tpu.memref_slice %arg4[%multiple_of3A] : memref<160000xi32, #tpu.memory_space<hbm>> -> memref<200xi32, #tpu.memory_space<hbm>>
        %dma_wait3A_25 = tpu.memref_slice %arg4[%multiple_of3A] : memref<160000xi32, #tpu.memory_space<hbm>> -> memref<200xi32, #tpu.memory_space<hbm>>
        tpu.wait_dma2 semaphore(%run_scoped3A : memref<!tpu.dma_semaphore, #tpu.memory_space<semaphore_mem>>) src(%dma_wait3A_25 : memref<200xi32, #tpu.memory_space<hbm>>) dst(%arg8 : memref<200xi32, #tpu.memory_space<vmem>>)
        tpu.yield
      }) : () -> ()
      "tpu.region"() ({
        %run_scoped3A = tpu.sem_alloc : memref<!tpu.dma_semaphore, #tpu.memory_space<semaphore_mem>>
        %dma_start3A_22 = tpu.memref_slice %arg5[%multiple_of3A] : memref<160000xi32, #tpu.memory_space<hbm>> -> memref<200xi32, #tpu.memory_space<hbm>>
        %dma_start3A_23 = tpu.memref_slice %arg5[%multiple_of3A] : memref<160000xi32, #tpu.memory_space<hbm>> -> memref<200xi32, #tpu.memory_space<hbm>>
        tpu.enqueue_dma source(%dma_start3A_23 : memref<200xi32, #tpu.memory_space<hbm>>) target(%arg9 : memref<200xi32, #tpu.memory_space<vmem>>) target_semaphore(%run_scoped3A : memref<!tpu.dma_semaphore, #tpu.memory_space<semaphore_mem>>)
        %dma_wait3A_24 = tpu.memref_slice %arg5[%multiple_of3A] : memref<160000xi32, #tpu.memory_space<hbm>> -> memref<200xi32, #tpu.memory_space<hbm>>
        %dma_wait3A_25 = tpu.memref_slice %arg5[%multiple_of3A] : memref<160000xi32, #tpu.memory_space<hbm>> -> memref<200xi32, #tpu.memory_space<hbm>>
        tpu.wait_dma2 semaphore(%run_scoped3A : memref<!tpu.dma_semaphore, #tpu.memory_space<semaphore_mem>>) src(%dma_wait3A_25 : memref<200xi32, #tpu.memory_space<hbm>>) dst(%arg9 : memref<200xi32, #tpu.memory_space<vmem>>)
        tpu.yield
      }) : () -> ()
      %dma_start3A = arith.constant 0 : i32
      %dma_start3A_12 = arith.constant 0 : i32
      %dma_start3A_13 = tpu.memref_slice %arg2[%dma_start3A, %dma_start3A_12] : memref<10000x128xf32, #tpu.memory_space<hbm>> -> memref<10000x128xf32, #tpu.memory_space<hbm>>
      tpu.enqueue_indirect_dma source(%dma_start3A_13 : memref<10000x128xf32, #tpu.memory_space<hbm>>) target(%arg10 : memref<200x128xf32, #tpu.memory_space<vmem>>) offsets(%arg8 : memref<200xi32, #tpu.memory_space<vmem>>) semaphore(%arg12 : memref<!tpu.dma_semaphore, #tpu.memory_space<semaphore_mem>>)
      %dma_start3A_14 = arith.constant 0 : i32
      %dma_start3A_15 = arith.constant 0 : i32
      %dma_start3A_16 = tpu.memref_slice %arg3[%dma_start3A_14, %dma_start3A_15] : memref<10000x128xf32, #tpu.memory_space<hbm>> -> memref<10000x128xf32, #tpu.memory_space<hbm>>
      tpu.enqueue_indirect_dma source(%dma_start3A_16 : memref<10000x128xf32, #tpu.memory_space<hbm>>) target(%arg11 : memref<200x128xf32, #tpu.memory_space<vmem>>) offsets(%arg9 : memref<200xi32, #tpu.memory_space<vmem>>) semaphore(%arg12 : memref<!tpu.dma_semaphore, #tpu.memory_space<semaphore_mem>>)
      %dma_wait3A = arith.constant 0 : i32
      %dma_wait3A_17 = arith.constant 0 : i32
      %dma_wait3A_18 = tpu.memref_slice %arg2[%dma_wait3A, %dma_wait3A_17] : memref<10000x128xf32, #tpu.memory_space<hbm>> -> memref<10000x128xf32, #tpu.memory_space<hbm>>
      tpu.wait_indirect_dma semaphore(%arg12 : memref<!tpu.dma_semaphore, #tpu.memory_space<semaphore_mem>>) src(%dma_wait3A_18 : memref<10000x128xf32, #tpu.memory_space<hbm>>) dst(%arg10 : memref<200x128xf32, #tpu.memory_space<vmem>>)
      %dma_wait3A_19 = arith.constant 0 : i32
      %dma_wait3A_20 = arith.constant 0 : i32
      %dma_wait3A_21 = tpu.memref_slice %arg3[%dma_wait3A_19, %dma_wait3A_20] : memref<10000x128xf32, #tpu.memory_space<hbm>> -> memref<10000x128xf32, #tpu.memory_space<hbm>>
      tpu.wait_indirect_dma semaphore(%arg12 : memref<!tpu.dma_semaphore, #tpu.memory_space<semaphore_mem>>) src(%dma_wait3A_21 : memref<10000x128xf32, #tpu.memory_space<hbm>>) dst(%arg11 : memref<200x128xf32, #tpu.memory_space<vmem>>)
      "tpu.region"() ({
        %run_scoped3A = tpu.sem_alloc : memref<!tpu.dma_semaphore, #tpu.memory_space<semaphore_mem>>
        %dma_start3A_22 = arith.constant 0 : i32
        %dma_start3A_23 = tpu.memref_slice %arg6[%multiple_of3A, %dma_start3A_22] : memref<160000x128xf32, #tpu.memory_space<hbm>> -> memref<200x128xf32, #tpu.memory_space<hbm>>
        %dma_start3A_24 = arith.constant 0 : i32
        %dma_start3A_25 = tpu.memref_slice %arg6[%multiple_of3A, %dma_start3A_24] : memref<160000x128xf32, #tpu.memory_space<hbm>> -> memref<200x128xf32, #tpu.memory_space<hbm>>
        tpu.enqueue_dma source(%arg10 : memref<200x128xf32, #tpu.memory_space<vmem>>) target(%dma_start3A_25 : memref<200x128xf32, #tpu.memory_space<hbm>>) target_semaphore(%run_scoped3A : memref<!tpu.dma_semaphore, #tpu.memory_space<semaphore_mem>>)
        %dma_wait3A_26 = arith.constant 0 : i32
        %dma_wait3A_27 = tpu.memref_slice %arg6[%multiple_of3A, %dma_wait3A_26] : memref<160000x128xf32, #tpu.memory_space<hbm>> -> memref<200x128xf32, #tpu.memory_space<hbm>>
        %dma_wait3A_28 = arith.constant 0 : i32
        %dma_wait3A_29 = tpu.memref_slice %arg6[%multiple_of3A, %dma_wait3A_28] : memref<160000x128xf32, #tpu.memory_space<hbm>> -> memref<200x128xf32, #tpu.memory_space<hbm>>
        tpu.wait_dma2 semaphore(%run_scoped3A : memref<!tpu.dma_semaphore, #tpu.memory_space<semaphore_mem>>) src(%arg10 : memref<200x128xf32, #tpu.memory_space<vmem>>) dst(%dma_wait3A_29 : memref<200x128xf32, #tpu.memory_space<hbm>>)
        tpu.yield
      }) : () -> ()
      "tpu.region"() ({
        %run_scoped3A = tpu.sem_alloc : memref<!tpu.dma_semaphore, #tpu.memory_space<semaphore_mem>>
        %dma_start3A_22 = arith.constant 0 : i32
        %dma_start3A_23 = tpu.memref_slice %arg7[%multiple_of3A, %dma_start3A_22] : memref<160000x128xf32, #tpu.memory_space<hbm>> -> memref<200x128xf32, #tpu.memory_space<hbm>>
        %dma_start3A_24 = arith.constant 0 : i32
        %dma_start3A_25 = tpu.memref_slice %arg7[%multiple_of3A, %dma_start3A_24] : memref<160000x128xf32, #tpu.memory_space<hbm>> -> memref<200x128xf32, #tpu.memory_space<hbm>>
        tpu.enqueue_dma source(%arg11 : memref<200x128xf32, #tpu.memory_space<vmem>>) target(%dma_start3A_25 : memref<200x128xf32, #tpu.memory_space<hbm>>) target_semaphore(%run_scoped3A : memref<!tpu.dma_semaphore, #tpu.memory_space<semaphore_mem>>)
        %dma_wait3A_26 = arith.constant 0 : i32
        %dma_wait3A_27 = tpu.memref_slice %arg7[%multiple_of3A, %dma_wait3A_26] : memref<160000x128xf32, #tpu.memory_space<hbm>> -> memref<200x128xf32, #tpu.memory_space<hbm>>
        %dma_wait3A_28 = arith.constant 0 : i32
        %dma_wait3A_29 = tpu.memref_slice %arg7[%multiple_of3A, %dma_wait3A_28] : memref<160000x128xf32, #tpu.memory_space<hbm>> -> memref<200x128xf32, #tpu.memory_space<hbm>>
        tpu.wait_dma2 semaphore(%run_scoped3A : memref<!tpu.dma_semaphore, #tpu.memory_space<semaphore_mem>>) src(%arg11 : memref<200x128xf32, #tpu.memory_space<vmem>>) dst(%dma_wait3A_29 : memref<200x128xf32, #tpu.memory_space<hbm>>)
        tpu.yield
      }) : () -> ()
    }
    %scan3A_7 = arith.constant 25 : i32
    return
  }
}

#map = affine_map<(d0, d1) -> (0, 0)>
#map1 = affine_map<(d0, d1) -> (0)>
#map2 = affine_map<(d0, d1) -> (0, 0, 0)>
module attributes {stable_mosaic.version = 14 : i64} {
  func.func @scatter_k(%arg0: i32, %arg1: i32, %arg2: memref<160000x128xf32, #tpu.memory_space<hbm>>, %arg3: memref<160000xi32, #tpu.memory_space<hbm>>, %arg4: memref<632x128xf32, #tpu.memory_space<hbm>>, %arg5: memref<2x10112x128xf32, #tpu.memory_space<hbm>>, %arg6: memref<200xi32, #tpu.memory_space<vmem>>, %arg7: memref<200x128xf32, #tpu.memory_space<vmem>>, %arg8: memref<10112x128xf32, #tpu.memory_space<vmem_shared>>, %arg9: memref<!tpu.dma_semaphore, #tpu.memory_space<semaphore_mem>>) attributes {dimension_semantics = [#tpu.dimension_semantics<core_parallel>, #tpu.dimension_semantics<subcore_parallel>], iteration_bounds = array<i64: 2, 16>, scalar_prefetch = 0 : i64, scratch_operands = 4 : i64, tpu.core_type = #tpu.core_type<sc_vector_subcore>, window_params = [{transform_indices = #map}, {transform_indices = #map1}, {transform_indices = #map}, {transform_indices = #map2}]} {
    %mul3A = arith.constant 2 : i32
    %mul3A_0 = arith.muli %arg1, %mul3A : i32
    %add3A = arith.addi %mul3A_0, %arg0 : i32
    %mul3A_1 = arith.constant 5000 : i32
    %mul3A_2 = arith.muli %add3A, %mul3A_1 : i32
    %mul3A_3 = arith.constant 632 : i32
    %mul3A_4 = arith.muli %arg1, %mul3A_3 : i32
    "tpu.region"() ({
      %run_scoped3A = tpu.sem_alloc : memref<!tpu.dma_semaphore, #tpu.memory_space<semaphore_mem>>
      %dma_start3A = arith.constant 0 : i32
      %dma_start3A_11 = tpu.memref_slice %arg8[%mul3A_4, %dma_start3A] : memref<10112x128xf32, #tpu.memory_space<vmem_shared>> -> memref<632x128xf32, #tpu.memory_space<vmem_shared>>
      tpu.enqueue_dma source(%arg4 : memref<632x128xf32, #tpu.memory_space<hbm>>) target(%dma_start3A_11 : memref<632x128xf32, #tpu.memory_space<vmem_shared>>) target_semaphore(%run_scoped3A : memref<!tpu.dma_semaphore, #tpu.memory_space<semaphore_mem>>)
      %dma_wait3A = arith.constant 0 : i32
      %dma_wait3A_12 = tpu.memref_slice %arg8[%mul3A_4, %dma_wait3A] : memref<10112x128xf32, #tpu.memory_space<vmem_shared>> -> memref<632x128xf32, #tpu.memory_space<vmem_shared>>
      tpu.wait_dma2 semaphore(%run_scoped3A : memref<!tpu.dma_semaphore, #tpu.memory_space<semaphore_mem>>) src(%arg4 : memref<632x128xf32, #tpu.memory_space<hbm>>) dst(%dma_wait3A_12 : memref<632x128xf32, #tpu.memory_space<vmem_shared>>)
      tpu.yield
    }) : () -> ()
    %barrier3A = arith.constant 0 : index
    tpu.barrier barrier_id(%barrier3A)
    %scan3A = arith.constant 0 : i32
    %scan3A_5 = arith.constant 0 : i32
    %scan3A_6 = arith.constant 25 : i32
    %scan3A_7 = arith.addi %scan3A_5, %scan3A_6 : i32
    %scan3A_8 = arith.constant 1 : i32
    scf.for %scan3A_11 = %scan3A_5 to %scan3A_7 step %scan3A_8  : i32 {
      %mul3A_12 = arith.constant 200 : i32
      %mul3A_13 = arith.muli %scan3A_11, %mul3A_12 : i32
      %add3A_14 = arith.addi %mul3A_2, %mul3A_13 : i32
      %multiple_of3A = tpu.assume_multiple %add3A_14, 8 : i32
      "tpu.region"() ({
        %run_scoped3A = tpu.sem_alloc : memref<!tpu.dma_semaphore, #tpu.memory_space<semaphore_mem>>
        %dma_start3A_21 = tpu.memref_slice %arg3[%multiple_of3A] : memref<160000xi32, #tpu.memory_space<hbm>> -> memref<200xi32, #tpu.memory_space<hbm>>
        %dma_start3A_22 = tpu.memref_slice %arg3[%multiple_of3A] : memref<160000xi32, #tpu.memory_space<hbm>> -> memref<200xi32, #tpu.memory_space<hbm>>
        tpu.enqueue_dma source(%dma_start3A_22 : memref<200xi32, #tpu.memory_space<hbm>>) target(%arg6 : memref<200xi32, #tpu.memory_space<vmem>>) target_semaphore(%run_scoped3A : memref<!tpu.dma_semaphore, #tpu.memory_space<semaphore_mem>>)
        %dma_wait3A_23 = tpu.memref_slice %arg3[%multiple_of3A] : memref<160000xi32, #tpu.memory_space<hbm>> -> memref<200xi32, #tpu.memory_space<hbm>>
        %dma_wait3A_24 = tpu.memref_slice %arg3[%multiple_of3A] : memref<160000xi32, #tpu.memory_space<hbm>> -> memref<200xi32, #tpu.memory_space<hbm>>
        tpu.wait_dma2 semaphore(%run_scoped3A : memref<!tpu.dma_semaphore, #tpu.memory_space<semaphore_mem>>) src(%dma_wait3A_24 : memref<200xi32, #tpu.memory_space<hbm>>) dst(%arg6 : memref<200xi32, #tpu.memory_space<vmem>>)
        tpu.yield
      }) : () -> ()
      %dma_start3A = arith.constant 0 : i32
      %dma_start3A_15 = tpu.memref_slice %arg2[%multiple_of3A, %dma_start3A] : memref<160000x128xf32, #tpu.memory_space<hbm>> -> memref<200x128xf32, #tpu.memory_space<hbm>>
      %dma_start3A_16 = arith.constant 0 : i32
      %dma_start3A_17 = tpu.memref_slice %arg2[%multiple_of3A, %dma_start3A_16] : memref<160000x128xf32, #tpu.memory_space<hbm>> -> memref<200x128xf32, #tpu.memory_space<hbm>>
      tpu.enqueue_dma source(%dma_start3A_17 : memref<200x128xf32, #tpu.memory_space<hbm>>) target(%arg7 : memref<200x128xf32, #tpu.memory_space<vmem>>) target_semaphore(%arg9 : memref<!tpu.dma_semaphore, #tpu.memory_space<semaphore_mem>>)
      %dma_wait3A = arith.constant 0 : i32
      %dma_wait3A_18 = tpu.memref_slice %arg2[%multiple_of3A, %dma_wait3A] : memref<160000x128xf32, #tpu.memory_space<hbm>> -> memref<200x128xf32, #tpu.memory_space<hbm>>
      %dma_wait3A_19 = arith.constant 0 : i32
      %dma_wait3A_20 = tpu.memref_slice %arg2[%multiple_of3A, %dma_wait3A_19] : memref<160000x128xf32, #tpu.memory_space<hbm>> -> memref<200x128xf32, #tpu.memory_space<hbm>>
      tpu.wait_dma2 semaphore(%arg9 : memref<!tpu.dma_semaphore, #tpu.memory_space<semaphore_mem>>) src(%dma_wait3A_20 : memref<200x128xf32, #tpu.memory_space<hbm>>) dst(%arg7 : memref<200x128xf32, #tpu.memory_space<vmem>>)
      "tpu.region"() ({
        %run_scoped3A = tpu.sem_alloc : memref<!tpu.dma_semaphore, #tpu.memory_space<semaphore_mem>>
        %dma_start3A_21 = arith.constant 0 : i32
        %dma_start3A_22 = arith.constant 0 : i32
        %dma_start3A_23 = tpu.memref_slice %arg8[%dma_start3A_21, %dma_start3A_22] : memref<10112x128xf32, #tpu.memory_space<vmem_shared>> -> memref<10112x128xf32, #tpu.memory_space<vmem_shared>>
        tpu.enqueue_indirect_dma source(%arg7 : memref<200x128xf32, #tpu.memory_space<vmem>>) target(%dma_start3A_23 : memref<10112x128xf32, #tpu.memory_space<vmem_shared>>) offsets(%arg6 : memref<200xi32, #tpu.memory_space<vmem>>) semaphore(%run_scoped3A : memref<!tpu.dma_semaphore, #tpu.memory_space<semaphore_mem>>) {add = true}
        %dma_wait3A_24 = arith.constant 0 : i32
        %dma_wait3A_25 = arith.constant 0 : i32
        %dma_wait3A_26 = tpu.memref_slice %arg8[%dma_wait3A_24, %dma_wait3A_25] : memref<10112x128xf32, #tpu.memory_space<vmem_shared>> -> memref<10112x128xf32, #tpu.memory_space<vmem_shared>>
        tpu.wait_indirect_dma semaphore(%run_scoped3A : memref<!tpu.dma_semaphore, #tpu.memory_space<semaphore_mem>>) src(%arg7 : memref<200x128xf32, #tpu.memory_space<vmem>>) dst(%dma_wait3A_26 : memref<10112x128xf32, #tpu.memory_space<vmem_shared>>)
        tpu.yield
      }) : () -> ()
    }
    %scan3A_9 = arith.constant 25 : i32
    %barrier3A_10 = arith.constant 0 : index
    tpu.barrier barrier_id(%barrier3A_10)
    "tpu.region"() ({
      %run_scoped3A = tpu.sem_alloc : memref<!tpu.dma_semaphore, #tpu.memory_space<semaphore_mem>>
      %dma_start3A = arith.constant 0 : i32
      %dma_start3A_11 = tpu.memref_slice %arg5[%arg0, %mul3A_4, %dma_start3A] : memref<2x10112x128xf32, #tpu.memory_space<hbm>> -> memref<1x632x128xf32, #tpu.memory_space<hbm>>
      %dma_start3A_12 = tpu.memref_squeeze %dma_start3A_11 : memref<1x632x128xf32, #tpu.memory_space<hbm>> -> memref<632x128xf32, #tpu.memory_space<hbm>>
      %dma_start3A_13 = arith.constant 0 : i32
      %dma_start3A_14 = tpu.memref_slice %arg8[%mul3A_4, %dma_start3A_13] : memref<10112x128xf32, #tpu.memory_space<vmem_shared>> -> memref<632x128xf32, #tpu.memory_space<vmem_shared>>
      tpu.enqueue_dma source(%dma_start3A_14 : memref<632x128xf32, #tpu.memory_space<vmem_shared>>) target(%dma_start3A_12 : memref<632x128xf32, #tpu.memory_space<hbm>>) target_semaphore(%run_scoped3A : memref<!tpu.dma_semaphore, #tpu.memory_space<semaphore_mem>>)
      %dma_wait3A = arith.constant 0 : i32
      %dma_wait3A_15 = tpu.memref_slice %arg5[%arg0, %mul3A_4, %dma_wait3A] : memref<2x10112x128xf32, #tpu.memory_space<hbm>> -> memref<1x632x128xf32, #tpu.memory_space<hbm>>
      %dma_wait3A_16 = tpu.memref_squeeze %dma_wait3A_15 : memref<1x632x128xf32, #tpu.memory_space<hbm>> -> memref<632x128xf32, #tpu.memory_space<hbm>>
      %dma_wait3A_17 = arith.constant 0 : i32
      %dma_wait3A_18 = tpu.memref_slice %arg8[%mul3A_4, %dma_wait3A_17] : memref<10112x128xf32, #tpu.memory_space<vmem_shared>> -> memref<632x128xf32, #tpu.memory_space<vmem_shared>>
      tpu.wait_dma2 semaphore(%run_scoped3A : memref<!tpu.dma_semaphore, #tpu.memory_space<semaphore_mem>>) src(%dma_wait3A_18 : memref<632x128xf32, #tpu.memory_space<vmem_shared>>) dst(%dma_wait3A_16 : memref<632x128xf32, #tpu.memory_space<hbm>>)
      tpu.yield
    }) : () -> ()
    return
  }
}

#map = affine_map<(d0, d1) -> (0, 0)>
#map1 = affine_map<(d0, d1) -> (0)>
#map2 = affine_map<(d0, d1) -> (0, 0, 0)>
module attributes {stable_mosaic.version = 14 : i64} {
  func.func @scatter_k(%arg0: i32, %arg1: i32, %arg2: memref<160000x128xf32, #tpu.memory_space<hbm>>, %arg3: memref<160000xi32, #tpu.memory_space<hbm>>, %arg4: memref<632x128xf32, #tpu.memory_space<hbm>>, %arg5: memref<2x10112x128xf32, #tpu.memory_space<hbm>>, %arg6: memref<200xi32, #tpu.memory_space<vmem>>, %arg7: memref<200x128xf32, #tpu.memory_space<vmem>>, %arg8: memref<10112x128xf32, #tpu.memory_space<vmem_shared>>, %arg9: memref<!tpu.dma_semaphore, #tpu.memory_space<semaphore_mem>>) attributes {dimension_semantics = [#tpu.dimension_semantics<core_parallel>, #tpu.dimension_semantics<subcore_parallel>], iteration_bounds = array<i64: 2, 16>, scalar_prefetch = 0 : i64, scratch_operands = 4 : i64, tpu.core_type = #tpu.core_type<sc_vector_subcore>, window_params = [{transform_indices = #map}, {transform_indices = #map1}, {transform_indices = #map}, {transform_indices = #map2}]} {
    %mul3A = arith.constant 2 : i32
    %mul3A_0 = arith.muli %arg1, %mul3A : i32
    %add3A = arith.addi %mul3A_0, %arg0 : i32
    %mul3A_1 = arith.constant 5000 : i32
    %mul3A_2 = arith.muli %add3A, %mul3A_1 : i32
    %mul3A_3 = arith.constant 632 : i32
    %mul3A_4 = arith.muli %arg1, %mul3A_3 : i32
    "tpu.region"() ({
      %run_scoped3A = tpu.sem_alloc : memref<!tpu.dma_semaphore, #tpu.memory_space<semaphore_mem>>
      %dma_start3A = arith.constant 0 : i32
      %dma_start3A_11 = tpu.memref_slice %arg8[%mul3A_4, %dma_start3A] : memref<10112x128xf32, #tpu.memory_space<vmem_shared>> -> memref<632x128xf32, #tpu.memory_space<vmem_shared>>
      tpu.enqueue_dma source(%arg4 : memref<632x128xf32, #tpu.memory_space<hbm>>) target(%dma_start3A_11 : memref<632x128xf32, #tpu.memory_space<vmem_shared>>) target_semaphore(%run_scoped3A : memref<!tpu.dma_semaphore, #tpu.memory_space<semaphore_mem>>)
      %dma_wait3A = arith.constant 0 : i32
      %dma_wait3A_12 = tpu.memref_slice %arg8[%mul3A_4, %dma_wait3A] : memref<10112x128xf32, #tpu.memory_space<vmem_shared>> -> memref<632x128xf32, #tpu.memory_space<vmem_shared>>
      tpu.wait_dma2 semaphore(%run_scoped3A : memref<!tpu.dma_semaphore, #tpu.memory_space<semaphore_mem>>) src(%arg4 : memref<632x128xf32, #tpu.memory_space<hbm>>) dst(%dma_wait3A_12 : memref<632x128xf32, #tpu.memory_space<vmem_shared>>)
      tpu.yield
    }) : () -> ()
    %barrier3A = arith.constant 0 : index
    tpu.barrier barrier_id(%barrier3A)
    %scan3A = arith.constant 0 : i32
    %scan3A_5 = arith.constant 0 : i32
    %scan3A_6 = arith.constant 25 : i32
    %scan3A_7 = arith.addi %scan3A_5, %scan3A_6 : i32
    %scan3A_8 = arith.constant 1 : i32
    scf.for %scan3A_11 = %scan3A_5 to %scan3A_7 step %scan3A_8  : i32 {
      %mul3A_12 = arith.constant 200 : i32
      %mul3A_13 = arith.muli %scan3A_11, %mul3A_12 : i32
      %add3A_14 = arith.addi %mul3A_2, %mul3A_13 : i32
      %multiple_of3A = tpu.assume_multiple %add3A_14, 8 : i32
      "tpu.region"() ({
        %run_scoped3A = tpu.sem_alloc : memref<!tpu.dma_semaphore, #tpu.memory_space<semaphore_mem>>
        %dma_start3A_21 = tpu.memref_slice %arg3[%multiple_of3A] : memref<160000xi32, #tpu.memory_space<hbm>> -> memref<200xi32, #tpu.memory_space<hbm>>
        %dma_start3A_22 = tpu.memref_slice %arg3[%multiple_of3A] : memref<160000xi32, #tpu.memory_space<hbm>> -> memref<200xi32, #tpu.memory_space<hbm>>
        tpu.enqueue_dma source(%dma_start3A_22 : memref<200xi32, #tpu.memory_space<hbm>>) target(%arg6 : memref<200xi32, #tpu.memory_space<vmem>>) target_semaphore(%run_scoped3A : memref<!tpu.dma_semaphore, #tpu.memory_space<semaphore_mem>>)
        %dma_wait3A_23 = tpu.memref_slice %arg3[%multiple_of3A] : memref<160000xi32, #tpu.memory_space<hbm>> -> memref<200xi32, #tpu.memory_space<hbm>>
        %dma_wait3A_24 = tpu.memref_slice %arg3[%multiple_of3A] : memref<160000xi32, #tpu.memory_space<hbm>> -> memref<200xi32, #tpu.memory_space<hbm>>
        tpu.wait_dma2 semaphore(%run_scoped3A : memref<!tpu.dma_semaphore, #tpu.memory_space<semaphore_mem>>) src(%dma_wait3A_24 : memref<200xi32, #tpu.memory_space<hbm>>) dst(%arg6 : memref<200xi32, #tpu.memory_space<vmem>>)
        tpu.yield
      }) : () -> ()
      %dma_start3A = arith.constant 0 : i32
      %dma_start3A_15 = tpu.memref_slice %arg2[%multiple_of3A, %dma_start3A] : memref<160000x128xf32, #tpu.memory_space<hbm>> -> memref<200x128xf32, #tpu.memory_space<hbm>>
      %dma_start3A_16 = arith.constant 0 : i32
      %dma_start3A_17 = tpu.memref_slice %arg2[%multiple_of3A, %dma_start3A_16] : memref<160000x128xf32, #tpu.memory_space<hbm>> -> memref<200x128xf32, #tpu.memory_space<hbm>>
      tpu.enqueue_dma source(%dma_start3A_17 : memref<200x128xf32, #tpu.memory_space<hbm>>) target(%arg7 : memref<200x128xf32, #tpu.memory_space<vmem>>) target_semaphore(%arg9 : memref<!tpu.dma_semaphore, #tpu.memory_space<semaphore_mem>>)
      %dma_wait3A = arith.constant 0 : i32
      %dma_wait3A_18 = tpu.memref_slice %arg2[%multiple_of3A, %dma_wait3A] : memref<160000x128xf32, #tpu.memory_space<hbm>> -> memref<200x128xf32, #tpu.memory_space<hbm>>
      %dma_wait3A_19 = arith.constant 0 : i32
      %dma_wait3A_20 = tpu.memref_slice %arg2[%multiple_of3A, %dma_wait3A_19] : memref<160000x128xf32, #tpu.memory_space<hbm>> -> memref<200x128xf32, #tpu.memory_space<hbm>>
      tpu.wait_dma2 semaphore(%arg9 : memref<!tpu.dma_semaphore, #tpu.memory_space<semaphore_mem>>) src(%dma_wait3A_20 : memref<200x128xf32, #tpu.memory_space<hbm>>) dst(%arg7 : memref<200x128xf32, #tpu.memory_space<vmem>>)
      "tpu.region"() ({
        %run_scoped3A = tpu.sem_alloc : memref<!tpu.dma_semaphore, #tpu.memory_space<semaphore_mem>>
        %dma_start3A_21 = arith.constant 0 : i32
        %dma_start3A_22 = arith.constant 0 : i32
        %dma_start3A_23 = tpu.memref_slice %arg8[%dma_start3A_21, %dma_start3A_22] : memref<10112x128xf32, #tpu.memory_space<vmem_shared>> -> memref<10112x128xf32, #tpu.memory_space<vmem_shared>>
        tpu.enqueue_indirect_dma source(%arg7 : memref<200x128xf32, #tpu.memory_space<vmem>>) target(%dma_start3A_23 : memref<10112x128xf32, #tpu.memory_space<vmem_shared>>) offsets(%arg6 : memref<200xi32, #tpu.memory_space<vmem>>) semaphore(%run_scoped3A : memref<!tpu.dma_semaphore, #tpu.memory_space<semaphore_mem>>) {add = true}
        %dma_wait3A_24 = arith.constant 0 : i32
        %dma_wait3A_25 = arith.constant 0 : i32
        %dma_wait3A_26 = tpu.memref_slice %arg8[%dma_wait3A_24, %dma_wait3A_25] : memref<10112x128xf32, #tpu.memory_space<vmem_shared>> -> memref<10112x128xf32, #tpu.memory_space<vmem_shared>>
        tpu.wait_indirect_dma semaphore(%run_scoped3A : memref<!tpu.dma_semaphore, #tpu.memory_space<semaphore_mem>>) src(%arg7 : memref<200x128xf32, #tpu.memory_space<vmem>>) dst(%dma_wait3A_26 : memref<10112x128xf32, #tpu.memory_space<vmem_shared>>)
        tpu.yield
      }) : () -> ()
    }
    %scan3A_9 = arith.constant 25 : i32
    %barrier3A_10 = arith.constant 0 : index
    tpu.barrier barrier_id(%barrier3A_10)
    "tpu.region"() ({
      %run_scoped3A = tpu.sem_alloc : memref<!tpu.dma_semaphore, #tpu.memory_space<semaphore_mem>>
      %dma_start3A = arith.constant 0 : i32
      %dma_start3A_11 = tpu.memref_slice %arg5[%arg0, %mul3A_4, %dma_start3A] : memref<2x10112x128xf32, #tpu.memory_space<hbm>> -> memref<1x632x128xf32, #tpu.memory_space<hbm>>
      %dma_start3A_12 = tpu.memref_squeeze %dma_start3A_11 : memref<1x632x128xf32, #tpu.memory_space<hbm>> -> memref<632x128xf32, #tpu.memory_space<hbm>>
      %dma_start3A_13 = arith.constant 0 : i32
      %dma_start3A_14 = tpu.memref_slice %arg8[%mul3A_4, %dma_start3A_13] : memref<10112x128xf32, #tpu.memory_space<vmem_shared>> -> memref<632x128xf32, #tpu.memory_space<vmem_shared>>
      tpu.enqueue_dma source(%dma_start3A_14 : memref<632x128xf32, #tpu.memory_space<vmem_shared>>) target(%dma_start3A_12 : memref<632x128xf32, #tpu.memory_space<hbm>>) target_semaphore(%run_scoped3A : memref<!tpu.dma_semaphore, #tpu.memory_space<semaphore_mem>>)
      %dma_wait3A = arith.constant 0 : i32
      %dma_wait3A_15 = tpu.memref_slice %arg5[%arg0, %mul3A_4, %dma_wait3A] : memref<2x10112x128xf32, #tpu.memory_space<hbm>> -> memref<1x632x128xf32, #tpu.memory_space<hbm>>
      %dma_wait3A_16 = tpu.memref_squeeze %dma_wait3A_15 : memref<1x632x128xf32, #tpu.memory_space<hbm>> -> memref<632x128xf32, #tpu.memory_space<hbm>>
      %dma_wait3A_17 = arith.constant 0 : i32
      %dma_wait3A_18 = tpu.memref_slice %arg8[%mul3A_4, %dma_wait3A_17] : memref<10112x128xf32, #tpu.memory_space<vmem_shared>> -> memref<632x128xf32, #tpu.memory_space<vmem_shared>>
      tpu.wait_dma2 semaphore(%run_scoped3A : memref<!tpu.dma_semaphore, #tpu.memory_space<semaphore_mem>>) src(%dma_wait3A_18 : memref<632x128xf32, #tpu.memory_space<vmem_shared>>) dst(%dma_wait3A_16 : memref<632x128xf32, #tpu.memory_space<hbm>>)
      tpu.yield
    }) : () -> ()
    return
  }
}

module attributes {stable_mosaic.version = 14 : i64} {
  func.func @_prep_body(%arg0: i32, %arg1: memref<1000x128xf32, #tpu.memory_space<vmem>>, %arg2: memref<128x128xf32, #tpu.memory_space<vmem>>, %arg3: memref<128x128xf32, #tpu.memory_space<vmem>>, %arg4: memref<1x128xf32, #tpu.memory_space<vmem>>, %arg5: memref<1000x128xf32, #tpu.memory_space<vmem>>, %arg6: memref<1000x128xf32, #tpu.memory_space<vmem>>) attributes {dimension_semantics = [#tpu.dimension_semantics<arbitrary>], iteration_bounds = array<i64: 10>, scalar_prefetch = 0 : i64, scratch_operands = 0 : i64, tpu.core_type = #tpu.core_type<tc>, window_params = [{transform_indices = @transform_0, window_bounds = array<i64: 1000, 128>}, {pipeline_mode = #tpu.pipeline_mode<synchronous>, transform_indices = @transform_1, window_bounds = array<i64: 128, 128>}, {pipeline_mode = #tpu.pipeline_mode<synchronous>, transform_indices = @transform_2, window_bounds = array<i64: 128, 128>}, {pipeline_mode = #tpu.pipeline_mode<synchronous>, transform_indices = @transform_3, window_bounds = array<i64: 1, 128>}, {transform_indices = @transform_4, window_bounds = array<i64: 1000, 128>}, {transform_indices = @transform_5, window_bounds = array<i64: 1000, 128>}]} {
    %get3A = arith.constant 0 : index
    %get3A_0 = arith.constant 0 : index
    %get3A_1 = vector.load %arg1[%get3A, %get3A_0] : memref<1000x128xf32, #tpu.memory_space<vmem>>, vector<1000x128xf32>
    %get3A_2 = arith.constant 0 : index
    %get3A_3 = arith.constant 0 : index
    %get3A_4 = vector.load %arg2[%get3A_2, %get3A_3] : memref<128x128xf32, #tpu.memory_space<vmem>>, vector<128x128xf32>
    %dot_general3A = arith.constant dense<0.000000e+00> : vector<1000x128xf32>
    %dot_general3A_5 = tpu.matmul %get3A_1, %get3A_4, %dot_general3A {dimension_numbers = #tpu.dot_dimension_numbers<[1], [0], [0], [1], [0, 0, 1, 1], [], []>, transpose_lhs_hint = false} : vector<1000x128xf32>, vector<128x128xf32>, vector<1000x128xf32> -> vector<1000x128xf32>
    %get3A_6 = arith.constant 0 : index
    %get3A_7 = arith.constant 0 : index
    %get3A_8 = vector.load %arg4[%get3A_6, %get3A_7] : memref<1x128xf32, #tpu.memory_space<vmem>>, vector<1x128xf32>
    %add3A = vector.broadcast %get3A_8 : vector<1x128xf32> to vector<1000x128xf32>
    %add3A_9 = arith.addf %dot_general3A_5, %add3A : vector<1000x128xf32>
    %swap3A = arith.constant 0 : index
    %swap3A_10 = arith.constant 0 : index
    %swap3A_11 = vector.load %arg5[%swap3A, %swap3A_10] : memref<1000x128xf32, #tpu.memory_space<vmem>>, vector<1000x128xf32>
    tpu.vector_store %arg5[%swap3A, %swap3A_10], %add3A_9 {strides = array<i32>} : memref<1000x128xf32, #tpu.memory_space<vmem>>, vector<1000x128xf32>,
    %get3A_12 = arith.constant 0 : index
    %get3A_13 = arith.constant 0 : index
    %get3A_14 = vector.load %arg3[%get3A_12, %get3A_13] : memref<128x128xf32, #tpu.memory_space<vmem>>, vector<128x128xf32>
    %dot_general3A_15 = arith.constant dense<0.000000e+00> : vector<1000x128xf32>
    %dot_general3A_16 = tpu.matmul %get3A_1, %get3A_14, %dot_general3A_15 {dimension_numbers = #tpu.dot_dimension_numbers<[1], [0], [0], [1], [0, 0, 1, 1], [], []>, transpose_lhs_hint = false} : vector<1000x128xf32>, vector<128x128xf32>, vector<1000x128xf32> -> vector<1000x128xf32>
    %swap3A_17 = arith.constant 0 : index
    %swap3A_18 = arith.constant 0 : index
    %swap3A_19 = vector.load %arg6[%swap3A_17, %swap3A_18] : memref<1000x128xf32, #tpu.memory_space<vmem>>, vector<1000x128xf32>
    tpu.vector_store %arg6[%swap3A_17, %swap3A_18], %dot_general3A_16 {strides = array<i32>} : memref<1000x128xf32, #tpu.memory_space<vmem>>, vector<1000x128xf32>,
    return
  }
  func.func @transform_0(%arg0: i32) -> (i32, i32) {
    %c0_i32 = arith.constant 0 : i32
    %c0_i32_0 = arith.constant 0 : i32
    return %arg0, %c0_i32 : i32, i32
  }
  func.func @transform_1(%arg0: i32) -> (i32, i32) {
    %c0_i32 = arith.constant 0 : i32
    %c0_i32_0 = arith.constant 0 : i32
    %c0_i32_1 = arith.constant 0 : i32
    return %c0_i32, %c0_i32_0 : i32, i32
  }
  func.func @transform_2(%arg0: i32) -> (i32, i32) {
    %c0_i32 = arith.constant 0 : i32
    %c0_i32_0 = arith.constant 0 : i32
    %c0_i32_1 = arith.constant 0 : i32
    return %c0_i32, %c0_i32_0 : i32, i32
  }
  func.func @transform_3(%arg0: i32) -> (i32, i32) {
    %c0_i32 = arith.constant 0 : i32
    %c0_i32_0 = arith.constant 0 : i32
    %c0_i32_1 = arith.constant 0 : i32
    return %c0_i32, %c0_i32_0 : i32, i32
  }
  func.func @transform_4(%arg0: i32) -> (i32, i32) {
    %c0_i32 = arith.constant 0 : i32
    %c0_i32_0 = arith.constant 0 : i32
    return %arg0, %c0_i32 : i32, i32
  }
  func.func @transform_5(%arg0: i32) -> (i32, i32) {
    %c0_i32 = arith.constant 0 : i32
    %c0_i32_0 = arith.constant 0 : i32
    return %arg0, %c0_i32 : i32, i32
  }
}

module attributes {stable_mosaic.version = 14 : i64} {
  func.func @_dense_body(%arg0: i32, %arg1: memref<2000x128xf32, #tpu.memory_space<vmem>>, %arg2: memref<2000x128xf32, #tpu.memory_space<vmem>>, %arg3: memref<2000x16xf32, #tpu.memory_space<vmem>>, %arg4: memref<2000x8xf32, #tpu.memory_space<vmem>>, %arg5: memref<2000x8xf32, #tpu.memory_space<vmem>>, %arg6: memref<2000x3xf32, #tpu.memory_space<vmem>>, %arg7: memref<16x128xf32, #tpu.memory_space<vmem>>, %arg8: memref<3x128xf32, #tpu.memory_space<vmem>>, %arg9: memref<128x128xf32, #tpu.memory_space<vmem>>, %arg10: memref<1x128xf32, #tpu.memory_space<vmem>>, %arg11: memref<3x128xf32, #tpu.memory_space<vmem>>, %arg12: memref<128x128xf32, #tpu.memory_space<vmem>>, %arg13: memref<1x128xf32, #tpu.memory_space<vmem>>, %arg14: memref<3x128xf32, #tpu.memory_space<vmem>>, %arg15: memref<3x3xf32, #tpu.memory_space<smem>>, %arg16: memref<3x3xf32, #tpu.memory_space<smem>>, %arg17: memref<3x3xf32, #tpu.memory_space<smem>>, %arg18: memref<3x3xf32, #tpu.memory_space<smem>>, %arg19: memref<3x3xf32, #tpu.memory_space<smem>>, %arg20: memref<2000x128xf32, #tpu.memory_space<vmem>>) attributes {dimension_semantics = [#tpu.dimension_semantics<arbitrary>], iteration_bounds = array<i64: 80>, scalar_prefetch = 0 : i64, scratch_operands = 0 : i64, tpu.core_type = #tpu.core_type<tc>, window_params = [{transform_indices = @transform_0, window_bounds = array<i64: 2000, 128>}, {transform_indices = @transform_1, window_bounds = array<i64: 2000, 128>}, {transform_indices = @transform_2, window_bounds = array<i64: 2000, 16>}, {transform_indices = @transform_3, window_bounds = array<i64: 2000, 8>}, {transform_indices = @transform_4, window_bounds = array<i64: 2000, 8>}, {transform_indices = @transform_5, window_bounds = array<i64: 2000, 3>}, {pipeline_mode = #tpu.pipeline_mode<synchronous>, transform_indices = @transform_6, window_bounds = array<i64: 16, 128>}, {pipeline_mode = #tpu.pipeline_mode<synchronous>, transform_indices = @transform_7, window_bounds = array<i64: 3, 128>}, {pipeline_mode = #tpu.pipeline_mode<synchronous>, transform_indices = @transform_8, window_bounds = array<i64: 128, 128>}, {pipeline_mode = #tpu.pipeline_mode<synchronous>, transform_indices = @transform_9, window_bounds = array<i64: 1, 128>}, {pipeline_mode = #tpu.pipeline_mode<synchronous>, transform_indices = @transform_10, window_bounds = array<i64: 3, 128>}, {pipeline_mode = #tpu.pipeline_mode<synchronous>, transform_indices = @transform_11, window_bounds = array<i64: 128, 128>}, {pipeline_mode = #tpu.pipeline_mode<synchronous>, transform_indices = @transform_12, window_bounds = array<i64: 1, 128>}, {pipeline_mode = #tpu.pipeline_mode<synchronous>, transform_indices = @transform_13, window_bounds = array<i64: 3, 128>}, {transform_indices = @transform_14, window_bounds = array<i64: 3, 3>}, {transform_indices = @transform_15, window_bounds = array<i64: 3, 3>}, {transform_indices = @transform_16, window_bounds = array<i64: 3, 3>}, {transform_indices = @transform_17, window_bounds = array<i64: 3, 3>}, {transform_indices = @transform_18, window_bounds = array<i64: 3, 3>}, {transform_indices = @transform_19, window_bounds = array<i64: 2000, 128>}]} {
    %get3A = arith.constant 0 : index
    %get3A_0 = arith.constant 0 : index
    %get3A_1 = vector.load %arg1[%get3A, %get3A_0] : memref<2000x128xf32, #tpu.memory_space<vmem>>, vector<2000x128xf32>
    %get3A_2 = arith.constant 0 : index
    %get3A_3 = arith.constant 0 : index
    %get3A_4 = vector.load %arg2[%get3A_2, %get3A_3] : memref<2000x128xf32, #tpu.memory_space<vmem>>, vector<2000x128xf32>
    %add3A = arith.addf %get3A_1, %get3A_4 : vector<2000x128xf32>
    %get3A_5 = arith.constant 0 : index
    %get3A_6 = arith.constant 0 : index
    %get3A_7 = vector.load %arg3[%get3A_5, %get3A_6] : memref<2000x16xf32, #tpu.memory_space<vmem>>, vector<2000x16xf32>
    %get3A_8 = arith.constant 0 : index
    %get3A_9 = arith.constant 0 : index
    %get3A_10 = vector.load %arg7[%get3A_8, %get3A_9] : memref<16x128xf32, #tpu.memory_space<vmem>>, vector<16x128xf32>
    %dot_general3A = arith.constant dense<0.000000e+00> : vector<2000x128xf32>
    %dot_general3A_11 = tpu.matmul %get3A_7, %get3A_10, %dot_general3A {dimension_numbers = #tpu.dot_dimension_numbers<[1], [0], [0], [1], [0, 0, 1, 1], [], []>, transpose_lhs_hint = false} : vector<2000x16xf32>, vector<16x128xf32>, vector<2000x128xf32> -> vector<2000x128xf32>
    %add3A_12 = arith.addf %add3A, %dot_general3A_11 : vector<2000x128xf32>
    %get3A_13 = arith.constant 0 : index
    %get3A_14 = arith.constant 0 : index
    %get3A_15 = vector.load %arg4[%get3A_13, %get3A_14] : memref<2000x8xf32, #tpu.memory_space<vmem>>, vector<2000x8xf32>
    %slice3A = vector.extract_strided_slice %get3A_15 {offsets = [0, 0], sizes = [2000, 3], strides = [1, 1]} : vector<2000x8xf32> to vector<2000x3xf32>
    %get3A_16 = arith.constant 0 : index
    %get3A_17 = arith.constant 0 : index
    %get3A_18 = vector.load %arg6[%get3A_16, %get3A_17] : memref<2000x3xf32, #tpu.memory_space<vmem>>, vector<2000x3xf32>
    %get3A_19 = arith.constant 0 : index
    %get3A_20 = arith.constant 0 : index
    %get3A_21 = vector.load %arg5[%get3A_19, %get3A_20] : memref<2000x8xf32, #tpu.memory_space<vmem>>, vector<2000x8xf32>
    %slice3A_22 = vector.extract_strided_slice %get3A_21 {offsets = [0, 0], sizes = [2000, 3], strides = [1, 1]} : vector<2000x8xf32> to vector<2000x3xf32>
    %concatenate3A = tpu.concatenate %slice3A, %get3A_18, %slice3A_22 in 1 : vector<2000x3xf32>, vector<2000x3xf32>, vector<2000x3xf32> -> vector<2000x9xf32>
    %transpose3A = tpu.transpose %concatenate3A, [1, 0] : vector<2000x9xf32> -> vector<9x2000xf32>
    %get3A_23 = arith.constant 0 : index
    %get3A_24 = arith.constant 0 : index
    %get3A_25 = memref.load %arg15[%get3A_23, %get3A_24] : memref<3x3xf32, #tpu.memory_space<smem>>
    %slice3A_26 = vector.extract_strided_slice %transpose3A {offsets = [0, 0], sizes = [3, 2000], strides = [1, 1]} : vector<9x2000xf32> to vector<3x2000xf32>
    %mul3A = vector.broadcast %get3A_25 : f32 to vector<3x2000xf32>
    %mul3A_27 = arith.mulf %mul3A, %slice3A_26 : vector<3x2000xf32>
    %get3A_28 = arith.constant 1 : index
    %get3A_29 = arith.constant 0 : index
    %get3A_30 = memref.load %arg15[%get3A_28, %get3A_29] : memref<3x3xf32, #tpu.memory_space<smem>>
    %slice3A_31 = vector.extract_strided_slice %transpose3A {offsets = [3, 0], sizes = [3, 2000], strides = [1, 1]} : vector<9x2000xf32> to vector<3x2000xf32>
    %mul3A_32 = vector.broadcast %get3A_30 : f32 to vector<3x2000xf32>
    %mul3A_33 = arith.mulf %mul3A_32, %slice3A_31 : vector<3x2000xf32>
    %add3A_34 = arith.addf %mul3A_27, %mul3A_33 : vector<3x2000xf32>
    %get3A_35 = arith.constant 2 : index
    %get3A_36 = arith.constant 0 : index
    %get3A_37 = memref.load %arg15[%get3A_35, %get3A_36] : memref<3x3xf32, #tpu.memory_space<smem>>
    %slice3A_38 = vector.extract_strided_slice %transpose3A {offsets = [6, 0], sizes = [3, 2000], strides = [1, 1]} : vector<9x2000xf32> to vector<3x2000xf32>
    %mul3A_39 = vector.broadcast %get3A_37 : f32 to vector<3x2000xf32>
    %mul3A_40 = arith.mulf %mul3A_39, %slice3A_38 : vector<3x2000xf32>
    %add3A_41 = arith.addf %add3A_34, %mul3A_40 : vector<3x2000xf32>
    %get3A_42 = arith.constant 0 : index
    %get3A_43 = arith.constant 1 : index
    %get3A_44 = memref.load %arg15[%get3A_42, %get3A_43] : memref<3x3xf32, #tpu.memory_space<smem>>
    %slice3A_45 = vector.extract_strided_slice %transpose3A {offsets = [0, 0], sizes = [3, 2000], strides = [1, 1]} : vector<9x2000xf32> to vector<3x2000xf32>
    %mul3A_46 = vector.broadcast %get3A_44 : f32 to vector<3x2000xf32>
    %mul3A_47 = arith.mulf %mul3A_46, %slice3A_45 : vector<3x2000xf32>
    %get3A_48 = arith.constant 1 : index
    %get3A_49 = arith.constant 1 : index
    %get3A_50 = memref.load %arg15[%get3A_48, %get3A_49] : memref<3x3xf32, #tpu.memory_space<smem>>
    %slice3A_51 = vector.extract_strided_slice %transpose3A {offsets = [3, 0], sizes = [3, 2000], strides = [1, 1]} : vector<9x2000xf32> to vector<3x2000xf32>
    %mul3A_52 = vector.broadcast %get3A_50 : f32 to vector<3x2000xf32>
    %mul3A_53 = arith.mulf %mul3A_52, %slice3A_51 : vector<3x2000xf32>
    %add3A_54 = arith.addf %mul3A_47, %mul3A_53 : vector<3x2000xf32>
    %get3A_55 = arith.constant 2 : index
    %get3A_56 = arith.constant 1 : index
    %get3A_57 = memref.load %arg15[%get3A_55, %get3A_56] : memref<3x3xf32, #tpu.memory_space<smem>>
    %slice3A_58 = vector.extract_strided_slice %transpose3A {offsets = [6, 0], sizes = [3, 2000], strides = [1, 1]} : vector<9x2000xf32> to vector<3x2000xf32>
    %mul3A_59 = vector.broadcast %get3A_57 : f32 to vector<3x2000xf32>
    %mul3A_60 = arith.mulf %mul3A_59, %slice3A_58 : vector<3x2000xf32>
    %add3A_61 = arith.addf %add3A_54, %mul3A_60 : vector<3x2000xf32>
    %get3A_62 = arith.constant 0 : index
    %get3A_63 = arith.constant 2 : index
    %get3A_64 = memref.load %arg15[%get3A_62, %get3A_63] : memref<3x3xf32, #tpu.memory_space<smem>>
    %slice3A_65 = vector.extract_strided_slice %transpose3A {offsets = [0, 0], sizes = [3, 2000], strides = [1, 1]} : vector<9x2000xf32> to vector<3x2000xf32>
    %mul3A_66 = vector.broadcast %get3A_64 : f32 to vector<3x2000xf32>
    %mul3A_67 = arith.mulf %mul3A_66, %slice3A_65 : vector<3x2000xf32>
    %get3A_68 = arith.constant 1 : index
    %get3A_69 = arith.constant 2 : index
    %get3A_70 = memref.load %arg15[%get3A_68, %get3A_69] : memref<3x3xf32, #tpu.memory_space<smem>>
    %slice3A_71 = vector.extract_strided_slice %transpose3A {offsets = [3, 0], sizes = [3, 2000], strides = [1, 1]} : vector<9x2000xf32> to vector<3x2000xf32>
    %mul3A_72 = vector.broadcast %get3A_70 : f32 to vector<3x2000xf32>
    %mul3A_73 = arith.mulf %mul3A_72, %slice3A_71 : vector<3x2000xf32>
    %add3A_74 = arith.addf %mul3A_67, %mul3A_73 : vector<3x2000xf32>
    %get3A_75 = arith.constant 2 : index
    %get3A_76 = arith.constant 2 : index
    %get3A_77 = memref.load %arg15[%get3A_75, %get3A_76] : memref<3x3xf32, #tpu.memory_space<smem>>
    %slice3A_78 = vector.extract_strided_slice %transpose3A {offsets = [6, 0], sizes = [3, 2000], strides = [1, 1]} : vector<9x2000xf32> to vector<3x2000xf32>
    %mul3A_79 = vector.broadcast %get3A_77 : f32 to vector<3x2000xf32>
    %mul3A_80 = arith.mulf %mul3A_79, %slice3A_78 : vector<3x2000xf32>
    %add3A_81 = arith.addf %add3A_74, %mul3A_80 : vector<3x2000xf32>
    %concatenate3A_82 = tpu.concatenate %add3A_41, %add3A_61, %add3A_81 in 0 : vector<3x2000xf32>, vector<3x2000xf32>, vector<3x2000xf32> -> vector<9x2000xf32>
    %mul3A_83 = arith.mulf %concatenate3A_82, %concatenate3A_82 : vector<9x2000xf32>
    %slice3A_84 = vector.extract_strided_slice %mul3A_83 {offsets = [0, 0], sizes = [1, 2000], strides = [1, 1]} : vector<9x2000xf32> to vector<1x2000xf32>
    %slice3A_85 = vector.extract_strided_slice %mul3A_83 {offsets = [1, 0], sizes = [1, 2000], strides = [1, 1]} : vector<9x2000xf32> to vector<1x2000xf32>
    %add3A_86 = arith.addf %slice3A_84, %slice3A_85 : vector<1x2000xf32>
    %slice3A_87 = vector.extract_strided_slice %mul3A_83 {offsets = [2, 0], sizes = [1, 2000], strides = [1, 1]} : vector<9x2000xf32> to vector<1x2000xf32>
    %add3A_88 = arith.addf %add3A_86, %slice3A_87 : vector<1x2000xf32>
    %slice3A_89 = vector.extract_strided_slice %mul3A_83 {offsets = [3, 0], sizes = [1, 2000], strides = [1, 1]} : vector<9x2000xf32> to vector<1x2000xf32>
    %slice3A_90 = vector.extract_strided_slice %mul3A_83 {offsets = [4, 0], sizes = [1, 2000], strides = [1, 1]} : vector<9x2000xf32> to vector<1x2000xf32>
    %add3A_91 = arith.addf %slice3A_89, %slice3A_90 : vector<1x2000xf32>
    %slice3A_92 = vector.extract_strided_slice %mul3A_83 {offsets = [5, 0], sizes = [1, 2000], strides = [1, 1]} : vector<9x2000xf32> to vector<1x2000xf32>
    %add3A_93 = arith.addf %add3A_91, %slice3A_92 : vector<1x2000xf32>
    %slice3A_94 = vector.extract_strided_slice %mul3A_83 {offsets = [6, 0], sizes = [1, 2000], strides = [1, 1]} : vector<9x2000xf32> to vector<1x2000xf32>
    %slice3A_95 = vector.extract_strided_slice %mul3A_83 {offsets = [7, 0], sizes = [1, 2000], strides = [1, 1]} : vector<9x2000xf32> to vector<1x2000xf32>
    %add3A_96 = arith.addf %slice3A_94, %slice3A_95 : vector<1x2000xf32>
    %slice3A_97 = vector.extract_strided_slice %mul3A_83 {offsets = [8, 0], sizes = [1, 2000], strides = [1, 1]} : vector<9x2000xf32> to vector<1x2000xf32>
    %add3A_98 = arith.addf %add3A_96, %slice3A_97 : vector<1x2000xf32>
    %concatenate3A_99 = tpu.concatenate %add3A_88, %add3A_93, %add3A_98 in 0 : vector<1x2000xf32>, vector<1x2000xf32>, vector<1x2000xf32> -> vector<3x2000xf32>
    %max3A = arith.constant 9.99999993E-9 : f32
    %max3A_100 = vector.broadcast %max3A : f32 to vector<3x2000xf32>
    %max3A_101 = arith.maximumf %concatenate3A_99, %max3A_100 : vector<3x2000xf32>
    %sqrt3A = math.sqrt %max3A_101 : vector<3x2000xf32>
    %get3A_102 = arith.constant 0 : index
    %get3A_103 = arith.constant 0 : index
    %get3A_104 = vector.load %arg8[%get3A_102, %get3A_103] : memref<3x128xf32, #tpu.memory_space<vmem>>, vector<3x128xf32>
    %dot_general3A_105 = arith.constant dense<0.000000e+00> : vector<2000x128xf32>
    %dot_general3A_106 = tpu.matmul %sqrt3A, %get3A_104, %dot_general3A_105 {dimension_numbers = #tpu.dot_dimension_numbers<[0], [0], [1], [1], [0, 1, 1, 1], [], []>, transpose_lhs_hint = false} : vector<3x2000xf32>, vector<3x128xf32>, vector<2000x128xf32> -> vector<2000x128xf32>
    %add3A_107 = arith.addf %add3A_12, %dot_general3A_106 : vector<2000x128xf32>
    %max3A_108 = arith.constant 0.000000e+00 : f32
    %max3A_109 = vector.broadcast %max3A_108 : f32 to vector<2000x128xf32>
    %max3A_110 = arith.maximumf %add3A_107, %max3A_109 : vector<2000x128xf32>
    %get3A_111 = arith.constant 0 : index
    %get3A_112 = arith.constant 0 : index
    %get3A_113 = memref.load %arg16[%get3A_111, %get3A_112] : memref<3x3xf32, #tpu.memory_space<smem>>
    %slice3A_114 = vector.extract_strided_slice %concatenate3A_82 {offsets = [0, 0], sizes = [3, 2000], strides = [1, 1]} : vector<9x2000xf32> to vector<3x2000xf32>
    %mul3A_115 = vector.broadcast %get3A_113 : f32 to vector<3x2000xf32>
    %mul3A_116 = arith.mulf %mul3A_115, %slice3A_114 : vector<3x2000xf32>
    %get3A_117 = arith.constant 1 : index
    %get3A_118 = arith.constant 0 : index
    %get3A_119 = memref.load %arg16[%get3A_117, %get3A_118] : memref<3x3xf32, #tpu.memory_space<smem>>
    %slice3A_120 = vector.extract_strided_slice %concatenate3A_82 {offsets = [3, 0], sizes = [3, 2000], strides = [1, 1]} : vector<9x2000xf32> to vector<3x2000xf32>
    %mul3A_121 = vector.broadcast %get3A_119 : f32 to vector<3x2000xf32>
    %mul3A_122 = arith.mulf %mul3A_121, %slice3A_120 : vector<3x2000xf32>
    %add3A_123 = arith.addf %mul3A_116, %mul3A_122 : vector<3x2000xf32>
    %get3A_124 = arith.constant 2 : index
    %get3A_125 = arith.constant 0 : index
    %get3A_126 = memref.load %arg16[%get3A_124, %get3A_125] : memref<3x3xf32, #tpu.memory_space<smem>>
    %slice3A_127 = vector.extract_strided_slice %concatenate3A_82 {offsets = [6, 0], sizes = [3, 2000], strides = [1, 1]} : vector<9x2000xf32> to vector<3x2000xf32>
    %mul3A_128 = vector.broadcast %get3A_126 : f32 to vector<3x2000xf32>
    %mul3A_129 = arith.mulf %mul3A_128, %slice3A_127 : vector<3x2000xf32>
    %add3A_130 = arith.addf %add3A_123, %mul3A_129 : vector<3x2000xf32>
    %get3A_131 = arith.constant 0 : index
    %get3A_132 = arith.constant 1 : index
    %get3A_133 = memref.load %arg16[%get3A_131, %get3A_132] : memref<3x3xf32, #tpu.memory_space<smem>>
    %slice3A_134 = vector.extract_strided_slice %concatenate3A_82 {offsets = [0, 0], sizes = [3, 2000], strides = [1, 1]} : vector<9x2000xf32> to vector<3x2000xf32>
    %mul3A_135 = vector.broadcast %get3A_133 : f32 to vector<3x2000xf32>
    %mul3A_136 = arith.mulf %mul3A_135, %slice3A_134 : vector<3x2000xf32>
    %get3A_137 = arith.constant 1 : index
    %get3A_138 = arith.constant 1 : index
    %get3A_139 = memref.load %arg16[%get3A_137, %get3A_138] : memref<3x3xf32, #tpu.memory_space<smem>>
    %slice3A_140 = vector.extract_strided_slice %concatenate3A_82 {offsets = [3, 0], sizes = [3, 2000], strides = [1, 1]} : vector<9x2000xf32> to vector<3x2000xf32>
    %mul3A_141 = vector.broadcast %get3A_139 : f32 to vector<3x2000xf32>
    %mul3A_142 = arith.mulf %mul3A_141, %slice3A_140 : vector<3x2000xf32>
    %add3A_143 = arith.addf %mul3A_136, %mul3A_142 : vector<3x2000xf32>
    %get3A_144 = arith.constant 2 : index
    %get3A_145 = arith.constant 1 : index
    %get3A_146 = memref.load %arg16[%get3A_144, %get3A_145] : memref<3x3xf32, #tpu.memory_space<smem>>
    %slice3A_147 = vector.extract_strided_slice %concatenate3A_82 {offsets = [6, 0], sizes = [3, 2000], strides = [1, 1]} : vector<9x2000xf32> to vector<3x2000xf32>
    %mul3A_148 = vector.broadcast %get3A_146 : f32 to vector<3x2000xf32>
    %mul3A_149 = arith.mulf %mul3A_148, %slice3A_147 : vector<3x2000xf32>
    %add3A_150 = arith.addf %add3A_143, %mul3A_149 : vector<3x2000xf32>
    %get3A_151 = arith.constant 0 : index
    %get3A_152 = arith.constant 2 : index
    %get3A_153 = memref.load %arg16[%get3A_151, %get3A_152] : memref<3x3xf32, #tpu.memory_space<smem>>
    %slice3A_154 = vector.extract_strided_slice %concatenate3A_82 {offsets = [0, 0], sizes = [3, 2000], strides = [1, 1]} : vector<9x2000xf32> to vector<3x2000xf32>
    %mul3A_155 = vector.broadcast %get3A_153 : f32 to vector<3x2000xf32>
    %mul3A_156 = arith.mulf %mul3A_155, %slice3A_154 : vector<3x2000xf32>
    %get3A_157 = arith.constant 1 : index
    %get3A_158 = arith.constant 2 : index
    %get3A_159 = memref.load %arg16[%get3A_157, %get3A_158] : memref<3x3xf32, #tpu.memory_space<smem>>
    %slice3A_160 = vector.extract_strided_slice %concatenate3A_82 {offsets = [3, 0], sizes = [3, 2000], strides = [1, 1]} : vector<9x2000xf32> to vector<3x2000xf32>
    %mul3A_161 = vector.broadcast %get3A_159 : f32 to vector<3x2000xf32>
    %mul3A_162 = arith.mulf %mul3A_161, %slice3A_160 : vector<3x2000xf32>
    %add3A_163 = arith.addf %mul3A_156, %mul3A_162 : vector<3x2000xf32>
    %get3A_164 = arith.constant 2 : index
    %get3A_165 = arith.constant 2 : index
    %get3A_166 = memref.load %arg16[%get3A_164, %get3A_165] : memref<3x3xf32, #tpu.memory_space<smem>>
    %slice3A_167 = vector.extract_strided_slice %concatenate3A_82 {offsets = [6, 0], sizes = [3, 2000], strides = [1, 1]} : vector<9x2000xf32> to vector<3x2000xf32>
    %mul3A_168 = vector.broadcast %get3A_166 : f32 to vector<3x2000xf32>
    %mul3A_169 = arith.mulf %mul3A_168, %slice3A_167 : vector<3x2000xf32>
    %add3A_170 = arith.addf %add3A_163, %mul3A_169 : vector<3x2000xf32>
    %concatenate3A_171 = tpu.concatenate %add3A_130, %add3A_150, %add3A_170 in 0 : vector<3x2000xf32>, vector<3x2000xf32>, vector<3x2000xf32> -> vector<9x2000xf32>
    %mul3A_172 = arith.mulf %concatenate3A_171, %concatenate3A_171 : vector<9x2000xf32>
    %slice3A_173 = vector.extract_strided_slice %mul3A_172 {offsets = [0, 0], sizes = [1, 2000], strides = [1, 1]} : vector<9x2000xf32> to vector<1x2000xf32>
    %slice3A_174 = vector.extract_strided_slice %mul3A_172 {offsets = [1, 0], sizes = [1, 2000], strides = [1, 1]} : vector<9x2000xf32> to vector<1x2000xf32>
    %add3A_175 = arith.addf %slice3A_173, %slice3A_174 : vector<1x2000xf32>
    %slice3A_176 = vector.extract_strided_slice %mul3A_172 {offsets = [2, 0], sizes = [1, 2000], strides = [1, 1]} : vector<9x2000xf32> to vector<1x2000xf32>
    %add3A_177 = arith.addf %add3A_175, %slice3A_176 : vector<1x2000xf32>
    %slice3A_178 = vector.extract_strided_slice %mul3A_172 {offsets = [3, 0], sizes = [1, 2000], strides = [1, 1]} : vector<9x2000xf32> to vector<1x2000xf32>
    %slice3A_179 = vector.extract_strided_slice %mul3A_172 {offsets = [4, 0], sizes = [1, 2000], strides = [1, 1]} : vector<9x2000xf32> to vector<1x2000xf32>
    %add3A_180 = arith.addf %slice3A_178, %slice3A_179 : vector<1x2000xf32>
    %slice3A_181 = vector.extract_strided_slice %mul3A_172 {offsets = [5, 0], sizes = [1, 2000], strides = [1, 1]} : vector<9x2000xf32> to vector<1x2000xf32>
    %add3A_182 = arith.addf %add3A_180, %slice3A_181 : vector<1x2000xf32>
    %slice3A_183 = vector.extract_strided_slice %mul3A_172 {offsets = [6, 0], sizes = [1, 2000], strides = [1, 1]} : vector<9x2000xf32> to vector<1x2000xf32>
    %slice3A_184 = vector.extract_strided_slice %mul3A_172 {offsets = [7, 0], sizes = [1, 2000], strides = [1, 1]} : vector<9x2000xf32> to vector<1x2000xf32>
    %add3A_185 = arith.addf %slice3A_183, %slice3A_184 : vector<1x2000xf32>
    %slice3A_186 = vector.extract_strided_slice %mul3A_172 {offsets = [8, 0], sizes = [1, 2000], strides = [1, 1]} : vector<9x2000xf32> to vector<1x2000xf32>
    %add3A_187 = arith.addf %add3A_185, %slice3A_186 : vector<1x2000xf32>
    %concatenate3A_188 = tpu.concatenate %add3A_177, %add3A_182, %add3A_187 in 0 : vector<1x2000xf32>, vector<1x2000xf32>, vector<1x2000xf32> -> vector<3x2000xf32>
    %max3A_189 = arith.constant 9.99999993E-9 : f32
    %max3A_190 = vector.broadcast %max3A_189 : f32 to vector<3x2000xf32>
    %max3A_191 = arith.maximumf %concatenate3A_188, %max3A_190 : vector<3x2000xf32>
    %sqrt3A_192 = math.sqrt %max3A_191 : vector<3x2000xf32>
    %neg3A = arith.constant 0.000000e+00 : f32
    %neg3A_193 = vector.broadcast %neg3A : f32 to vector<3x2000xf32>
    %neg3A_194 = arith.subf %neg3A_193, %sqrt3A_192 : vector<3x2000xf32>
    %exp3A = math.exp %neg3A_194 : vector<3x2000xf32>
    %add3A_195 = arith.constant 1.000000e+00 : f32
    %add3A_196 = vector.broadcast %add3A_195 : f32 to vector<3x2000xf32>
    %add3A_197 = arith.addf %add3A_196, %exp3A : vector<3x2000xf32>
    %div3A = arith.constant 1.000000e+00 : f32
    %div3A_198 = vector.broadcast %div3A : f32 to vector<3x2000xf32>
    %div3A_199 = arith.divf %div3A_198, %add3A_197 : vector<3x2000xf32>
    %slice3A_200 = vector.extract_strided_slice %concatenate3A_171 {offsets = [0, 0], sizes = [3, 2000], strides = [1, 1]} : vector<9x2000xf32> to vector<3x2000xf32>
    %slice3A_201 = vector.extract_strided_slice %div3A_199 {offsets = [0, 0], sizes = [1, 2000], strides = [1, 1]} : vector<3x2000xf32> to vector<1x2000xf32>
    %mul3A_202 = vector.broadcast %slice3A_201 : vector<1x2000xf32> to vector<3x2000xf32>
    %mul3A_203 = arith.mulf %slice3A_200, %mul3A_202 : vector<3x2000xf32>
    %slice3A_204 = vector.extract_strided_slice %concatenate3A_171 {offsets = [3, 0], sizes = [3, 2000], strides = [1, 1]} : vector<9x2000xf32> to vector<3x2000xf32>
    %slice3A_205 = vector.extract_strided_slice %div3A_199 {offsets = [1, 0], sizes = [1, 2000], strides = [1, 1]} : vector<3x2000xf32> to vector<1x2000xf32>
    %mul3A_206 = vector.broadcast %slice3A_205 : vector<1x2000xf32> to vector<3x2000xf32>
    %mul3A_207 = arith.mulf %slice3A_204, %mul3A_206 : vector<3x2000xf32>
    %slice3A_208 = vector.extract_strided_slice %concatenate3A_171 {offsets = [6, 0], sizes = [3, 2000], strides = [1, 1]} : vector<9x2000xf32> to vector<3x2000xf32>
    %slice3A_209 = vector.extract_strided_slice %div3A_199 {offsets = [2, 0], sizes = [1, 2000], strides = [1, 1]} : vector<3x2000xf32> to vector<1x2000xf32>
    %mul3A_210 = vector.broadcast %slice3A_209 : vector<1x2000xf32> to vector<3x2000xf32>
    %mul3A_211 = arith.mulf %slice3A_208, %mul3A_210 : vector<3x2000xf32>
    %concatenate3A_212 = tpu.concatenate %mul3A_203, %mul3A_207, %mul3A_211 in 0 : vector<3x2000xf32>, vector<3x2000xf32>, vector<3x2000xf32> -> vector<9x2000xf32>
    %get3A_213 = arith.constant 0 : index
    %get3A_214 = arith.constant 0 : index
    %get3A_215 = memref.load %arg17[%get3A_213, %get3A_214] : memref<3x3xf32, #tpu.memory_space<smem>>
    %slice3A_216 = vector.extract_strided_slice %concatenate3A_212 {offsets = [0, 0], sizes = [3, 2000], strides = [1, 1]} : vector<9x2000xf32> to vector<3x2000xf32>
    %mul3A_217 = vector.broadcast %get3A_215 : f32 to vector<3x2000xf32>
    %mul3A_218 = arith.mulf %mul3A_217, %slice3A_216 : vector<3x2000xf32>
    %get3A_219 = arith.constant 1 : index
    %get3A_220 = arith.constant 0 : index
    %get3A_221 = memref.load %arg17[%get3A_219, %get3A_220] : memref<3x3xf32, #tpu.memory_space<smem>>
    %slice3A_222 = vector.extract_strided_slice %concatenate3A_212 {offsets = [3, 0], sizes = [3, 2000], strides = [1, 1]} : vector<9x2000xf32> to vector<3x2000xf32>
    %mul3A_223 = vector.broadcast %get3A_221 : f32 to vector<3x2000xf32>
    %mul3A_224 = arith.mulf %mul3A_223, %slice3A_222 : vector<3x2000xf32>
    %add3A_225 = arith.addf %mul3A_218, %mul3A_224 : vector<3x2000xf32>
    %get3A_226 = arith.constant 2 : index
    %get3A_227 = arith.constant 0 : index
    %get3A_228 = memref.load %arg17[%get3A_226, %get3A_227] : memref<3x3xf32, #tpu.memory_space<smem>>
    %slice3A_229 = vector.extract_strided_slice %concatenate3A_212 {offsets = [6, 0], sizes = [3, 2000], strides = [1, 1]} : vector<9x2000xf32> to vector<3x2000xf32>
    %mul3A_230 = vector.broadcast %get3A_228 : f32 to vector<3x2000xf32>
    %mul3A_231 = arith.mulf %mul3A_230, %slice3A_229 : vector<3x2000xf32>
    %add3A_232 = arith.addf %add3A_225, %mul3A_231 : vector<3x2000xf32>
    %get3A_233 = arith.constant 0 : index
    %get3A_234 = arith.constant 1 : index
    %get3A_235 = memref.load %arg17[%get3A_233, %get3A_234] : memref<3x3xf32, #tpu.memory_space<smem>>
    %slice3A_236 = vector.extract_strided_slice %concatenate3A_212 {offsets = [0, 0], sizes = [3, 2000], strides = [1, 1]} : vector<9x2000xf32> to vector<3x2000xf32>
    %mul3A_237 = vector.broadcast %get3A_235 : f32 to vector<3x2000xf32>
    %mul3A_238 = arith.mulf %mul3A_237, %slice3A_236 : vector<3x2000xf32>
    %get3A_239 = arith.constant 1 : index
    %get3A_240 = arith.constant 1 : index
    %get3A_241 = memref.load %arg17[%get3A_239, %get3A_240] : memref<3x3xf32, #tpu.memory_space<smem>>
    %slice3A_242 = vector.extract_strided_slice %concatenate3A_212 {offsets = [3, 0], sizes = [3, 2000], strides = [1, 1]} : vector<9x2000xf32> to vector<3x2000xf32>
    %mul3A_243 = vector.broadcast %get3A_241 : f32 to vector<3x2000xf32>
    %mul3A_244 = arith.mulf %mul3A_243, %slice3A_242 : vector<3x2000xf32>
    %add3A_245 = arith.addf %mul3A_238, %mul3A_244 : vector<3x2000xf32>
    %get3A_246 = arith.constant 2 : index
    %get3A_247 = arith.constant 1 : index
    %get3A_248 = memref.load %arg17[%get3A_246, %get3A_247] : memref<3x3xf32, #tpu.memory_space<smem>>
    %slice3A_249 = vector.extract_strided_slice %concatenate3A_212 {offsets = [6, 0], sizes = [3, 2000], strides = [1, 1]} : vector<9x2000xf32> to vector<3x2000xf32>
    %mul3A_250 = vector.broadcast %get3A_248 : f32 to vector<3x2000xf32>
    %mul3A_251 = arith.mulf %mul3A_250, %slice3A_249 : vector<3x2000xf32>
    %add3A_252 = arith.addf %add3A_245, %mul3A_251 : vector<3x2000xf32>
    %get3A_253 = arith.constant 0 : index
    %get3A_254 = arith.constant 2 : index
    %get3A_255 = memref.load %arg17[%get3A_253, %get3A_254] : memref<3x3xf32, #tpu.memory_space<smem>>
    %slice3A_256 = vector.extract_strided_slice %concatenate3A_212 {offsets = [0, 0], sizes = [3, 2000], strides = [1, 1]} : vector<9x2000xf32> to vector<3x2000xf32>
    %mul3A_257 = vector.broadcast %get3A_255 : f32 to vector<3x2000xf32>
    %mul3A_258 = arith.mulf %mul3A_257, %slice3A_256 : vector<3x2000xf32>
    %get3A_259 = arith.constant 1 : index
    %get3A_260 = arith.constant 2 : index
    %get3A_261 = memref.load %arg17[%get3A_259, %get3A_260] : memref<3x3xf32, #tpu.memory_space<smem>>
    %slice3A_262 = vector.extract_strided_slice %concatenate3A_212 {offsets = [3, 0], sizes = [3, 2000], strides = [1, 1]} : vector<9x2000xf32> to vector<3x2000xf32>
    %mul3A_263 = vector.broadcast %get3A_261 : f32 to vector<3x2000xf32>
    %mul3A_264 = arith.mulf %mul3A_263, %slice3A_262 : vector<3x2000xf32>
    %add3A_265 = arith.addf %mul3A_258, %mul3A_264 : vector<3x2000xf32>
    %get3A_266 = arith.constant 2 : index
    %get3A_267 = arith.constant 2 : index
    %get3A_268 = memref.load %arg17[%get3A_266, %get3A_267] : memref<3x3xf32, #tpu.memory_space<smem>>
    %slice3A_269 = vector.extract_strided_slice %concatenate3A_212 {offsets = [6, 0], sizes = [3, 2000], strides = [1, 1]} : vector<9x2000xf32> to vector<3x2000xf32>
    %mul3A_270 = vector.broadcast %get3A_268 : f32 to vector<3x2000xf32>
    %mul3A_271 = arith.mulf %mul3A_270, %slice3A_269 : vector<3x2000xf32>
    %add3A_272 = arith.addf %add3A_265, %mul3A_271 : vector<3x2000xf32>
    %concatenate3A_273 = tpu.concatenate %add3A_232, %add3A_252, %add3A_272 in 0 : vector<3x2000xf32>, vector<3x2000xf32>, vector<3x2000xf32> -> vector<9x2000xf32>
    %mul3A_274 = arith.mulf %concatenate3A_273, %concatenate3A_273 : vector<9x2000xf32>
    %slice3A_275 = vector.extract_strided_slice %mul3A_274 {offsets = [0, 0], sizes = [1, 2000], strides = [1, 1]} : vector<9x2000xf32> to vector<1x2000xf32>
    %slice3A_276 = vector.extract_strided_slice %mul3A_274 {offsets = [1, 0], sizes = [1, 2000], strides = [1, 1]} : vector<9x2000xf32> to vector<1x2000xf32>
    %add3A_277 = arith.addf %slice3A_275, %slice3A_276 : vector<1x2000xf32>
    %slice3A_278 = vector.extract_strided_slice %mul3A_274 {offsets = [2, 0], sizes = [1, 2000], strides = [1, 1]} : vector<9x2000xf32> to vector<1x2000xf32>
    %add3A_279 = arith.addf %add3A_277, %slice3A_278 : vector<1x2000xf32>
    %slice3A_280 = vector.extract_strided_slice %mul3A_274 {offsets = [3, 0], sizes = [1, 2000], strides = [1, 1]} : vector<9x2000xf32> to vector<1x2000xf32>
    %slice3A_281 = vector.extract_strided_slice %mul3A_274 {offsets = [4, 0], sizes = [1, 2000], strides = [1, 1]} : vector<9x2000xf32> to vector<1x2000xf32>
    %add3A_282 = arith.addf %slice3A_280, %slice3A_281 : vector<1x2000xf32>
    %slice3A_283 = vector.extract_strided_slice %mul3A_274 {offsets = [5, 0], sizes = [1, 2000], strides = [1, 1]} : vector<9x2000xf32> to vector<1x2000xf32>
    %add3A_284 = arith.addf %add3A_282, %slice3A_283 : vector<1x2000xf32>
    %slice3A_285 = vector.extract_strided_slice %mul3A_274 {offsets = [6, 0], sizes = [1, 2000], strides = [1, 1]} : vector<9x2000xf32> to vector<1x2000xf32>
    %slice3A_286 = vector.extract_strided_slice %mul3A_274 {offsets = [7, 0], sizes = [1, 2000], strides = [1, 1]} : vector<9x2000xf32> to vector<1x2000xf32>
    %add3A_287 = arith.addf %slice3A_285, %slice3A_286 : vector<1x2000xf32>
    %slice3A_288 = vector.extract_strided_slice %mul3A_274 {offsets = [8, 0], sizes = [1, 2000], strides = [1, 1]} : vector<9x2000xf32> to vector<1x2000xf32>
    %add3A_289 = arith.addf %add3A_287, %slice3A_288 : vector<1x2000xf32>
    %concatenate3A_290 = tpu.concatenate %add3A_279, %add3A_284, %add3A_289 in 0 : vector<1x2000xf32>, vector<1x2000xf32>, vector<1x2000xf32> -> vector<3x2000xf32>
    %max3A_291 = arith.constant 9.99999993E-9 : f32
    %max3A_292 = vector.broadcast %max3A_291 : f32 to vector<3x2000xf32>
    %max3A_293 = arith.maximumf %concatenate3A_290, %max3A_292 : vector<3x2000xf32>
    %sqrt3A_294 = math.sqrt %max3A_293 : vector<3x2000xf32>
    %get3A_295 = arith.constant 0 : index
    %get3A_296 = arith.constant 0 : index
    %get3A_297 = vector.load %arg9[%get3A_295, %get3A_296] : memref<128x128xf32, #tpu.memory_space<vmem>>, vector<128x128xf32>
    %dot_general3A_298 = arith.constant dense<0.000000e+00> : vector<2000x128xf32>
    %dot_general3A_299 = tpu.matmul %max3A_110, %get3A_297, %dot_general3A_298 {dimension_numbers = #tpu.dot_dimension_numbers<[1], [0], [0], [1], [0, 0, 1, 1], [], []>, transpose_lhs_hint = false} : vector<2000x128xf32>, vector<128x128xf32>, vector<2000x128xf32> -> vector<2000x128xf32>
    %get3A_300 = arith.constant 0 : index
    %get3A_301 = arith.constant 0 : index
    %get3A_302 = vector.load %arg11[%get3A_300, %get3A_301] : memref<3x128xf32, #tpu.memory_space<vmem>>, vector<3x128xf32>
    %dot_general3A_303 = arith.constant dense<0.000000e+00> : vector<2000x128xf32>
    %dot_general3A_304 = tpu.matmul %sqrt3A_294, %get3A_302, %dot_general3A_303 {dimension_numbers = #tpu.dot_dimension_numbers<[0], [0], [1], [1], [0, 1, 1, 1], [], []>, transpose_lhs_hint = false} : vector<3x2000xf32>, vector<3x128xf32>, vector<2000x128xf32> -> vector<2000x128xf32>
    %add3A_305 = arith.addf %dot_general3A_299, %dot_general3A_304 : vector<2000x128xf32>
    %get3A_306 = arith.constant 0 : index
    %get3A_307 = arith.constant 0 : index
    %get3A_308 = vector.load %arg10[%get3A_306, %get3A_307] : memref<1x128xf32, #tpu.memory_space<vmem>>, vector<1x128xf32>
    %add3A_309 = vector.broadcast %get3A_308 : vector<1x128xf32> to vector<2000x128xf32>
    %add3A_310 = arith.addf %add3A_305, %add3A_309 : vector<2000x128xf32>
    %max3A_311 = arith.constant 0.000000e+00 : f32
    %max3A_312 = vector.broadcast %max3A_311 : f32 to vector<2000x128xf32>
    %max3A_313 = arith.maximumf %add3A_310, %max3A_312 : vector<2000x128xf32>
    %get3A_314 = arith.constant 0 : index
    %get3A_315 = arith.constant 0 : index
    %get3A_316 = memref.load %arg18[%get3A_314, %get3A_315] : memref<3x3xf32, #tpu.memory_space<smem>>
    %slice3A_317 = vector.extract_strided_slice %concatenate3A_273 {offsets = [0, 0], sizes = [3, 2000], strides = [1, 1]} : vector<9x2000xf32> to vector<3x2000xf32>
    %mul3A_318 = vector.broadcast %get3A_316 : f32 to vector<3x2000xf32>
    %mul3A_319 = arith.mulf %mul3A_318, %slice3A_317 : vector<3x2000xf32>
    %get3A_320 = arith.constant 1 : index
    %get3A_321 = arith.constant 0 : index
    %get3A_322 = memref.load %arg18[%get3A_320, %get3A_321] : memref<3x3xf32, #tpu.memory_space<smem>>
    %slice3A_323 = vector.extract_strided_slice %concatenate3A_273 {offsets = [3, 0], sizes = [3, 2000], strides = [1, 1]} : vector<9x2000xf32> to vector<3x2000xf32>
    %mul3A_324 = vector.broadcast %get3A_322 : f32 to vector<3x2000xf32>
    %mul3A_325 = arith.mulf %mul3A_324, %slice3A_323 : vector<3x2000xf32>
    %add3A_326 = arith.addf %mul3A_319, %mul3A_325 : vector<3x2000xf32>
    %get3A_327 = arith.constant 2 : index
    %get3A_328 = arith.constant 0 : index
    %get3A_329 = memref.load %arg18[%get3A_327, %get3A_328] : memref<3x3xf32, #tpu.memory_space<smem>>
    %slice3A_330 = vector.extract_strided_slice %concatenate3A_273 {offsets = [6, 0], sizes = [3, 2000], strides = [1, 1]} : vector<9x2000xf32> to vector<3x2000xf32>
    %mul3A_331 = vector.broadcast %get3A_329 : f32 to vector<3x2000xf32>
    %mul3A_332 = arith.mulf %mul3A_331, %slice3A_330 : vector<3x2000xf32>
    %add3A_333 = arith.addf %add3A_326, %mul3A_332 : vector<3x2000xf32>
    %get3A_334 = arith.constant 0 : index
    %get3A_335 = arith.constant 1 : index
    %get3A_336 = memref.load %arg18[%get3A_334, %get3A_335] : memref<3x3xf32, #tpu.memory_space<smem>>
    %slice3A_337 = vector.extract_strided_slice %concatenate3A_273 {offsets = [0, 0], sizes = [3, 2000], strides = [1, 1]} : vector<9x2000xf32> to vector<3x2000xf32>
    %mul3A_338 = vector.broadcast %get3A_336 : f32 to vector<3x2000xf32>
    %mul3A_339 = arith.mulf %mul3A_338, %slice3A_337 : vector<3x2000xf32>
    %get3A_340 = arith.constant 1 : index
    %get3A_341 = arith.constant 1 : index
    %get3A_342 = memref.load %arg18[%get3A_340, %get3A_341] : memref<3x3xf32, #tpu.memory_space<smem>>
    %slice3A_343 = vector.extract_strided_slice %concatenate3A_273 {offsets = [3, 0], sizes = [3, 2000], strides = [1, 1]} : vector<9x2000xf32> to vector<3x2000xf32>
    %mul3A_344 = vector.broadcast %get3A_342 : f32 to vector<3x2000xf32>
    %mul3A_345 = arith.mulf %mul3A_344, %slice3A_343 : vector<3x2000xf32>
    %add3A_346 = arith.addf %mul3A_339, %mul3A_345 : vector<3x2000xf32>
    %get3A_347 = arith.constant 2 : index
    %get3A_348 = arith.constant 1 : index
    %get3A_349 = memref.load %arg18[%get3A_347, %get3A_348] : memref<3x3xf32, #tpu.memory_space<smem>>
    %slice3A_350 = vector.extract_strided_slice %concatenate3A_273 {offsets = [6, 0], sizes = [3, 2000], strides = [1, 1]} : vector<9x2000xf32> to vector<3x2000xf32>
    %mul3A_351 = vector.broadcast %get3A_349 : f32 to vector<3x2000xf32>
    %mul3A_352 = arith.mulf %mul3A_351, %slice3A_350 : vector<3x2000xf32>
    %add3A_353 = arith.addf %add3A_346, %mul3A_352 : vector<3x2000xf32>
    %get3A_354 = arith.constant 0 : index
    %get3A_355 = arith.constant 2 : index
    %get3A_356 = memref.load %arg18[%get3A_354, %get3A_355] : memref<3x3xf32, #tpu.memory_space<smem>>
    %slice3A_357 = vector.extract_strided_slice %concatenate3A_273 {offsets = [0, 0], sizes = [3, 2000], strides = [1, 1]} : vector<9x2000xf32> to vector<3x2000xf32>
    %mul3A_358 = vector.broadcast %get3A_356 : f32 to vector<3x2000xf32>
    %mul3A_359 = arith.mulf %mul3A_358, %slice3A_357 : vector<3x2000xf32>
    %get3A_360 = arith.constant 1 : index
    %get3A_361 = arith.constant 2 : index
    %get3A_362 = memref.load %arg18[%get3A_360, %get3A_361] : memref<3x3xf32, #tpu.memory_space<smem>>
    %slice3A_363 = vector.extract_strided_slice %concatenate3A_273 {offsets = [3, 0], sizes = [3, 2000], strides = [1, 1]} : vector<9x2000xf32> to vector<3x2000xf32>
    %mul3A_364 = vector.broadcast %get3A_362 : f32 to vector<3x2000xf32>
    %mul3A_365 = arith.mulf %mul3A_364, %slice3A_363 : vector<3x2000xf32>
    %add3A_366 = arith.addf %mul3A_359, %mul3A_365 : vector<3x2000xf32>
    %get3A_367 = arith.constant 2 : index
    %get3A_368 = arith.constant 2 : index
    %get3A_369 = memref.load %arg18[%get3A_367, %get3A_368] : memref<3x3xf32, #tpu.memory_space<smem>>
    %slice3A_370 = vector.extract_strided_slice %concatenate3A_273 {offsets = [6, 0], sizes = [3, 2000], strides = [1, 1]} : vector<9x2000xf32> to vector<3x2000xf32>
    %mul3A_371 = vector.broadcast %get3A_369 : f32 to vector<3x2000xf32>
    %mul3A_372 = arith.mulf %mul3A_371, %slice3A_370 : vector<3x2000xf32>
    %add3A_373 = arith.addf %add3A_366, %mul3A_372 : vector<3x2000xf32>
    %concatenate3A_374 = tpu.concatenate %add3A_333, %add3A_353, %add3A_373 in 0 : vector<3x2000xf32>, vector<3x2000xf32>, vector<3x2000xf32> -> vector<9x2000xf32>
    %mul3A_375 = arith.mulf %concatenate3A_374, %concatenate3A_374 : vector<9x2000xf32>
    %slice3A_376 = vector.extract_strided_slice %mul3A_375 {offsets = [0, 0], sizes = [1, 2000], strides = [1, 1]} : vector<9x2000xf32> to vector<1x2000xf32>
    %slice3A_377 = vector.extract_strided_slice %mul3A_375 {offsets = [1, 0], sizes = [1, 2000], strides = [1, 1]} : vector<9x2000xf32> to vector<1x2000xf32>
    %add3A_378 = arith.addf %slice3A_376, %slice3A_377 : vector<1x2000xf32>
    %slice3A_379 = vector.extract_strided_slice %mul3A_375 {offsets = [2, 0], sizes = [1, 2000], strides = [1, 1]} : vector<9x2000xf32> to vector<1x2000xf32>
    %add3A_380 = arith.addf %add3A_378, %slice3A_379 : vector<1x2000xf32>
    %slice3A_381 = vector.extract_strided_slice %mul3A_375 {offsets = [3, 0], sizes = [1, 2000], strides = [1, 1]} : vector<9x2000xf32> to vector<1x2000xf32>
    %slice3A_382 = vector.extract_strided_slice %mul3A_375 {offsets = [4, 0], sizes = [1, 2000], strides = [1, 1]} : vector<9x2000xf32> to vector<1x2000xf32>
    %add3A_383 = arith.addf %slice3A_381, %slice3A_382 : vector<1x2000xf32>
    %slice3A_384 = vector.extract_strided_slice %mul3A_375 {offsets = [5, 0], sizes = [1, 2000], strides = [1, 1]} : vector<9x2000xf32> to vector<1x2000xf32>
    %add3A_385 = arith.addf %add3A_383, %slice3A_384 : vector<1x2000xf32>
    %slice3A_386 = vector.extract_strided_slice %mul3A_375 {offsets = [6, 0], sizes = [1, 2000], strides = [1, 1]} : vector<9x2000xf32> to vector<1x2000xf32>
    %slice3A_387 = vector.extract_strided_slice %mul3A_375 {offsets = [7, 0], sizes = [1, 2000], strides = [1, 1]} : vector<9x2000xf32> to vector<1x2000xf32>
    %add3A_388 = arith.addf %slice3A_386, %slice3A_387 : vector<1x2000xf32>
    %slice3A_389 = vector.extract_strided_slice %mul3A_375 {offsets = [8, 0], sizes = [1, 2000], strides = [1, 1]} : vector<9x2000xf32> to vector<1x2000xf32>
    %add3A_390 = arith.addf %add3A_388, %slice3A_389 : vector<1x2000xf32>
    %concatenate3A_391 = tpu.concatenate %add3A_380, %add3A_385, %add3A_390 in 0 : vector<1x2000xf32>, vector<1x2000xf32>, vector<1x2000xf32> -> vector<3x2000xf32>
    %max3A_392 = arith.constant 9.99999993E-9 : f32
    %max3A_393 = vector.broadcast %max3A_392 : f32 to vector<3x2000xf32>
    %max3A_394 = arith.maximumf %concatenate3A_391, %max3A_393 : vector<3x2000xf32>
    %sqrt3A_395 = math.sqrt %max3A_394 : vector<3x2000xf32>
    %neg3A_396 = arith.constant 0.000000e+00 : f32
    %neg3A_397 = vector.broadcast %neg3A_396 : f32 to vector<3x2000xf32>
    %neg3A_398 = arith.subf %neg3A_397, %sqrt3A_395 : vector<3x2000xf32>
    %exp3A_399 = math.exp %neg3A_398 : vector<3x2000xf32>
    %add3A_400 = arith.constant 1.000000e+00 : f32
    %add3A_401 = vector.broadcast %add3A_400 : f32 to vector<3x2000xf32>
    %add3A_402 = arith.addf %add3A_401, %exp3A_399 : vector<3x2000xf32>
    %div3A_403 = arith.constant 1.000000e+00 : f32
    %div3A_404 = vector.broadcast %div3A_403 : f32 to vector<3x2000xf32>
    %div3A_405 = arith.divf %div3A_404, %add3A_402 : vector<3x2000xf32>
    %slice3A_406 = vector.extract_strided_slice %concatenate3A_374 {offsets = [0, 0], sizes = [3, 2000], strides = [1, 1]} : vector<9x2000xf32> to vector<3x2000xf32>
    %slice3A_407 = vector.extract_strided_slice %div3A_405 {offsets = [0, 0], sizes = [1, 2000], strides = [1, 1]} : vector<3x2000xf32> to vector<1x2000xf32>
    %mul3A_408 = vector.broadcast %slice3A_407 : vector<1x2000xf32> to vector<3x2000xf32>
    %mul3A_409 = arith.mulf %slice3A_406, %mul3A_408 : vector<3x2000xf32>
    %slice3A_410 = vector.extract_strided_slice %concatenate3A_374 {offsets = [3, 0], sizes = [3, 2000], strides = [1, 1]} : vector<9x2000xf32> to vector<3x2000xf32>
    %slice3A_411 = vector.extract_strided_slice %div3A_405 {offsets = [1, 0], sizes = [1, 2000], strides = [1, 1]} : vector<3x2000xf32> to vector<1x2000xf32>
    %mul3A_412 = vector.broadcast %slice3A_411 : vector<1x2000xf32> to vector<3x2000xf32>
    %mul3A_413 = arith.mulf %slice3A_410, %mul3A_412 : vector<3x2000xf32>
    %slice3A_414 = vector.extract_strided_slice %concatenate3A_374 {offsets = [6, 0], sizes = [3, 2000], strides = [1, 1]} : vector<9x2000xf32> to vector<3x2000xf32>
    %slice3A_415 = vector.extract_strided_slice %div3A_405 {offsets = [2, 0], sizes = [1, 2000], strides = [1, 1]} : vector<3x2000xf32> to vector<1x2000xf32>
    %mul3A_416 = vector.broadcast %slice3A_415 : vector<1x2000xf32> to vector<3x2000xf32>
    %mul3A_417 = arith.mulf %slice3A_414, %mul3A_416 : vector<3x2000xf32>
    %concatenate3A_418 = tpu.concatenate %mul3A_409, %mul3A_413, %mul3A_417 in 0 : vector<3x2000xf32>, vector<3x2000xf32>, vector<3x2000xf32> -> vector<9x2000xf32>
    %get3A_419 = arith.constant 0 : index
    %get3A_420 = arith.constant 0 : index
    %get3A_421 = memref.load %arg19[%get3A_419, %get3A_420] : memref<3x3xf32, #tpu.memory_space<smem>>
    %slice3A_422 = vector.extract_strided_slice %concatenate3A_418 {offsets = [0, 0], sizes = [3, 2000], strides = [1, 1]} : vector<9x2000xf32> to vector<3x2000xf32>
    %mul3A_423 = vector.broadcast %get3A_421 : f32 to vector<3x2000xf32>
    %mul3A_424 = arith.mulf %mul3A_423, %slice3A_422 : vector<3x2000xf32>
    %get3A_425 = arith.constant 1 : index
    %get3A_426 = arith.constant 0 : index
    %get3A_427 = memref.load %arg19[%get3A_425, %get3A_426] : memref<3x3xf32, #tpu.memory_space<smem>>
    %slice3A_428 = vector.extract_strided_slice %concatenate3A_418 {offsets = [3, 0], sizes = [3, 2000], strides = [1, 1]} : vector<9x2000xf32> to vector<3x2000xf32>
    %mul3A_429 = vector.broadcast %get3A_427 : f32 to vector<3x2000xf32>
    %mul3A_430 = arith.mulf %mul3A_429, %slice3A_428 : vector<3x2000xf32>
    %add3A_431 = arith.addf %mul3A_424, %mul3A_430 : vector<3x2000xf32>
    %get3A_432 = arith.constant 2 : index
    %get3A_433 = arith.constant 0 : index
    %get3A_434 = memref.load %arg19[%get3A_432, %get3A_433] : memref<3x3xf32, #tpu.memory_space<smem>>
    %slice3A_435 = vector.extract_strided_slice %concatenate3A_418 {offsets = [6, 0], sizes = [3, 2000], strides = [1, 1]} : vector<9x2000xf32> to vector<3x2000xf32>
    %mul3A_436 = vector.broadcast %get3A_434 : f32 to vector<3x2000xf32>
    %mul3A_437 = arith.mulf %mul3A_436, %slice3A_435 : vector<3x2000xf32>
    %add3A_438 = arith.addf %add3A_431, %mul3A_437 : vector<3x2000xf32>
    %get3A_439 = arith.constant 0 : index
    %get3A_440 = arith.constant 1 : index
    %get3A_441 = memref.load %arg19[%get3A_439, %get3A_440] : memref<3x3xf32, #tpu.memory_space<smem>>
    %slice3A_442 = vector.extract_strided_slice %concatenate3A_418 {offsets = [0, 0], sizes = [3, 2000], strides = [1, 1]} : vector<9x2000xf32> to vector<3x2000xf32>
    %mul3A_443 = vector.broadcast %get3A_441 : f32 to vector<3x2000xf32>
    %mul3A_444 = arith.mulf %mul3A_443, %slice3A_442 : vector<3x2000xf32>
    %get3A_445 = arith.constant 1 : index
    %get3A_446 = arith.constant 1 : index
    %get3A_447 = memref.load %arg19[%get3A_445, %get3A_446] : memref<3x3xf32, #tpu.memory_space<smem>>
    %slice3A_448 = vector.extract_strided_slice %concatenate3A_418 {offsets = [3, 0], sizes = [3, 2000], strides = [1, 1]} : vector<9x2000xf32> to vector<3x2000xf32>
    %mul3A_449 = vector.broadcast %get3A_447 : f32 to vector<3x2000xf32>
    %mul3A_450 = arith.mulf %mul3A_449, %slice3A_448 : vector<3x2000xf32>
    %add3A_451 = arith.addf %mul3A_444, %mul3A_450 : vector<3x2000xf32>
    %get3A_452 = arith.constant 2 : index
    %get3A_453 = arith.constant 1 : index
    %get3A_454 = memref.load %arg19[%get3A_452, %get3A_453] : memref<3x3xf32, #tpu.memory_space<smem>>
    %slice3A_455 = vector.extract_strided_slice %concatenate3A_418 {offsets = [6, 0], sizes = [3, 2000], strides = [1, 1]} : vector<9x2000xf32> to vector<3x2000xf32>
    %mul3A_456 = vector.broadcast %get3A_454 : f32 to vector<3x2000xf32>
    %mul3A_457 = arith.mulf %mul3A_456, %slice3A_455 : vector<3x2000xf32>
    %add3A_458 = arith.addf %add3A_451, %mul3A_457 : vector<3x2000xf32>
    %get3A_459 = arith.constant 0 : index
    %get3A_460 = arith.constant 2 : index
    %get3A_461 = memref.load %arg19[%get3A_459, %get3A_460] : memref<3x3xf32, #tpu.memory_space<smem>>
    %slice3A_462 = vector.extract_strided_slice %concatenate3A_418 {offsets = [0, 0], sizes = [3, 2000], strides = [1, 1]} : vector<9x2000xf32> to vector<3x2000xf32>
    %mul3A_463 = vector.broadcast %get3A_461 : f32 to vector<3x2000xf32>
    %mul3A_464 = arith.mulf %mul3A_463, %slice3A_462 : vector<3x2000xf32>
    %get3A_465 = arith.constant 1 : index
    %get3A_466 = arith.constant 2 : index
    %get3A_467 = memref.load %arg19[%get3A_465, %get3A_466] : memref<3x3xf32, #tpu.memory_space<smem>>
    %slice3A_468 = vector.extract_strided_slice %concatenate3A_418 {offsets = [3, 0], sizes = [3, 2000], strides = [1, 1]} : vector<9x2000xf32> to vector<3x2000xf32>
    %mul3A_469 = vector.broadcast %get3A_467 : f32 to vector<3x2000xf32>
    %mul3A_470 = arith.mulf %mul3A_469, %slice3A_468 : vector<3x2000xf32>
    %add3A_471 = arith.addf %mul3A_464, %mul3A_470 : vector<3x2000xf32>
    %get3A_472 = arith.constant 2 : index
    %get3A_473 = arith.constant 2 : index
    %get3A_474 = memref.load %arg19[%get3A_472, %get3A_473] : memref<3x3xf32, #tpu.memory_space<smem>>
    %slice3A_475 = vector.extract_strided_slice %concatenate3A_418 {offsets = [6, 0], sizes = [3, 2000], strides = [1, 1]} : vector<9x2000xf32> to vector<3x2000xf32>
    %mul3A_476 = vector.broadcast %get3A_474 : f32 to vector<3x2000xf32>
    %mul3A_477 = arith.mulf %mul3A_476, %slice3A_475 : vector<3x2000xf32>
    %add3A_478 = arith.addf %add3A_471, %mul3A_477 : vector<3x2000xf32>
    %concatenate3A_479 = tpu.concatenate %add3A_438, %add3A_458, %add3A_478 in 0 : vector<3x2000xf32>, vector<3x2000xf32>, vector<3x2000xf32> -> vector<9x2000xf32>
    %mul3A_480 = arith.mulf %concatenate3A_479, %concatenate3A_479 : vector<9x2000xf32>
    %slice3A_481 = vector.extract_strided_slice %mul3A_480 {offsets = [0, 0], sizes = [1, 2000], strides = [1, 1]} : vector<9x2000xf32> to vector<1x2000xf32>
    %slice3A_482 = vector.extract_strided_slice %mul3A_480 {offsets = [1, 0], sizes = [1, 2000], strides = [1, 1]} : vector<9x2000xf32> to vector<1x2000xf32>
    %add3A_483 = arith.addf %slice3A_481, %slice3A_482 : vector<1x2000xf32>
    %slice3A_484 = vector.extract_strided_slice %mul3A_480 {offsets = [2, 0], sizes = [1, 2000], strides = [1, 1]} : vector<9x2000xf32> to vector<1x2000xf32>
    %add3A_485 = arith.addf %add3A_483, %slice3A_484 : vector<1x2000xf32>
    %slice3A_486 = vector.extract_strided_slice %mul3A_480 {offsets = [3, 0], sizes = [1, 2000], strides = [1, 1]} : vector<9x2000xf32> to vector<1x2000xf32>
    %slice3A_487 = vector.extract_strided_slice %mul3A_480 {offsets = [4, 0], sizes = [1, 2000], strides = [1, 1]} : vector<9x2000xf32> to vector<1x2000xf32>
    %add3A_488 = arith.addf %slice3A_486, %slice3A_487 : vector<1x2000xf32>
    %slice3A_489 = vector.extract_strided_slice %mul3A_480 {offsets = [5, 0], sizes = [1, 2000], strides = [1, 1]} : vector<9x2000xf32> to vector<1x2000xf32>
    %add3A_490 = arith.addf %add3A_488, %slice3A_489 : vector<1x2000xf32>
    %slice3A_491 = vector.extract_strided_slice %mul3A_480 {offsets = [6, 0], sizes = [1, 2000], strides = [1, 1]} : vector<9x2000xf32> to vector<1x2000xf32>
    %slice3A_492 = vector.extract_strided_slice %mul3A_480 {offsets = [7, 0], sizes = [1, 2000], strides = [1, 1]} : vector<9x2000xf32> to vector<1x2000xf32>
    %add3A_493 = arith.addf %slice3A_491, %slice3A_492 : vector<1x2000xf32>
    %slice3A_494 = vector.extract_strided_slice %mul3A_480 {offsets = [8, 0], sizes = [1, 2000], strides = [1, 1]} : vector<9x2000xf32> to vector<1x2000xf32>
    %add3A_495 = arith.addf %add3A_493, %slice3A_494 : vector<1x2000xf32>
    %concatenate3A_496 = tpu.concatenate %add3A_485, %add3A_490, %add3A_495 in 0 : vector<1x2000xf32>, vector<1x2000xf32>, vector<1x2000xf32> -> vector<3x2000xf32>
    %max3A_497 = arith.constant 9.99999993E-9 : f32
    %max3A_498 = vector.broadcast %max3A_497 : f32 to vector<3x2000xf32>
    %max3A_499 = arith.maximumf %concatenate3A_496, %max3A_498 : vector<3x2000xf32>
    %sqrt3A_500 = math.sqrt %max3A_499 : vector<3x2000xf32>
    %get3A_501 = arith.constant 0 : index
    %get3A_502 = arith.constant 0 : index
    %get3A_503 = vector.load %arg12[%get3A_501, %get3A_502] : memref<128x128xf32, #tpu.memory_space<vmem>>, vector<128x128xf32>
    %dot_general3A_504 = arith.constant dense<0.000000e+00> : vector<2000x128xf32>
    %dot_general3A_505 = tpu.matmul %max3A_313, %get3A_503, %dot_general3A_504 {dimension_numbers = #tpu.dot_dimension_numbers<[1], [0], [0], [1], [0, 0, 1, 1], [], []>, transpose_lhs_hint = false} : vector<2000x128xf32>, vector<128x128xf32>, vector<2000x128xf32> -> vector<2000x128xf32>
    %get3A_506 = arith.constant 0 : index
    %get3A_507 = arith.constant 0 : index
    %get3A_508 = vector.load %arg14[%get3A_506, %get3A_507] : memref<3x128xf32, #tpu.memory_space<vmem>>, vector<3x128xf32>
    %dot_general3A_509 = arith.constant dense<0.000000e+00> : vector<2000x128xf32>
    %dot_general3A_510 = tpu.matmul %sqrt3A_500, %get3A_508, %dot_general3A_509 {dimension_numbers = #tpu.dot_dimension_numbers<[0], [0], [1], [1], [0, 1, 1, 1], [], []>, transpose_lhs_hint = false} : vector<3x2000xf32>, vector<3x128xf32>, vector<2000x128xf32> -> vector<2000x128xf32>
    %add3A_511 = arith.addf %dot_general3A_505, %dot_general3A_510 : vector<2000x128xf32>
    %get3A_512 = arith.constant 0 : index
    %get3A_513 = arith.constant 0 : index
    %get3A_514 = vector.load %arg13[%get3A_512, %get3A_513] : memref<1x128xf32, #tpu.memory_space<vmem>>, vector<1x128xf32>
    %add3A_515 = vector.broadcast %get3A_514 : vector<1x128xf32> to vector<2000x128xf32>
    %add3A_516 = arith.addf %add3A_511, %add3A_515 : vector<2000x128xf32>
    %swap3A = arith.constant 0 : index
    %swap3A_517 = arith.constant 0 : index
    %swap3A_518 = vector.load %arg20[%swap3A, %swap3A_517] : memref<2000x128xf32, #tpu.memory_space<vmem>>, vector<2000x128xf32>
    tpu.vector_store %arg20[%swap3A, %swap3A_517], %add3A_516 {strides = array<i32>} : memref<2000x128xf32, #tpu.memory_space<vmem>>, vector<2000x128xf32>,
    return
  }
  func.func @transform_0(%arg0: i32) -> (i32, i32) {
    %c0_i32 = arith.constant 0 : i32
    %c0_i32_0 = arith.constant 0 : i32
    return %arg0, %c0_i32 : i32, i32
  }
  func.func @transform_1(%arg0: i32) -> (i32, i32) {
    %c0_i32 = arith.constant 0 : i32
    %c0_i32_0 = arith.constant 0 : i32
    return %arg0, %c0_i32 : i32, i32
  }
  func.func @transform_2(%arg0: i32) -> (i32, i32) {
    %add3A = arith.constant 80 : i32
    %add3A_0 = arith.addi %arg0, %add3A : i32
    %c0_i32 = arith.constant 0 : i32
    %c0_i32_1 = arith.constant 0 : i32
    return %add3A_0, %c0_i32 : i32, i32
  }
  func.func @transform_3(%arg0: i32) -> (i32, i32) {
    %c0_i32 = arith.constant 0 : i32
    %c0_i32_0 = arith.constant 0 : i32
    return %arg0, %c0_i32 : i32, i32
  }
  func.func @transform_4(%arg0: i32) -> (i32, i32) {
    %c0_i32 = arith.constant 0 : i32
    %c0_i32_0 = arith.constant 0 : i32
    return %arg0, %c0_i32 : i32, i32
  }
  func.func @transform_5(%arg0: i32) -> (i32, i32) {
    %add3A = arith.constant 80 : i32
    %add3A_0 = arith.addi %arg0, %add3A : i32
    %c0_i32 = arith.constant 0 : i32
    %c0_i32_1 = arith.constant 0 : i32
    return %add3A_0, %c0_i32 : i32, i32
  }
  func.func @transform_6(%arg0: i32) -> (i32, i32) {
    %c0_i32 = arith.constant 0 : i32
    %c0_i32_0 = arith.constant 0 : i32
    %c0_i32_1 = arith.constant 0 : i32
    return %c0_i32, %c0_i32_0 : i32, i32
  }
  func.func @transform_7(%arg0: i32) -> (i32, i32) {
    %c0_i32 = arith.constant 0 : i32
    %c0_i32_0 = arith.constant 0 : i32
    %c0_i32_1 = arith.constant 0 : i32
    return %c0_i32, %c0_i32_0 : i32, i32
  }
  func.func @transform_8(%arg0: i32) -> (i32, i32) {
    %c0_i32 = arith.constant 0 : i32
    %c0_i32_0 = arith.constant 0 : i32
    %c0_i32_1 = arith.constant 0 : i32
    return %c0_i32, %c0_i32_0 : i32, i32
  }
  func.func @transform_9(%arg0: i32) -> (i32, i32) {
    %c0_i32 = arith.constant 0 : i32
    %c0_i32_0 = arith.constant 0 : i32
    %c0_i32_1 = arith.constant 0 : i32
    return %c0_i32, %c0_i32_0 : i32, i32
  }
  func.func @transform_10(%arg0: i32) -> (i32, i32) {
    %c0_i32 = arith.constant 0 : i32
    %c0_i32_0 = arith.constant 0 : i32
    %c0_i32_1 = arith.constant 0 : i32
    return %c0_i32, %c0_i32_0 : i32, i32
  }
  func.func @transform_11(%arg0: i32) -> (i32, i32) {
    %c0_i32 = arith.constant 0 : i32
    %c0_i32_0 = arith.constant 0 : i32
    %c0_i32_1 = arith.constant 0 : i32
    return %c0_i32, %c0_i32_0 : i32, i32
  }
  func.func @transform_12(%arg0: i32) -> (i32, i32) {
    %c0_i32 = arith.constant 0 : i32
    %c0_i32_0 = arith.constant 0 : i32
    %c0_i32_1 = arith.constant 0 : i32
    return %c0_i32, %c0_i32_0 : i32, i32
  }
  func.func @transform_13(%arg0: i32) -> (i32, i32) {
    %c0_i32 = arith.constant 0 : i32
    %c0_i32_0 = arith.constant 0 : i32
    %c0_i32_1 = arith.constant 0 : i32
    return %c0_i32, %c0_i32_0 : i32, i32
  }
  func.func @transform_14(%arg0: i32) -> (i32, i32) {
    %c0_i32 = arith.constant 0 : i32
    %c0_i32_0 = arith.constant 0 : i32
    %c0_i32_1 = arith.constant 0 : i32
    return %c0_i32, %c0_i32_0 : i32, i32
  }
  func.func @transform_15(%arg0: i32) -> (i32, i32) {
    %c0_i32 = arith.constant 0 : i32
    %c0_i32_0 = arith.constant 0 : i32
    %c0_i32_1 = arith.constant 0 : i32
    return %c0_i32, %c0_i32_0 : i32, i32
  }
  func.func @transform_16(%arg0: i32) -> (i32, i32) {
    %c0_i32 = arith.constant 0 : i32
    %c0_i32_0 = arith.constant 0 : i32
    %c0_i32_1 = arith.constant 0 : i32
    return %c0_i32, %c0_i32_0 : i32, i32
  }
  func.func @transform_17(%arg0: i32) -> (i32, i32) {
    %c0_i32 = arith.constant 0 : i32
    %c0_i32_0 = arith.constant 0 : i32
    %c0_i32_1 = arith.constant 0 : i32
    return %c0_i32, %c0_i32_0 : i32, i32
  }
  func.func @transform_18(%arg0: i32) -> (i32, i32) {
    %c0_i32 = arith.constant 0 : i32
    %c0_i32_0 = arith.constant 0 : i32
    %c0_i32_1 = arith.constant 0 : i32
    return %c0_i32, %c0_i32_0 : i32, i32
  }
  func.func @transform_19(%arg0: i32) -> (i32, i32) {
    %c0_i32 = arith.constant 0 : i32
    %c0_i32_0 = arith.constant 0 : i32
    return %arg0, %c0_i32 : i32, i32
  }
}

module attributes {stable_mosaic.version = 14 : i64} {
  func.func @_dense_body(%arg0: i32, %arg1: memref<2000x128xf32, #tpu.memory_space<vmem>>, %arg2: memref<2000x128xf32, #tpu.memory_space<vmem>>, %arg3: memref<2000x16xf32, #tpu.memory_space<vmem>>, %arg4: memref<2000x8xf32, #tpu.memory_space<vmem>>, %arg5: memref<2000x8xf32, #tpu.memory_space<vmem>>, %arg6: memref<2000x3xf32, #tpu.memory_space<vmem>>, %arg7: memref<16x128xf32, #tpu.memory_space<vmem>>, %arg8: memref<3x128xf32, #tpu.memory_space<vmem>>, %arg9: memref<128x128xf32, #tpu.memory_space<vmem>>, %arg10: memref<1x128xf32, #tpu.memory_space<vmem>>, %arg11: memref<3x128xf32, #tpu.memory_space<vmem>>, %arg12: memref<128x128xf32, #tpu.memory_space<vmem>>, %arg13: memref<1x128xf32, #tpu.memory_space<vmem>>, %arg14: memref<3x128xf32, #tpu.memory_space<vmem>>, %arg15: memref<3x3xf32, #tpu.memory_space<smem>>, %arg16: memref<3x3xf32, #tpu.memory_space<smem>>, %arg17: memref<3x3xf32, #tpu.memory_space<smem>>, %arg18: memref<3x3xf32, #tpu.memory_space<smem>>, %arg19: memref<3x3xf32, #tpu.memory_space<smem>>, %arg20: memref<2000x128xf32, #tpu.memory_space<vmem>>) attributes {dimension_semantics = [#tpu.dimension_semantics<arbitrary>], iteration_bounds = array<i64: 80>, scalar_prefetch = 0 : i64, scratch_operands = 0 : i64, tpu.core_type = #tpu.core_type<tc>, window_params = [{transform_indices = @transform_0, window_bounds = array<i64: 2000, 128>}, {transform_indices = @transform_1, window_bounds = array<i64: 2000, 128>}, {transform_indices = @transform_2, window_bounds = array<i64: 2000, 16>}, {transform_indices = @transform_3, window_bounds = array<i64: 2000, 8>}, {transform_indices = @transform_4, window_bounds = array<i64: 2000, 8>}, {transform_indices = @transform_5, window_bounds = array<i64: 2000, 3>}, {pipeline_mode = #tpu.pipeline_mode<synchronous>, transform_indices = @transform_6, window_bounds = array<i64: 16, 128>}, {pipeline_mode = #tpu.pipeline_mode<synchronous>, transform_indices = @transform_7, window_bounds = array<i64: 3, 128>}, {pipeline_mode = #tpu.pipeline_mode<synchronous>, transform_indices = @transform_8, window_bounds = array<i64: 128, 128>}, {pipeline_mode = #tpu.pipeline_mode<synchronous>, transform_indices = @transform_9, window_bounds = array<i64: 1, 128>}, {pipeline_mode = #tpu.pipeline_mode<synchronous>, transform_indices = @transform_10, window_bounds = array<i64: 3, 128>}, {pipeline_mode = #tpu.pipeline_mode<synchronous>, transform_indices = @transform_11, window_bounds = array<i64: 128, 128>}, {pipeline_mode = #tpu.pipeline_mode<synchronous>, transform_indices = @transform_12, window_bounds = array<i64: 1, 128>}, {pipeline_mode = #tpu.pipeline_mode<synchronous>, transform_indices = @transform_13, window_bounds = array<i64: 3, 128>}, {transform_indices = @transform_14, window_bounds = array<i64: 3, 3>}, {transform_indices = @transform_15, window_bounds = array<i64: 3, 3>}, {transform_indices = @transform_16, window_bounds = array<i64: 3, 3>}, {transform_indices = @transform_17, window_bounds = array<i64: 3, 3>}, {transform_indices = @transform_18, window_bounds = array<i64: 3, 3>}, {transform_indices = @transform_19, window_bounds = array<i64: 2000, 128>}]} {
    %get3A = arith.constant 0 : index
    %get3A_0 = arith.constant 0 : index
    %get3A_1 = vector.load %arg1[%get3A, %get3A_0] : memref<2000x128xf32, #tpu.memory_space<vmem>>, vector<2000x128xf32>
    %get3A_2 = arith.constant 0 : index
    %get3A_3 = arith.constant 0 : index
    %get3A_4 = vector.load %arg2[%get3A_2, %get3A_3] : memref<2000x128xf32, #tpu.memory_space<vmem>>, vector<2000x128xf32>
    %add3A = arith.addf %get3A_1, %get3A_4 : vector<2000x128xf32>
    %get3A_5 = arith.constant 0 : index
    %get3A_6 = arith.constant 0 : index
    %get3A_7 = vector.load %arg3[%get3A_5, %get3A_6] : memref<2000x16xf32, #tpu.memory_space<vmem>>, vector<2000x16xf32>
    %get3A_8 = arith.constant 0 : index
    %get3A_9 = arith.constant 0 : index
    %get3A_10 = vector.load %arg7[%get3A_8, %get3A_9] : memref<16x128xf32, #tpu.memory_space<vmem>>, vector<16x128xf32>
    %dot_general3A = arith.constant dense<0.000000e+00> : vector<2000x128xf32>
    %dot_general3A_11 = tpu.matmul %get3A_7, %get3A_10, %dot_general3A {dimension_numbers = #tpu.dot_dimension_numbers<[1], [0], [0], [1], [0, 0, 1, 1], [], []>, transpose_lhs_hint = false} : vector<2000x16xf32>, vector<16x128xf32>, vector<2000x128xf32> -> vector<2000x128xf32>
    %add3A_12 = arith.addf %add3A, %dot_general3A_11 : vector<2000x128xf32>
    %get3A_13 = arith.constant 0 : index
    %get3A_14 = arith.constant 0 : index
    %get3A_15 = vector.load %arg4[%get3A_13, %get3A_14] : memref<2000x8xf32, #tpu.memory_space<vmem>>, vector<2000x8xf32>
    %slice3A = vector.extract_strided_slice %get3A_15 {offsets = [0, 0], sizes = [2000, 3], strides = [1, 1]} : vector<2000x8xf32> to vector<2000x3xf32>
    %get3A_16 = arith.constant 0 : index
    %get3A_17 = arith.constant 0 : index
    %get3A_18 = vector.load %arg6[%get3A_16, %get3A_17] : memref<2000x3xf32, #tpu.memory_space<vmem>>, vector<2000x3xf32>
    %get3A_19 = arith.constant 0 : index
    %get3A_20 = arith.constant 0 : index
    %get3A_21 = vector.load %arg5[%get3A_19, %get3A_20] : memref<2000x8xf32, #tpu.memory_space<vmem>>, vector<2000x8xf32>
    %slice3A_22 = vector.extract_strided_slice %get3A_21 {offsets = [0, 0], sizes = [2000, 3], strides = [1, 1]} : vector<2000x8xf32> to vector<2000x3xf32>
    %concatenate3A = tpu.concatenate %slice3A, %get3A_18, %slice3A_22 in 1 : vector<2000x3xf32>, vector<2000x3xf32>, vector<2000x3xf32> -> vector<2000x9xf32>
    %transpose3A = tpu.transpose %concatenate3A, [1, 0] : vector<2000x9xf32> -> vector<9x2000xf32>
    %get3A_23 = arith.constant 0 : index
    %get3A_24 = arith.constant 0 : index
    %get3A_25 = memref.load %arg15[%get3A_23, %get3A_24] : memref<3x3xf32, #tpu.memory_space<smem>>
    %slice3A_26 = vector.extract_strided_slice %transpose3A {offsets = [0, 0], sizes = [3, 2000], strides = [1, 1]} : vector<9x2000xf32> to vector<3x2000xf32>
    %mul3A = vector.broadcast %get3A_25 : f32 to vector<3x2000xf32>
    %mul3A_27 = arith.mulf %mul3A, %slice3A_26 : vector<3x2000xf32>
    %get3A_28 = arith.constant 1 : index
    %get3A_29 = arith.constant 0 : index
    %get3A_30 = memref.load %arg15[%get3A_28, %get3A_29] : memref<3x3xf32, #tpu.memory_space<smem>>
    %slice3A_31 = vector.extract_strided_slice %transpose3A {offsets = [3, 0], sizes = [3, 2000], strides = [1, 1]} : vector<9x2000xf32> to vector<3x2000xf32>
    %mul3A_32 = vector.broadcast %get3A_30 : f32 to vector<3x2000xf32>
    %mul3A_33 = arith.mulf %mul3A_32, %slice3A_31 : vector<3x2000xf32>
    %add3A_34 = arith.addf %mul3A_27, %mul3A_33 : vector<3x2000xf32>
    %get3A_35 = arith.constant 2 : index
    %get3A_36 = arith.constant 0 : index
    %get3A_37 = memref.load %arg15[%get3A_35, %get3A_36] : memref<3x3xf32, #tpu.memory_space<smem>>
    %slice3A_38 = vector.extract_strided_slice %transpose3A {offsets = [6, 0], sizes = [3, 2000], strides = [1, 1]} : vector<9x2000xf32> to vector<3x2000xf32>
    %mul3A_39 = vector.broadcast %get3A_37 : f32 to vector<3x2000xf32>
    %mul3A_40 = arith.mulf %mul3A_39, %slice3A_38 : vector<3x2000xf32>
    %add3A_41 = arith.addf %add3A_34, %mul3A_40 : vector<3x2000xf32>
    %get3A_42 = arith.constant 0 : index
    %get3A_43 = arith.constant 1 : index
    %get3A_44 = memref.load %arg15[%get3A_42, %get3A_43] : memref<3x3xf32, #tpu.memory_space<smem>>
    %slice3A_45 = vector.extract_strided_slice %transpose3A {offsets = [0, 0], sizes = [3, 2000], strides = [1, 1]} : vector<9x2000xf32> to vector<3x2000xf32>
    %mul3A_46 = vector.broadcast %get3A_44 : f32 to vector<3x2000xf32>
    %mul3A_47 = arith.mulf %mul3A_46, %slice3A_45 : vector<3x2000xf32>
    %get3A_48 = arith.constant 1 : index
    %get3A_49 = arith.constant 1 : index
    %get3A_50 = memref.load %arg15[%get3A_48, %get3A_49] : memref<3x3xf32, #tpu.memory_space<smem>>
    %slice3A_51 = vector.extract_strided_slice %transpose3A {offsets = [3, 0], sizes = [3, 2000], strides = [1, 1]} : vector<9x2000xf32> to vector<3x2000xf32>
    %mul3A_52 = vector.broadcast %get3A_50 : f32 to vector<3x2000xf32>
    %mul3A_53 = arith.mulf %mul3A_52, %slice3A_51 : vector<3x2000xf32>
    %add3A_54 = arith.addf %mul3A_47, %mul3A_53 : vector<3x2000xf32>
    %get3A_55 = arith.constant 2 : index
    %get3A_56 = arith.constant 1 : index
    %get3A_57 = memref.load %arg15[%get3A_55, %get3A_56] : memref<3x3xf32, #tpu.memory_space<smem>>
    %slice3A_58 = vector.extract_strided_slice %transpose3A {offsets = [6, 0], sizes = [3, 2000], strides = [1, 1]} : vector<9x2000xf32> to vector<3x2000xf32>
    %mul3A_59 = vector.broadcast %get3A_57 : f32 to vector<3x2000xf32>
    %mul3A_60 = arith.mulf %mul3A_59, %slice3A_58 : vector<3x2000xf32>
    %add3A_61 = arith.addf %add3A_54, %mul3A_60 : vector<3x2000xf32>
    %get3A_62 = arith.constant 0 : index
    %get3A_63 = arith.constant 2 : index
    %get3A_64 = memref.load %arg15[%get3A_62, %get3A_63] : memref<3x3xf32, #tpu.memory_space<smem>>
    %slice3A_65 = vector.extract_strided_slice %transpose3A {offsets = [0, 0], sizes = [3, 2000], strides = [1, 1]} : vector<9x2000xf32> to vector<3x2000xf32>
    %mul3A_66 = vector.broadcast %get3A_64 : f32 to vector<3x2000xf32>
    %mul3A_67 = arith.mulf %mul3A_66, %slice3A_65 : vector<3x2000xf32>
    %get3A_68 = arith.constant 1 : index
    %get3A_69 = arith.constant 2 : index
    %get3A_70 = memref.load %arg15[%get3A_68, %get3A_69] : memref<3x3xf32, #tpu.memory_space<smem>>
    %slice3A_71 = vector.extract_strided_slice %transpose3A {offsets = [3, 0], sizes = [3, 2000], strides = [1, 1]} : vector<9x2000xf32> to vector<3x2000xf32>
    %mul3A_72 = vector.broadcast %get3A_70 : f32 to vector<3x2000xf32>
    %mul3A_73 = arith.mulf %mul3A_72, %slice3A_71 : vector<3x2000xf32>
    %add3A_74 = arith.addf %mul3A_67, %mul3A_73 : vector<3x2000xf32>
    %get3A_75 = arith.constant 2 : index
    %get3A_76 = arith.constant 2 : index
    %get3A_77 = memref.load %arg15[%get3A_75, %get3A_76] : memref<3x3xf32, #tpu.memory_space<smem>>
    %slice3A_78 = vector.extract_strided_slice %transpose3A {offsets = [6, 0], sizes = [3, 2000], strides = [1, 1]} : vector<9x2000xf32> to vector<3x2000xf32>
    %mul3A_79 = vector.broadcast %get3A_77 : f32 to vector<3x2000xf32>
    %mul3A_80 = arith.mulf %mul3A_79, %slice3A_78 : vector<3x2000xf32>
    %add3A_81 = arith.addf %add3A_74, %mul3A_80 : vector<3x2000xf32>
    %concatenate3A_82 = tpu.concatenate %add3A_41, %add3A_61, %add3A_81 in 0 : vector<3x2000xf32>, vector<3x2000xf32>, vector<3x2000xf32> -> vector<9x2000xf32>
    %mul3A_83 = arith.mulf %concatenate3A_82, %concatenate3A_82 : vector<9x2000xf32>
    %slice3A_84 = vector.extract_strided_slice %mul3A_83 {offsets = [0, 0], sizes = [1, 2000], strides = [1, 1]} : vector<9x2000xf32> to vector<1x2000xf32>
    %slice3A_85 = vector.extract_strided_slice %mul3A_83 {offsets = [1, 0], sizes = [1, 2000], strides = [1, 1]} : vector<9x2000xf32> to vector<1x2000xf32>
    %add3A_86 = arith.addf %slice3A_84, %slice3A_85 : vector<1x2000xf32>
    %slice3A_87 = vector.extract_strided_slice %mul3A_83 {offsets = [2, 0], sizes = [1, 2000], strides = [1, 1]} : vector<9x2000xf32> to vector<1x2000xf32>
    %add3A_88 = arith.addf %add3A_86, %slice3A_87 : vector<1x2000xf32>
    %slice3A_89 = vector.extract_strided_slice %mul3A_83 {offsets = [3, 0], sizes = [1, 2000], strides = [1, 1]} : vector<9x2000xf32> to vector<1x2000xf32>
    %slice3A_90 = vector.extract_strided_slice %mul3A_83 {offsets = [4, 0], sizes = [1, 2000], strides = [1, 1]} : vector<9x2000xf32> to vector<1x2000xf32>
    %add3A_91 = arith.addf %slice3A_89, %slice3A_90 : vector<1x2000xf32>
    %slice3A_92 = vector.extract_strided_slice %mul3A_83 {offsets = [5, 0], sizes = [1, 2000], strides = [1, 1]} : vector<9x2000xf32> to vector<1x2000xf32>
    %add3A_93 = arith.addf %add3A_91, %slice3A_92 : vector<1x2000xf32>
    %slice3A_94 = vector.extract_strided_slice %mul3A_83 {offsets = [6, 0], sizes = [1, 2000], strides = [1, 1]} : vector<9x2000xf32> to vector<1x2000xf32>
    %slice3A_95 = vector.extract_strided_slice %mul3A_83 {offsets = [7, 0], sizes = [1, 2000], strides = [1, 1]} : vector<9x2000xf32> to vector<1x2000xf32>
    %add3A_96 = arith.addf %slice3A_94, %slice3A_95 : vector<1x2000xf32>
    %slice3A_97 = vector.extract_strided_slice %mul3A_83 {offsets = [8, 0], sizes = [1, 2000], strides = [1, 1]} : vector<9x2000xf32> to vector<1x2000xf32>
    %add3A_98 = arith.addf %add3A_96, %slice3A_97 : vector<1x2000xf32>
    %concatenate3A_99 = tpu.concatenate %add3A_88, %add3A_93, %add3A_98 in 0 : vector<1x2000xf32>, vector<1x2000xf32>, vector<1x2000xf32> -> vector<3x2000xf32>
    %max3A = arith.constant 9.99999993E-9 : f32
    %max3A_100 = vector.broadcast %max3A : f32 to vector<3x2000xf32>
    %max3A_101 = arith.maximumf %concatenate3A_99, %max3A_100 : vector<3x2000xf32>
    %sqrt3A = math.sqrt %max3A_101 : vector<3x2000xf32>
    %get3A_102 = arith.constant 0 : index
    %get3A_103 = arith.constant 0 : index
    %get3A_104 = vector.load %arg8[%get3A_102, %get3A_103] : memref<3x128xf32, #tpu.memory_space<vmem>>, vector<3x128xf32>
    %dot_general3A_105 = arith.constant dense<0.000000e+00> : vector<2000x128xf32>
    %dot_general3A_106 = tpu.matmul %sqrt3A, %get3A_104, %dot_general3A_105 {dimension_numbers = #tpu.dot_dimension_numbers<[0], [0], [1], [1], [0, 1, 1, 1], [], []>, transpose_lhs_hint = false} : vector<3x2000xf32>, vector<3x128xf32>, vector<2000x128xf32> -> vector<2000x128xf32>
    %add3A_107 = arith.addf %add3A_12, %dot_general3A_106 : vector<2000x128xf32>
    %max3A_108 = arith.constant 0.000000e+00 : f32
    %max3A_109 = vector.broadcast %max3A_108 : f32 to vector<2000x128xf32>
    %max3A_110 = arith.maximumf %add3A_107, %max3A_109 : vector<2000x128xf32>
    %get3A_111 = arith.constant 0 : index
    %get3A_112 = arith.constant 0 : index
    %get3A_113 = memref.load %arg16[%get3A_111, %get3A_112] : memref<3x3xf32, #tpu.memory_space<smem>>
    %slice3A_114 = vector.extract_strided_slice %concatenate3A_82 {offsets = [0, 0], sizes = [3, 2000], strides = [1, 1]} : vector<9x2000xf32> to vector<3x2000xf32>
    %mul3A_115 = vector.broadcast %get3A_113 : f32 to vector<3x2000xf32>
    %mul3A_116 = arith.mulf %mul3A_115, %slice3A_114 : vector<3x2000xf32>
    %get3A_117 = arith.constant 1 : index
    %get3A_118 = arith.constant 0 : index
    %get3A_119 = memref.load %arg16[%get3A_117, %get3A_118] : memref<3x3xf32, #tpu.memory_space<smem>>
    %slice3A_120 = vector.extract_strided_slice %concatenate3A_82 {offsets = [3, 0], sizes = [3, 2000], strides = [1, 1]} : vector<9x2000xf32> to vector<3x2000xf32>
    %mul3A_121 = vector.broadcast %get3A_119 : f32 to vector<3x2000xf32>
    %mul3A_122 = arith.mulf %mul3A_121, %slice3A_120 : vector<3x2000xf32>
    %add3A_123 = arith.addf %mul3A_116, %mul3A_122 : vector<3x2000xf32>
    %get3A_124 = arith.constant 2 : index
    %get3A_125 = arith.constant 0 : index
    %get3A_126 = memref.load %arg16[%get3A_124, %get3A_125] : memref<3x3xf32, #tpu.memory_space<smem>>
    %slice3A_127 = vector.extract_strided_slice %concatenate3A_82 {offsets = [6, 0], sizes = [3, 2000], strides = [1, 1]} : vector<9x2000xf32> to vector<3x2000xf32>
    %mul3A_128 = vector.broadcast %get3A_126 : f32 to vector<3x2000xf32>
    %mul3A_129 = arith.mulf %mul3A_128, %slice3A_127 : vector<3x2000xf32>
    %add3A_130 = arith.addf %add3A_123, %mul3A_129 : vector<3x2000xf32>
    %get3A_131 = arith.constant 0 : index
    %get3A_132 = arith.constant 1 : index
    %get3A_133 = memref.load %arg16[%get3A_131, %get3A_132] : memref<3x3xf32, #tpu.memory_space<smem>>
    %slice3A_134 = vector.extract_strided_slice %concatenate3A_82 {offsets = [0, 0], sizes = [3, 2000], strides = [1, 1]} : vector<9x2000xf32> to vector<3x2000xf32>
    %mul3A_135 = vector.broadcast %get3A_133 : f32 to vector<3x2000xf32>
    %mul3A_136 = arith.mulf %mul3A_135, %slice3A_134 : vector<3x2000xf32>
    %get3A_137 = arith.constant 1 : index
    %get3A_138 = arith.constant 1 : index
    %get3A_139 = memref.load %arg16[%get3A_137, %get3A_138] : memref<3x3xf32, #tpu.memory_space<smem>>
    %slice3A_140 = vector.extract_strided_slice %concatenate3A_82 {offsets = [3, 0], sizes = [3, 2000], strides = [1, 1]} : vector<9x2000xf32> to vector<3x2000xf32>
    %mul3A_141 = vector.broadcast %get3A_139 : f32 to vector<3x2000xf32>
    %mul3A_142 = arith.mulf %mul3A_141, %slice3A_140 : vector<3x2000xf32>
    %add3A_143 = arith.addf %mul3A_136, %mul3A_142 : vector<3x2000xf32>
    %get3A_144 = arith.constant 2 : index
    %get3A_145 = arith.constant 1 : index
    %get3A_146 = memref.load %arg16[%get3A_144, %get3A_145] : memref<3x3xf32, #tpu.memory_space<smem>>
    %slice3A_147 = vector.extract_strided_slice %concatenate3A_82 {offsets = [6, 0], sizes = [3, 2000], strides = [1, 1]} : vector<9x2000xf32> to vector<3x2000xf32>
    %mul3A_148 = vector.broadcast %get3A_146 : f32 to vector<3x2000xf32>
    %mul3A_149 = arith.mulf %mul3A_148, %slice3A_147 : vector<3x2000xf32>
    %add3A_150 = arith.addf %add3A_143, %mul3A_149 : vector<3x2000xf32>
    %get3A_151 = arith.constant 0 : index
    %get3A_152 = arith.constant 2 : index
    %get3A_153 = memref.load %arg16[%get3A_151, %get3A_152] : memref<3x3xf32, #tpu.memory_space<smem>>
    %slice3A_154 = vector.extract_strided_slice %concatenate3A_82 {offsets = [0, 0], sizes = [3, 2000], strides = [1, 1]} : vector<9x2000xf32> to vector<3x2000xf32>
    %mul3A_155 = vector.broadcast %get3A_153 : f32 to vector<3x2000xf32>
    %mul3A_156 = arith.mulf %mul3A_155, %slice3A_154 : vector<3x2000xf32>
    %get3A_157 = arith.constant 1 : index
    %get3A_158 = arith.constant 2 : index
    %get3A_159 = memref.load %arg16[%get3A_157, %get3A_158] : memref<3x3xf32, #tpu.memory_space<smem>>
    %slice3A_160 = vector.extract_strided_slice %concatenate3A_82 {offsets = [3, 0], sizes = [3, 2000], strides = [1, 1]} : vector<9x2000xf32> to vector<3x2000xf32>
    %mul3A_161 = vector.broadcast %get3A_159 : f32 to vector<3x2000xf32>
    %mul3A_162 = arith.mulf %mul3A_161, %slice3A_160 : vector<3x2000xf32>
    %add3A_163 = arith.addf %mul3A_156, %mul3A_162 : vector<3x2000xf32>
    %get3A_164 = arith.constant 2 : index
    %get3A_165 = arith.constant 2 : index
    %get3A_166 = memref.load %arg16[%get3A_164, %get3A_165] : memref<3x3xf32, #tpu.memory_space<smem>>
    %slice3A_167 = vector.extract_strided_slice %concatenate3A_82 {offsets = [6, 0], sizes = [3, 2000], strides = [1, 1]} : vector<9x2000xf32> to vector<3x2000xf32>
    %mul3A_168 = vector.broadcast %get3A_166 : f32 to vector<3x2000xf32>
    %mul3A_169 = arith.mulf %mul3A_168, %slice3A_167 : vector<3x2000xf32>
    %add3A_170 = arith.addf %add3A_163, %mul3A_169 : vector<3x2000xf32>
    %concatenate3A_171 = tpu.concatenate %add3A_130, %add3A_150, %add3A_170 in 0 : vector<3x2000xf32>, vector<3x2000xf32>, vector<3x2000xf32> -> vector<9x2000xf32>
    %mul3A_172 = arith.mulf %concatenate3A_171, %concatenate3A_171 : vector<9x2000xf32>
    %slice3A_173 = vector.extract_strided_slice %mul3A_172 {offsets = [0, 0], sizes = [1, 2000], strides = [1, 1]} : vector<9x2000xf32> to vector<1x2000xf32>
    %slice3A_174 = vector.extract_strided_slice %mul3A_172 {offsets = [1, 0], sizes = [1, 2000], strides = [1, 1]} : vector<9x2000xf32> to vector<1x2000xf32>
    %add3A_175 = arith.addf %slice3A_173, %slice3A_174 : vector<1x2000xf32>
    %slice3A_176 = vector.extract_strided_slice %mul3A_172 {offsets = [2, 0], sizes = [1, 2000], strides = [1, 1]} : vector<9x2000xf32> to vector<1x2000xf32>
    %add3A_177 = arith.addf %add3A_175, %slice3A_176 : vector<1x2000xf32>
    %slice3A_178 = vector.extract_strided_slice %mul3A_172 {offsets = [3, 0], sizes = [1, 2000], strides = [1, 1]} : vector<9x2000xf32> to vector<1x2000xf32>
    %slice3A_179 = vector.extract_strided_slice %mul3A_172 {offsets = [4, 0], sizes = [1, 2000], strides = [1, 1]} : vector<9x2000xf32> to vector<1x2000xf32>
    %add3A_180 = arith.addf %slice3A_178, %slice3A_179 : vector<1x2000xf32>
    %slice3A_181 = vector.extract_strided_slice %mul3A_172 {offsets = [5, 0], sizes = [1, 2000], strides = [1, 1]} : vector<9x2000xf32> to vector<1x2000xf32>
    %add3A_182 = arith.addf %add3A_180, %slice3A_181 : vector<1x2000xf32>
    %slice3A_183 = vector.extract_strided_slice %mul3A_172 {offsets = [6, 0], sizes = [1, 2000], strides = [1, 1]} : vector<9x2000xf32> to vector<1x2000xf32>
    %slice3A_184 = vector.extract_strided_slice %mul3A_172 {offsets = [7, 0], sizes = [1, 2000], strides = [1, 1]} : vector<9x2000xf32> to vector<1x2000xf32>
    %add3A_185 = arith.addf %slice3A_183, %slice3A_184 : vector<1x2000xf32>
    %slice3A_186 = vector.extract_strided_slice %mul3A_172 {offsets = [8, 0], sizes = [1, 2000], strides = [1, 1]} : vector<9x2000xf32> to vector<1x2000xf32>
    %add3A_187 = arith.addf %add3A_185, %slice3A_186 : vector<1x2000xf32>
    %concatenate3A_188 = tpu.concatenate %add3A_177, %add3A_182, %add3A_187 in 0 : vector<1x2000xf32>, vector<1x2000xf32>, vector<1x2000xf32> -> vector<3x2000xf32>
    %max3A_189 = arith.constant 9.99999993E-9 : f32
    %max3A_190 = vector.broadcast %max3A_189 : f32 to vector<3x2000xf32>
    %max3A_191 = arith.maximumf %concatenate3A_188, %max3A_190 : vector<3x2000xf32>
    %sqrt3A_192 = math.sqrt %max3A_191 : vector<3x2000xf32>
    %neg3A = arith.constant 0.000000e+00 : f32
    %neg3A_193 = vector.broadcast %neg3A : f32 to vector<3x2000xf32>
    %neg3A_194 = arith.subf %neg3A_193, %sqrt3A_192 : vector<3x2000xf32>
    %exp3A = math.exp %neg3A_194 : vector<3x2000xf32>
    %add3A_195 = arith.constant 1.000000e+00 : f32
    %add3A_196 = vector.broadcast %add3A_195 : f32 to vector<3x2000xf32>
    %add3A_197 = arith.addf %add3A_196, %exp3A : vector<3x2000xf32>
    %div3A = arith.constant 1.000000e+00 : f32
    %div3A_198 = vector.broadcast %div3A : f32 to vector<3x2000xf32>
    %div3A_199 = arith.divf %div3A_198, %add3A_197 : vector<3x2000xf32>
    %slice3A_200 = vector.extract_strided_slice %concatenate3A_171 {offsets = [0, 0], sizes = [3, 2000], strides = [1, 1]} : vector<9x2000xf32> to vector<3x2000xf32>
    %slice3A_201 = vector.extract_strided_slice %div3A_199 {offsets = [0, 0], sizes = [1, 2000], strides = [1, 1]} : vector<3x2000xf32> to vector<1x2000xf32>
    %mul3A_202 = vector.broadcast %slice3A_201 : vector<1x2000xf32> to vector<3x2000xf32>
    %mul3A_203 = arith.mulf %slice3A_200, %mul3A_202 : vector<3x2000xf32>
    %slice3A_204 = vector.extract_strided_slice %concatenate3A_171 {offsets = [3, 0], sizes = [3, 2000], strides = [1, 1]} : vector<9x2000xf32> to vector<3x2000xf32>
    %slice3A_205 = vector.extract_strided_slice %div3A_199 {offsets = [1, 0], sizes = [1, 2000], strides = [1, 1]} : vector<3x2000xf32> to vector<1x2000xf32>
    %mul3A_206 = vector.broadcast %slice3A_205 : vector<1x2000xf32> to vector<3x2000xf32>
    %mul3A_207 = arith.mulf %slice3A_204, %mul3A_206 : vector<3x2000xf32>
    %slice3A_208 = vector.extract_strided_slice %concatenate3A_171 {offsets = [6, 0], sizes = [3, 2000], strides = [1, 1]} : vector<9x2000xf32> to vector<3x2000xf32>
    %slice3A_209 = vector.extract_strided_slice %div3A_199 {offsets = [2, 0], sizes = [1, 2000], strides = [1, 1]} : vector<3x2000xf32> to vector<1x2000xf32>
    %mul3A_210 = vector.broadcast %slice3A_209 : vector<1x2000xf32> to vector<3x2000xf32>
    %mul3A_211 = arith.mulf %slice3A_208, %mul3A_210 : vector<3x2000xf32>
    %concatenate3A_212 = tpu.concatenate %mul3A_203, %mul3A_207, %mul3A_211 in 0 : vector<3x2000xf32>, vector<3x2000xf32>, vector<3x2000xf32> -> vector<9x2000xf32>
    %get3A_213 = arith.constant 0 : index
    %get3A_214 = arith.constant 0 : index
    %get3A_215 = memref.load %arg17[%get3A_213, %get3A_214] : memref<3x3xf32, #tpu.memory_space<smem>>
    %slice3A_216 = vector.extract_strided_slice %concatenate3A_212 {offsets = [0, 0], sizes = [3, 2000], strides = [1, 1]} : vector<9x2000xf32> to vector<3x2000xf32>
    %mul3A_217 = vector.broadcast %get3A_215 : f32 to vector<3x2000xf32>
    %mul3A_218 = arith.mulf %mul3A_217, %slice3A_216 : vector<3x2000xf32>
    %get3A_219 = arith.constant 1 : index
    %get3A_220 = arith.constant 0 : index
    %get3A_221 = memref.load %arg17[%get3A_219, %get3A_220] : memref<3x3xf32, #tpu.memory_space<smem>>
    %slice3A_222 = vector.extract_strided_slice %concatenate3A_212 {offsets = [3, 0], sizes = [3, 2000], strides = [1, 1]} : vector<9x2000xf32> to vector<3x2000xf32>
    %mul3A_223 = vector.broadcast %get3A_221 : f32 to vector<3x2000xf32>
    %mul3A_224 = arith.mulf %mul3A_223, %slice3A_222 : vector<3x2000xf32>
    %add3A_225 = arith.addf %mul3A_218, %mul3A_224 : vector<3x2000xf32>
    %get3A_226 = arith.constant 2 : index
    %get3A_227 = arith.constant 0 : index
    %get3A_228 = memref.load %arg17[%get3A_226, %get3A_227] : memref<3x3xf32, #tpu.memory_space<smem>>
    %slice3A_229 = vector.extract_strided_slice %concatenate3A_212 {offsets = [6, 0], sizes = [3, 2000], strides = [1, 1]} : vector<9x2000xf32> to vector<3x2000xf32>
    %mul3A_230 = vector.broadcast %get3A_228 : f32 to vector<3x2000xf32>
    %mul3A_231 = arith.mulf %mul3A_230, %slice3A_229 : vector<3x2000xf32>
    %add3A_232 = arith.addf %add3A_225, %mul3A_231 : vector<3x2000xf32>
    %get3A_233 = arith.constant 0 : index
    %get3A_234 = arith.constant 1 : index
    %get3A_235 = memref.load %arg17[%get3A_233, %get3A_234] : memref<3x3xf32, #tpu.memory_space<smem>>
    %slice3A_236 = vector.extract_strided_slice %concatenate3A_212 {offsets = [0, 0], sizes = [3, 2000], strides = [1, 1]} : vector<9x2000xf32> to vector<3x2000xf32>
    %mul3A_237 = vector.broadcast %get3A_235 : f32 to vector<3x2000xf32>
    %mul3A_238 = arith.mulf %mul3A_237, %slice3A_236 : vector<3x2000xf32>
    %get3A_239 = arith.constant 1 : index
    %get3A_240 = arith.constant 1 : index
    %get3A_241 = memref.load %arg17[%get3A_239, %get3A_240] : memref<3x3xf32, #tpu.memory_space<smem>>
    %slice3A_242 = vector.extract_strided_slice %concatenate3A_212 {offsets = [3, 0], sizes = [3, 2000], strides = [1, 1]} : vector<9x2000xf32> to vector<3x2000xf32>
    %mul3A_243 = vector.broadcast %get3A_241 : f32 to vector<3x2000xf32>
    %mul3A_244 = arith.mulf %mul3A_243, %slice3A_242 : vector<3x2000xf32>
    %add3A_245 = arith.addf %mul3A_238, %mul3A_244 : vector<3x2000xf32>
    %get3A_246 = arith.constant 2 : index
    %get3A_247 = arith.constant 1 : index
    %get3A_248 = memref.load %arg17[%get3A_246, %get3A_247] : memref<3x3xf32, #tpu.memory_space<smem>>
    %slice3A_249 = vector.extract_strided_slice %concatenate3A_212 {offsets = [6, 0], sizes = [3, 2000], strides = [1, 1]} : vector<9x2000xf32> to vector<3x2000xf32>
    %mul3A_250 = vector.broadcast %get3A_248 : f32 to vector<3x2000xf32>
    %mul3A_251 = arith.mulf %mul3A_250, %slice3A_249 : vector<3x2000xf32>
    %add3A_252 = arith.addf %add3A_245, %mul3A_251 : vector<3x2000xf32>
    %get3A_253 = arith.constant 0 : index
    %get3A_254 = arith.constant 2 : index
    %get3A_255 = memref.load %arg17[%get3A_253, %get3A_254] : memref<3x3xf32, #tpu.memory_space<smem>>
    %slice3A_256 = vector.extract_strided_slice %concatenate3A_212 {offsets = [0, 0], sizes = [3, 2000], strides = [1, 1]} : vector<9x2000xf32> to vector<3x2000xf32>
    %mul3A_257 = vector.broadcast %get3A_255 : f32 to vector<3x2000xf32>
    %mul3A_258 = arith.mulf %mul3A_257, %slice3A_256 : vector<3x2000xf32>
    %get3A_259 = arith.constant 1 : index
    %get3A_260 = arith.constant 2 : index
    %get3A_261 = memref.load %arg17[%get3A_259, %get3A_260] : memref<3x3xf32, #tpu.memory_space<smem>>
    %slice3A_262 = vector.extract_strided_slice %concatenate3A_212 {offsets = [3, 0], sizes = [3, 2000], strides = [1, 1]} : vector<9x2000xf32> to vector<3x2000xf32>
    %mul3A_263 = vector.broadcast %get3A_261 : f32 to vector<3x2000xf32>
    %mul3A_264 = arith.mulf %mul3A_263, %slice3A_262 : vector<3x2000xf32>
    %add3A_265 = arith.addf %mul3A_258, %mul3A_264 : vector<3x2000xf32>
    %get3A_266 = arith.constant 2 : index
    %get3A_267 = arith.constant 2 : index
    %get3A_268 = memref.load %arg17[%get3A_266, %get3A_267] : memref<3x3xf32, #tpu.memory_space<smem>>
    %slice3A_269 = vector.extract_strided_slice %concatenate3A_212 {offsets = [6, 0], sizes = [3, 2000], strides = [1, 1]} : vector<9x2000xf32> to vector<3x2000xf32>
    %mul3A_270 = vector.broadcast %get3A_268 : f32 to vector<3x2000xf32>
    %mul3A_271 = arith.mulf %mul3A_270, %slice3A_269 : vector<3x2000xf32>
    %add3A_272 = arith.addf %add3A_265, %mul3A_271 : vector<3x2000xf32>
    %concatenate3A_273 = tpu.concatenate %add3A_232, %add3A_252, %add3A_272 in 0 : vector<3x2000xf32>, vector<3x2000xf32>, vector<3x2000xf32> -> vector<9x2000xf32>
    %mul3A_274 = arith.mulf %concatenate3A_273, %concatenate3A_273 : vector<9x2000xf32>
    %slice3A_275 = vector.extract_strided_slice %mul3A_274 {offsets = [0, 0], sizes = [1, 2000], strides = [1, 1]} : vector<9x2000xf32> to vector<1x2000xf32>
    %slice3A_276 = vector.extract_strided_slice %mul3A_274 {offsets = [1, 0], sizes = [1, 2000], strides = [1, 1]} : vector<9x2000xf32> to vector<1x2000xf32>
    %add3A_277 = arith.addf %slice3A_275, %slice3A_276 : vector<1x2000xf32>
    %slice3A_278 = vector.extract_strided_slice %mul3A_274 {offsets = [2, 0], sizes = [1, 2000], strides = [1, 1]} : vector<9x2000xf32> to vector<1x2000xf32>
    %add3A_279 = arith.addf %add3A_277, %slice3A_278 : vector<1x2000xf32>
    %slice3A_280 = vector.extract_strided_slice %mul3A_274 {offsets = [3, 0], sizes = [1, 2000], strides = [1, 1]} : vector<9x2000xf32> to vector<1x2000xf32>
    %slice3A_281 = vector.extract_strided_slice %mul3A_274 {offsets = [4, 0], sizes = [1, 2000], strides = [1, 1]} : vector<9x2000xf32> to vector<1x2000xf32>
    %add3A_282 = arith.addf %slice3A_280, %slice3A_281 : vector<1x2000xf32>
    %slice3A_283 = vector.extract_strided_slice %mul3A_274 {offsets = [5, 0], sizes = [1, 2000], strides = [1, 1]} : vector<9x2000xf32> to vector<1x2000xf32>
    %add3A_284 = arith.addf %add3A_282, %slice3A_283 : vector<1x2000xf32>
    %slice3A_285 = vector.extract_strided_slice %mul3A_274 {offsets = [6, 0], sizes = [1, 2000], strides = [1, 1]} : vector<9x2000xf32> to vector<1x2000xf32>
    %slice3A_286 = vector.extract_strided_slice %mul3A_274 {offsets = [7, 0], sizes = [1, 2000], strides = [1, 1]} : vector<9x2000xf32> to vector<1x2000xf32>
    %add3A_287 = arith.addf %slice3A_285, %slice3A_286 : vector<1x2000xf32>
    %slice3A_288 = vector.extract_strided_slice %mul3A_274 {offsets = [8, 0], sizes = [1, 2000], strides = [1, 1]} : vector<9x2000xf32> to vector<1x2000xf32>
    %add3A_289 = arith.addf %add3A_287, %slice3A_288 : vector<1x2000xf32>
    %concatenate3A_290 = tpu.concatenate %add3A_279, %add3A_284, %add3A_289 in 0 : vector<1x2000xf32>, vector<1x2000xf32>, vector<1x2000xf32> -> vector<3x2000xf32>
    %max3A_291 = arith.constant 9.99999993E-9 : f32
    %max3A_292 = vector.broadcast %max3A_291 : f32 to vector<3x2000xf32>
    %max3A_293 = arith.maximumf %concatenate3A_290, %max3A_292 : vector<3x2000xf32>
    %sqrt3A_294 = math.sqrt %max3A_293 : vector<3x2000xf32>
    %get3A_295 = arith.constant 0 : index
    %get3A_296 = arith.constant 0 : index
    %get3A_297 = vector.load %arg9[%get3A_295, %get3A_296] : memref<128x128xf32, #tpu.memory_space<vmem>>, vector<128x128xf32>
    %dot_general3A_298 = arith.constant dense<0.000000e+00> : vector<2000x128xf32>
    %dot_general3A_299 = tpu.matmul %max3A_110, %get3A_297, %dot_general3A_298 {dimension_numbers = #tpu.dot_dimension_numbers<[1], [0], [0], [1], [0, 0, 1, 1], [], []>, transpose_lhs_hint = false} : vector<2000x128xf32>, vector<128x128xf32>, vector<2000x128xf32> -> vector<2000x128xf32>
    %get3A_300 = arith.constant 0 : index
    %get3A_301 = arith.constant 0 : index
    %get3A_302 = vector.load %arg11[%get3A_300, %get3A_301] : memref<3x128xf32, #tpu.memory_space<vmem>>, vector<3x128xf32>
    %dot_general3A_303 = arith.constant dense<0.000000e+00> : vector<2000x128xf32>
    %dot_general3A_304 = tpu.matmul %sqrt3A_294, %get3A_302, %dot_general3A_303 {dimension_numbers = #tpu.dot_dimension_numbers<[0], [0], [1], [1], [0, 1, 1, 1], [], []>, transpose_lhs_hint = false} : vector<3x2000xf32>, vector<3x128xf32>, vector<2000x128xf32> -> vector<2000x128xf32>
    %add3A_305 = arith.addf %dot_general3A_299, %dot_general3A_304 : vector<2000x128xf32>
    %get3A_306 = arith.constant 0 : index
    %get3A_307 = arith.constant 0 : index
    %get3A_308 = vector.load %arg10[%get3A_306, %get3A_307] : memref<1x128xf32, #tpu.memory_space<vmem>>, vector<1x128xf32>
    %add3A_309 = vector.broadcast %get3A_308 : vector<1x128xf32> to vector<2000x128xf32>
    %add3A_310 = arith.addf %add3A_305, %add3A_309 : vector<2000x128xf32>
    %max3A_311 = arith.constant 0.000000e+00 : f32
    %max3A_312 = vector.broadcast %max3A_311 : f32 to vector<2000x128xf32>
    %max3A_313 = arith.maximumf %add3A_310, %max3A_312 : vector<2000x128xf32>
    %get3A_314 = arith.constant 0 : index
    %get3A_315 = arith.constant 0 : index
    %get3A_316 = memref.load %arg18[%get3A_314, %get3A_315] : memref<3x3xf32, #tpu.memory_space<smem>>
    %slice3A_317 = vector.extract_strided_slice %concatenate3A_273 {offsets = [0, 0], sizes = [3, 2000], strides = [1, 1]} : vector<9x2000xf32> to vector<3x2000xf32>
    %mul3A_318 = vector.broadcast %get3A_316 : f32 to vector<3x2000xf32>
    %mul3A_319 = arith.mulf %mul3A_318, %slice3A_317 : vector<3x2000xf32>
    %get3A_320 = arith.constant 1 : index
    %get3A_321 = arith.constant 0 : index
    %get3A_322 = memref.load %arg18[%get3A_320, %get3A_321] : memref<3x3xf32, #tpu.memory_space<smem>>
    %slice3A_323 = vector.extract_strided_slice %concatenate3A_273 {offsets = [3, 0], sizes = [3, 2000], strides = [1, 1]} : vector<9x2000xf32> to vector<3x2000xf32>
    %mul3A_324 = vector.broadcast %get3A_322 : f32 to vector<3x2000xf32>
    %mul3A_325 = arith.mulf %mul3A_324, %slice3A_323 : vector<3x2000xf32>
    %add3A_326 = arith.addf %mul3A_319, %mul3A_325 : vector<3x2000xf32>
    %get3A_327 = arith.constant 2 : index
    %get3A_328 = arith.constant 0 : index
    %get3A_329 = memref.load %arg18[%get3A_327, %get3A_328] : memref<3x3xf32, #tpu.memory_space<smem>>
    %slice3A_330 = vector.extract_strided_slice %concatenate3A_273 {offsets = [6, 0], sizes = [3, 2000], strides = [1, 1]} : vector<9x2000xf32> to vector<3x2000xf32>
    %mul3A_331 = vector.broadcast %get3A_329 : f32 to vector<3x2000xf32>
    %mul3A_332 = arith.mulf %mul3A_331, %slice3A_330 : vector<3x2000xf32>
    %add3A_333 = arith.addf %add3A_326, %mul3A_332 : vector<3x2000xf32>
    %get3A_334 = arith.constant 0 : index
    %get3A_335 = arith.constant 1 : index
    %get3A_336 = memref.load %arg18[%get3A_334, %get3A_335] : memref<3x3xf32, #tpu.memory_space<smem>>
    %slice3A_337 = vector.extract_strided_slice %concatenate3A_273 {offsets = [0, 0], sizes = [3, 2000], strides = [1, 1]} : vector<9x2000xf32> to vector<3x2000xf32>
    %mul3A_338 = vector.broadcast %get3A_336 : f32 to vector<3x2000xf32>
    %mul3A_339 = arith.mulf %mul3A_338, %slice3A_337 : vector<3x2000xf32>
    %get3A_340 = arith.constant 1 : index
    %get3A_341 = arith.constant 1 : index
    %get3A_342 = memref.load %arg18[%get3A_340, %get3A_341] : memref<3x3xf32, #tpu.memory_space<smem>>
    %slice3A_343 = vector.extract_strided_slice %concatenate3A_273 {offsets = [3, 0], sizes = [3, 2000], strides = [1, 1]} : vector<9x2000xf32> to vector<3x2000xf32>
    %mul3A_344 = vector.broadcast %get3A_342 : f32 to vector<3x2000xf32>
    %mul3A_345 = arith.mulf %mul3A_344, %slice3A_343 : vector<3x2000xf32>
    %add3A_346 = arith.addf %mul3A_339, %mul3A_345 : vector<3x2000xf32>
    %get3A_347 = arith.constant 2 : index
    %get3A_348 = arith.constant 1 : index
    %get3A_349 = memref.load %arg18[%get3A_347, %get3A_348] : memref<3x3xf32, #tpu.memory_space<smem>>
    %slice3A_350 = vector.extract_strided_slice %concatenate3A_273 {offsets = [6, 0], sizes = [3, 2000], strides = [1, 1]} : vector<9x2000xf32> to vector<3x2000xf32>
    %mul3A_351 = vector.broadcast %get3A_349 : f32 to vector<3x2000xf32>
    %mul3A_352 = arith.mulf %mul3A_351, %slice3A_350 : vector<3x2000xf32>
    %add3A_353 = arith.addf %add3A_346, %mul3A_352 : vector<3x2000xf32>
    %get3A_354 = arith.constant 0 : index
    %get3A_355 = arith.constant 2 : index
    %get3A_356 = memref.load %arg18[%get3A_354, %get3A_355] : memref<3x3xf32, #tpu.memory_space<smem>>
    %slice3A_357 = vector.extract_strided_slice %concatenate3A_273 {offsets = [0, 0], sizes = [3, 2000], strides = [1, 1]} : vector<9x2000xf32> to vector<3x2000xf32>
    %mul3A_358 = vector.broadcast %get3A_356 : f32 to vector<3x2000xf32>
    %mul3A_359 = arith.mulf %mul3A_358, %slice3A_357 : vector<3x2000xf32>
    %get3A_360 = arith.constant 1 : index
    %get3A_361 = arith.constant 2 : index
    %get3A_362 = memref.load %arg18[%get3A_360, %get3A_361] : memref<3x3xf32, #tpu.memory_space<smem>>
    %slice3A_363 = vector.extract_strided_slice %concatenate3A_273 {offsets = [3, 0], sizes = [3, 2000], strides = [1, 1]} : vector<9x2000xf32> to vector<3x2000xf32>
    %mul3A_364 = vector.broadcast %get3A_362 : f32 to vector<3x2000xf32>
    %mul3A_365 = arith.mulf %mul3A_364, %slice3A_363 : vector<3x2000xf32>
    %add3A_366 = arith.addf %mul3A_359, %mul3A_365 : vector<3x2000xf32>
    %get3A_367 = arith.constant 2 : index
    %get3A_368 = arith.constant 2 : index
    %get3A_369 = memref.load %arg18[%get3A_367, %get3A_368] : memref<3x3xf32, #tpu.memory_space<smem>>
    %slice3A_370 = vector.extract_strided_slice %concatenate3A_273 {offsets = [6, 0], sizes = [3, 2000], strides = [1, 1]} : vector<9x2000xf32> to vector<3x2000xf32>
    %mul3A_371 = vector.broadcast %get3A_369 : f32 to vector<3x2000xf32>
    %mul3A_372 = arith.mulf %mul3A_371, %slice3A_370 : vector<3x2000xf32>
    %add3A_373 = arith.addf %add3A_366, %mul3A_372 : vector<3x2000xf32>
    %concatenate3A_374 = tpu.concatenate %add3A_333, %add3A_353, %add3A_373 in 0 : vector<3x2000xf32>, vector<3x2000xf32>, vector<3x2000xf32> -> vector<9x2000xf32>
    %mul3A_375 = arith.mulf %concatenate3A_374, %concatenate3A_374 : vector<9x2000xf32>
    %slice3A_376 = vector.extract_strided_slice %mul3A_375 {offsets = [0, 0], sizes = [1, 2000], strides = [1, 1]} : vector<9x2000xf32> to vector<1x2000xf32>
    %slice3A_377 = vector.extract_strided_slice %mul3A_375 {offsets = [1, 0], sizes = [1, 2000], strides = [1, 1]} : vector<9x2000xf32> to vector<1x2000xf32>
    %add3A_378 = arith.addf %slice3A_376, %slice3A_377 : vector<1x2000xf32>
    %slice3A_379 = vector.extract_strided_slice %mul3A_375 {offsets = [2, 0], sizes = [1, 2000], strides = [1, 1]} : vector<9x2000xf32> to vector<1x2000xf32>
    %add3A_380 = arith.addf %add3A_378, %slice3A_379 : vector<1x2000xf32>
    %slice3A_381 = vector.extract_strided_slice %mul3A_375 {offsets = [3, 0], sizes = [1, 2000], strides = [1, 1]} : vector<9x2000xf32> to vector<1x2000xf32>
    %slice3A_382 = vector.extract_strided_slice %mul3A_375 {offsets = [4, 0], sizes = [1, 2000], strides = [1, 1]} : vector<9x2000xf32> to vector<1x2000xf32>
    %add3A_383 = arith.addf %slice3A_381, %slice3A_382 : vector<1x2000xf32>
    %slice3A_384 = vector.extract_strided_slice %mul3A_375 {offsets = [5, 0], sizes = [1, 2000], strides = [1, 1]} : vector<9x2000xf32> to vector<1x2000xf32>
    %add3A_385 = arith.addf %add3A_383, %slice3A_384 : vector<1x2000xf32>
    %slice3A_386 = vector.extract_strided_slice %mul3A_375 {offsets = [6, 0], sizes = [1, 2000], strides = [1, 1]} : vector<9x2000xf32> to vector<1x2000xf32>
    %slice3A_387 = vector.extract_strided_slice %mul3A_375 {offsets = [7, 0], sizes = [1, 2000], strides = [1, 1]} : vector<9x2000xf32> to vector<1x2000xf32>
    %add3A_388 = arith.addf %slice3A_386, %slice3A_387 : vector<1x2000xf32>
    %slice3A_389 = vector.extract_strided_slice %mul3A_375 {offsets = [8, 0], sizes = [1, 2000], strides = [1, 1]} : vector<9x2000xf32> to vector<1x2000xf32>
    %add3A_390 = arith.addf %add3A_388, %slice3A_389 : vector<1x2000xf32>
    %concatenate3A_391 = tpu.concatenate %add3A_380, %add3A_385, %add3A_390 in 0 : vector<1x2000xf32>, vector<1x2000xf32>, vector<1x2000xf32> -> vector<3x2000xf32>
    %max3A_392 = arith.constant 9.99999993E-9 : f32
    %max3A_393 = vector.broadcast %max3A_392 : f32 to vector<3x2000xf32>
    %max3A_394 = arith.maximumf %concatenate3A_391, %max3A_393 : vector<3x2000xf32>
    %sqrt3A_395 = math.sqrt %max3A_394 : vector<3x2000xf32>
    %neg3A_396 = arith.constant 0.000000e+00 : f32
    %neg3A_397 = vector.broadcast %neg3A_396 : f32 to vector<3x2000xf32>
    %neg3A_398 = arith.subf %neg3A_397, %sqrt3A_395 : vector<3x2000xf32>
    %exp3A_399 = math.exp %neg3A_398 : vector<3x2000xf32>
    %add3A_400 = arith.constant 1.000000e+00 : f32
    %add3A_401 = vector.broadcast %add3A_400 : f32 to vector<3x2000xf32>
    %add3A_402 = arith.addf %add3A_401, %exp3A_399 : vector<3x2000xf32>
    %div3A_403 = arith.constant 1.000000e+00 : f32
    %div3A_404 = vector.broadcast %div3A_403 : f32 to vector<3x2000xf32>
    %div3A_405 = arith.divf %div3A_404, %add3A_402 : vector<3x2000xf32>
    %slice3A_406 = vector.extract_strided_slice %concatenate3A_374 {offsets = [0, 0], sizes = [3, 2000], strides = [1, 1]} : vector<9x2000xf32> to vector<3x2000xf32>
    %slice3A_407 = vector.extract_strided_slice %div3A_405 {offsets = [0, 0], sizes = [1, 2000], strides = [1, 1]} : vector<3x2000xf32> to vector<1x2000xf32>
    %mul3A_408 = vector.broadcast %slice3A_407 : vector<1x2000xf32> to vector<3x2000xf32>
    %mul3A_409 = arith.mulf %slice3A_406, %mul3A_408 : vector<3x2000xf32>
    %slice3A_410 = vector.extract_strided_slice %concatenate3A_374 {offsets = [3, 0], sizes = [3, 2000], strides = [1, 1]} : vector<9x2000xf32> to vector<3x2000xf32>
    %slice3A_411 = vector.extract_strided_slice %div3A_405 {offsets = [1, 0], sizes = [1, 2000], strides = [1, 1]} : vector<3x2000xf32> to vector<1x2000xf32>
    %mul3A_412 = vector.broadcast %slice3A_411 : vector<1x2000xf32> to vector<3x2000xf32>
    %mul3A_413 = arith.mulf %slice3A_410, %mul3A_412 : vector<3x2000xf32>
    %slice3A_414 = vector.extract_strided_slice %concatenate3A_374 {offsets = [6, 0], sizes = [3, 2000], strides = [1, 1]} : vector<9x2000xf32> to vector<3x2000xf32>
    %slice3A_415 = vector.extract_strided_slice %div3A_405 {offsets = [2, 0], sizes = [1, 2000], strides = [1, 1]} : vector<3x2000xf32> to vector<1x2000xf32>
    %mul3A_416 = vector.broadcast %slice3A_415 : vector<1x2000xf32> to vector<3x2000xf32>
    %mul3A_417 = arith.mulf %slice3A_414, %mul3A_416 : vector<3x2000xf32>
    %concatenate3A_418 = tpu.concatenate %mul3A_409, %mul3A_413, %mul3A_417 in 0 : vector<3x2000xf32>, vector<3x2000xf32>, vector<3x2000xf32> -> vector<9x2000xf32>
    %get3A_419 = arith.constant 0 : index
    %get3A_420 = arith.constant 0 : index
    %get3A_421 = memref.load %arg19[%get3A_419, %get3A_420] : memref<3x3xf32, #tpu.memory_space<smem>>
    %slice3A_422 = vector.extract_strided_slice %concatenate3A_418 {offsets = [0, 0], sizes = [3, 2000], strides = [1, 1]} : vector<9x2000xf32> to vector<3x2000xf32>
    %mul3A_423 = vector.broadcast %get3A_421 : f32 to vector<3x2000xf32>
    %mul3A_424 = arith.mulf %mul3A_423, %slice3A_422 : vector<3x2000xf32>
    %get3A_425 = arith.constant 1 : index
    %get3A_426 = arith.constant 0 : index
    %get3A_427 = memref.load %arg19[%get3A_425, %get3A_426] : memref<3x3xf32, #tpu.memory_space<smem>>
    %slice3A_428 = vector.extract_strided_slice %concatenate3A_418 {offsets = [3, 0], sizes = [3, 2000], strides = [1, 1]} : vector<9x2000xf32> to vector<3x2000xf32>
    %mul3A_429 = vector.broadcast %get3A_427 : f32 to vector<3x2000xf32>
    %mul3A_430 = arith.mulf %mul3A_429, %slice3A_428 : vector<3x2000xf32>
    %add3A_431 = arith.addf %mul3A_424, %mul3A_430 : vector<3x2000xf32>
    %get3A_432 = arith.constant 2 : index
    %get3A_433 = arith.constant 0 : index
    %get3A_434 = memref.load %arg19[%get3A_432, %get3A_433] : memref<3x3xf32, #tpu.memory_space<smem>>
    %slice3A_435 = vector.extract_strided_slice %concatenate3A_418 {offsets = [6, 0], sizes = [3, 2000], strides = [1, 1]} : vector<9x2000xf32> to vector<3x2000xf32>
    %mul3A_436 = vector.broadcast %get3A_434 : f32 to vector<3x2000xf32>
    %mul3A_437 = arith.mulf %mul3A_436, %slice3A_435 : vector<3x2000xf32>
    %add3A_438 = arith.addf %add3A_431, %mul3A_437 : vector<3x2000xf32>
    %get3A_439 = arith.constant 0 : index
    %get3A_440 = arith.constant 1 : index
    %get3A_441 = memref.load %arg19[%get3A_439, %get3A_440] : memref<3x3xf32, #tpu.memory_space<smem>>
    %slice3A_442 = vector.extract_strided_slice %concatenate3A_418 {offsets = [0, 0], sizes = [3, 2000], strides = [1, 1]} : vector<9x2000xf32> to vector<3x2000xf32>
    %mul3A_443 = vector.broadcast %get3A_441 : f32 to vector<3x2000xf32>
    %mul3A_444 = arith.mulf %mul3A_443, %slice3A_442 : vector<3x2000xf32>
    %get3A_445 = arith.constant 1 : index
    %get3A_446 = arith.constant 1 : index
    %get3A_447 = memref.load %arg19[%get3A_445, %get3A_446] : memref<3x3xf32, #tpu.memory_space<smem>>
    %slice3A_448 = vector.extract_strided_slice %concatenate3A_418 {offsets = [3, 0], sizes = [3, 2000], strides = [1, 1]} : vector<9x2000xf32> to vector<3x2000xf32>
    %mul3A_449 = vector.broadcast %get3A_447 : f32 to vector<3x2000xf32>
    %mul3A_450 = arith.mulf %mul3A_449, %slice3A_448 : vector<3x2000xf32>
    %add3A_451 = arith.addf %mul3A_444, %mul3A_450 : vector<3x2000xf32>
    %get3A_452 = arith.constant 2 : index
    %get3A_453 = arith.constant 1 : index
    %get3A_454 = memref.load %arg19[%get3A_452, %get3A_453] : memref<3x3xf32, #tpu.memory_space<smem>>
    %slice3A_455 = vector.extract_strided_slice %concatenate3A_418 {offsets = [6, 0], sizes = [3, 2000], strides = [1, 1]} : vector<9x2000xf32> to vector<3x2000xf32>
    %mul3A_456 = vector.broadcast %get3A_454 : f32 to vector<3x2000xf32>
    %mul3A_457 = arith.mulf %mul3A_456, %slice3A_455 : vector<3x2000xf32>
    %add3A_458 = arith.addf %add3A_451, %mul3A_457 : vector<3x2000xf32>
    %get3A_459 = arith.constant 0 : index
    %get3A_460 = arith.constant 2 : index
    %get3A_461 = memref.load %arg19[%get3A_459, %get3A_460] : memref<3x3xf32, #tpu.memory_space<smem>>
    %slice3A_462 = vector.extract_strided_slice %concatenate3A_418 {offsets = [0, 0], sizes = [3, 2000], strides = [1, 1]} : vector<9x2000xf32> to vector<3x2000xf32>
    %mul3A_463 = vector.broadcast %get3A_461 : f32 to vector<3x2000xf32>
    %mul3A_464 = arith.mulf %mul3A_463, %slice3A_462 : vector<3x2000xf32>
    %get3A_465 = arith.constant 1 : index
    %get3A_466 = arith.constant 2 : index
    %get3A_467 = memref.load %arg19[%get3A_465, %get3A_466] : memref<3x3xf32, #tpu.memory_space<smem>>
    %slice3A_468 = vector.extract_strided_slice %concatenate3A_418 {offsets = [3, 0], sizes = [3, 2000], strides = [1, 1]} : vector<9x2000xf32> to vector<3x2000xf32>
    %mul3A_469 = vector.broadcast %get3A_467 : f32 to vector<3x2000xf32>
    %mul3A_470 = arith.mulf %mul3A_469, %slice3A_468 : vector<3x2000xf32>
    %add3A_471 = arith.addf %mul3A_464, %mul3A_470 : vector<3x2000xf32>
    %get3A_472 = arith.constant 2 : index
    %get3A_473 = arith.constant 2 : index
    %get3A_474 = memref.load %arg19[%get3A_472, %get3A_473] : memref<3x3xf32, #tpu.memory_space<smem>>
    %slice3A_475 = vector.extract_strided_slice %concatenate3A_418 {offsets = [6, 0], sizes = [3, 2000], strides = [1, 1]} : vector<9x2000xf32> to vector<3x2000xf32>
    %mul3A_476 = vector.broadcast %get3A_474 : f32 to vector<3x2000xf32>
    %mul3A_477 = arith.mulf %mul3A_476, %slice3A_475 : vector<3x2000xf32>
    %add3A_478 = arith.addf %add3A_471, %mul3A_477 : vector<3x2000xf32>
    %concatenate3A_479 = tpu.concatenate %add3A_438, %add3A_458, %add3A_478 in 0 : vector<3x2000xf32>, vector<3x2000xf32>, vector<3x2000xf32> -> vector<9x2000xf32>
    %mul3A_480 = arith.mulf %concatenate3A_479, %concatenate3A_479 : vector<9x2000xf32>
    %slice3A_481 = vector.extract_strided_slice %mul3A_480 {offsets = [0, 0], sizes = [1, 2000], strides = [1, 1]} : vector<9x2000xf32> to vector<1x2000xf32>
    %slice3A_482 = vector.extract_strided_slice %mul3A_480 {offsets = [1, 0], sizes = [1, 2000], strides = [1, 1]} : vector<9x2000xf32> to vector<1x2000xf32>
    %add3A_483 = arith.addf %slice3A_481, %slice3A_482 : vector<1x2000xf32>
    %slice3A_484 = vector.extract_strided_slice %mul3A_480 {offsets = [2, 0], sizes = [1, 2000], strides = [1, 1]} : vector<9x2000xf32> to vector<1x2000xf32>
    %add3A_485 = arith.addf %add3A_483, %slice3A_484 : vector<1x2000xf32>
    %slice3A_486 = vector.extract_strided_slice %mul3A_480 {offsets = [3, 0], sizes = [1, 2000], strides = [1, 1]} : vector<9x2000xf32> to vector<1x2000xf32>
    %slice3A_487 = vector.extract_strided_slice %mul3A_480 {offsets = [4, 0], sizes = [1, 2000], strides = [1, 1]} : vector<9x2000xf32> to vector<1x2000xf32>
    %add3A_488 = arith.addf %slice3A_486, %slice3A_487 : vector<1x2000xf32>
    %slice3A_489 = vector.extract_strided_slice %mul3A_480 {offsets = [5, 0], sizes = [1, 2000], strides = [1, 1]} : vector<9x2000xf32> to vector<1x2000xf32>
    %add3A_490 = arith.addf %add3A_488, %slice3A_489 : vector<1x2000xf32>
    %slice3A_491 = vector.extract_strided_slice %mul3A_480 {offsets = [6, 0], sizes = [1, 2000], strides = [1, 1]} : vector<9x2000xf32> to vector<1x2000xf32>
    %slice3A_492 = vector.extract_strided_slice %mul3A_480 {offsets = [7, 0], sizes = [1, 2000], strides = [1, 1]} : vector<9x2000xf32> to vector<1x2000xf32>
    %add3A_493 = arith.addf %slice3A_491, %slice3A_492 : vector<1x2000xf32>
    %slice3A_494 = vector.extract_strided_slice %mul3A_480 {offsets = [8, 0], sizes = [1, 2000], strides = [1, 1]} : vector<9x2000xf32> to vector<1x2000xf32>
    %add3A_495 = arith.addf %add3A_493, %slice3A_494 : vector<1x2000xf32>
    %concatenate3A_496 = tpu.concatenate %add3A_485, %add3A_490, %add3A_495 in 0 : vector<1x2000xf32>, vector<1x2000xf32>, vector<1x2000xf32> -> vector<3x2000xf32>
    %max3A_497 = arith.constant 9.99999993E-9 : f32
    %max3A_498 = vector.broadcast %max3A_497 : f32 to vector<3x2000xf32>
    %max3A_499 = arith.maximumf %concatenate3A_496, %max3A_498 : vector<3x2000xf32>
    %sqrt3A_500 = math.sqrt %max3A_499 : vector<3x2000xf32>
    %get3A_501 = arith.constant 0 : index
    %get3A_502 = arith.constant 0 : index
    %get3A_503 = vector.load %arg12[%get3A_501, %get3A_502] : memref<128x128xf32, #tpu.memory_space<vmem>>, vector<128x128xf32>
    %dot_general3A_504 = arith.constant dense<0.000000e+00> : vector<2000x128xf32>
    %dot_general3A_505 = tpu.matmul %max3A_313, %get3A_503, %dot_general3A_504 {dimension_numbers = #tpu.dot_dimension_numbers<[1], [0], [0], [1], [0, 0, 1, 1], [], []>, transpose_lhs_hint = false} : vector<2000x128xf32>, vector<128x128xf32>, vector<2000x128xf32> -> vector<2000x128xf32>
    %get3A_506 = arith.constant 0 : index
    %get3A_507 = arith.constant 0 : index
    %get3A_508 = vector.load %arg14[%get3A_506, %get3A_507] : memref<3x128xf32, #tpu.memory_space<vmem>>, vector<3x128xf32>
    %dot_general3A_509 = arith.constant dense<0.000000e+00> : vector<2000x128xf32>
    %dot_general3A_510 = tpu.matmul %sqrt3A_500, %get3A_508, %dot_general3A_509 {dimension_numbers = #tpu.dot_dimension_numbers<[0], [0], [1], [1], [0, 1, 1, 1], [], []>, transpose_lhs_hint = false} : vector<3x2000xf32>, vector<3x128xf32>, vector<2000x128xf32> -> vector<2000x128xf32>
    %add3A_511 = arith.addf %dot_general3A_505, %dot_general3A_510 : vector<2000x128xf32>
    %get3A_512 = arith.constant 0 : index
    %get3A_513 = arith.constant 0 : index
    %get3A_514 = vector.load %arg13[%get3A_512, %get3A_513] : memref<1x128xf32, #tpu.memory_space<vmem>>, vector<1x128xf32>
    %add3A_515 = vector.broadcast %get3A_514 : vector<1x128xf32> to vector<2000x128xf32>
    %add3A_516 = arith.addf %add3A_511, %add3A_515 : vector<2000x128xf32>
    %swap3A = arith.constant 0 : index
    %swap3A_517 = arith.constant 0 : index
    %swap3A_518 = vector.load %arg20[%swap3A, %swap3A_517] : memref<2000x128xf32, #tpu.memory_space<vmem>>, vector<2000x128xf32>
    tpu.vector_store %arg20[%swap3A, %swap3A_517], %add3A_516 {strides = array<i32>} : memref<2000x128xf32, #tpu.memory_space<vmem>>, vector<2000x128xf32>,
    return
  }
  func.func @transform_0(%arg0: i32) -> (i32, i32) {
    %c0_i32 = arith.constant 0 : i32
    %c0_i32_0 = arith.constant 0 : i32
    return %arg0, %c0_i32 : i32, i32
  }
  func.func @transform_1(%arg0: i32) -> (i32, i32) {
    %c0_i32 = arith.constant 0 : i32
    %c0_i32_0 = arith.constant 0 : i32
    return %arg0, %c0_i32 : i32, i32
  }
  func.func @transform_2(%arg0: i32) -> (i32, i32) {
    %add3A = arith.constant 0 : i32
    %add3A_0 = arith.addi %arg0, %add3A : i32
    %c0_i32 = arith.constant 0 : i32
    %c0_i32_1 = arith.constant 0 : i32
    return %add3A_0, %c0_i32 : i32, i32
  }
  func.func @transform_3(%arg0: i32) -> (i32, i32) {
    %c0_i32 = arith.constant 0 : i32
    %c0_i32_0 = arith.constant 0 : i32
    return %arg0, %c0_i32 : i32, i32
  }
  func.func @transform_4(%arg0: i32) -> (i32, i32) {
    %c0_i32 = arith.constant 0 : i32
    %c0_i32_0 = arith.constant 0 : i32
    return %arg0, %c0_i32 : i32, i32
  }
  func.func @transform_5(%arg0: i32) -> (i32, i32) {
    %add3A = arith.constant 0 : i32
    %add3A_0 = arith.addi %arg0, %add3A : i32
    %c0_i32 = arith.constant 0 : i32
    %c0_i32_1 = arith.constant 0 : i32
    return %add3A_0, %c0_i32 : i32, i32
  }
  func.func @transform_6(%arg0: i32) -> (i32, i32) {
    %c0_i32 = arith.constant 0 : i32
    %c0_i32_0 = arith.constant 0 : i32
    %c0_i32_1 = arith.constant 0 : i32
    return %c0_i32, %c0_i32_0 : i32, i32
  }
  func.func @transform_7(%arg0: i32) -> (i32, i32) {
    %c0_i32 = arith.constant 0 : i32
    %c0_i32_0 = arith.constant 0 : i32
    %c0_i32_1 = arith.constant 0 : i32
    return %c0_i32, %c0_i32_0 : i32, i32
  }
  func.func @transform_8(%arg0: i32) -> (i32, i32) {
    %c0_i32 = arith.constant 0 : i32
    %c0_i32_0 = arith.constant 0 : i32
    %c0_i32_1 = arith.constant 0 : i32
    return %c0_i32, %c0_i32_0 : i32, i32
  }
  func.func @transform_9(%arg0: i32) -> (i32, i32) {
    %c0_i32 = arith.constant 0 : i32
    %c0_i32_0 = arith.constant 0 : i32
    %c0_i32_1 = arith.constant 0 : i32
    return %c0_i32, %c0_i32_0 : i32, i32
  }
  func.func @transform_10(%arg0: i32) -> (i32, i32) {
    %c0_i32 = arith.constant 0 : i32
    %c0_i32_0 = arith.constant 0 : i32
    %c0_i32_1 = arith.constant 0 : i32
    return %c0_i32, %c0_i32_0 : i32, i32
  }
  func.func @transform_11(%arg0: i32) -> (i32, i32) {
    %c0_i32 = arith.constant 0 : i32
    %c0_i32_0 = arith.constant 0 : i32
    %c0_i32_1 = arith.constant 0 : i32
    return %c0_i32, %c0_i32_0 : i32, i32
  }
  func.func @transform_12(%arg0: i32) -> (i32, i32) {
    %c0_i32 = arith.constant 0 : i32
    %c0_i32_0 = arith.constant 0 : i32
    %c0_i32_1 = arith.constant 0 : i32
    return %c0_i32, %c0_i32_0 : i32, i32
  }
  func.func @transform_13(%arg0: i32) -> (i32, i32) {
    %c0_i32 = arith.constant 0 : i32
    %c0_i32_0 = arith.constant 0 : i32
    %c0_i32_1 = arith.constant 0 : i32
    return %c0_i32, %c0_i32_0 : i32, i32
  }
  func.func @transform_14(%arg0: i32) -> (i32, i32) {
    %c0_i32 = arith.constant 0 : i32
    %c0_i32_0 = arith.constant 0 : i32
    %c0_i32_1 = arith.constant 0 : i32
    return %c0_i32, %c0_i32_0 : i32, i32
  }
  func.func @transform_15(%arg0: i32) -> (i32, i32) {
    %c0_i32 = arith.constant 0 : i32
    %c0_i32_0 = arith.constant 0 : i32
    %c0_i32_1 = arith.constant 0 : i32
    return %c0_i32, %c0_i32_0 : i32, i32
  }
  func.func @transform_16(%arg0: i32) -> (i32, i32) {
    %c0_i32 = arith.constant 0 : i32
    %c0_i32_0 = arith.constant 0 : i32
    %c0_i32_1 = arith.constant 0 : i32
    return %c0_i32, %c0_i32_0 : i32, i32
  }
  func.func @transform_17(%arg0: i32) -> (i32, i32) {
    %c0_i32 = arith.constant 0 : i32
    %c0_i32_0 = arith.constant 0 : i32
    %c0_i32_1 = arith.constant 0 : i32
    return %c0_i32, %c0_i32_0 : i32, i32
  }
  func.func @transform_18(%arg0: i32) -> (i32, i32) {
    %c0_i32 = arith.constant 0 : i32
    %c0_i32_0 = arith.constant 0 : i32
    %c0_i32_1 = arith.constant 0 : i32
    return %c0_i32, %c0_i32_0 : i32, i32
  }
  func.func @transform_19(%arg0: i32) -> (i32, i32) {
    %c0_i32 = arith.constant 0 : i32
    %c0_i32_0 = arith.constant 0 : i32
    return %arg0, %c0_i32 : i32, i32
  }
}

module attributes {stable_mosaic.version = 14 : i64} {
  func.func @_combine_body(%arg0: i32, %arg1: memref<2x1000x128xf32, #tpu.memory_space<vmem>>, %arg2: memref<2x1000x128xf32, #tpu.memory_space<vmem>>, %arg3: memref<2x1000x8xf32, #tpu.memory_space<vmem>>, %arg4: memref<2x1000x8xf32, #tpu.memory_space<vmem>>, %arg5: memref<1000x128xf32, #tpu.memory_space<vmem>>) attributes {dimension_semantics = [#tpu.dimension_semantics<arbitrary>], iteration_bounds = array<i64: 10>, scalar_prefetch = 0 : i64, scratch_operands = 0 : i64, tpu.core_type = #tpu.core_type<tc>, window_params = [{transform_indices = @transform_0, window_bounds = array<i64: 2, 1000, 128>}, {transform_indices = @transform_1, window_bounds = array<i64: 2, 1000, 128>}, {transform_indices = @transform_2, window_bounds = array<i64: 2, 1000, 8>}, {transform_indices = @transform_3, window_bounds = array<i64: 2, 1000, 8>}, {transform_indices = @transform_4, window_bounds = array<i64: 1000, 128>}]} {
    %get3A = arith.constant 0 : index
    %get3A_0 = arith.constant 0 : index
    %get3A_1 = arith.constant 0 : index
    %get3A_2 = vector.load %arg1[%get3A, %get3A_0, %get3A_1] : memref<2x1000x128xf32, #tpu.memory_space<vmem>>, vector<2x1000x128xf32>
    %get3A_3 = arith.constant 0 : index
    %get3A_4 = arith.constant 0 : index
    %get3A_5 = arith.constant 0 : index
    %get3A_6 = vector.load %arg2[%get3A_3, %get3A_4, %get3A_5] : memref<2x1000x128xf32, #tpu.memory_space<vmem>>, vector<2x1000x128xf32>
    %get3A_7 = arith.constant 0 : index
    %get3A_8 = arith.constant 0 : index
    %get3A_9 = arith.constant 0 : index
    %get3A_10 = vector.load %arg3[%get3A_7, %get3A_8, %get3A_9] : memref<2x1000x8xf32, #tpu.memory_space<vmem>>, vector<2x1000x8xf32>
    %get3A_11 = arith.constant 0 : index
    %get3A_12 = arith.constant 0 : index
    %get3A_13 = arith.constant 0 : index
    %get3A_14 = vector.load %arg4[%get3A_11, %get3A_12, %get3A_13] : memref<2x1000x8xf32, #tpu.memory_space<vmem>>, vector<2x1000x8xf32>
    %slice3A = vector.extract_strided_slice %get3A_10 {offsets = [0, 0, 0], sizes = [1, 1000, 1], strides = [1, 1, 1]} : vector<2x1000x8xf32> to vector<1x1000x1xf32>
    %squeeze3A = vector.shape_cast %slice3A : vector<1x1000x1xf32> to vector<1000x1xf32>
    %slice3A_15 = vector.extract_strided_slice %get3A_10 {offsets = [1, 0, 0], sizes = [1, 1000, 1], strides = [1, 1, 1]} : vector<2x1000x8xf32> to vector<1x1000x1xf32>
    %squeeze3A_16 = vector.shape_cast %slice3A_15 : vector<1x1000x1xf32> to vector<1000x1xf32>
    %add3A = arith.addf %squeeze3A, %squeeze3A_16 : vector<1000x1xf32>
    %slice3A_17 = vector.extract_strided_slice %get3A_14 {offsets = [0, 0, 0], sizes = [1, 1000, 1], strides = [1, 1, 1]} : vector<2x1000x8xf32> to vector<1x1000x1xf32>
    %squeeze3A_18 = vector.shape_cast %slice3A_17 : vector<1x1000x1xf32> to vector<1000x1xf32>
    %add3A_19 = arith.addf %add3A, %squeeze3A_18 : vector<1000x1xf32>
    %slice3A_20 = vector.extract_strided_slice %get3A_14 {offsets = [1, 0, 0], sizes = [1, 1000, 1], strides = [1, 1, 1]} : vector<2x1000x8xf32> to vector<1x1000x1xf32>
    %squeeze3A_21 = vector.shape_cast %slice3A_20 : vector<1x1000x1xf32> to vector<1000x1xf32>
    %add3A_22 = arith.addf %add3A_19, %squeeze3A_21 : vector<1000x1xf32>
    %slice3A_23 = vector.extract_strided_slice %get3A_2 {offsets = [0, 0, 0], sizes = [1, 1000, 128], strides = [1, 1, 1]} : vector<2x1000x128xf32> to vector<1x1000x128xf32>
    %squeeze3A_24 = vector.shape_cast %slice3A_23 : vector<1x1000x128xf32> to vector<1000x128xf32>
    %slice3A_25 = vector.extract_strided_slice %get3A_2 {offsets = [1, 0, 0], sizes = [1, 1000, 128], strides = [1, 1, 1]} : vector<2x1000x128xf32> to vector<1x1000x128xf32>
    %squeeze3A_26 = vector.shape_cast %slice3A_25 : vector<1x1000x128xf32> to vector<1000x128xf32>
    %add3A_27 = arith.addf %squeeze3A_24, %squeeze3A_26 : vector<1000x128xf32>
    %slice3A_28 = vector.extract_strided_slice %get3A_6 {offsets = [0, 0, 0], sizes = [1, 1000, 128], strides = [1, 1, 1]} : vector<2x1000x128xf32> to vector<1x1000x128xf32>
    %squeeze3A_29 = vector.shape_cast %slice3A_28 : vector<1x1000x128xf32> to vector<1000x128xf32>
    %add3A_30 = arith.addf %add3A_27, %squeeze3A_29 : vector<1000x128xf32>
    %slice3A_31 = vector.extract_strided_slice %get3A_6 {offsets = [1, 0, 0], sizes = [1, 1000, 128], strides = [1, 1, 1]} : vector<2x1000x128xf32> to vector<1x1000x128xf32>
    %squeeze3A_32 = vector.shape_cast %slice3A_31 : vector<1x1000x128xf32> to vector<1000x128xf32>
    %add3A_33 = arith.addf %add3A_30, %squeeze3A_32 : vector<1000x128xf32>
    %max3A = arith.constant 1.000000e+00 : f32
    %max3A_34 = vector.broadcast %max3A : f32 to vector<1000x1xf32>
    %max3A_35 = arith.maximumf %add3A_22, %max3A_34 : vector<1000x1xf32>
    %div3A = vector.broadcast %max3A_35 : vector<1000x1xf32> to vector<1000x128xf32>
    %div3A_36 = arith.divf %add3A_33, %div3A : vector<1000x128xf32>
    %swap3A = arith.constant 0 : index
    %swap3A_37 = arith.constant 0 : index
    %swap3A_38 = vector.load %arg5[%swap3A, %swap3A_37] : memref<1000x128xf32, #tpu.memory_space<vmem>>, vector<1000x128xf32>
    tpu.vector_store %arg5[%swap3A, %swap3A_37], %div3A_36 {strides = array<i32>} : memref<1000x128xf32, #tpu.memory_space<vmem>>, vector<1000x128xf32>,
    return
  }
  func.func @transform_0(%arg0: i32) -> (i32, i32, i32) {
    %c0_i32 = arith.constant 0 : i32
    %c0_i32_0 = arith.constant 0 : i32
    %c0_i32_1 = arith.constant 0 : i32
    return %c0_i32, %arg0, %c0_i32_0 : i32, i32, i32
  }
  func.func @transform_1(%arg0: i32) -> (i32, i32, i32) {
    %c0_i32 = arith.constant 0 : i32
    %c0_i32_0 = arith.constant 0 : i32
    %c0_i32_1 = arith.constant 0 : i32
    return %c0_i32, %arg0, %c0_i32_0 : i32, i32, i32
  }
  func.func @transform_2(%arg0: i32) -> (i32, i32, i32) {
    %c0_i32 = arith.constant 0 : i32
    %c0_i32_0 = arith.constant 0 : i32
    %c0_i32_1 = arith.constant 0 : i32
    return %c0_i32, %arg0, %c0_i32_0 : i32, i32, i32
  }
  func.func @transform_3(%arg0: i32) -> (i32, i32, i32) {
    %c0_i32 = arith.constant 0 : i32
    %c0_i32_0 = arith.constant 0 : i32
    %c0_i32_1 = arith.constant 0 : i32
    return %c0_i32, %arg0, %c0_i32_0 : i32, i32, i32
  }
  func.func @transform_4(%arg0: i32) -> (i32, i32) {
    %c0_i32 = arith.constant 0 : i32
    %c0_i32_0 = arith.constant 0 : i32
    return %arg0, %c0_i32 : i32, i32
  }
}

</mosaic_0001>

<sc_bundles>
// kernel: kernel.12.cloned.1.call-start
scs
__scs_entry_jumppad:
0x0: {  	(pc) =	sbr.rel $0x88, $3  }
0x1: {  	(tag) =	ssettag $0x0;
	lr =	simm.s32 $0x1  }
0x2: {  	[smem:$0x3F91] =	sst lr;
	_ =	strace $0xD0000000  }
0x3: {  	_ = 	snop  }
0x4: {  	_ = 	snop  }
0x5: {  	_ = 	snop  }
0x6: {  	_ = 	snop  }
0x7: {  	_ = 	snop  }
__scs_overlays_trampoline_lowered:
0x8: {  	[smem:$0x3FA0] =	sst s0  }
0x9: {  	[smem:$0x3FA1] =	sst s1  }
0xa: {  	[smem:$0x3FA2] =	sst s2  }
0xb: {  	[smem:$0x3FA3] =	sst s3  }
0xc: {  	[smem:$0x3FA4] =	sst s4  }
0xd: {  	[smem:$0x3FA5] =	sst s5  }
0xe: {  	[smem:$0x3FA6] =	sst s6  }
0xf: {  	[smem:$0x3FA7] =	sst s7  }
0x10: {  	[smem:$0x3FA8] =	sst s8  }
0x11: {  	[smem:$0x3FA9] =	sst s9;
	s0 =	simm.s32 @!p0 $0x0  }
0x12: {  	s1 =	sld [smem:$0x3F8F];
	s0 =	simm.s32 @p0 $0x1  }
0x13: {  	[smem:$0x3FAA] =	sst s0;
	s0 =	simm.s32 @!p1 $0x0  }
0x14: {  	s2 =	sld [smem:$0x3F8E];
	s0 =	simm.s32 @p1 $0x1  }
0x15: {  	[smem:$0x3FAB] =	sst s0;
	s0 =	simm.s32 @!p2 $0x0  }
0x16: {  	s3 =	sld [smem:$0x3FDB];
	s0 =	simm.s32 @p2 $0x1  }
0x17: {  	s4 =	simm.s32 $0x1BF5;
	[smem:$0x3FAD] =	sst s0  }
0x18: {  	s0 =	sld [smem:$0x3F90];
	_ =	swait.ge [sflag:s4], $0x0  }
0x19: {  	s7 =	sld [smem:$0x3F91]  }
0x1a: {  	s8 =	sadd.s32 $0xFFFFE003, lr  }
0x1b: {  	s9 =	sadd.s32 $0xFFFFFEF7, lr;
	s5 =	simm.s32 $0xFFFFFFFF;
	p2 =	slt.u32 s8, $0xFFFFF086  }
0x1c: {  	p1 =	slt.u32 s9, $0xF7A;
	s5 =	simm.s32 @!p2 $0x0  }
0x1d: {  	s5 =	simm.s32 @p1 $0x1;
	p0 =	seq.s32 s7, s2  }
0x1e: {  	s7 =	smul.u32 @!p0 $0xF7A, s2;
	p2 =	seq.s32 @!p0 s5, $0x0  }
0x1f: {  	s9 =	smul.u32 $0xF7A, s1;
	s8 =	simm.s32 @!p0 $0x1BF5;
	p2 =	por !p2, p0  }
0x20: {  	[sflag:s8] =	ssyncset.s32 @!p0 $0xFFFFF086;
	s6 =	sadd.s32 @!p0 s3, s7;
	s7 =	simm.s32 @!p0 $0x108  }
0x21: {  	s3 =	sadd.s32 s3, s9;
	s6 =	sadd.s32 @!p0 $0x88, s6;
	s7 =	simm.s32 @p2 $0x1082  }
0x22: {  	[simem:s7], [sflag:s8] =	dma.local @!p0 [hbm:s6], $0xF7A  }
0x23: {  	s9 =	sor.u32 $0xD0000000, s2;
	s6 =	simm.s32 $0x108;
	_ =	swait.ge @!p0 [sflag:s8], $0x0  }
0x24: {  	s3 =	sadd.s32 $0x88, s3;
	s6 =	simm.s32 @!p1 $0x1082;
	[sflag:s4] =	ssyncset.s32 $0xFFFFF086  }
0x25: {  	[simem:s6], [sflag:s4] =	dma.local [hbm:s3], $0xF7A  }
0x26: {  	[smem:$0x3F91] =	sst s1;
	(tag) =	ssettag s2;
	_ =	strace s9  }
0x27: {  	s1 =	sld [smem:$0x3FA1]  }
0x28: {  	s2 =	sld [smem:$0x3FA2]  }
0x29: {  	s4 =	sld [smem:$0x3FA4]  }
0x2a: {  	p0 =	seq.s32 s5, $0x0;
	s5 =	sld [smem:$0x3FA5]  }
0x2b: {  	s6 =	sld [smem:$0x3FA6]  }
0x2c: {  	s7 =	sld [smem:$0x3FA7]  }
0x2d: {  	s3 =	simm.s32 $0x108;
	s8 =	sld [smem:$0x3FA8]  }
0x2e: {  	s3 =	simm.s32 @!p0 $0x1082;
	s9 =	sld [smem:$0x3FA9]  }
0x2f: {  	lr =	sadd.s32 s0, s3;
	s0 =	sld [smem:$0x3FA0]  }
0x30: {  	s3 =	sld [smem:$0x3FA3]  }
0x31: {  	[smem:$0x3FAC] =	sst s10  }
0x32: {  	s10 =	sld [smem:$0x3FAA];
	_ =	sdelay $0x3  }
0x33: {  	p0 =	seq.s32 s10, $0x1;
	s10 =	sld [smem:$0x3FAC];
	_ =	sdelay $0x3  }
0x34: {  	[smem:$0x3FAC] =	sst s10  }
0x35: {  	s10 =	sld [smem:$0x3FAB];
	_ =	sdelay $0x3  }
0x36: {  	p1 =	seq.s32 s10, $0x1;
	s10 =	sld [smem:$0x3FAC];
	_ =	sdelay $0x3  }
0x37: {  	[smem:$0x3FAC] =	sst s10  }
0x38: {  	s10 =	sld [smem:$0x3FAD]  }
0x39: {  	_ = 	snop;
	(pc) =	sbr.ind lr, $3  }
0x3a: {  	_ = 	snop  }
0x3b: {  	_ = 	snop  }
0x3c: {  	p2 =	seq.s32 s10, $0x1;
	s10 =	sld [smem:$0x3FAC]  }
0x3d: {  	_ =	shalt  }
0x3e: {  	_ =	shalt  }
0x3f: {  	_ =	shalt  }
0x40: {  	_ =	shalt  }
0x41: {  	_ =	shalt  }
0x42: {  	_ =	shalt  }
0x43: {  	_ =	shalt  }
0x44: {  	_ =	shalt  }
0x45: {  	_ =	shalt  }
0x46: {  	_ =	shalt  }
0x47: {  	_ =	shalt  }
0x48: {  	_ =	shalt  }
0x49: {  	_ =	shalt  }
0x4a: {  	_ =	shalt  }
0x4b: {  	_ =	shalt  }
0x4c: {  	_ =	shalt  }
0x4d: {  	_ =	shalt  }
0x4e: {  	_ =	shalt  }
0x4f: {  	_ =	shalt  }
0x50: {  	_ =	shalt  }
0x51: {  	_ =	shalt  }
0x52: {  	_ =	shalt  }
0x53: {  	_ =	shalt  }
0x54: {  	_ =	shalt  }
0x55: {  	_ =	shalt  }
0x56: {  	_ =	shalt  }
0x57: {  	_ =	shalt  }
0x58: {  	_ =	shalt  }
0x59: {  	_ =	shalt  }
0x5a: {  	_ =	shalt  }
0x5b: {  	_ =	shalt  }
0x5c: {  	_ =	shalt  }
0x5d: {  	_ =	shalt  }
0x5e: {  	_ =	shalt  }
0x5f: {  	_ =	shalt  }
0x60: {  	_ =	shalt  }
0x61: {  	_ =	shalt  }
0x62: {  	_ =	shalt  }
0x63: {  	_ =	shalt  }
0x64: {  	_ =	shalt  }
0x65: {  	_ =	shalt  }
0x66: {  	_ =	shalt  }
0x67: {  	_ =	shalt  }
0x68: {  	_ =	shalt  }
0x69: {  	_ =	shalt  }
0x6a: {  	_ =	shalt  }
0x6b: {  	_ =	shalt  }
0x6c: {  	_ =	shalt  }
0x6d: {  	_ =	shalt  }
0x6e: {  	_ =	shalt  }
0x6f: {  	_ =	shalt  }
0x70: {  	_ =	shalt  }
0x71: {  	_ =	shalt  }
0x72: {  	_ =	shalt  }
0x73: {  	_ =	shalt  }
0x74: {  	_ =	shalt  }
0x75: {  	_ =	shalt  }
0x76: {  	_ =	shalt  }
0x77: {  	_ =	shalt  }
0x78: {  	_ =	shalt  }
0x79: {  	_ =	shalt  }
0x7a: {  	_ =	shalt  }
0x7b: {  	_ =	shalt  }
0x7c: {  	_ =	shalt  }
0x7d: {  	_ =	shalt  }
0x7e: {  	_ =	shalt  }
0x7f: {  	_ =	shalt  }
0x80: {  	_ =	shalt  }
0x81: {  	_ =	shalt  }
0x82: {  	_ =	shalt  }
0x83: {  	_ =	shalt  }
0x84: {  	_ =	shalt  }
0x85: {  	_ =	shalt  }
0x86: {  	_ =	shalt  }
0x87: {  	_ =	shalt  }
.Lfunc_end0:
.L_simem_size_0:
called_computation_lowered:
.L_overlay_start_0:
0x88: {  	s2 =	sld [smem:$0x3FD9]  }
0x89: {  	s3 =	sld [smem:$0x3FFE];
	_ =	sdelay $0x1  }
0x8a: {  	s1 =	srdreg.scid  }
0x8b: {  	s0 =	sand.u32 $0x1, s1  }
0x8c: {  	s17 =	sshll.u32 s0, $0xA;
	s2 =	sadd.s32 s3, s2  }
0x8d: {  	s2 =	sadd.s32 s2, s17  }
0x8e: {  	[smem:$0x3FB8] =	sst s2  }
0x8f: {  	_ = 	snop  }
0x90: {  	s18 =	sld [smem:$0x3FD0];
	(tm) =	ssettm $0x1  }
0x91: {  	s19 =	sld [smem:$0x3FFB];
	_ =	sdelay $0x3  }
0x92: {  	_ =	strace s19  }
0x93: {  	s2 =	sld [smem:$0x3FFC];
	_ =	sdelay $0x3  }
0x94: {  	_ =	strace s2  }
0x95: {  	s2 =	sld [smem:$0x3FFD];
	_ =	sdelay $0x3  }
0x96: {  	_ =	strace s2  }
0x97: {  	_ =	strace $0x8FFFFFFF  }
0x98: {  	s20 =	sld [smem:$0x3FDB];
	_ =	sdelay $0x1  }
0x99: {  	s4 =	simm.s32 $_scs_section_size  }
0x9a: {  	s5 =	simm.s32 $_size__tile_overlayer_lowered;
	s6 =	simm.s32 $_tile_overlayer_lowered  }
0x9b: {  	s7 =	simm.s32 $0x1BFF;
	s21 =	sshll.u32 s6, $0x1;
	s4 =	sadd.s32 s4, s20  }
0x9c: {  	s22 =	simm.s32 $0x0;
	s5 =	sshll.u32 s5, $0x1;
	s6 =	sadd.s32 s21, s4  }
0x9d: {  	[timem:s22], [sflag:s7] =	dma.local [hbm:s6], s5  }
0x9e: {  	_ =	swait.ge [sflag:s7], s5  }
0x9f: {  	s5 =	ssub.s32 $0x0, s5;
	[sflag:s7] =	ssyncset.done $0x0  }
0xa0: {  	[sflag:s7] =	ssyncadd.s32 s5;
	_ =	sdelay $0x1  }
0xa1: {  	s23 =	simm.s32 $0x1B8B  }
0xa2: {  	_ =	swait.ge [sflag:s23], $0x1  }
0xa3: {  	[sflag:s23] =	ssyncset.done $0x0  }
0xa4: {  	[sflag:s23] =	ssyncadd.s32 $0xFFFFFFFF  }
0xa5: {  	s5 =	sld [smem:$0x0]  }
0xa6: {  	s6 =	sand.u32 $0xFFFFFFFE, s1  }
0xa7: {  	p0 =	sne.s32 s1, s6  }
0xa8: {  	s6 =	sshll.u32 @p0 s6, $0xE  }
0xa9: {  	s6 =	sadd.s32 @p0 $0x11B8D, s6;
	s7 =	sshll.u32 @p0 s5, $0x11  }
0xaa: {  	s6 =	sor.u32 @p0 s7, s6  }
0xab: {  	[sflag:s6] =	ssyncadd.remote.s32 @p0 $0x1;
	_ =	sdelay $0x1  }
0xac: {  	s6 =	simm.s32 @p0 $0x1B8D  }
0xad: {  	_ =	swait.eq @p0 [sflag:s6], $0x1  }
0xae: {  	[sflag:s6] =	ssyncadd.s32 @p0 $0xFFFFFFFF  }
0xaf: {  	s7 =	sshll.u32 @!p0 s1, $0xE  }
0xb0: {  	s7 =	sor.u32 @!p0 $0x4000, s7;
	s6 =	simm.s32 @!p0 $0x1B8D  }
0xb1: {  	s5 =	sshll.u32 @!p0 s5, $0x11;
	s7 =	sadd.s32 @!p0 $0x11B8D, s7;
	_ =	swait.eq @!p0 [sflag:s6], $0x1  }
0xb2: {  	s5 =	sor.u32 @!p0 s5, s7;
	[sflag:s6] =	ssyncadd.s32 @!p0 $0xFFFFFFFF  }
0xb3: {  	s25 =	simm.s32 $0x1B8E;
	s24 =	sld [smem:$0x3FFE];
	[sflag:s5] =	ssyncadd.remote.s32 @!p0 $0x1  }
0xb4: {  	s26 =	simm.s32 $execute0_lowered;
	[smem:$0x3FD2] =	sst s25  }
0xb5: {  	s6 =	sshll.u32 s26, $0x1;
	_ =	strace $0x8000004F;
	[dreg:$0x1] =	wrdreg $0xFFFFFFFF  }
0xb6: {  	s28 =	simm.s32 $_size_execute0_lowered;
	s4 =	sadd.s32 s4, s6;
	[dreg:$0x0] =	wrdreg $0x0  }
0xb7: {  	s6 =	sshll.u32 s28, $0x1;
	[dreg:$0x2] =	wrdreg s4  }
0xb8: {  	[dreg:$0x3] =	wrdreg s6  }
0xb9: {  	[dreg:$0x4] =	wrdreg $0xC0  }
0xba: {  	_ =	task [dreg:s22], $0x5FFFF  }
0xbb: {  	[dreg:$0x1] =	wrdreg $0xFFFFFFFF  }
0xbc: {  	[dreg:$0x0] =	wrdreg $0x60  }
0xbd: {  	[dreg:$0x2] =	wrdreg s18  }
0xbe: {  	[dreg:$0x3] =	wrdreg s24  }
0xbf: {  	[dreg:$0x4] =	wrdreg $0x9  }
0xc0: {  	_ =	task.clear_ibuf [dreg:s22], $0x5FFFF;
	_ =	strace $0x9000004F  }
0xc1: {  	s29 =	simm.s32 $0x9;
	_ =	strace $0x80000051  }
0xc2: {  	_ =	swait.ge [sflag:s29], $0x1  }
0xc3: {  	[sflag:s29] =	ssyncadd.s32 $0xFFFFFFFF  }
0xc4: {  	_ =	strace $0x90000051  }
0xc5: {  	_ =	sfence  }
0xc6: {  	s30 =	sld [smem:$0x0];
	_ =	sdelay $0x2  }
0xc7: {  	s31 =	sshll.u32 s1, $0xD;
	s1 =	sshrl.u32 s1, $0x2  }
0xc8: {  	s4 =	sand.u32 $0x4000, s31;
	s1 =	sadd.s32 s1, s30  }
0xc9: {  	s0 =	sor.u32 s4, s0;
	s1 =	sshll.u32 s1, $0x11  }
0xca: {  	s0 =	sor.u32 s1, s0  }
0xcb: {  	s0 =	sadd.s32 $0x8F2B, s0  }
0xcc: {  	[sflag:s0] =	ssyncadd.remote.s32 $0x1  }
0xcd: {  	_ =	sfence.sel $0xFFFF  }
0xce: {  	[dreg:$0x0] =	wrdreg $0xFFFFFFFF;
	(pc) =	sbr.abs _section_cstart, $3  }
0xcf: {  	[dreg:$0x1] =	wrdreg $0xFFFFFFFF  }
0xd0: {  	_ =	task.clear_ibuf [dreg:s22], $0x2FFFF;
	_ =	strace $0x9FFFFFFF  }
0xd1: {  	(tm) =	ssettm $0x7FFFFFFF  }
tec
execute0_lowered:
.L_overlay_start_1:
0x0: {  	(tag) =	ssettag $0x1  }
0x1: {  	s2 =	rddreg [dreg:$0x0]  }
0x2: {  	s5 =	rddreg [dreg:$0x1]  }
0x3: {  	s0 =	rddreg [dreg:$0x2];
	s4 =	srdreg.scid  }
0x4: {  	s1 =	stileid.u32;
	s3 =	simm.s32 $0x0;
	s12 =	simm.s32 $0xC8  }
0x5: {  	s13 =	simm.s32 $0x200;
	s14 =	simm.s32 $0x6600;
	s7 =	smul.u32 $0x2710, s1  }
0x6: {  	s15 =	simm.s32 $0x1;
	s6 =	sand.u32 $0x1, s4;
	s9 =	smul.u32 $0x27100, s1  }
0x7: {  	s16 =	simm.s32 $0x0;
	[smem:$0x7FF] =	sst s3;
	s8 =	smul.u32 $0x1388, s6  }
0x8: {  	s4 =	sadd.s32 $0x66400, s5;
	s29 =	ssub.s32 $0x2, s6;
	s6 =	smul.u32 $0x13880, s6  }
0x9: {  	_ =	strace $0x80000050;
	s9 =	sadd.s32 s9, s5;
	s10 =	sshrl.u32 s29, $0x1  }
0xa: {  	s7 =	sadd.s32 s8, s7;
	s30 =	ssub.s32 s29, s10;
	s31 =	sadd.s32 s6, s9  }
0xb: {  	s10 =	simm.s32 $0x2;
	s7 =	sshrl.u32 s7, $0x3;
	s6 =	sadd.s32 $0x5CCA00, s31  }
0xc: {  	s11 =	sadd.s32 s7, s5;
	s5 =	smax.u32 s30, $0x1;
	s7 =	sadd.s32 $0x83DA00, s31  }
0xd: {  	s8 =	sadd.s32 $0x574600, s11;
	s9 =	sadd.s32 $0x56F600, s11;
	s11 =	simm.s32 $0x100  }
.LBB2_1:
0xe: {  	s17 =	sadd.s32 $0x0, s9  }
0xf: {  	[tilespmem:s3], [sflag:$0x2] =	stream.linear.gather [hbm4b:s17+s3], $0xC8, $0x38;
	[tilespmem:$0xCA00] =	vst v63  }
0x10: {  	_ =	swait.ge [sflag:s10], $0xC8  }
0x11: {  	[sflag:s10] =	ssyncset.done $0x0  }
0x12: {  	s31 =	sadd.s32 $0x0, s8;
	[sflag:s10] =	ssyncadd.s32 $0xFFFFFF38  }
0x13: {  	[tilespmem:s11], [sflag:$0x2] =	stream.linear.gather [hbm4b:s31+s3], $0xC8, $0x38;
	[tilespmem:$0xCA00] =	vst v63  }
0x14: {  	_ =	swait.ge [sflag:s10], $0xC8  }
0x15: {  	[sflag:s10] =	ssyncset.done $0x0  }
0x16: {  	[sflag:s10] =	ssyncadd.s32 $0xFFFFFF38  }
0x17: {  	[tilespmem:s13], [sflag:$0x1] =	stream.indirect.gather [hbm4b:s2+s12], $0x80, s3, s12, $0xb8;
	[tilespmem:$0xCA00] =	vst v63  }
0x18: {  	_ = 	snop  }
0x19: {  	[tilespmem:s14], [sflag:$0x1] =	stream.indirect.gather [hbm4b:s4+s12], $0x80, s11, s12, $0xb8;
	[tilespmem:$0xCA00] =	vst v63  }
0x1a: {  	_ =	swait.ge [sflag:s15], $0x6400  }
0x1b: {  	[sflag:s15] =	ssyncset.done $0x0  }
0x1c: {  	[sflag:s15] =	ssyncadd.s32 $0xFFFF9C00  }
0x1d: {  	_ =	swait.ge [sflag:s15], $0x6400  }
0x1e: {  	[sflag:s15] =	ssyncset.done $0x0  }
0x1f: {  	[sflag:s15] =	ssyncadd.s32 $0xFFFF9C00  }
0x20: {  	[hbm4b:s6+s3] =	stream.linear.scatter [tilespmem:s13], [sflag:$0x2], $0x6400, $0x38;
	[tilespmem:$0xCA00] =	vst v63  }
0x21: {  	_ =	swait.ge [sflag:s10], $0x6400  }
0x22: {  	[sflag:s10] =	ssyncset.done $0x0  }
0x23: {  	[sflag:s10] =	ssyncadd.s32 $0xFFFF9C00  }
0x24: {  	[hbm4b:s7+s3] =	stream.linear.scatter [tilespmem:s14], [sflag:$0x2], $0x6400, $0x38;
	[tilespmem:$0xCA00] =	vst v63  }
0x25: {  	s19 =	simm.s32 $0x19;
	s20 =	simm.s32 $0x32;
	_ =	swait.ge [sflag:s10], $0x6400  }
0x26: {  	s18 =	sadd.s32 $0xC80, s6;
	s17 =	sadd.s32 $0xC80, s7;
	[sflag:s10] =	ssyncset.done $0x0  }
.LBB2_2:
0x27: {  	s21 =	sadd.s32 s19, s9  }
0x28: {  	[sflag:s10] =	ssyncadd.s32 $0xFFFF9C00;
	s22 =	smov.u32 s20;
	s23 =	sadd.s32 $0x19, s20  }
0x29: {  	[tilespmem:s3], [sflag:$0x2] =	stream.linear.gather [hbm4b:s21+s3], $0xC8, $0x38;
	[tilespmem:$0xCA00] =	vst v63  }
0x2a: {  	p0 =	sne.s32 s20, $0x258;
	_ =	swait.ge [sflag:s10], $0xC8  }
0x2b: {  	[sflag:s10] =	ssyncset.done $0x0  }
0x2c: {  	s20 =	sadd.s32 s19, s8;
	s19 =	smov.u32 s22;
	[sflag:s10] =	ssyncadd.s32 $0xFFFFFF38  }
0x2d: {  	[tilespmem:s11], [sflag:$0x2] =	stream.linear.gather [hbm4b:s20+s3], $0xC8, $0x38;
	[tilespmem:$0xCA00] =	vst v63  }
0x2e: {  	_ =	swait.ge [sflag:s10], $0xC8  }
0x2f: {  	[sflag:s10] =	ssyncset.done $0x0  }
0x30: {  	[sflag:s10] =	ssyncadd.s32 $0xFFFFFF38  }
0x31: {  	[tilespmem:s13], [sflag:$0x1] =	stream.indirect.gather [hbm4b:s2+s12], $0x80, s3, s12, $0xb8;
	[tilespmem:$0xCA00] =	vst v63  }
0x32: {  	_ = 	snop  }
0x33: {  	[tilespmem:s14], [sflag:$0x1] =	stream.indirect.gather [hbm4b:s4+s12], $0x80, s11, s12, $0xb8;
	[tilespmem:$0xCA00] =	vst v63  }
0x34: {  	_ =	swait.ge [sflag:s15], $0x6400  }
0x35: {  	[sflag:s15] =	ssyncset.done $0x0  }
0x36: {  	[sflag:s15] =	ssyncadd.s32 $0xFFFF9C00  }
0x37: {  	_ =	swait.ge [sflag:s15], $0x6400  }
0x38: {  	[sflag:s15] =	ssyncset.done $0x0  }
0x39: {  	[sflag:s15] =	ssyncadd.s32 $0xFFFF9C00  }
0x3a: {  	[hbm4b:s18+s3] =	stream.linear.scatter [tilespmem:s13], [sflag:$0x2], $0x6400, $0x38;
	[tilespmem:$0xCA00] =	vst v63  }
0x3b: {  	_ =	swait.ge [sflag:s10], $0x6400  }
.Ltmp0:
0x3c: {  	[sflag:s10] =	ssyncset.done $0x0;
	(pc) =	sbr.rel @p0 .LBB2_2-.Ltmp0, $4  }
0x3d: {  	[sflag:s10] =	ssyncadd.s32 $0xFFFF9C00  }
0x3e: {  	[hbm4b:s17+s3] =	stream.linear.scatter [tilespmem:s14], [sflag:$0x2], $0x6400, $0x38;
	[tilespmem:$0xCA00] =	vst v63  }
0x3f: {  	s20 =	smov.u32 s23;
	_ =	swait.ge [sflag:s10], $0x6400  }
0x40: {  	s18 =	sadd.s32 $0xC80, s18;
	s17 =	sadd.s32 $0xC80, s17;
	[sflag:s10] =	ssyncset.done $0x0  }
0x41: {  	s20 =	sadd.s32 s19, s9;
	[sflag:s10] =	ssyncadd.s32 $0xFFFF9C00  }
0x42: {  	[tilespmem:s3], [sflag:$0x2] =	stream.linear.gather [hbm4b:s20+s3], $0xC8, $0x38;
	[tilespmem:$0xCA00] =	vst v63  }
0x43: {  	_ =	swait.ge [sflag:s10], $0xC8  }
0x44: {  	[sflag:s10] =	ssyncset.done $0x0  }
0x45: {  	s31 =	sadd.s32 s19, s8;
	[sflag:s10] =	ssyncadd.s32 $0xFFFFFF38  }
0x46: {  	[tilespmem:s11], [sflag:$0x2] =	stream.linear.gather [hbm4b:s31+s3], $0xC8, $0x38;
	[tilespmem:$0xCA00] =	vst v63  }
0x47: {  	_ =	swait.ge [sflag:s10], $0xC8  }
0x48: {  	[sflag:s10] =	ssyncset.done $0x0  }
0x49: {  	[sflag:s10] =	ssyncadd.s32 $0xFFFFFF38  }
0x4a: {  	[tilespmem:s13], [sflag:$0x1] =	stream.indirect.gather [hbm4b:s2+s12], $0x80, s3, s12, $0xb8;
	[tilespmem:$0xCA00] =	vst v63  }
0x4b: {  	_ = 	snop  }
0x4c: {  	[tilespmem:s14], [sflag:$0x1] =	stream.indirect.gather [hbm4b:s4+s12], $0x80, s11, s12, $0xb8;
	[tilespmem:$0xCA00] =	vst v63  }
0x4d: {  	_ =	swait.ge [sflag:s15], $0x6400  }
0x4e: {  	[sflag:s15] =	ssyncset.done $0x0  }
0x4f: {  	[sflag:s15] =	ssyncadd.s32 $0xFFFF9C00  }
0x50: {  	_ =	swait.ge [sflag:s15], $0x6400  }
0x51: {  	[sflag:s15] =	ssyncset.done $0x0  }
0x52: {  	[sflag:s15] =	ssyncadd.s32 $0xFFFF9C00  }
0x53: {  	[hbm4b:s18+s3] =	stream.linear.scatter [tilespmem:s13], [sflag:$0x2], $0x6400, $0x38;
	[tilespmem:$0xCA00] =	vst v63  }
0x54: {  	s16 =	sadd.s32 $0x1, s16;
	_ =	swait.ge [sflag:s10], $0x6400  }
0x55: {  	p0 =	sne.s32 s16, s5;
	[sflag:s10] =	ssyncset.done $0x0  }
.Ltmp1:
0x56: {  	[sflag:s10] =	ssyncadd.s32 $0xFFFF9C00;
	(pc) =	sbr.rel @p0 .LBB2_1-.Ltmp1, $4  }
0x57: {  	[hbm4b:s17+s3] =	stream.linear.scatter [tilespmem:s14], [sflag:$0x2], $0x6400, $0x38;
	[tilespmem:$0xCA00] =	vst v63  }
0x58: {  	_ =	swait.ge [sflag:s10], $0x6400  }
0x59: {  	[sflag:s10] =	ssyncset.done $0x0  }
0x5a: {  	[sflag:s10] =	ssyncadd.s32 $0xFFFF9C00  }
0x5b: {  	_ =	sfence.sel $0x180000  }
0x5c: {  	[bflag:$0x0] =	sbarrier.arrive $0xFFFF  }
0x5d: {  	p0 =	sne.s32 s1, $0x0;
	_ =	strace $0x90000050  }
0x5e: {  	s0 =	sadd.s32 @!p0 $0x100000, s0;
	[bflag:$0x2] =	sbarrier.arrive $0xFFFF  }
0x5f: {  	[sflag:s0] =	ssyncadd.tile.s32 @!p0 $0x1;
	_ =	shalt  }
.Lfunc_end2:
_tile_overlayer_lowered:
.L_overlay_start_2:
0x60: {  	(tag) =	ssettag $0x2  }
0x61: {  	s0 =	rddreg [dreg:$0x0];
	s2 =	stileid.u32  }
0x62: {  	s1 =	rddreg [dreg:$0x1];
	p0 =	sne.s32 s2, $0x0  }
0x63: {  	s3 =	rddreg [dreg:$0x2];
	[bflag:$0x3] =	sbarrier.arrive $0xFFFF;
	s2 =	simm.s32 @!p0 $0x1C02  }
0x64: {  	[timem:s3], [sflag:s2] =	dma.local @!p0 [hbm:s0], s1  }
0x65: {  	s0 =	simm.s32 @!p0 $0x2  }
0x66: {  	_ =	swait.ge @!p0 [sflag:s0], s1  }
0x67: {  	s1 =	ssub.s32 @!p0 $0x0, s1;
	[sflag:s0] =	ssyncset.done @!p0 $0x0  }
0x68: {  	[sflag:s0] =	ssyncadd.s32 @!p0 s1  }
0x69: {  	[bflag:$0x3] =	sbarrier.arrive $0xFFFF  }
0x6a: {  	_ =	shalt  }

// kernel: kernel.15.cloned.1.call-start
scs
__scs_entry_jumppad:
0x0: {  	(pc) =	sbr.rel $0x88, $3  }
0x1: {  	(tag) =	ssettag $0x0;
	lr =	simm.s32 $0x1  }
0x2: {  	[smem:$0x3F91] =	sst lr;
	_ =	strace $0xD0000000  }
0x3: {  	_ = 	snop  }
0x4: {  	_ = 	snop  }
0x5: {  	_ = 	snop  }
0x6: {  	_ = 	snop  }
0x7: {  	_ = 	snop  }
__scs_overlays_trampoline_lowered:
0x8: {  	[smem:$0x3FA0] =	sst s0  }
0x9: {  	[smem:$0x3FA1] =	sst s1  }
0xa: {  	[smem:$0x3FA2] =	sst s2  }
0xb: {  	[smem:$0x3FA3] =	sst s3  }
0xc: {  	[smem:$0x3FA4] =	sst s4  }
0xd: {  	[smem:$0x3FA5] =	sst s5  }
0xe: {  	[smem:$0x3FA6] =	sst s6  }
0xf: {  	[smem:$0x3FA7] =	sst s7  }
0x10: {  	[smem:$0x3FA8] =	sst s8  }
0x11: {  	[smem:$0x3FA9] =	sst s9;
	s0 =	simm.s32 @!p0 $0x0  }
0x12: {  	s1 =	sld [smem:$0x3F8F];
	s0 =	simm.s32 @p0 $0x1  }
0x13: {  	[smem:$0x3FAA] =	sst s0;
	s0 =	simm.s32 @!p1 $0x0  }
0x14: {  	s2 =	sld [smem:$0x3F8E];
	s0 =	simm.s32 @p1 $0x1  }
0x15: {  	[smem:$0x3FAB] =	sst s0;
	s0 =	simm.s32 @!p2 $0x0  }
0x16: {  	s3 =	sld [smem:$0x3FDB];
	s0 =	simm.s32 @p2 $0x1  }
0x17: {  	s4 =	simm.s32 $0x1BF5;
	[smem:$0x3FAD] =	sst s0  }
0x18: {  	s0 =	sld [smem:$0x3F90];
	_ =	swait.ge [sflag:s4], $0x0  }
0x19: {  	s7 =	sld [smem:$0x3F91]  }
0x1a: {  	s8 =	sadd.s32 $0xFFFFE003, lr  }
0x1b: {  	s9 =	sadd.s32 $0xFFFFFEF7, lr;
	s5 =	simm.s32 $0xFFFFFFFF;
	p2 =	slt.u32 s8, $0xFFFFF086  }
0x1c: {  	p1 =	slt.u32 s9, $0xF7A;
	s5 =	simm.s32 @!p2 $0x0  }
0x1d: {  	s5 =	simm.s32 @p1 $0x1;
	p0 =	seq.s32 s7, s2  }
0x1e: {  	s7 =	smul.u32 @!p0 $0xF7A, s2;
	p2 =	seq.s32 @!p0 s5, $0x0  }
0x1f: {  	s9 =	smul.u32 $0xF7A, s1;
	s8 =	simm.s32 @!p0 $0x1BF5;
	p2 =	por !p2, p0  }
0x20: {  	[sflag:s8] =	ssyncset.s32 @!p0 $0xFFFFF086;
	s6 =	sadd.s32 @!p0 s3, s7;
	s7 =	simm.s32 @!p0 $0x108  }
0x21: {  	s3 =	sadd.s32 s3, s9;
	s6 =	sadd.s32 @!p0 $0x88, s6;
	s7 =	simm.s32 @p2 $0x1082  }
0x22: {  	[simem:s7], [sflag:s8] =	dma.local @!p0 [hbm:s6], $0xF7A  }
0x23: {  	s9 =	sor.u32 $0xD0000000, s2;
	s6 =	simm.s32 $0x108;
	_ =	swait.ge @!p0 [sflag:s8], $0x0  }
0x24: {  	s3 =	sadd.s32 $0x88, s3;
	s6 =	simm.s32 @!p1 $0x1082;
	[sflag:s4] =	ssyncset.s32 $0xFFFFF086  }
0x25: {  	[simem:s6], [sflag:s4] =	dma.local [hbm:s3], $0xF7A  }
0x26: {  	[smem:$0x3F91] =	sst s1;
	(tag) =	ssettag s2;
	_ =	strace s9  }
0x27: {  	s1 =	sld [smem:$0x3FA1]  }
0x28: {  	s2 =	sld [smem:$0x3FA2]  }
0x29: {  	s4 =	sld [smem:$0x3FA4]  }
0x2a: {  	p0 =	seq.s32 s5, $0x0;
	s5 =	sld [smem:$0x3FA5]  }
0x2b: {  	s6 =	sld [smem:$0x3FA6]  }
0x2c: {  	s7 =	sld [smem:$0x3FA7]  }
0x2d: {  	s3 =	simm.s32 $0x108;
	s8 =	sld [smem:$0x3FA8]  }
0x2e: {  	s3 =	simm.s32 @!p0 $0x1082;
	s9 =	sld [smem:$0x3FA9]  }
0x2f: {  	lr =	sadd.s32 s0, s3;
	s0 =	sld [smem:$0x3FA0]  }
0x30: {  	s3 =	sld [smem:$0x3FA3]  }
0x31: {  	[smem:$0x3FAC] =	sst s10  }
0x32: {  	s10 =	sld [smem:$0x3FAA];
	_ =	sdelay $0x3  }
0x33: {  	p0 =	seq.s32 s10, $0x1;
	s10 =	sld [smem:$0x3FAC];
	_ =	sdelay $0x3  }
0x34: {  	[smem:$0x3FAC] =	sst s10  }
0x35: {  	s10 =	sld [smem:$0x3FAB];
	_ =	sdelay $0x3  }
0x36: {  	p1 =	seq.s32 s10, $0x1;
	s10 =	sld [smem:$0x3FAC];
	_ =	sdelay $0x3  }
0x37: {  	[smem:$0x3FAC] =	sst s10  }
0x38: {  	s10 =	sld [smem:$0x3FAD]  }
0x39: {  	_ = 	snop;
	(pc) =	sbr.ind lr, $3  }
0x3a: {  	_ = 	snop  }
0x3b: {  	_ = 	snop  }
0x3c: {  	p2 =	seq.s32 s10, $0x1;
	s10 =	sld [smem:$0x3FAC]  }
0x3d: {  	_ =	shalt  }
0x3e: {  	_ =	shalt  }
0x3f: {  	_ =	shalt  }
0x40: {  	_ =	shalt  }
0x41: {  	_ =	shalt  }
0x42: {  	_ =	shalt  }
0x43: {  	_ =	shalt  }
0x44: {  	_ =	shalt  }
0x45: {  	_ =	shalt  }
0x46: {  	_ =	shalt  }
0x47: {  	_ =	shalt  }
0x48: {  	_ =	shalt  }
0x49: {  	_ =	shalt  }
0x4a: {  	_ =	shalt  }
0x4b: {  	_ =	shalt  }
0x4c: {  	_ =	shalt  }
0x4d: {  	_ =	shalt  }
0x4e: {  	_ =	shalt  }
0x4f: {  	_ =	shalt  }
0x50: {  	_ =	shalt  }
0x51: {  	_ =	shalt  }
0x52: {  	_ =	shalt  }
0x53: {  	_ =	shalt  }
0x54: {  	_ =	shalt  }
0x55: {  	_ =	shalt  }
0x56: {  	_ =	shalt  }
0x57: {  	_ =	shalt  }
0x58: {  	_ =	shalt  }
0x59: {  	_ =	shalt  }
0x5a: {  	_ =	shalt  }
0x5b: {  	_ =	shalt  }
0x5c: {  	_ =	shalt  }
0x5d: {  	_ =	shalt  }
0x5e: {  	_ =	shalt  }
0x5f: {  	_ =	shalt  }
0x60: {  	_ =	shalt  }
0x61: {  	_ =	shalt  }
0x62: {  	_ =	shalt  }
0x63: {  	_ =	shalt  }
0x64: {  	_ =	shalt  }
0x65: {  	_ =	shalt  }
0x66: {  	_ =	shalt  }
0x67: {  	_ =	shalt  }
0x68: {  	_ =	shalt  }
0x69: {  	_ =	shalt  }
0x6a: {  	_ =	shalt  }
0x6b: {  	_ =	shalt  }
0x6c: {  	_ =	shalt  }
0x6d: {  	_ =	shalt  }
0x6e: {  	_ =	shalt  }
0x6f: {  	_ =	shalt  }
0x70: {  	_ =	shalt  }
0x71: {  	_ =	shalt  }
0x72: {  	_ =	shalt  }
0x73: {  	_ =	shalt  }
0x74: {  	_ =	shalt  }
0x75: {  	_ =	shalt  }
0x76: {  	_ =	shalt  }
0x77: {  	_ =	shalt  }
0x78: {  	_ =	shalt  }
0x79: {  	_ =	shalt  }
0x7a: {  	_ =	shalt  }
0x7b: {  	_ =	shalt  }
0x7c: {  	_ =	shalt  }
0x7d: {  	_ =	shalt  }
0x7e: {  	_ =	shalt  }
0x7f: {  	_ =	shalt  }
0x80: {  	_ =	shalt  }
0x81: {  	_ =	shalt  }
0x82: {  	_ =	shalt  }
0x83: {  	_ =	shalt  }
0x84: {  	_ =	shalt  }
0x85: {  	_ =	shalt  }
0x86: {  	_ =	shalt  }
0x87: {  	_ =	shalt  }
.Lfunc_end0:
.L_simem_size_0:
called_computation.1_lowered:
.L_overlay_start_0:
0x88: {  	s2 =	sld [smem:$0x3FD9]  }
0x89: {  	s3 =	sld [smem:$0x3FFE];
	_ =	sdelay $0x1  }
0x8a: {  	s1 =	srdreg.scid  }
0x8b: {  	s0 =	sand.u32 $0x1, s1  }
0x8c: {  	s17 =	sshll.u32 s0, $0xA;
	s2 =	sadd.s32 s3, s2  }
0x8d: {  	s2 =	sadd.s32 s2, s17  }
0x8e: {  	[smem:$0x3FB8] =	sst s2  }
0x8f: {  	_ = 	snop  }
0x90: {  	(tm) =	ssettm $0x1  }
0x91: {  	s18 =	sld [smem:$0x3FFB];
	_ =	sdelay $0x3  }
0x92: {  	_ =	strace s18  }
0x93: {  	s2 =	sld [smem:$0x3FFC];
	_ =	sdelay $0x3  }
0x94: {  	_ =	strace s2  }
0x95: {  	s2 =	sld [smem:$0x3FFD];
	_ =	sdelay $0x3  }
0x96: {  	_ =	strace s2  }
0x97: {  	_ =	strace $0x8FFFFFFF  }
0x98: {  	s19 =	sld [smem:$0x3FDB];
	_ =	sdelay $0x1  }
0x99: {  	s20 =	simm.s32 $_scs_section_size  }
0x9a: {  	s4 =	simm.s32 $_size__tile_overlayer_lowered;
	s5 =	simm.s32 $_tile_overlayer_lowered  }
0x9b: {  	s6 =	simm.s32 $0x1BFF;
	s21 =	sshll.u32 s5, $0x1;
	s3 =	sadd.s32 s20, s19  }
0x9c: {  	s22 =	simm.s32 $0x0;
	s4 =	sshll.u32 s4, $0x1;
	s5 =	sadd.s32 s21, s3  }
0x9d: {  	[timem:s22], [sflag:s6] =	dma.local [hbm:s5], s4  }
0x9e: {  	_ =	swait.ge [sflag:s6], s4  }
0x9f: {  	s4 =	ssub.s32 $0x0, s4;
	[sflag:s6] =	ssyncset.done $0x0  }
0xa0: {  	[sflag:s6] =	ssyncadd.s32 s4;
	_ =	sdelay $0x1  }
0xa1: {  	s23 =	simm.s32 $0x1B8B  }
0xa2: {  	_ =	swait.ge [sflag:s23], $0x1  }
0xa3: {  	[sflag:s23] =	ssyncset.done $0x0  }
0xa4: {  	[sflag:s23] =	ssyncadd.s32 $0xFFFFFFFF  }
0xa5: {  	s4 =	sld [smem:$0x0]  }
0xa6: {  	s5 =	sand.u32 $0xFFFFFFFE, s1  }
0xa7: {  	p0 =	sne.s32 s1, s5  }
0xa8: {  	s5 =	sshll.u32 @p0 s5, $0xE  }
0xa9: {  	s5 =	sadd.s32 @p0 $0x11B8D, s5;
	s6 =	sshll.u32 @p0 s4, $0x11  }
0xaa: {  	s5 =	sor.u32 @p0 s6, s5  }
0xab: {  	[sflag:s5] =	ssyncadd.remote.s32 @p0 $0x1;
	_ =	sdelay $0x1  }
0xac: {  	s5 =	simm.s32 @p0 $0x1B8D  }
0xad: {  	_ =	swait.eq @p0 [sflag:s5], $0x1  }
0xae: {  	[sflag:s5] =	ssyncadd.s32 @p0 $0xFFFFFFFF  }
0xaf: {  	s6 =	sshll.u32 @!p0 s1, $0xE  }
0xb0: {  	s6 =	sor.u32 @!p0 $0x4000, s6;
	s5 =	simm.s32 @!p0 $0x1B8D  }
0xb1: {  	s4 =	sshll.u32 @!p0 s4, $0x11;
	s6 =	sadd.s32 @!p0 $0x11B8D, s6;
	_ =	swait.eq @!p0 [sflag:s5], $0x1  }
0xb2: {  	s4 =	sor.u32 @!p0 s4, s6;
	[sflag:s5] =	ssyncadd.s32 @!p0 $0xFFFFFFFF  }
0xb3: {  	s25 =	simm.s32 $0x1B8E;
	s24 =	sld [smem:$0x3FFE];
	[sflag:s4] =	ssyncadd.remote.s32 @!p0 $0x1  }
0xb4: {  	s26 =	simm.s32 $execute0_lowered;
	[smem:$0x3FD2] =	sst s25  }
0xb5: {  	s5 =	sshll.u32 s26, $0x1;
	_ =	strace $0x8000004C;
	[dreg:$0x1] =	wrdreg $0xFFFFFFFF  }
0xb6: {  	s28 =	simm.s32 $_size_execute0_lowered;
	s3 =	sadd.s32 s3, s5;
	[dreg:$0x0] =	wrdreg $0x0  }
0xb7: {  	s5 =	sshll.u32 s28, $0x1;
	[dreg:$0x2] =	wrdreg s3  }
0xb8: {  	[dreg:$0x3] =	wrdreg s5  }
0xb9: {  	[dreg:$0x4] =	wrdreg $0xC0  }
0xba: {  	_ =	task [dreg:s22], $0x5FFFF  }
0xbb: {  	[dreg:$0x1] =	wrdreg $0xFFFFFFFF  }
0xbc: {  	[dreg:$0x0] =	wrdreg $0x60  }
0xbd: {  	[dreg:$0x2] =	wrdreg s24  }
0xbe: {  	[dreg:$0x3] =	wrdreg $0x14500  }
0xbf: {  	[dreg:$0x4] =	wrdreg $0xA  }
0xc0: {  	_ =	task.clear_ibuf [dreg:s22], $0x5FFFF;
	_ =	strace $0x9000004C  }
0xc1: {  	s29 =	simm.s32 $0xA;
	_ =	strace $0x8000004E  }
0xc2: {  	_ =	swait.ge [sflag:s29], $0x1  }
0xc3: {  	[sflag:s29] =	ssyncadd.s32 $0xFFFFFFFF  }
0xc4: {  	_ =	strace $0x9000004E  }
0xc5: {  	_ =	sfence  }
0xc6: {  	s30 =	sld [smem:$0x0];
	_ =	sdelay $0x2  }
0xc7: {  	s31 =	sshll.u32 s1, $0xD;
	s1 =	sshrl.u32 s1, $0x2  }
0xc8: {  	s4 =	sand.u32 $0x4000, s31;
	s1 =	sadd.s32 s1, s30  }
0xc9: {  	s0 =	sor.u32 s4, s0;
	s1 =	sshll.u32 s1, $0x11  }
0xca: {  	s0 =	sor.u32 s1, s0  }
0xcb: {  	s0 =	sadd.s32 $0x8F2B, s0  }
0xcc: {  	[sflag:s0] =	ssyncadd.remote.s32 $0x1  }
0xcd: {  	_ =	sfence.sel $0xFFFF  }
0xce: {  	[dreg:$0x0] =	wrdreg $0xFFFFFFFF;
	(pc) =	sbr.abs _section_cstart, $3  }
0xcf: {  	[dreg:$0x1] =	wrdreg $0xFFFFFFFF  }
0xd0: {  	_ =	task.clear_ibuf [dreg:s22], $0x2FFFF;
	_ =	strace $0x9FFFFFFF  }
0xd1: {  	(tm) =	ssettm $0x7FFFFFFF  }
tec
execute0_lowered:
.L_overlay_start_1:
0x0: {  	(tag) =	ssettag $0x1  }
0x1: {  	s1 =	srdreg.scid;
	s7 =	rddreg [dreg:$0x0]  }
0x2: {  	s0 =	stileid.u32;
	s2 =	rddreg [dreg:$0x1]  }
0x3: {  	s3 =	simm.s32 $0x0;
	s13 =	simm.s32 $0xE10;
	s14 =	simm.s32 $0x2  }
0x4: {  	s17 =	simm.s32 $0xC8;
	s18 =	simm.s32 $0x190;
	s19 =	simm.s32 $0x7D0  }
0x5: {  	s20 =	simm.s32 $0x1;
	s21 =	simm.s32 $0x0;
	s4 =	smul.u32 $0x2710, s0  }
0x6: {  	s8 =	sand.u32 $0x1, s1;
	s1 =	rddreg [dreg:$0x2];
	s9 =	smul.u32 $0x13C0, s0  }
0x7: {  	[smem:$0x7FF] =	sst s3;
	s15 =	sshll.u32 s0, $0x6;
	s5 =	smul.u32 $0x1388, s8  }
0x8: {  	s6 =	smul.u32 $0x13C00, s8;
	_ =	strace $0x8000004D;
	s8 =	ssub.s32 $0x2, s8  }
0x9: {  	s15 =	sor.u32 $0x1C02, s15;
	s31 =	sshrl.u32 s8, $0x1;
	s16 =	sadd.s32 s9, s2  }
0xa: {  	s10 =	sadd.s32 s5, s4;
	s4 =	sadd.s32 $0x10200, s7;
	s11 =	sadd.s32 s9, s6  }
0xb: {  	s6 =	sadd.s32 $0x12E00, s7;
	s8 =	ssub.s32 s8, s31;
	s5 =	sshrl.u32 s10, $0x3  }
0xc: {  	s11 =	sshrl.u32 s11, $0x3;
	s10 =	sadd.s32 s10, s7;
	s12 =	sadd.s32 s5, s7  }
0xd: {  	s5 =	sadd.s32 $0x12A00, s7;
	s7 =	sadd.s32 s11, s7;
	s9 =	sadd.s32 $0x579600, s10  }
0xe: {  	s16 =	sshrl.u32 s16, $0x3;
	s10 =	sadd.s32 $0x5A0800, s10;
	s7 =	sadd.s32 $0x5C7A00, s7  }
0xf: {  	s8 =	smax.u32 s8, $0x1;
	s11 =	sadd.s32 $0x574600, s12;
	s12 =	sadd.s32 $0x56F600, s12  }
.LBB2_1:
0x10: {  	[tilespmem:s13], [sflag:$0x2] =	stream.linear.gather [hbm4b:s6+s3], $0x640, $0x38;
	[tilespmem:$0x2810] =	vst v63  }
0x11: {  	_ =	swait.ge [sflag:s14], $0x640  }
0x12: {  	[sflag:s14] =	ssyncset.done $0x0  }
0x13: {  	[sflag:s14] =	ssyncadd.s32 $0xFFFFF9C0  }
0x14: {  	[spmem:s16], [sflag:s15] =	dma.local [hbm:s5], $0x278  }
0x15: {  	_ =	swait.ge [sflag:s14], $0x278  }
0x16: {  	[sflag:s14] =	ssyncset.done $0x0  }
0x17: {  	[sflag:s14] =	ssyncadd.s32 $0xFFFFFD88  }
0x18: {  	s22 =	sadd.s32 $0x0, s12;
	[bflag:$0x0] =	sbarrier.arrive $0xFFFF  }
0x19: {  	[tilespmem:s3], [sflag:$0x2] =	stream.linear.gather [hbm4b:s22+s3], $0xC8, $0x38;
	[tilespmem:$0x2810] =	vst v63  }
0x1a: {  	_ =	swait.ge [sflag:s14], $0xC8  }
0x1b: {  	[sflag:s14] =	ssyncset.done $0x0  }
0x1c: {  	s31 =	sadd.s32 $0x0, s11;
	[sflag:s14] =	ssyncadd.s32 $0xFFFFFF38  }
0x1d: {  	[tilespmem:s17], [sflag:$0x2] =	stream.linear.gather [hbm4b:s31+s3], $0xC8, $0x38;
	[tilespmem:$0x2810] =	vst v63  }
0x1e: {  	_ =	swait.ge [sflag:s14], $0xC8  }
0x1f: {  	[sflag:s14] =	ssyncset.done $0x0  }
0x20: {  	[sflag:s14] =	ssyncadd.s32 $0xFFFFFF38  }
0x21: {  	[tilespmem:s18], [sflag:$0x1] =	stream.indirect.gather [hbm4b:s4+s17], $0x8, s3, s17, $0xb8;
	[tilespmem:$0x2810] =	vst v63  }
0x22: {  	_ = 	snop  }
0x23: {  	[tilespmem:s19], [sflag:$0x1] =	stream.indirect.gather [hbm4b:s4+s17], $0x8, s17, s17, $0xb8;
	[tilespmem:$0x2810] =	vst v63  }
0x24: {  	_ =	swait.ge [sflag:s20], $0x640  }
0x25: {  	[sflag:s20] =	ssyncset.done $0x0  }
0x26: {  	[sflag:s20] =	ssyncadd.s32 $0xFFFFF9C0  }
0x27: {  	_ =	swait.ge [sflag:s20], $0x640  }
0x28: {  	[sflag:s20] =	ssyncset.done $0x0  }
0x29: {  	[sflag:s20] =	ssyncadd.s32 $0xFFFFF9C0  }
0x2a: {  	[hbm4b:s10+s3] =	stream.linear.scatter [tilespmem:s18], [sflag:$0x2], $0x640, $0x38;
	[tilespmem:$0x2810] =	vst v63  }
0x2b: {  	_ =	swait.ge [sflag:s14], $0x640  }
0x2c: {  	[sflag:s14] =	ssyncset.done $0x0  }
0x2d: {  	[sflag:s14] =	ssyncadd.s32 $0xFFFFF9C0  }
0x2e: {  	[hbm4b:s9+s3] =	stream.linear.scatter [tilespmem:s19], [sflag:$0x2], $0x640, $0x38;
	[tilespmem:$0x2810] =	vst v63  }
0x2f: {  	_ =	swait.ge [sflag:s14], $0x640  }
0x30: {  	[sflag:s14] =	ssyncset.done $0x0  }
0x31: {  	[sflag:s14] =	ssyncadd.s32 $0xFFFFF9C0  }
0x32: {  	[spmem:s2] =	stream.indirect.scatter.add.f32 [tilespmem:s13], [sflag:$0x2], $0x8, s17, s17, $0xb8;
	[tilespmem:$0x2810] =	vst v63  }
0x33: {  	s24 =	simm.s32 $0x19;
	s25 =	simm.s32 $0x32;
	_ =	swait.ge [sflag:s14], $0x640  }
0x34: {  	s23 =	sadd.s32 $0xC8, s10;
	s22 =	sadd.s32 $0xC8, s9;
	[sflag:s14] =	ssyncset.done $0x0  }
.LBB2_2:
0x35: {  	s26 =	sadd.s32 s24, s12  }
0x36: {  	[sflag:s14] =	ssyncadd.s32 $0xFFFFF9C0;
	s28 =	smov.u32 s25;
	s29 =	sadd.s32 $0x19, s25  }
0x37: {  	[tilespmem:s3], [sflag:$0x2] =	stream.linear.gather [hbm4b:s26+s3], $0xC8, $0x38;
	[tilespmem:$0x2810] =	vst v63  }
0x38: {  	p0 =	sne.s32 s25, $0x258;
	_ =	swait.ge [sflag:s14], $0xC8  }
0x39: {  	[sflag:s14] =	ssyncset.done $0x0  }
0x3a: {  	s25 =	sadd.s32 s24, s11;
	s24 =	smov.u32 s28;
	[sflag:s14] =	ssyncadd.s32 $0xFFFFFF38  }
0x3b: {  	[tilespmem:s17], [sflag:$0x2] =	stream.linear.gather [hbm4b:s25+s3], $0xC8, $0x38;
	[tilespmem:$0x2810] =	vst v63  }
0x3c: {  	_ =	swait.ge [sflag:s14], $0xC8  }
0x3d: {  	[sflag:s14] =	ssyncset.done $0x0  }
0x3e: {  	[sflag:s14] =	ssyncadd.s32 $0xFFFFFF38  }
0x3f: {  	[tilespmem:s18], [sflag:$0x1] =	stream.indirect.gather [hbm4b:s4+s17], $0x8, s3, s17, $0xb8;
	[tilespmem:$0x2810] =	vst v63  }
0x40: {  	_ = 	snop  }
0x41: {  	[tilespmem:s19], [sflag:$0x1] =	stream.indirect.gather [hbm4b:s4+s17], $0x8, s17, s17, $0xb8;
	[tilespmem:$0x2810] =	vst v63  }
0x42: {  	_ =	swait.ge [sflag:s20], $0x640  }
0x43: {  	[sflag:s20] =	ssyncset.done $0x0  }
0x44: {  	[sflag:s20] =	ssyncadd.s32 $0xFFFFF9C0  }
0x45: {  	_ =	swait.ge [sflag:s20], $0x640  }
0x46: {  	[sflag:s20] =	ssyncset.done $0x0  }
0x47: {  	[sflag:s20] =	ssyncadd.s32 $0xFFFFF9C0  }
0x48: {  	[hbm4b:s23+s3] =	stream.linear.scatter [tilespmem:s18], [sflag:$0x2], $0x640, $0x38;
	[tilespmem:$0x2810] =	vst v63  }
0x49: {  	_ =	swait.ge [sflag:s14], $0x640  }
0x4a: {  	[sflag:s14] =	ssyncset.done $0x0  }
0x4b: {  	[sflag:s14] =	ssyncadd.s32 $0xFFFFF9C0  }
0x4c: {  	[hbm4b:s22+s3] =	stream.linear.scatter [tilespmem:s19], [sflag:$0x2], $0x640, $0x38;
	[tilespmem:$0x2810] =	vst v63  }
0x4d: {  	_ =	swait.ge [sflag:s14], $0x640  }
.Ltmp0:
0x4e: {  	[sflag:s14] =	ssyncset.done $0x0;
	(pc) =	sbr.rel @p0 .LBB2_2-.Ltmp0, $4  }
0x4f: {  	[sflag:s14] =	ssyncadd.s32 $0xFFFFF9C0  }
0x50: {  	[spmem:s2] =	stream.indirect.scatter.add.f32 [tilespmem:s13], [sflag:$0x2], $0x8, s17, s17, $0xb8;
	[tilespmem:$0x2810] =	vst v63  }
0x51: {  	s25 =	smov.u32 s29;
	_ =	swait.ge [sflag:s14], $0x640  }
0x52: {  	s23 =	sadd.s32 $0xC8, s23;
	s22 =	sadd.s32 $0xC8, s22;
	[sflag:s14] =	ssyncset.done $0x0  }
0x53: {  	s25 =	sadd.s32 s24, s12;
	[sflag:s14] =	ssyncadd.s32 $0xFFFFF9C0  }
0x54: {  	[tilespmem:s3], [sflag:$0x2] =	stream.linear.gather [hbm4b:s25+s3], $0xC8, $0x38;
	[tilespmem:$0x2810] =	vst v63  }
0x55: {  	_ =	swait.ge [sflag:s14], $0xC8  }
0x56: {  	[sflag:s14] =	ssyncset.done $0x0  }
0x57: {  	s31 =	sadd.s32 s24, s11;
	[sflag:s14] =	ssyncadd.s32 $0xFFFFFF38  }
0x58: {  	[tilespmem:s17], [sflag:$0x2] =	stream.linear.gather [hbm4b:s31+s3], $0xC8, $0x38;
	[tilespmem:$0x2810] =	vst v63  }
0x59: {  	_ =	swait.ge [sflag:s14], $0xC8  }
0x5a: {  	[sflag:s14] =	ssyncset.done $0x0  }
0x5b: {  	[sflag:s14] =	ssyncadd.s32 $0xFFFFFF38  }
0x5c: {  	[tilespmem:s18], [sflag:$0x1] =	stream.indirect.gather [hbm4b:s4+s17], $0x8, s3, s17, $0xb8;
	[tilespmem:$0x2810] =	vst v63  }
0x5d: {  	_ = 	snop  }
0x5e: {  	[tilespmem:s19], [sflag:$0x1] =	stream.indirect.gather [hbm4b:s4+s17], $0x8, s17, s17, $0xb8;
	[tilespmem:$0x2810] =	vst v63  }
0x5f: {  	_ =	swait.ge [sflag:s20], $0x640  }
0x60: {  	[sflag:s20] =	ssyncset.done $0x0  }
0x61: {  	[sflag:s20] =	ssyncadd.s32 $0xFFFFF9C0  }
0x62: {  	_ =	swait.ge [sflag:s20], $0x640  }
0x63: {  	[sflag:s20] =	ssyncset.done $0x0  }
0x64: {  	[sflag:s20] =	ssyncadd.s32 $0xFFFFF9C0  }
0x65: {  	[hbm4b:s23+s3] =	stream.linear.scatter [tilespmem:s18], [sflag:$0x2], $0x640, $0x38;
	[tilespmem:$0x2810] =	vst v63  }
0x66: {  	_ =	swait.ge [sflag:s14], $0x640  }
0x67: {  	[sflag:s14] =	ssyncset.done $0x0  }
0x68: {  	[sflag:s14] =	ssyncadd.s32 $0xFFFFF9C0  }
0x69: {  	[hbm4b:s22+s3] =	stream.linear.scatter [tilespmem:s19], [sflag:$0x2], $0x640, $0x38;
	[tilespmem:$0x2810] =	vst v63  }
0x6a: {  	_ =	swait.ge [sflag:s14], $0x640  }
0x6b: {  	[sflag:s14] =	ssyncset.done $0x0  }
0x6c: {  	[sflag:s14] =	ssyncadd.s32 $0xFFFFF9C0  }
0x6d: {  	[spmem:s2] =	stream.indirect.scatter.add.f32 [tilespmem:s13], [sflag:$0x2], $0x8, s17, s17, $0xb8;
	[tilespmem:$0x2810] =	vst v63  }
0x6e: {  	_ =	swait.ge [sflag:s14], $0x640  }
0x6f: {  	s21 =	sadd.s32 $0x1, s21;
	[sflag:s14] =	ssyncset.done $0x0  }
0x70: {  	p0 =	sne.s32 s21, s8;
	[sflag:s14] =	ssyncadd.s32 $0xFFFFF9C0  }
.Ltmp1:
0x71: {  	[bflag:$0x0] =	sbarrier.arrive $0xFFFF;
	(pc) =	sbr.rel @p0 .LBB2_1-.Ltmp1, $4  }
0x72: {  	[hbm:s7], [sflag:s15] =	dma.local [spmem:s16], $0x278  }
0x73: {  	_ =	swait.ge [sflag:s14], $0x278  }
0x74: {  	[sflag:s14] =	ssyncset.done $0x0  }
0x75: {  	[sflag:s14] =	ssyncadd.s32 $0xFFFFFD88  }
0x76: {  	_ =	sfence.sel $0x180000  }
0x77: {  	[bflag:$0x0] =	sbarrier.arrive $0xFFFF  }
0x78: {  	p0 =	sne.s32 s0, $0x0;
	_ =	strace $0x9000004D  }
0x79: {  	s0 =	sadd.s32 @!p0 $0x100000, s1;
	[bflag:$0x2] =	sbarrier.arrive $0xFFFF  }
0x7a: {  	[sflag:s0] =	ssyncadd.tile.s32 @!p0 $0x1;
	_ =	shalt  }
.Lfunc_end2:
_tile_overlayer_lowered:
.L_overlay_start_2:
0x7b: {  	(tag) =	ssettag $0x2  }
0x7c: {  	s0 =	rddreg [dreg:$0x0];
	s2 =	stileid.u32  }
0x7d: {  	s1 =	rddreg [dreg:$0x1];
	p0 =	sne.s32 s2, $0x0  }
0x7e: {  	s3 =	rddreg [dreg:$0x2];
	[bflag:$0x3] =	sbarrier.arrive $0xFFFF;
	s2 =	simm.s32 @!p0 $0x1C02  }
0x7f: {  	[timem:s3], [sflag:s2] =	dma.local @!p0 [hbm:s0], s1  }
0x80: {  	s0 =	simm.s32 @!p0 $0x2  }
0x81: {  	_ =	swait.ge @!p0 [sflag:s0], s1  }
0x82: {  	s1 =	ssub.s32 @!p0 $0x0, s1;
	[sflag:s0] =	ssyncset.done @!p0 $0x0  }
0x83: {  	[sflag:s0] =	ssyncadd.s32 @!p0 s1  }
0x84: {  	[bflag:$0x3] =	sbarrier.arrive $0xFFFF  }
0x85: {  	_ =	shalt  }

// kernel: kernel.18.cloned.1.call-start
scs
__scs_entry_jumppad:
0x0: {  	(pc) =	sbr.rel $0x88, $3  }
0x1: {  	(tag) =	ssettag $0x0;
	lr =	simm.s32 $0x1  }
0x2: {  	[smem:$0x3F91] =	sst lr;
	_ =	strace $0xD0000000  }
0x3: {  	_ = 	snop  }
0x4: {  	_ = 	snop  }
0x5: {  	_ = 	snop  }
0x6: {  	_ = 	snop  }
0x7: {  	_ = 	snop  }
__scs_overlays_trampoline_lowered:
0x8: {  	[smem:$0x3FA0] =	sst s0  }
0x9: {  	[smem:$0x3FA1] =	sst s1  }
0xa: {  	[smem:$0x3FA2] =	sst s2  }
0xb: {  	[smem:$0x3FA3] =	sst s3  }
0xc: {  	[smem:$0x3FA4] =	sst s4  }
0xd: {  	[smem:$0x3FA5] =	sst s5  }
0xe: {  	[smem:$0x3FA6] =	sst s6  }
0xf: {  	[smem:$0x3FA7] =	sst s7  }
0x10: {  	[smem:$0x3FA8] =	sst s8  }
0x11: {  	[smem:$0x3FA9] =	sst s9;
	s0 =	simm.s32 @!p0 $0x0  }
0x12: {  	s1 =	sld [smem:$0x3F8F];
	s0 =	simm.s32 @p0 $0x1  }
0x13: {  	[smem:$0x3FAA] =	sst s0;
	s0 =	simm.s32 @!p1 $0x0  }
0x14: {  	s2 =	sld [smem:$0x3F8E];
	s0 =	simm.s32 @p1 $0x1  }
0x15: {  	[smem:$0x3FAB] =	sst s0;
	s0 =	simm.s32 @!p2 $0x0  }
0x16: {  	s3 =	sld [smem:$0x3FDB];
	s0 =	simm.s32 @p2 $0x1  }
0x17: {  	s4 =	simm.s32 $0x1BF5;
	[smem:$0x3FAD] =	sst s0  }
0x18: {  	s0 =	sld [smem:$0x3F90];
	_ =	swait.ge [sflag:s4], $0x0  }
0x19: {  	s7 =	sld [smem:$0x3F91]  }
0x1a: {  	s8 =	sadd.s32 $0xFFFFE003, lr  }
0x1b: {  	s9 =	sadd.s32 $0xFFFFFEF7, lr;
	s5 =	simm.s32 $0xFFFFFFFF;
	p2 =	slt.u32 s8, $0xFFFFF086  }
0x1c: {  	p1 =	slt.u32 s9, $0xF7A;
	s5 =	simm.s32 @!p2 $0x0  }
0x1d: {  	s5 =	simm.s32 @p1 $0x1;
	p0 =	seq.s32 s7, s2  }
0x1e: {  	s7 =	smul.u32 @!p0 $0xF7A, s2;
	p2 =	seq.s32 @!p0 s5, $0x0  }
0x1f: {  	s9 =	smul.u32 $0xF7A, s1;
	s8 =	simm.s32 @!p0 $0x1BF5;
	p2 =	por !p2, p0  }
0x20: {  	[sflag:s8] =	ssyncset.s32 @!p0 $0xFFFFF086;
	s6 =	sadd.s32 @!p0 s3, s7;
	s7 =	simm.s32 @!p0 $0x108  }
0x21: {  	s3 =	sadd.s32 s3, s9;
	s6 =	sadd.s32 @!p0 $0x88, s6;
	s7 =	simm.s32 @p2 $0x1082  }
0x22: {  	[simem:s7], [sflag:s8] =	dma.local @!p0 [hbm:s6], $0xF7A  }
0x23: {  	s9 =	sor.u32 $0xD0000000, s2;
	s6 =	simm.s32 $0x108;
	_ =	swait.ge @!p0 [sflag:s8], $0x0  }
0x24: {  	s3 =	sadd.s32 $0x88, s3;
	s6 =	simm.s32 @!p1 $0x1082;
	[sflag:s4] =	ssyncset.s32 $0xFFFFF086  }
0x25: {  	[simem:s6], [sflag:s4] =	dma.local [hbm:s3], $0xF7A  }
0x26: {  	[smem:$0x3F91] =	sst s1;
	(tag) =	ssettag s2;
	_ =	strace s9  }
0x27: {  	s1 =	sld [smem:$0x3FA1]  }
0x28: {  	s2 =	sld [smem:$0x3FA2]  }
0x29: {  	s4 =	sld [smem:$0x3FA4]  }
0x2a: {  	p0 =	seq.s32 s5, $0x0;
	s5 =	sld [smem:$0x3FA5]  }
0x2b: {  	s6 =	sld [smem:$0x3FA6]  }
0x2c: {  	s7 =	sld [smem:$0x3FA7]  }
0x2d: {  	s3 =	simm.s32 $0x108;
	s8 =	sld [smem:$0x3FA8]  }
0x2e: {  	s3 =	simm.s32 @!p0 $0x1082;
	s9 =	sld [smem:$0x3FA9]  }
0x2f: {  	lr =	sadd.s32 s0, s3;
	s0 =	sld [smem:$0x3FA0]  }
0x30: {  	s3 =	sld [smem:$0x3FA3]  }
0x31: {  	[smem:$0x3FAC] =	sst s10  }
0x32: {  	s10 =	sld [smem:$0x3FAA];
	_ =	sdelay $0x3  }
0x33: {  	p0 =	seq.s32 s10, $0x1;
	s10 =	sld [smem:$0x3FAC];
	_ =	sdelay $0x3  }
0x34: {  	[smem:$0x3FAC] =	sst s10  }
0x35: {  	s10 =	sld [smem:$0x3FAB];
	_ =	sdelay $0x3  }
0x36: {  	p1 =	seq.s32 s10, $0x1;
	s10 =	sld [smem:$0x3FAC];
	_ =	sdelay $0x3  }
0x37: {  	[smem:$0x3FAC] =	sst s10  }
0x38: {  	s10 =	sld [smem:$0x3FAD]  }
0x39: {  	_ = 	snop;
	(pc) =	sbr.ind lr, $3  }
0x3a: {  	_ = 	snop  }
0x3b: {  	_ = 	snop  }
0x3c: {  	p2 =	seq.s32 s10, $0x1;
	s10 =	sld [smem:$0x3FAC]  }
0x3d: {  	_ =	shalt  }
0x3e: {  	_ =	shalt  }
0x3f: {  	_ =	shalt  }
0x40: {  	_ =	shalt  }
0x41: {  	_ =	shalt  }
0x42: {  	_ =	shalt  }
0x43: {  	_ =	shalt  }
0x44: {  	_ =	shalt  }
0x45: {  	_ =	shalt  }
0x46: {  	_ =	shalt  }
0x47: {  	_ =	shalt  }
0x48: {  	_ =	shalt  }
0x49: {  	_ =	shalt  }
0x4a: {  	_ =	shalt  }
0x4b: {  	_ =	shalt  }
0x4c: {  	_ =	shalt  }
0x4d: {  	_ =	shalt  }
0x4e: {  	_ =	shalt  }
0x4f: {  	_ =	shalt  }
0x50: {  	_ =	shalt  }
0x51: {  	_ =	shalt  }
0x52: {  	_ =	shalt  }
0x53: {  	_ =	shalt  }
0x54: {  	_ =	shalt  }
0x55: {  	_ =	shalt  }
0x56: {  	_ =	shalt  }
0x57: {  	_ =	shalt  }
0x58: {  	_ =	shalt  }
0x59: {  	_ =	shalt  }
0x5a: {  	_ =	shalt  }
0x5b: {  	_ =	shalt  }
0x5c: {  	_ =	shalt  }
0x5d: {  	_ =	shalt  }
0x5e: {  	_ =	shalt  }
0x5f: {  	_ =	shalt  }
0x60: {  	_ =	shalt  }
0x61: {  	_ =	shalt  }
0x62: {  	_ =	shalt  }
0x63: {  	_ =	shalt  }
0x64: {  	_ =	shalt  }
0x65: {  	_ =	shalt  }
0x66: {  	_ =	shalt  }
0x67: {  	_ =	shalt  }
0x68: {  	_ =	shalt  }
0x69: {  	_ =	shalt  }
0x6a: {  	_ =	shalt  }
0x6b: {  	_ =	shalt  }
0x6c: {  	_ =	shalt  }
0x6d: {  	_ =	shalt  }
0x6e: {  	_ =	shalt  }
0x6f: {  	_ =	shalt  }
0x70: {  	_ =	shalt  }
0x71: {  	_ =	shalt  }
0x72: {  	_ =	shalt  }
0x73: {  	_ =	shalt  }
0x74: {  	_ =	shalt  }
0x75: {  	_ =	shalt  }
0x76: {  	_ =	shalt  }
0x77: {  	_ =	shalt  }
0x78: {  	_ =	shalt  }
0x79: {  	_ =	shalt  }
0x7a: {  	_ =	shalt  }
0x7b: {  	_ =	shalt  }
0x7c: {  	_ =	shalt  }
0x7d: {  	_ =	shalt  }
0x7e: {  	_ =	shalt  }
0x7f: {  	_ =	shalt  }
0x80: {  	_ =	shalt  }
0x81: {  	_ =	shalt  }
0x82: {  	_ =	shalt  }
0x83: {  	_ =	shalt  }
0x84: {  	_ =	shalt  }
0x85: {  	_ =	shalt  }
0x86: {  	_ =	shalt  }
0x87: {  	_ =	shalt  }
.Lfunc_end0:
.L_simem_size_0:
called_computation.2_lowered:
.L_overlay_start_0:
0x88: {  	s2 =	sld [smem:$0x3FD9]  }
0x89: {  	s3 =	sld [smem:$0x3FFE];
	_ =	sdelay $0x1  }
0x8a: {  	s1 =	srdreg.scid  }
0x8b: {  	s0 =	sand.u32 $0x1, s1  }
0x8c: {  	s17 =	sshll.u32 s0, $0xA;
	s2 =	sadd.s32 s3, s2  }
0x8d: {  	s2 =	sadd.s32 s2, s17  }
0x8e: {  	[smem:$0x3FB8] =	sst s2  }
0x8f: {  	_ = 	snop  }
0x90: {  	(tm) =	ssettm $0x1  }
0x91: {  	s18 =	sld [smem:$0x3FFB];
	_ =	sdelay $0x3  }
0x92: {  	_ =	strace s18  }
0x93: {  	s2 =	sld [smem:$0x3FFC];
	_ =	sdelay $0x3  }
0x94: {  	_ =	strace s2  }
0x95: {  	s2 =	sld [smem:$0x3FFD];
	_ =	sdelay $0x3  }
0x96: {  	_ =	strace s2  }
0x97: {  	_ =	strace $0x8FFFFFFF  }
0x98: {  	s19 =	sld [smem:$0x3FDB];
	_ =	sdelay $0x1  }
0x99: {  	s20 =	simm.s32 $_scs_section_size  }
0x9a: {  	s4 =	simm.s32 $_size__tile_overlayer_lowered;
	s5 =	simm.s32 $_tile_overlayer_lowered  }
0x9b: {  	s6 =	simm.s32 $0x1BFF;
	s21 =	sshll.u32 s5, $0x1;
	s3 =	sadd.s32 s20, s19  }
0x9c: {  	s22 =	simm.s32 $0x0;
	s4 =	sshll.u32 s4, $0x1;
	s5 =	sadd.s32 s21, s3  }
0x9d: {  	[timem:s22], [sflag:s6] =	dma.local [hbm:s5], s4  }
0x9e: {  	_ =	swait.ge [sflag:s6], s4  }
0x9f: {  	s4 =	ssub.s32 $0x0, s4;
	[sflag:s6] =	ssyncset.done $0x0  }
0xa0: {  	[sflag:s6] =	ssyncadd.s32 s4;
	_ =	sdelay $0x1  }
0xa1: {  	s23 =	simm.s32 $0x1B8B  }
0xa2: {  	_ =	swait.ge [sflag:s23], $0x1  }
0xa3: {  	[sflag:s23] =	ssyncset.done $0x0  }
0xa4: {  	[sflag:s23] =	ssyncadd.s32 $0xFFFFFFFF  }
0xa5: {  	s4 =	sld [smem:$0x0]  }
0xa6: {  	s5 =	sand.u32 $0xFFFFFFFE, s1  }
0xa7: {  	p0 =	sne.s32 s1, s5  }
0xa8: {  	s5 =	sshll.u32 @p0 s5, $0xE  }
0xa9: {  	s5 =	sadd.s32 @p0 $0x11B8D, s5;
	s6 =	sshll.u32 @p0 s4, $0x11  }
0xaa: {  	s5 =	sor.u32 @p0 s6, s5  }
0xab: {  	[sflag:s5] =	ssyncadd.remote.s32 @p0 $0x1;
	_ =	sdelay $0x1  }
0xac: {  	s5 =	simm.s32 @p0 $0x1B8D  }
0xad: {  	_ =	swait.eq @p0 [sflag:s5], $0x1  }
0xae: {  	[sflag:s5] =	ssyncadd.s32 @p0 $0xFFFFFFFF  }
0xaf: {  	s6 =	sshll.u32 @!p0 s1, $0xE  }
0xb0: {  	s6 =	sor.u32 @!p0 $0x4000, s6;
	s5 =	simm.s32 @!p0 $0x1B8D  }
0xb1: {  	s4 =	sshll.u32 @!p0 s4, $0x11;
	s6 =	sadd.s32 @!p0 $0x11B8D, s6;
	_ =	swait.eq @!p0 [sflag:s5], $0x1  }
0xb2: {  	s4 =	sor.u32 @!p0 s4, s6;
	[sflag:s5] =	ssyncadd.s32 @!p0 $0xFFFFFFFF  }
0xb3: {  	s25 =	simm.s32 $0x1B8E;
	s24 =	sld [smem:$0x3FFE];
	[sflag:s4] =	ssyncadd.remote.s32 @!p0 $0x1  }
0xb4: {  	s26 =	simm.s32 $execute0_lowered;
	[smem:$0x3FD2] =	sst s25  }
0xb5: {  	s5 =	sshll.u32 s26, $0x1;
	_ =	strace $0x80000055;
	[dreg:$0x1] =	wrdreg $0xFFFFFFFF  }
0xb6: {  	s28 =	simm.s32 $_size_execute0_lowered;
	s3 =	sadd.s32 s3, s5;
	[dreg:$0x0] =	wrdreg $0x0  }
0xb7: {  	s5 =	sshll.u32 s28, $0x1;
	[dreg:$0x2] =	wrdreg s3  }
0xb8: {  	[dreg:$0x3] =	wrdreg s5  }
0xb9: {  	[dreg:$0x4] =	wrdreg $0xC0  }
0xba: {  	_ =	task [dreg:s22], $0x5FFFF  }
0xbb: {  	[dreg:$0x1] =	wrdreg $0xFFFFFFFF  }
0xbc: {  	[dreg:$0x0] =	wrdreg $0x60  }
0xbd: {  	[dreg:$0x2] =	wrdreg s24  }
0xbe: {  	[dreg:$0x3] =	wrdreg $0x65000  }
0xbf: {  	[dreg:$0x4] =	wrdreg $0x9  }
0xc0: {  	_ =	task.clear_ibuf [dreg:s22], $0x5FFFF;
	_ =	strace $0x90000055  }
0xc1: {  	s29 =	simm.s32 $0x9;
	_ =	strace $0x80000057  }
0xc2: {  	_ =	swait.ge [sflag:s29], $0x1  }
0xc3: {  	[sflag:s29] =	ssyncadd.s32 $0xFFFFFFFF  }
0xc4: {  	_ =	strace $0x90000057  }
0xc5: {  	_ =	sfence  }
0xc6: {  	s30 =	sld [smem:$0x0];
	_ =	sdelay $0x2  }
0xc7: {  	s31 =	sshll.u32 s1, $0xD;
	s1 =	sshrl.u32 s1, $0x2  }
0xc8: {  	s4 =	sand.u32 $0x4000, s31;
	s1 =	sadd.s32 s1, s30  }
0xc9: {  	s0 =	sor.u32 s4, s0;
	s1 =	sshll.u32 s1, $0x11  }
0xca: {  	s0 =	sor.u32 s1, s0  }
0xcb: {  	s0 =	sadd.s32 $0x8F2B, s0  }
0xcc: {  	[sflag:s0] =	ssyncadd.remote.s32 $0x1  }
0xcd: {  	_ =	sfence.sel $0xFFFF  }
0xce: {  	[dreg:$0x0] =	wrdreg $0xFFFFFFFF;
	(pc) =	sbr.abs _section_cstart, $3  }
0xcf: {  	[dreg:$0x1] =	wrdreg $0xFFFFFFFF  }
0xd0: {  	_ =	task.clear_ibuf [dreg:s22], $0x2FFFF;
	_ =	strace $0x9FFFFFFF  }
0xd1: {  	(tm) =	ssettm $0x7FFFFFFF  }
tec
execute0_lowered:
.L_overlay_start_1:
0x0: {  	(tag) =	ssettag $0x1  }
0x1: {  	s0 =	stileid.u32;
	s1 =	srdreg.scid  }
0x2: {  	s5 =	rddreg [dreg:$0x0];
	s4 =	smul.u32 $0x27100, s0  }
0x3: {  	s2 =	rddreg [dreg:$0x1];
	s7 =	smul.u32 $0x2710, s0  }
0x4: {  	s3 =	simm.s32 $0x0;
	s13 =	simm.s32 $0x1;
	s10 =	smul.u32 $0x13C00, s0  }
0x5: {  	s14 =	simm.s32 $0xC8;
	s6 =	sand.u32 $0x1, s1;
	s29 =	smul.u32 $0x4F000, s0  }
0x6: {  	s15 =	simm.s32 $0x0;
	s1 =	rddreg [dreg:$0x2];
	s8 =	smul.u32 $0x1388, s6  }
0x7: {  	[smem:$0x7FF] =	sst s3;
	s31 =	sshll.u32 s0, $0x6;
	s9 =	smul.u32 $0x13C000, s6  }
0x8: {  	_ =	strace $0x80000056;
	s30 =	ssub.s32 $0x2, s6;
	s12 =	smul.u32 $0x13880, s6  }
0x9: {  	s24 =	sadd.s32 s4, s5;
	s4 =	sadd.s32 $0xB200, s5;
	s11 =	sshrl.u32 s30, $0x1  }
0xa: {  	s7 =	sadd.s32 s8, s7;
	s26 =	sadd.s32 s10, s9;
	s10 =	sshrl.u32 s29, $0x2  }
0xb: {  	s11 =	ssub.s32 s30, s11;
	s8 =	sadd.s32 s12, s24;
	s12 =	simm.s32 $0x100  }
0xc: {  	s25 =	sshrl.u32 s7, $0x3;
	s7 =	sshrl.u32 s26, $0x3;
	s10 =	sadd.s32 s10, s2  }
0xd: {  	s8 =	sadd.s32 $0x16E3A00, s8;
	s28 =	sadd.s32 s25, s5;
	s7 =	sadd.s32 s7, s5  }
0xe: {  	s5 =	sor.u32 $0x1C02, s31;
	s10 =	sshrl.u32 s10, $0x3;
	s6 =	sadd.s32 $0xDA00, s7  }
0xf: {  	s7 =	smax.u32 s11, $0x1;
	s9 =	sadd.s32 $0x574600, s28;
	s11 =	simm.s32 $0x2  }
.LBB2_1:
0x10: {  	[spmem:s10], [sflag:s5] =	dma.local [hbm:s4], $0x2780  }
0x11: {  	_ =	swait.ge [sflag:s11], $0x2780  }
0x12: {  	[sflag:s11] =	ssyncset.done $0x0  }
0x13: {  	[sflag:s11] =	ssyncadd.s32 $0xFFFFD880  }
0x14: {  	s16 =	sadd.s32 $0x0, s9;
	[bflag:$0x0] =	sbarrier.arrive $0xFFFF  }
0x15: {  	[tilespmem:s3], [sflag:$0x2] =	stream.linear.gather [hbm4b:s16+s3], $0xC8, $0x38;
	[tilespmem:$0x1A100] =	vst v63  }
0x16: {  	_ =	swait.ge [sflag:s11], $0xC8  }
0x17: {  	[sflag:s11] =	ssyncset.done $0x0  }
0x18: {  	[sflag:s11] =	ssyncadd.s32 $0xFFFFFF38  }
0x19: {  	[tilespmem:s12], [sflag:$0x1] =	stream.linear.gather [hbm4b:s8+s3], $0x6400, $0x38;
	[tilespmem:$0x1A100] =	vst v63  }
0x1a: {  	_ =	swait.ge [sflag:s13], $0x6400  }
0x1b: {  	[sflag:s13] =	ssyncset.done $0x0  }
0x1c: {  	[sflag:s13] =	ssyncadd.s32 $0xFFFF9C00  }
0x1d: {  	[spmem:s2] =	stream.indirect.scatter.add.f32 [tilespmem:s12], [sflag:$0x2], $0x80, s3, s14, $0xb8;
	[tilespmem:$0x1A100] =	vst v63  }
0x1e: {  	s17 =	simm.s32 $0x19;
	_ =	swait.ge [sflag:s11], $0x6400  }
0x1f: {  	s18 =	simm.s32 $0x32;
	s16 =	sadd.s32 $0xC80, s8;
	[sflag:s11] =	ssyncset.done $0x0  }
.LBB2_2:
0x20: {  	s19 =	sadd.s32 s17, s9  }
0x21: {  	[sflag:s11] =	ssyncadd.s32 $0xFFFF9C00;
	s17 =	smov.u32 s18;
	s20 =	sadd.s32 $0x19, s18  }
0x22: {  	[tilespmem:s3], [sflag:$0x2] =	stream.linear.gather [hbm4b:s19+s3], $0xC8, $0x38;
	[tilespmem:$0x1A100] =	vst v63  }
0x23: {  	p0 =	sne.s32 s18, $0x258;
	_ =	swait.ge [sflag:s11], $0xC8  }
0x24: {  	[sflag:s11] =	ssyncset.done $0x0  }
0x25: {  	[sflag:s11] =	ssyncadd.s32 $0xFFFFFF38  }
0x26: {  	[tilespmem:s12], [sflag:$0x1] =	stream.linear.gather [hbm4b:s16+s3], $0x6400, $0x38;
	[tilespmem:$0x1A100] =	vst v63  }
0x27: {  	_ =	swait.ge [sflag:s13], $0x6400  }
.Ltmp0:
0x28: {  	[sflag:s13] =	ssyncset.done $0x0;
	(pc) =	sbr.rel @p0 .LBB2_2-.Ltmp0, $4  }
0x29: {  	[sflag:s13] =	ssyncadd.s32 $0xFFFF9C00  }
0x2a: {  	[spmem:s2] =	stream.indirect.scatter.add.f32 [tilespmem:s12], [sflag:$0x2], $0x80, s3, s14, $0xb8;
	[tilespmem:$0x1A100] =	vst v63  }
0x2b: {  	_ =	swait.ge [sflag:s11], $0x6400  }
0x2c: {  	s18 =	smov.u32 s20;
	s16 =	sadd.s32 $0xC80, s16;
	[sflag:s11] =	ssyncset.done $0x0  }
0x2d: {  	s17 =	sadd.s32 s17, s9;
	[sflag:s11] =	ssyncadd.s32 $0xFFFF9C00  }
0x2e: {  	[tilespmem:s3], [sflag:$0x2] =	stream.linear.gather [hbm4b:s17+s3], $0xC8, $0x38;
	[tilespmem:$0x1A100] =	vst v63  }
0x2f: {  	_ =	swait.ge [sflag:s11], $0xC8  }
0x30: {  	[sflag:s11] =	ssyncset.done $0x0  }
0x31: {  	[sflag:s11] =	ssyncadd.s32 $0xFFFFFF38  }
0x32: {  	[tilespmem:s12], [sflag:$0x1] =	stream.linear.gather [hbm4b:s16+s3], $0x6400, $0x38;
	[tilespmem:$0x1A100] =	vst v63  }
0x33: {  	_ =	swait.ge [sflag:s13], $0x6400  }
0x34: {  	[sflag:s13] =	ssyncset.done $0x0  }
0x35: {  	[sflag:s13] =	ssyncadd.s32 $0xFFFF9C00  }
0x36: {  	[spmem:s2] =	stream.indirect.scatter.add.f32 [tilespmem:s12], [sflag:$0x2], $0x80, s3, s14, $0xb8;
	[tilespmem:$0x1A100] =	vst v63  }
0x37: {  	_ =	swait.ge [sflag:s11], $0x6400  }
0x38: {  	s15 =	sadd.s32 $0x1, s15;
	[sflag:s11] =	ssyncset.done $0x0  }
0x39: {  	p0 =	sne.s32 s15, s7;
	[sflag:s11] =	ssyncadd.s32 $0xFFFF9C00  }
.Ltmp1:
0x3a: {  	[bflag:$0x0] =	sbarrier.arrive $0xFFFF;
	(pc) =	sbr.rel @p0 .LBB2_1-.Ltmp1, $4  }
0x3b: {  	[hbm:s6], [sflag:s5] =	dma.local [spmem:s10], $0x2780  }
0x3c: {  	_ =	swait.ge [sflag:s11], $0x2780  }
0x3d: {  	[sflag:s11] =	ssyncset.done $0x0  }
0x3e: {  	[sflag:s11] =	ssyncadd.s32 $0xFFFFD880  }
0x3f: {  	_ =	sfence.sel $0x180000  }
0x40: {  	[bflag:$0x0] =	sbarrier.arrive $0xFFFF  }
0x41: {  	p0 =	sne.s32 s0, $0x0;
	_ =	strace $0x90000056  }
0x42: {  	s0 =	sadd.s32 @!p0 $0x100000, s1;
	[bflag:$0x2] =	sbarrier.arrive $0xFFFF  }
0x43: {  	[sflag:s0] =	ssyncadd.tile.s32 @!p0 $0x1;
	_ =	shalt  }
.Lfunc_end2:
_tile_overlayer_lowered:
.L_overlay_start_2:
0x44: {  	(tag) =	ssettag $0x2  }
0x45: {  	s0 =	rddreg [dreg:$0x0];
	s2 =	stileid.u32  }
0x46: {  	s1 =	rddreg [dreg:$0x1];
	p0 =	sne.s32 s2, $0x0  }
0x47: {  	s3 =	rddreg [dreg:$0x2];
	[bflag:$0x3] =	sbarrier.arrive $0xFFFF;
	s2 =	simm.s32 @!p0 $0x1C02  }
0x48: {  	[timem:s3], [sflag:s2] =	dma.local @!p0 [hbm:s0], s1  }
0x49: {  	s0 =	simm.s32 @!p0 $0x2  }
0x4a: {  	_ =	swait.ge @!p0 [sflag:s0], s1  }
0x4b: {  	s1 =	ssub.s32 @!p0 $0x0, s1;
	[sflag:s0] =	ssyncset.done @!p0 $0x0  }
0x4c: {  	[sflag:s0] =	ssyncadd.s32 @!p0 s1  }
0x4d: {  	[bflag:$0x3] =	sbarrier.arrive $0xFFFF  }
0x4e: {  	_ =	shalt  }

// kernel: kernel.21.cloned.1.call-start
scs
__scs_entry_jumppad:
0x0: {  	(pc) =	sbr.rel $0x88, $3  }
0x1: {  	(tag) =	ssettag $0x0;
	lr =	simm.s32 $0x1  }
0x2: {  	[smem:$0x3F91] =	sst lr;
	_ =	strace $0xD0000000  }
0x3: {  	_ = 	snop  }
0x4: {  	_ = 	snop  }
0x5: {  	_ = 	snop  }
0x6: {  	_ = 	snop  }
0x7: {  	_ = 	snop  }
__scs_overlays_trampoline_lowered:
0x8: {  	[smem:$0x3FA0] =	sst s0  }
0x9: {  	[smem:$0x3FA1] =	sst s1  }
0xa: {  	[smem:$0x3FA2] =	sst s2  }
0xb: {  	[smem:$0x3FA3] =	sst s3  }
0xc: {  	[smem:$0x3FA4] =	sst s4  }
0xd: {  	[smem:$0x3FA5] =	sst s5  }
0xe: {  	[smem:$0x3FA6] =	sst s6  }
0xf: {  	[smem:$0x3FA7] =	sst s7  }
0x10: {  	[smem:$0x3FA8] =	sst s8  }
0x11: {  	[smem:$0x3FA9] =	sst s9;
	s0 =	simm.s32 @!p0 $0x0  }
0x12: {  	s1 =	sld [smem:$0x3F8F];
	s0 =	simm.s32 @p0 $0x1  }
0x13: {  	[smem:$0x3FAA] =	sst s0;
	s0 =	simm.s32 @!p1 $0x0  }
0x14: {  	s2 =	sld [smem:$0x3F8E];
	s0 =	simm.s32 @p1 $0x1  }
0x15: {  	[smem:$0x3FAB] =	sst s0;
	s0 =	simm.s32 @!p2 $0x0  }
0x16: {  	s3 =	sld [smem:$0x3FDB];
	s0 =	simm.s32 @p2 $0x1  }
0x17: {  	s4 =	simm.s32 $0x1BF5;
	[smem:$0x3FAD] =	sst s0  }
0x18: {  	s0 =	sld [smem:$0x3F90];
	_ =	swait.ge [sflag:s4], $0x0  }
0x19: {  	s7 =	sld [smem:$0x3F91]  }
0x1a: {  	s8 =	sadd.s32 $0xFFFFE003, lr  }
0x1b: {  	s9 =	sadd.s32 $0xFFFFFEF7, lr;
	s5 =	simm.s32 $0xFFFFFFFF;
	p2 =	slt.u32 s8, $0xFFFFF086  }
0x1c: {  	p1 =	slt.u32 s9, $0xF7A;
	s5 =	simm.s32 @!p2 $0x0  }
0x1d: {  	s5 =	simm.s32 @p1 $0x1;
	p0 =	seq.s32 s7, s2  }
0x1e: {  	s7 =	smul.u32 @!p0 $0xF7A, s2;
	p2 =	seq.s32 @!p0 s5, $0x0  }
0x1f: {  	s9 =	smul.u32 $0xF7A, s1;
	s8 =	simm.s32 @!p0 $0x1BF5;
	p2 =	por !p2, p0  }
0x20: {  	[sflag:s8] =	ssyncset.s32 @!p0 $0xFFFFF086;
	s6 =	sadd.s32 @!p0 s3, s7;
	s7 =	simm.s32 @!p0 $0x108  }
0x21: {  	s3 =	sadd.s32 s3, s9;
	s6 =	sadd.s32 @!p0 $0x88, s6;
	s7 =	simm.s32 @p2 $0x1082  }
0x22: {  	[simem:s7], [sflag:s8] =	dma.local @!p0 [hbm:s6], $0xF7A  }
0x23: {  	s9 =	sor.u32 $0xD0000000, s2;
	s6 =	simm.s32 $0x108;
	_ =	swait.ge @!p0 [sflag:s8], $0x0  }
0x24: {  	s3 =	sadd.s32 $0x88, s3;
	s6 =	simm.s32 @!p1 $0x1082;
	[sflag:s4] =	ssyncset.s32 $0xFFFFF086  }
0x25: {  	[simem:s6], [sflag:s4] =	dma.local [hbm:s3], $0xF7A  }
0x26: {  	[smem:$0x3F91] =	sst s1;
	(tag) =	ssettag s2;
	_ =	strace s9  }
0x27: {  	s1 =	sld [smem:$0x3FA1]  }
0x28: {  	s2 =	sld [smem:$0x3FA2]  }
0x29: {  	s4 =	sld [smem:$0x3FA4]  }
0x2a: {  	p0 =	seq.s32 s5, $0x0;
	s5 =	sld [smem:$0x3FA5]  }
0x2b: {  	s6 =	sld [smem:$0x3FA6]  }
0x2c: {  	s7 =	sld [smem:$0x3FA7]  }
0x2d: {  	s3 =	simm.s32 $0x108;
	s8 =	sld [smem:$0x3FA8]  }
0x2e: {  	s3 =	simm.s32 @!p0 $0x1082;
	s9 =	sld [smem:$0x3FA9]  }
0x2f: {  	lr =	sadd.s32 s0, s3;
	s0 =	sld [smem:$0x3FA0]  }
0x30: {  	s3 =	sld [smem:$0x3FA3]  }
0x31: {  	[smem:$0x3FAC] =	sst s10  }
0x32: {  	s10 =	sld [smem:$0x3FAA];
	_ =	sdelay $0x3  }
0x33: {  	p0 =	seq.s32 s10, $0x1;
	s10 =	sld [smem:$0x3FAC];
	_ =	sdelay $0x3  }
0x34: {  	[smem:$0x3FAC] =	sst s10  }
0x35: {  	s10 =	sld [smem:$0x3FAB];
	_ =	sdelay $0x3  }
0x36: {  	p1 =	seq.s32 s10, $0x1;
	s10 =	sld [smem:$0x3FAC];
	_ =	sdelay $0x3  }
0x37: {  	[smem:$0x3FAC] =	sst s10  }
0x38: {  	s10 =	sld [smem:$0x3FAD]  }
0x39: {  	_ = 	snop;
	(pc) =	sbr.ind lr, $3  }
0x3a: {  	_ = 	snop  }
0x3b: {  	_ = 	snop  }
0x3c: {  	p2 =	seq.s32 s10, $0x1;
	s10 =	sld [smem:$0x3FAC]  }
0x3d: {  	_ =	shalt  }
0x3e: {  	_ =	shalt  }
0x3f: {  	_ =	shalt  }
0x40: {  	_ =	shalt  }
0x41: {  	_ =	shalt  }
0x42: {  	_ =	shalt  }
0x43: {  	_ =	shalt  }
0x44: {  	_ =	shalt  }
0x45: {  	_ =	shalt  }
0x46: {  	_ =	shalt  }
0x47: {  	_ =	shalt  }
0x48: {  	_ =	shalt  }
0x49: {  	_ =	shalt  }
0x4a: {  	_ =	shalt  }
0x4b: {  	_ =	shalt  }
0x4c: {  	_ =	shalt  }
0x4d: {  	_ =	shalt  }
0x4e: {  	_ =	shalt  }
0x4f: {  	_ =	shalt  }
0x50: {  	_ =	shalt  }
0x51: {  	_ =	shalt  }
0x52: {  	_ =	shalt  }
0x53: {  	_ =	shalt  }
0x54: {  	_ =	shalt  }
0x55: {  	_ =	shalt  }
0x56: {  	_ =	shalt  }
0x57: {  	_ =	shalt  }
0x58: {  	_ =	shalt  }
0x59: {  	_ =	shalt  }
0x5a: {  	_ =	shalt  }
0x5b: {  	_ =	shalt  }
0x5c: {  	_ =	shalt  }
0x5d: {  	_ =	shalt  }
0x5e: {  	_ =	shalt  }
0x5f: {  	_ =	shalt  }
0x60: {  	_ =	shalt  }
0x61: {  	_ =	shalt  }
0x62: {  	_ =	shalt  }
0x63: {  	_ =	shalt  }
0x64: {  	_ =	shalt  }
0x65: {  	_ =	shalt  }
0x66: {  	_ =	shalt  }
0x67: {  	_ =	shalt  }
0x68: {  	_ =	shalt  }
0x69: {  	_ =	shalt  }
0x6a: {  	_ =	shalt  }
0x6b: {  	_ =	shalt  }
0x6c: {  	_ =	shalt  }
0x6d: {  	_ =	shalt  }
0x6e: {  	_ =	shalt  }
0x6f: {  	_ =	shalt  }
0x70: {  	_ =	shalt  }
0x71: {  	_ =	shalt  }
0x72: {  	_ =	shalt  }
0x73: {  	_ =	shalt  }
0x74: {  	_ =	shalt  }
0x75: {  	_ =	shalt  }
0x76: {  	_ =	shalt  }
0x77: {  	_ =	shalt  }
0x78: {  	_ =	shalt  }
0x79: {  	_ =	shalt  }
0x7a: {  	_ =	shalt  }
0x7b: {  	_ =	shalt  }
0x7c: {  	_ =	shalt  }
0x7d: {  	_ =	shalt  }
0x7e: {  	_ =	shalt  }
0x7f: {  	_ =	shalt  }
0x80: {  	_ =	shalt  }
0x81: {  	_ =	shalt  }
0x82: {  	_ =	shalt  }
0x83: {  	_ =	shalt  }
0x84: {  	_ =	shalt  }
0x85: {  	_ =	shalt  }
0x86: {  	_ =	shalt  }
0x87: {  	_ =	shalt  }
.Lfunc_end0:
.L_simem_size_0:
called_computation.3_lowered:
.L_overlay_start_0:
0x88: {  	s2 =	sld [smem:$0x3FD9]  }
0x89: {  	s3 =	sld [smem:$0x3FFE];
	_ =	sdelay $0x1  }
0x8a: {  	s1 =	srdreg.scid  }
0x8b: {  	s0 =	sand.u32 $0x1, s1  }
0x8c: {  	s17 =	sshll.u32 s0, $0xA;
	s2 =	sadd.s32 s3, s2  }
0x8d: {  	s2 =	sadd.s32 s2, s17  }
0x8e: {  	[smem:$0x3FB8] =	sst s2  }
0x8f: {  	_ = 	snop  }
0x90: {  	s18 =	sld [smem:$0x3FD0];
	(tm) =	ssettm $0x1  }
0x91: {  	s19 =	sld [smem:$0x3FFB];
	_ =	sdelay $0x3  }
0x92: {  	_ =	strace s19  }
0x93: {  	s2 =	sld [smem:$0x3FFC];
	_ =	sdelay $0x3  }
0x94: {  	_ =	strace s2  }
0x95: {  	s2 =	sld [smem:$0x3FFD];
	_ =	sdelay $0x3  }
0x96: {  	_ =	strace s2  }
0x97: {  	_ =	strace $0x8FFFFFFF  }
0x98: {  	s20 =	sld [smem:$0x3FDB];
	_ =	sdelay $0x1  }
0x99: {  	s4 =	simm.s32 $_scs_section_size  }
0x9a: {  	s5 =	simm.s32 $_size__tile_overlayer_lowered;
	s6 =	simm.s32 $_tile_overlayer_lowered  }
0x9b: {  	s7 =	simm.s32 $0x1BFF;
	s21 =	sshll.u32 s6, $0x1;
	s4 =	sadd.s32 s4, s20  }
0x9c: {  	s22 =	simm.s32 $0x0;
	s5 =	sshll.u32 s5, $0x1;
	s6 =	sadd.s32 s21, s4  }
0x9d: {  	[timem:s22], [sflag:s7] =	dma.local [hbm:s6], s5  }
0x9e: {  	_ =	swait.ge [sflag:s7], s5  }
0x9f: {  	s5 =	ssub.s32 $0x0, s5;
	[sflag:s7] =	ssyncset.done $0x0  }
0xa0: {  	[sflag:s7] =	ssyncadd.s32 s5;
	_ =	sdelay $0x1  }
0xa1: {  	s23 =	simm.s32 $0x1B8B  }
0xa2: {  	_ =	swait.ge [sflag:s23], $0x1  }
0xa3: {  	[sflag:s23] =	ssyncset.done $0x0  }
0xa4: {  	[sflag:s23] =	ssyncadd.s32 $0xFFFFFFFF  }
0xa5: {  	s5 =	sld [smem:$0x0]  }
0xa6: {  	s6 =	sand.u32 $0xFFFFFFFE, s1  }
0xa7: {  	p0 =	sne.s32 s1, s6  }
0xa8: {  	s6 =	sshll.u32 @p0 s6, $0xE  }
0xa9: {  	s6 =	sadd.s32 @p0 $0x11B8D, s6;
	s7 =	sshll.u32 @p0 s5, $0x11  }
0xaa: {  	s6 =	sor.u32 @p0 s7, s6  }
0xab: {  	[sflag:s6] =	ssyncadd.remote.s32 @p0 $0x1;
	_ =	sdelay $0x1  }
0xac: {  	s6 =	simm.s32 @p0 $0x1B8D  }
0xad: {  	_ =	swait.eq @p0 [sflag:s6], $0x1  }
0xae: {  	[sflag:s6] =	ssyncadd.s32 @p0 $0xFFFFFFFF  }
0xaf: {  	s7 =	sshll.u32 @!p0 s1, $0xE  }
0xb0: {  	s7 =	sor.u32 @!p0 $0x4000, s7;
	s6 =	simm.s32 @!p0 $0x1B8D  }
0xb1: {  	s5 =	sshll.u32 @!p0 s5, $0x11;
	s7 =	sadd.s32 @!p0 $0x11B8D, s7;
	_ =	swait.eq @!p0 [sflag:s6], $0x1  }
0xb2: {  	s5 =	sor.u32 @!p0 s5, s7;
	[sflag:s6] =	ssyncadd.s32 @!p0 $0xFFFFFFFF  }
0xb3: {  	s25 =	simm.s32 $0x1B8E;
	s24 =	sld [smem:$0x3FFE];
	[sflag:s5] =	ssyncadd.remote.s32 @!p0 $0x1  }
0xb4: {  	s26 =	simm.s32 $execute0_lowered;
	[smem:$0x3FD2] =	sst s25  }
0xb5: {  	s6 =	sshll.u32 s26, $0x1;
	_ =	strace $0x80000049;
	[dreg:$0x1] =	wrdreg $0xFFFFFFFF  }
0xb6: {  	s28 =	simm.s32 $_size_execute0_lowered;
	s4 =	sadd.s32 s4, s6;
	[dreg:$0x0] =	wrdreg $0x0  }
0xb7: {  	s6 =	sshll.u32 s28, $0x1;
	[dreg:$0x2] =	wrdreg s4  }
0xb8: {  	[dreg:$0x3] =	wrdreg s6  }
0xb9: {  	[dreg:$0x4] =	wrdreg $0xC0  }
0xba: {  	_ =	task [dreg:s22], $0x5FFFF  }
0xbb: {  	[dreg:$0x1] =	wrdreg $0xFFFFFFFF  }
0xbc: {  	[dreg:$0x0] =	wrdreg $0x60  }
0xbd: {  	[dreg:$0x2] =	wrdreg s18  }
0xbe: {  	[dreg:$0x3] =	wrdreg s24  }
0xbf: {  	[dreg:$0x4] =	wrdreg $0xB  }
0xc0: {  	_ =	task.clear_ibuf [dreg:s22], $0x5FFFF;
	_ =	strace $0x90000049  }
0xc1: {  	s29 =	simm.s32 $0xB;
	_ =	strace $0x8000004B  }
0xc2: {  	_ =	swait.ge [sflag:s29], $0x1  }
0xc3: {  	[sflag:s29] =	ssyncadd.s32 $0xFFFFFFFF  }
0xc4: {  	_ =	strace $0x9000004B  }
0xc5: {  	_ =	sfence  }
0xc6: {  	s30 =	sld [smem:$0x0];
	_ =	sdelay $0x2  }
0xc7: {  	s31 =	sshll.u32 s1, $0xD;
	s1 =	sshrl.u32 s1, $0x2  }
0xc8: {  	s4 =	sand.u32 $0x4000, s31;
	s1 =	sadd.s32 s1, s30  }
0xc9: {  	s0 =	sor.u32 s4, s0;
	s1 =	sshll.u32 s1, $0x11  }
0xca: {  	s0 =	sor.u32 s1, s0  }
0xcb: {  	s0 =	sadd.s32 $0x8F2B, s0  }
0xcc: {  	[sflag:s0] =	ssyncadd.remote.s32 $0x1  }
0xcd: {  	_ =	sfence.sel $0xFFFF  }
0xce: {  	[dreg:$0x0] =	wrdreg $0xFFFFFFFF;
	(pc) =	sbr.abs _section_cstart, $3  }
0xcf: {  	[dreg:$0x1] =	wrdreg $0xFFFFFFFF  }
0xd0: {  	_ =	task.clear_ibuf [dreg:s22], $0x2FFFF;
	_ =	strace $0x9FFFFFFF  }
0xd1: {  	(tm) =	ssettm $0x7FFFFFFF  }
tec
execute0_lowered:
.L_overlay_start_1:
0x0: {  	(tag) =	ssettag $0x1  }
0x1: {  	s2 =	rddreg [dreg:$0x0]  }
0x2: {  	s5 =	rddreg [dreg:$0x1]  }
0x3: {  	s0 =	rddreg [dreg:$0x2];
	s4 =	srdreg.scid  }
0x4: {  	s1 =	stileid.u32;
	s3 =	simm.s32 $0x0;
	s12 =	simm.s32 $0xC8  }
0x5: {  	s13 =	simm.s32 $0x200;
	s14 =	simm.s32 $0x6600;
	s7 =	smul.u32 $0x2710, s1  }
0x6: {  	s15 =	simm.s32 $0x1;
	s6 =	sand.u32 $0x1, s4;
	s9 =	smul.u32 $0x27100, s1  }
0x7: {  	s16 =	simm.s32 $0x0;
	[smem:$0x7FF] =	sst s3;
	s8 =	smul.u32 $0x1388, s6  }
0x8: {  	s4 =	sadd.s32 $0x66400, s5;
	s29 =	ssub.s32 $0x2, s6;
	s6 =	smul.u32 $0x13880, s6  }
0x9: {  	_ =	strace $0x8000004A;
	s9 =	sadd.s32 s9, s5;
	s10 =	sshrl.u32 s29, $0x1  }
0xa: {  	s7 =	sadd.s32 s8, s7;
	s30 =	ssub.s32 s29, s10;
	s31 =	sadd.s32 s6, s9  }
0xb: {  	s10 =	simm.s32 $0x2;
	s7 =	sshrl.u32 s7, $0x3;
	s6 =	sadd.s32 $0x8D600, s31  }
0xc: {  	s11 =	sadd.s32 s7, s5;
	s5 =	smax.u32 s30, $0x1;
	s7 =	sadd.s32 $0x2FE600, s31  }
0xd: {  	s8 =	sadd.s32 $0x6200, s11;
	s9 =	sadd.s32 $0xB200, s11;
	s11 =	simm.s32 $0x100  }
.LBB2_1:
0xe: {  	s17 =	sadd.s32 $0x0, s9  }
0xf: {  	[tilespmem:s3], [sflag:$0x2] =	stream.linear.gather [hbm4b:s17+s3], $0xC8, $0x38;
	[tilespmem:$0xCA00] =	vst v63  }
0x10: {  	_ =	swait.ge [sflag:s10], $0xC8  }
0x11: {  	[sflag:s10] =	ssyncset.done $0x0  }
0x12: {  	s31 =	sadd.s32 $0x0, s8;
	[sflag:s10] =	ssyncadd.s32 $0xFFFFFF38  }
0x13: {  	[tilespmem:s11], [sflag:$0x2] =	stream.linear.gather [hbm4b:s31+s3], $0xC8, $0x38;
	[tilespmem:$0xCA00] =	vst v63  }
0x14: {  	_ =	swait.ge [sflag:s10], $0xC8  }
0x15: {  	[sflag:s10] =	ssyncset.done $0x0  }
0x16: {  	[sflag:s10] =	ssyncadd.s32 $0xFFFFFF38  }
0x17: {  	[tilespmem:s13], [sflag:$0x1] =	stream.indirect.gather [hbm4b:s2+s12], $0x80, s3, s12, $0xb8;
	[tilespmem:$0xCA00] =	vst v63  }
0x18: {  	_ = 	snop  }
0x19: {  	[tilespmem:s14], [sflag:$0x1] =	stream.indirect.gather [hbm4b:s4+s12], $0x80, s11, s12, $0xb8;
	[tilespmem:$0xCA00] =	vst v63  }
0x1a: {  	_ =	swait.ge [sflag:s15], $0x6400  }
0x1b: {  	[sflag:s15] =	ssyncset.done $0x0  }
0x1c: {  	[sflag:s15] =	ssyncadd.s32 $0xFFFF9C00  }
0x1d: {  	_ =	swait.ge [sflag:s15], $0x6400  }
0x1e: {  	[sflag:s15] =	ssyncset.done $0x0  }
0x1f: {  	[sflag:s15] =	ssyncadd.s32 $0xFFFF9C00  }
0x20: {  	[hbm4b:s6+s3] =	stream.linear.scatter [tilespmem:s13], [sflag:$0x2], $0x6400, $0x38;
	[tilespmem:$0xCA00] =	vst v63  }
0x21: {  	_ =	swait.ge [sflag:s10], $0x6400  }
0x22: {  	[sflag:s10] =	ssyncset.done $0x0  }
0x23: {  	[sflag:s10] =	ssyncadd.s32 $0xFFFF9C00  }
0x24: {  	[hbm4b:s7+s3] =	stream.linear.scatter [tilespmem:s14], [sflag:$0x2], $0x6400, $0x38;
	[tilespmem:$0xCA00] =	vst v63  }
0x25: {  	s19 =	simm.s32 $0x19;
	s20 =	simm.s32 $0x32;
	_ =	swait.ge [sflag:s10], $0x6400  }
0x26: {  	s18 =	sadd.s32 $0xC80, s6;
	s17 =	sadd.s32 $0xC80, s7;
	[sflag:s10] =	ssyncset.done $0x0  }
.LBB2_2:
0x27: {  	s21 =	sadd.s32 s19, s9  }
0x28: {  	[sflag:s10] =	ssyncadd.s32 $0xFFFF9C00;
	s22 =	smov.u32 s20;
	s23 =	sadd.s32 $0x19, s20  }
0x29: {  	[tilespmem:s3], [sflag:$0x2] =	stream.linear.gather [hbm4b:s21+s3], $0xC8, $0x38;
	[tilespmem:$0xCA00] =	vst v63  }
0x2a: {  	p0 =	sne.s32 s20, $0x258;
	_ =	swait.ge [sflag:s10], $0xC8  }
0x2b: {  	[sflag:s10] =	ssyncset.done $0x0  }
0x2c: {  	s20 =	sadd.s32 s19, s8;
	s19 =	smov.u32 s22;
	[sflag:s10] =	ssyncadd.s32 $0xFFFFFF38  }
0x2d: {  	[tilespmem:s11], [sflag:$0x2] =	stream.linear.gather [hbm4b:s20+s3], $0xC8, $0x38;
	[tilespmem:$0xCA00] =	vst v63  }
0x2e: {  	_ =	swait.ge [sflag:s10], $0xC8  }
0x2f: {  	[sflag:s10] =	ssyncset.done $0x0  }
0x30: {  	[sflag:s10] =	ssyncadd.s32 $0xFFFFFF38  }
0x31: {  	[tilespmem:s13], [sflag:$0x1] =	stream.indirect.gather [hbm4b:s2+s12], $0x80, s3, s12, $0xb8;
	[tilespmem:$0xCA00] =	vst v63  }
0x32: {  	_ = 	snop  }
0x33: {  	[tilespmem:s14], [sflag:$0x1] =	stream.indirect.gather [hbm4b:s4+s12], $0x80, s11, s12, $0xb8;
	[tilespmem:$0xCA00] =	vst v63  }
0x34: {  	_ =	swait.ge [sflag:s15], $0x6400  }
0x35: {  	[sflag:s15] =	ssyncset.done $0x0  }
0x36: {  	[sflag:s15] =	ssyncadd.s32 $0xFFFF9C00  }
0x37: {  	_ =	swait.ge [sflag:s15], $0x6400  }
0x38: {  	[sflag:s15] =	ssyncset.done $0x0  }
0x39: {  	[sflag:s15] =	ssyncadd.s32 $0xFFFF9C00  }
0x3a: {  	[hbm4b:s18+s3] =	stream.linear.scatter [tilespmem:s13], [sflag:$0x2], $0x6400, $0x38;
	[tilespmem:$0xCA00] =	vst v63  }
0x3b: {  	_ =	swait.ge [sflag:s10], $0x6400  }
.Ltmp0:
0x3c: {  	[sflag:s10] =	ssyncset.done $0x0;
	(pc) =	sbr.rel @p0 .LBB2_2-.Ltmp0, $4  }
0x3d: {  	[sflag:s10] =	ssyncadd.s32 $0xFFFF9C00  }
0x3e: {  	[hbm4b:s17+s3] =	stream.linear.scatter [tilespmem:s14], [sflag:$0x2], $0x6400, $0x38;
	[tilespmem:$0xCA00] =	vst v63  }
0x3f: {  	s20 =	smov.u32 s23;
	_ =	swait.ge [sflag:s10], $0x6400  }
0x40: {  	s18 =	sadd.s32 $0xC80, s18;
	s17 =	sadd.s32 $0xC80, s17;
	[sflag:s10] =	ssyncset.done $0x0  }
0x41: {  	s20 =	sadd.s32 s19, s9;
	[sflag:s10] =	ssyncadd.s32 $0xFFFF9C00  }
0x42: {  	[tilespmem:s3], [sflag:$0x2] =	stream.linear.gather [hbm4b:s20+s3], $0xC8, $0x38;
	[tilespmem:$0xCA00] =	vst v63  }
0x43: {  	_ =	swait.ge [sflag:s10], $0xC8  }
0x44: {  	[sflag:s10] =	ssyncset.done $0x0  }
0x45: {  	s31 =	sadd.s32 s19, s8;
	[sflag:s10] =	ssyncadd.s32 $0xFFFFFF38  }
0x46: {  	[tilespmem:s11], [sflag:$0x2] =	stream.linear.gather [hbm4b:s31+s3], $0xC8, $0x38;
	[tilespmem:$0xCA00] =	vst v63  }
0x47: {  	_ =	swait.ge [sflag:s10], $0xC8  }
0x48: {  	[sflag:s10] =	ssyncset.done $0x0  }
0x49: {  	[sflag:s10] =	ssyncadd.s32 $0xFFFFFF38  }
0x4a: {  	[tilespmem:s13], [sflag:$0x1] =	stream.indirect.gather [hbm4b:s2+s12], $0x80, s3, s12, $0xb8;
	[tilespmem:$0xCA00] =	vst v63  }
0x4b: {  	_ = 	snop  }
0x4c: {  	[tilespmem:s14], [sflag:$0x1] =	stream.indirect.gather [hbm4b:s4+s12], $0x80, s11, s12, $0xb8;
	[tilespmem:$0xCA00] =	vst v63  }
0x4d: {  	_ =	swait.ge [sflag:s15], $0x6400  }
0x4e: {  	[sflag:s15] =	ssyncset.done $0x0  }
0x4f: {  	[sflag:s15] =	ssyncadd.s32 $0xFFFF9C00  }
0x50: {  	_ =	swait.ge [sflag:s15], $0x6400  }
0x51: {  	[sflag:s15] =	ssyncset.done $0x0  }
0x52: {  	[sflag:s15] =	ssyncadd.s32 $0xFFFF9C00  }
0x53: {  	[hbm4b:s18+s3] =	stream.linear.scatter [tilespmem:s13], [sflag:$0x2], $0x6400, $0x38;
	[tilespmem:$0xCA00] =	vst v63  }
0x54: {  	s16 =	sadd.s32 $0x1, s16;
	_ =	swait.ge [sflag:s10], $0x6400  }
0x55: {  	p0 =	sne.s32 s16, s5;
	[sflag:s10] =	ssyncset.done $0x0  }
.Ltmp1:
0x56: {  	[sflag:s10] =	ssyncadd.s32 $0xFFFF9C00;
	(pc) =	sbr.rel @p0 .LBB2_1-.Ltmp1, $4  }
0x57: {  	[hbm4b:s17+s3] =	stream.linear.scatter [tilespmem:s14], [sflag:$0x2], $0x6400, $0x38;
	[tilespmem:$0xCA00] =	vst v63  }
0x58: {  	_ =	swait.ge [sflag:s10], $0x6400  }
0x59: {  	[sflag:s10] =	ssyncset.done $0x0  }
0x5a: {  	[sflag:s10] =	ssyncadd.s32 $0xFFFF9C00  }
0x5b: {  	_ =	sfence.sel $0x180000  }
0x5c: {  	[bflag:$0x0] =	sbarrier.arrive $0xFFFF  }
0x5d: {  	p0 =	sne.s32 s1, $0x0;
	_ =	strace $0x9000004A  }
0x5e: {  	s0 =	sadd.s32 @!p0 $0x100000, s0;
	[bflag:$0x2] =	sbarrier.arrive $0xFFFF  }
0x5f: {  	[sflag:s0] =	ssyncadd.tile.s32 @!p0 $0x1;
	_ =	shalt  }
.Lfunc_end2:
_tile_overlayer_lowered:
.L_overlay_start_2:
0x60: {  	(tag) =	ssettag $0x2  }
0x61: {  	s0 =	rddreg [dreg:$0x0];
	s2 =	stileid.u32  }
0x62: {  	s1 =	rddreg [dreg:$0x1];
	p0 =	sne.s32 s2, $0x0  }
0x63: {  	s3 =	rddreg [dreg:$0x2];
	[bflag:$0x3] =	sbarrier.arrive $0xFFFF;
	s2 =	simm.s32 @!p0 $0x1C02  }
0x64: {  	[timem:s3], [sflag:s2] =	dma.local @!p0 [hbm:s0], s1  }
0x65: {  	s0 =	simm.s32 @!p0 $0x2  }
0x66: {  	_ =	swait.ge @!p0 [sflag:s0], s1  }
0x67: {  	s1 =	ssub.s32 @!p0 $0x0, s1;
	[sflag:s0] =	ssyncset.done @!p0 $0x0  }
0x68: {  	[sflag:s0] =	ssyncadd.s32 @!p0 s1  }
0x69: {  	[bflag:$0x3] =	sbarrier.arrive $0xFFFF  }
0x6a: {  	_ =	shalt  }

// kernel: kernel.24.cloned.1.call-start
scs
__scs_entry_jumppad:
0x0: {  	(pc) =	sbr.rel $0x88, $3  }
0x1: {  	(tag) =	ssettag $0x0;
	lr =	simm.s32 $0x1  }
0x2: {  	[smem:$0x3F91] =	sst lr;
	_ =	strace $0xD0000000  }
0x3: {  	_ = 	snop  }
0x4: {  	_ = 	snop  }
0x5: {  	_ = 	snop  }
0x6: {  	_ = 	snop  }
0x7: {  	_ = 	snop  }
__scs_overlays_trampoline_lowered:
0x8: {  	[smem:$0x3FA0] =	sst s0  }
0x9: {  	[smem:$0x3FA1] =	sst s1  }
0xa: {  	[smem:$0x3FA2] =	sst s2  }
0xb: {  	[smem:$0x3FA3] =	sst s3  }
0xc: {  	[smem:$0x3FA4] =	sst s4  }
0xd: {  	[smem:$0x3FA5] =	sst s5  }
0xe: {  	[smem:$0x3FA6] =	sst s6  }
0xf: {  	[smem:$0x3FA7] =	sst s7  }
0x10: {  	[smem:$0x3FA8] =	sst s8  }
0x11: {  	[smem:$0x3FA9] =	sst s9;
	s0 =	simm.s32 @!p0 $0x0  }
0x12: {  	s1 =	sld [smem:$0x3F8F];
	s0 =	simm.s32 @p0 $0x1  }
0x13: {  	[smem:$0x3FAA] =	sst s0;
	s0 =	simm.s32 @!p1 $0x0  }
0x14: {  	s2 =	sld [smem:$0x3F8E];
	s0 =	simm.s32 @p1 $0x1  }
0x15: {  	[smem:$0x3FAB] =	sst s0;
	s0 =	simm.s32 @!p2 $0x0  }
0x16: {  	s3 =	sld [smem:$0x3FDB];
	s0 =	simm.s32 @p2 $0x1  }
0x17: {  	s4 =	simm.s32 $0x1BF5;
	[smem:$0x3FAD] =	sst s0  }
0x18: {  	s0 =	sld [smem:$0x3F90];
	_ =	swait.ge [sflag:s4], $0x0  }
0x19: {  	s7 =	sld [smem:$0x3F91]  }
0x1a: {  	s8 =	sadd.s32 $0xFFFFE003, lr  }
0x1b: {  	s9 =	sadd.s32 $0xFFFFFEF7, lr;
	s5 =	simm.s32 $0xFFFFFFFF;
	p2 =	slt.u32 s8, $0xFFFFF086  }
0x1c: {  	p1 =	slt.u32 s9, $0xF7A;
	s5 =	simm.s32 @!p2 $0x0  }
0x1d: {  	s5 =	simm.s32 @p1 $0x1;
	p0 =	seq.s32 s7, s2  }
0x1e: {  	s7 =	smul.u32 @!p0 $0xF7A, s2;
	p2 =	seq.s32 @!p0 s5, $0x0  }
0x1f: {  	s9 =	smul.u32 $0xF7A, s1;
	s8 =	simm.s32 @!p0 $0x1BF5;
	p2 =	por !p2, p0  }
0x20: {  	[sflag:s8] =	ssyncset.s32 @!p0 $0xFFFFF086;
	s6 =	sadd.s32 @!p0 s3, s7;
	s7 =	simm.s32 @!p0 $0x108  }
0x21: {  	s3 =	sadd.s32 s3, s9;
	s6 =	sadd.s32 @!p0 $0x88, s6;
	s7 =	simm.s32 @p2 $0x1082  }
0x22: {  	[simem:s7], [sflag:s8] =	dma.local @!p0 [hbm:s6], $0xF7A  }
0x23: {  	s9 =	sor.u32 $0xD0000000, s2;
	s6 =	simm.s32 $0x108;
	_ =	swait.ge @!p0 [sflag:s8], $0x0  }
0x24: {  	s3 =	sadd.s32 $0x88, s3;
	s6 =	simm.s32 @!p1 $0x1082;
	[sflag:s4] =	ssyncset.s32 $0xFFFFF086  }
0x25: {  	[simem:s6], [sflag:s4] =	dma.local [hbm:s3], $0xF7A  }
0x26: {  	[smem:$0x3F91] =	sst s1;
	(tag) =	ssettag s2;
	_ =	strace s9  }
0x27: {  	s1 =	sld [smem:$0x3FA1]  }
0x28: {  	s2 =	sld [smem:$0x3FA2]  }
0x29: {  	s4 =	sld [smem:$0x3FA4]  }
0x2a: {  	p0 =	seq.s32 s5, $0x0;
	s5 =	sld [smem:$0x3FA5]  }
0x2b: {  	s6 =	sld [smem:$0x3FA6]  }
0x2c: {  	s7 =	sld [smem:$0x3FA7]  }
0x2d: {  	s3 =	simm.s32 $0x108;
	s8 =	sld [smem:$0x3FA8]  }
0x2e: {  	s3 =	simm.s32 @!p0 $0x1082;
	s9 =	sld [smem:$0x3FA9]  }
0x2f: {  	lr =	sadd.s32 s0, s3;
	s0 =	sld [smem:$0x3FA0]  }
0x30: {  	s3 =	sld [smem:$0x3FA3]  }
0x31: {  	[smem:$0x3FAC] =	sst s10  }
0x32: {  	s10 =	sld [smem:$0x3FAA];
	_ =	sdelay $0x3  }
0x33: {  	p0 =	seq.s32 s10, $0x1;
	s10 =	sld [smem:$0x3FAC];
	_ =	sdelay $0x3  }
0x34: {  	[smem:$0x3FAC] =	sst s10  }
0x35: {  	s10 =	sld [smem:$0x3FAB];
	_ =	sdelay $0x3  }
0x36: {  	p1 =	seq.s32 s10, $0x1;
	s10 =	sld [smem:$0x3FAC];
	_ =	sdelay $0x3  }
0x37: {  	[smem:$0x3FAC] =	sst s10  }
0x38: {  	s10 =	sld [smem:$0x3FAD]  }
0x39: {  	_ = 	snop;
	(pc) =	sbr.ind lr, $3  }
0x3a: {  	_ = 	snop  }
0x3b: {  	_ = 	snop  }
0x3c: {  	p2 =	seq.s32 s10, $0x1;
	s10 =	sld [smem:$0x3FAC]  }
0x3d: {  	_ =	shalt  }
0x3e: {  	_ =	shalt  }
0x3f: {  	_ =	shalt  }
0x40: {  	_ =	shalt  }
0x41: {  	_ =	shalt  }
0x42: {  	_ =	shalt  }
0x43: {  	_ =	shalt  }
0x44: {  	_ =	shalt  }
0x45: {  	_ =	shalt  }
0x46: {  	_ =	shalt  }
0x47: {  	_ =	shalt  }
0x48: {  	_ =	shalt  }
0x49: {  	_ =	shalt  }
0x4a: {  	_ =	shalt  }
0x4b: {  	_ =	shalt  }
0x4c: {  	_ =	shalt  }
0x4d: {  	_ =	shalt  }
0x4e: {  	_ =	shalt  }
0x4f: {  	_ =	shalt  }
0x50: {  	_ =	shalt  }
0x51: {  	_ =	shalt  }
0x52: {  	_ =	shalt  }
0x53: {  	_ =	shalt  }
0x54: {  	_ =	shalt  }
0x55: {  	_ =	shalt  }
0x56: {  	_ =	shalt  }
0x57: {  	_ =	shalt  }
0x58: {  	_ =	shalt  }
0x59: {  	_ =	shalt  }
0x5a: {  	_ =	shalt  }
0x5b: {  	_ =	shalt  }
0x5c: {  	_ =	shalt  }
0x5d: {  	_ =	shalt  }
0x5e: {  	_ =	shalt  }
0x5f: {  	_ =	shalt  }
0x60: {  	_ =	shalt  }
0x61: {  	_ =	shalt  }
0x62: {  	_ =	shalt  }
0x63: {  	_ =	shalt  }
0x64: {  	_ =	shalt  }
0x65: {  	_ =	shalt  }
0x66: {  	_ =	shalt  }
0x67: {  	_ =	shalt  }
0x68: {  	_ =	shalt  }
0x69: {  	_ =	shalt  }
0x6a: {  	_ =	shalt  }
0x6b: {  	_ =	shalt  }
0x6c: {  	_ =	shalt  }
0x6d: {  	_ =	shalt  }
0x6e: {  	_ =	shalt  }
0x6f: {  	_ =	shalt  }
0x70: {  	_ =	shalt  }
0x71: {  	_ =	shalt  }
0x72: {  	_ =	shalt  }
0x73: {  	_ =	shalt  }
0x74: {  	_ =	shalt  }
0x75: {  	_ =	shalt  }
0x76: {  	_ =	shalt  }
0x77: {  	_ =	shalt  }
0x78: {  	_ =	shalt  }
0x79: {  	_ =	shalt  }
0x7a: {  	_ =	shalt  }
0x7b: {  	_ =	shalt  }
0x7c: {  	_ =	shalt  }
0x7d: {  	_ =	shalt  }
0x7e: {  	_ =	shalt  }
0x7f: {  	_ =	shalt  }
0x80: {  	_ =	shalt  }
0x81: {  	_ =	shalt  }
0x82: {  	_ =	shalt  }
0x83: {  	_ =	shalt  }
0x84: {  	_ =	shalt  }
0x85: {  	_ =	shalt  }
0x86: {  	_ =	shalt  }
0x87: {  	_ =	shalt  }
.Lfunc_end0:
.L_simem_size_0:
called_computation.4_lowered:
.L_overlay_start_0:
0x88: {  	s2 =	sld [smem:$0x3FD9]  }
0x89: {  	s3 =	sld [smem:$0x3FFE];
	_ =	sdelay $0x1  }
0x8a: {  	s1 =	srdreg.scid  }
0x8b: {  	s0 =	sand.u32 $0x1, s1  }
0x8c: {  	s16 =	sshll.u32 s0, $0xA;
	s2 =	sadd.s32 s3, s2  }
0x8d: {  	s2 =	sadd.s32 s2, s16  }
0x8e: {  	[smem:$0x3FB8] =	sst s2  }
0x8f: {  	_ = 	snop  }
0x90: {  	(tm) =	ssettm $0x1  }
0x91: {  	s17 =	sld [smem:$0x3FFB];
	_ =	sdelay $0x3  }
0x92: {  	_ =	strace s17  }
0x93: {  	s2 =	sld [smem:$0x3FFC];
	_ =	sdelay $0x3  }
0x94: {  	_ =	strace s2  }
0x95: {  	s2 =	sld [smem:$0x3FFD];
	_ =	sdelay $0x3  }
0x96: {  	_ =	strace s2  }
0x97: {  	_ =	strace $0x8FFFFFFF  }
0x98: {  	s18 =	sld [smem:$0x3FDB];
	_ =	sdelay $0x1  }
0x99: {  	s19 =	simm.s32 $_scs_section_size  }
0x9a: {  	s4 =	simm.s32 $_size__tile_overlayer_lowered;
	s5 =	simm.s32 $_tile_overlayer_lowered  }
0x9b: {  	s22 =	simm.s32 $0x1BFF;
	s21 =	sshll.u32 s5, $0x1;
	s2 =	sadd.s32 s19, s18  }
0x9c: {  	s6 =	simm.s32 $0x0;
	s20 =	sshll.u32 s4, $0x1;
	s4 =	sadd.s32 s21, s2  }
0x9d: {  	[timem:s6], [sflag:s22] =	dma.local [hbm:s4], s20  }
0x9e: {  	_ =	swait.ge [sflag:s22], s20  }
0x9f: {  	s3 =	ssub.s32 $0x0, s20;
	[sflag:s22] =	ssyncset.done $0x0  }
0xa0: {  	[sflag:s22] =	ssyncadd.s32 s3;
	_ =	sdelay $0x1  }
0xa1: {  	s23 =	simm.s32 $0x1B8B  }
0xa2: {  	_ =	swait.ge [sflag:s23], $0x1  }
0xa3: {  	[sflag:s23] =	ssyncset.done $0x0  }
0xa4: {  	s25 =	simm.s32 $0x1B8E;
	s24 =	sld [smem:$0x3FFE];
	[sflag:s23] =	ssyncadd.s32 $0xFFFFFFFF  }
0xa5: {  	s26 =	simm.s32 $execute0_lowered;
	[smem:$0x3FD2] =	sst s25  }
0xa6: {  	s4 =	sshll.u32 s26, $0x1;
	_ =	strace $0x80000046;
	[dreg:$0x1] =	wrdreg $0xFFFFFFFF  }
0xa7: {  	s28 =	simm.s32 $_size_execute0_lowered;
	s2 =	sadd.s32 s2, s4;
	[dreg:$0x0] =	wrdreg $0x0  }
0xa8: {  	s4 =	sshll.u32 s28, $0x1;
	[dreg:$0x2] =	wrdreg s2  }
0xa9: {  	[dreg:$0x3] =	wrdreg s4  }
0xaa: {  	[dreg:$0x4] =	wrdreg $0xC0  }
0xab: {  	_ =	task [dreg:s6], $0x5FFFF  }
0xac: {  	[dreg:$0x1] =	wrdreg $0xFFFFFFFF  }
0xad: {  	[dreg:$0x0] =	wrdreg $0x60  }
0xae: {  	[dreg:$0x2] =	wrdreg s24  }
0xaf: {  	[dreg:$0x3] =	wrdreg $0x14500  }
0xb0: {  	[dreg:$0x4] =	wrdreg $0xC  }
0xb1: {  	_ =	task.clear_ibuf [dreg:s6], $0x5FFFF;
	_ =	strace $0x90000046  }
0xb2: {  	s29 =	simm.s32 $0xC;
	_ =	strace $0x80000048  }
0xb3: {  	_ =	swait.ge [sflag:s29], $0x1  }
0xb4: {  	[sflag:s29] =	ssyncadd.s32 $0xFFFFFFFF  }
0xb5: {  	_ =	strace $0x90000048  }
0xb6: {  	_ =	sfence  }
0xb7: {  	s30 =	sld [smem:$0x0];
	_ =	sdelay $0x2  }
0xb8: {  	s31 =	sshll.u32 s1, $0xD;
	s1 =	sshrl.u32 s1, $0x2  }
0xb9: {  	s3 =	sand.u32 $0x4000, s31;
	s1 =	sadd.s32 s1, s30  }
0xba: {  	s0 =	sor.u32 s3, s0;
	s1 =	sshll.u32 s1, $0x11  }
0xbb: {  	s0 =	sor.u32 s1, s0  }
0xbc: {  	s0 =	sadd.s32 $0x8F2B, s0  }
0xbd: {  	[sflag:s0] =	ssyncadd.remote.s32 $0x1  }
0xbe: {  	_ =	sfence.sel $0xFFFF  }
0xbf: {  	[dreg:$0x0] =	wrdreg $0xFFFFFFFF;
	(pc) =	sbr.abs _section_cstart, $3  }
0xc0: {  	[dreg:$0x1] =	wrdreg $0xFFFFFFFF  }
0xc1: {  	_ =	task.clear_ibuf [dreg:s6], $0x2FFFF;
	_ =	strace $0x9FFFFFFF  }
0xc2: {  	(tm) =	ssettm $0x7FFFFFFF  }
0xc3: {  	_ =	shalt  }
tec
execute0_lowered:
.L_overlay_start_1:
0x0: {  	(tag) =	ssettag $0x1  }
0x1: {  	s1 =	srdreg.scid;
	s7 =	rddreg [dreg:$0x0]  }
0x2: {  	s0 =	stileid.u32;
	s2 =	rddreg [dreg:$0x1]  }
0x3: {  	s3 =	simm.s32 $0x0;
	s13 =	simm.s32 $0xE10;
	s14 =	simm.s32 $0x2  }
0x4: {  	s17 =	simm.s32 $0xC8;
	s18 =	simm.s32 $0x190;
	s19 =	simm.s32 $0x7D0  }
0x5: {  	s20 =	simm.s32 $0x1;
	s21 =	simm.s32 $0x0;
	s4 =	smul.u32 $0x2710, s0  }
0x6: {  	s8 =	sand.u32 $0x1, s1;
	s1 =	rddreg [dreg:$0x2];
	s9 =	smul.u32 $0x13C0, s0  }
0x7: {  	[smem:$0x7FF] =	sst s3;
	s15 =	sshll.u32 s0, $0x6;
	s5 =	smul.u32 $0x1388, s8  }
0x8: {  	s6 =	smul.u32 $0x13C00, s8;
	_ =	strace $0x80000047;
	s8 =	ssub.s32 $0x2, s8  }
0x9: {  	s15 =	sor.u32 $0x1C02, s15;
	s31 =	sshrl.u32 s8, $0x1;
	s16 =	sadd.s32 s9, s2  }
0xa: {  	s10 =	sadd.s32 s5, s4;
	s4 =	sadd.s32 $0x10200, s7;
	s11 =	sadd.s32 s9, s6  }
0xb: {  	s6 =	sadd.s32 $0x12E00, s7;
	s8 =	ssub.s32 s8, s31;
	s16 =	sshrl.u32 s16, $0x3  }
0xc: {  	s5 =	sshrl.u32 s10, $0x3;
	s11 =	sshrl.u32 s11, $0x3;
	s10 =	sadd.s32 s10, s7  }
0xd: {  	s8 =	smax.u32 s8, $0x1;
	s12 =	sadd.s32 s5, s7;
	s5 =	sadd.s32 $0x12A00, s7  }
0xe: {  	s7 =	sadd.s32 s11, s7;
	s9 =	sadd.s32 $0x13000, s10;
	s10 =	sadd.s32 $0x3A200, s10  }
0xf: {  	s7 =	sadd.s32 $0x61400, s7;
	s11 =	sadd.s32 $0x6200, s12;
	s12 =	sadd.s32 $0xB200, s12  }
.LBB2_1:
0x10: {  	[tilespmem:s13], [sflag:$0x2] =	stream.linear.gather [hbm4b:s6+s3], $0x640, $0x38;
	[tilespmem:$0x2810] =	vst v63  }
0x11: {  	_ =	swait.ge [sflag:s14], $0x640  }
0x12: {  	[sflag:s14] =	ssyncset.done $0x0  }
0x13: {  	[sflag:s14] =	ssyncadd.s32 $0xFFFFF9C0  }
0x14: {  	[spmem:s16], [sflag:s15] =	dma.local [hbm:s5], $0x278  }
0x15: {  	_ =	swait.ge [sflag:s14], $0x278  }
0x16: {  	[sflag:s14] =	ssyncset.done $0x0  }
0x17: {  	[sflag:s14] =	ssyncadd.s32 $0xFFFFFD88  }
0x18: {  	s22 =	sadd.s32 $0x0, s12;
	[bflag:$0x0] =	sbarrier.arrive $0xFFFF  }
0x19: {  	[tilespmem:s3], [sflag:$0x2] =	stream.linear.gather [hbm4b:s22+s3], $0xC8, $0x38;
	[tilespmem:$0x2810] =	vst v63  }
0x1a: {  	_ =	swait.ge [sflag:s14], $0xC8  }
0x1b: {  	[sflag:s14] =	ssyncset.done $0x0  }
0x1c: {  	s31 =	sadd.s32 $0x0, s11;
	[sflag:s14] =	ssyncadd.s32 $0xFFFFFF38  }
0x1d: {  	[tilespmem:s17], [sflag:$0x2] =	stream.linear.gather [hbm4b:s31+s3], $0xC8, $0x38;
	[tilespmem:$0x2810] =	vst v63  }
0x1e: {  	_ =	swait.ge [sflag:s14], $0xC8  }
0x1f: {  	[sflag:s14] =	ssyncset.done $0x0  }
0x20: {  	[sflag:s14] =	ssyncadd.s32 $0xFFFFFF38  }
0x21: {  	[tilespmem:s18], [sflag:$0x1] =	stream.indirect.gather [hbm4b:s4+s17], $0x8, s3, s17, $0xb8;
	[tilespmem:$0x2810] =	vst v63  }
0x22: {  	_ = 	snop  }
0x23: {  	[tilespmem:s19], [sflag:$0x1] =	stream.indirect.gather [hbm4b:s4+s17], $0x8, s17, s17, $0xb8;
	[tilespmem:$0x2810] =	vst v63  }
0x24: {  	_ =	swait.ge [sflag:s20], $0x640  }
0x25: {  	[sflag:s20] =	ssyncset.done $0x0  }
0x26: {  	[sflag:s20] =	ssyncadd.s32 $0xFFFFF9C0  }
0x27: {  	_ =	swait.ge [sflag:s20], $0x640  }
0x28: {  	[sflag:s20] =	ssyncset.done $0x0  }
0x29: {  	[sflag:s20] =	ssyncadd.s32 $0xFFFFF9C0  }
0x2a: {  	[hbm4b:s10+s3] =	stream.linear.scatter [tilespmem:s18], [sflag:$0x2], $0x640, $0x38;
	[tilespmem:$0x2810] =	vst v63  }
0x2b: {  	_ =	swait.ge [sflag:s14], $0x640  }
0x2c: {  	[sflag:s14] =	ssyncset.done $0x0  }
0x2d: {  	[sflag:s14] =	ssyncadd.s32 $0xFFFFF9C0  }
0x2e: {  	[hbm4b:s9+s3] =	stream.linear.scatter [tilespmem:s19], [sflag:$0x2], $0x640, $0x38;
	[tilespmem:$0x2810] =	vst v63  }
0x2f: {  	_ =	swait.ge [sflag:s14], $0x640  }
0x30: {  	[sflag:s14] =	ssyncset.done $0x0  }
0x31: {  	[sflag:s14] =	ssyncadd.s32 $0xFFFFF9C0  }
0x32: {  	[spmem:s2] =	stream.indirect.scatter.add.f32 [tilespmem:s13], [sflag:$0x2], $0x8, s17, s17, $0xb8;
	[tilespmem:$0x2810] =	vst v63  }
0x33: {  	s24 =	simm.s32 $0x19;
	s25 =	simm.s32 $0x32;
	_ =	swait.ge [sflag:s14], $0x640  }
0x34: {  	s23 =	sadd.s32 $0xC8, s10;
	s22 =	sadd.s32 $0xC8, s9;
	[sflag:s14] =	ssyncset.done $0x0  }
.LBB2_2:
0x35: {  	s26 =	sadd.s32 s24, s12  }
0x36: {  	[sflag:s14] =	ssyncadd.s32 $0xFFFFF9C0;
	s28 =	smov.u32 s25;
	s29 =	sadd.s32 $0x19, s25  }
0x37: {  	[tilespmem:s3], [sflag:$0x2] =	stream.linear.gather [hbm4b:s26+s3], $0xC8, $0x38;
	[tilespmem:$0x2810] =	vst v63  }
0x38: {  	p0 =	sne.s32 s25, $0x258;
	_ =	swait.ge [sflag:s14], $0xC8  }
0x39: {  	[sflag:s14] =	ssyncset.done $0x0  }
0x3a: {  	s25 =	sadd.s32 s24, s11;
	s24 =	smov.u32 s28;
	[sflag:s14] =	ssyncadd.s32 $0xFFFFFF38  }
0x3b: {  	[tilespmem:s17], [sflag:$0x2] =	stream.linear.gather [hbm4b:s25+s3], $0xC8, $0x38;
	[tilespmem:$0x2810] =	vst v63  }
0x3c: {  	_ =	swait.ge [sflag:s14], $0xC8  }
0x3d: {  	[sflag:s14] =	ssyncset.done $0x0  }
0x3e: {  	[sflag:s14] =	ssyncadd.s32 $0xFFFFFF38  }
0x3f: {  	[tilespmem:s18], [sflag:$0x1] =	stream.indirect.gather [hbm4b:s4+s17], $0x8, s3, s17, $0xb8;
	[tilespmem:$0x2810] =	vst v63  }
0x40: {  	_ = 	snop  }
0x41: {  	[tilespmem:s19], [sflag:$0x1] =	stream.indirect.gather [hbm4b:s4+s17], $0x8, s17, s17, $0xb8;
	[tilespmem:$0x2810] =	vst v63  }
0x42: {  	_ =	swait.ge [sflag:s20], $0x640  }
0x43: {  	[sflag:s20] =	ssyncset.done $0x0  }
0x44: {  	[sflag:s20] =	ssyncadd.s32 $0xFFFFF9C0  }
0x45: {  	_ =	swait.ge [sflag:s20], $0x640  }
0x46: {  	[sflag:s20] =	ssyncset.done $0x0  }
0x47: {  	[sflag:s20] =	ssyncadd.s32 $0xFFFFF9C0  }
0x48: {  	[hbm4b:s23+s3] =	stream.linear.scatter [tilespmem:s18], [sflag:$0x2], $0x640, $0x38;
	[tilespmem:$0x2810] =	vst v63  }
0x49: {  	_ =	swait.ge [sflag:s14], $0x640  }
0x4a: {  	[sflag:s14] =	ssyncset.done $0x0  }
0x4b: {  	[sflag:s14] =	ssyncadd.s32 $0xFFFFF9C0  }
0x4c: {  	[hbm4b:s22+s3] =	stream.linear.scatter [tilespmem:s19], [sflag:$0x2], $0x640, $0x38;
	[tilespmem:$0x2810] =	vst v63  }
0x4d: {  	_ =	swait.ge [sflag:s14], $0x640  }
.Ltmp0:
0x4e: {  	[sflag:s14] =	ssyncset.done $0x0;
	(pc) =	sbr.rel @p0 .LBB2_2-.Ltmp0, $4  }
0x4f: {  	[sflag:s14] =	ssyncadd.s32 $0xFFFFF9C0  }
0x50: {  	[spmem:s2] =	stream.indirect.scatter.add.f32 [tilespmem:s13], [sflag:$0x2], $0x8, s17, s17, $0xb8;
	[tilespmem:$0x2810] =	vst v63  }
0x51: {  	s25 =	smov.u32 s29;
	_ =	swait.ge [sflag:s14], $0x640  }
0x52: {  	s23 =	sadd.s32 $0xC8, s23;
	s22 =	sadd.s32 $0xC8, s22;
	[sflag:s14] =	ssyncset.done $0x0  }
0x53: {  	s25 =	sadd.s32 s24, s12;
	[sflag:s14] =	ssyncadd.s32 $0xFFFFF9C0  }
0x54: {  	[tilespmem:s3], [sflag:$0x2] =	stream.linear.gather [hbm4b:s25+s3], $0xC8, $0x38;
	[tilespmem:$0x2810] =	vst v63  }
0x55: {  	_ =	swait.ge [sflag:s14], $0xC8  }
0x56: {  	[sflag:s14] =	ssyncset.done $0x0  }
0x57: {  	s31 =	sadd.s32 s24, s11;
	[sflag:s14] =	ssyncadd.s32 $0xFFFFFF38  }
0x58: {  	[tilespmem:s17], [sflag:$0x2] =	stream.linear.gather [hbm4b:s31+s3], $0xC8, $0x38;
	[tilespmem:$0x2810] =	vst v63  }
0x59: {  	_ =	swait.ge [sflag:s14], $0xC8  }
0x5a: {  	[sflag:s14] =	ssyncset.done $0x0  }
0x5b: {  	[sflag:s14] =	ssyncadd.s32 $0xFFFFFF38  }
0x5c: {  	[tilespmem:s18], [sflag:$0x1] =	stream.indirect.gather [hbm4b:s4+s17], $0x8, s3, s17, $0xb8;
	[tilespmem:$0x2810] =	vst v63  }
0x5d: {  	_ = 	snop  }
0x5e: {  	[tilespmem:s19], [sflag:$0x1] =	stream.indirect.gather [hbm4b:s4+s17], $0x8, s17, s17, $0xb8;
	[tilespmem:$0x2810] =	vst v63  }
0x5f: {  	_ =	swait.ge [sflag:s20], $0x640  }
0x60: {  	[sflag:s20] =	ssyncset.done $0x0  }
0x61: {  	[sflag:s20] =	ssyncadd.s32 $0xFFFFF9C0  }
0x62: {  	_ =	swait.ge [sflag:s20], $0x640  }
0x63: {  	[sflag:s20] =	ssyncset.done $0x0  }
0x64: {  	[sflag:s20] =	ssyncadd.s32 $0xFFFFF9C0  }
0x65: {  	[hbm4b:s23+s3] =	stream.linear.scatter [tilespmem:s18], [sflag:$0x2], $0x640, $0x38;
	[tilespmem:$0x2810] =	vst v63  }
0x66: {  	_ =	swait.ge [sflag:s14], $0x640  }
0x67: {  	[sflag:s14] =	ssyncset.done $0x0  }
0x68: {  	[sflag:s14] =	ssyncadd.s32 $0xFFFFF9C0  }
0x69: {  	[hbm4b:s22+s3] =	stream.linear.scatter [tilespmem:s19], [sflag:$0x2], $0x640, $0x38;
	[tilespmem:$0x2810] =	vst v63  }
0x6a: {  	_ =	swait.ge [sflag:s14], $0x640  }
0x6b: {  	[sflag:s14] =	ssyncset.done $0x0  }
0x6c: {  	[sflag:s14] =	ssyncadd.s32 $0xFFFFF9C0  }
0x6d: {  	[spmem:s2] =	stream.indirect.scatter.add.f32 [tilespmem:s13], [sflag:$0x2], $0x8, s17, s17, $0xb8;
	[tilespmem:$0x2810] =	vst v63  }
0x6e: {  	_ =	swait.ge [sflag:s14], $0x640  }
0x6f: {  	s21 =	sadd.s32 $0x1, s21;
	[sflag:s14] =	ssyncset.done $0x0  }
0x70: {  	p0 =	sne.s32 s21, s8;
	[sflag:s14] =	ssyncadd.s32 $0xFFFFF9C0  }
.Ltmp1:
0x71: {  	[bflag:$0x0] =	sbarrier.arrive $0xFFFF;
	(pc) =	sbr.rel @p0 .LBB2_1-.Ltmp1, $4  }
0x72: {  	[hbm:s7], [sflag:s15] =	dma.local [spmem:s16], $0x278  }
0x73: {  	_ =	swait.ge [sflag:s14], $0x278  }
0x74: {  	[sflag:s14] =	ssyncset.done $0x0  }
0x75: {  	[sflag:s14] =	ssyncadd.s32 $0xFFFFFD88  }
0x76: {  	_ =	sfence.sel $0x180000  }
0x77: {  	[bflag:$0x0] =	sbarrier.arrive $0xFFFF  }
0x78: {  	p0 =	sne.s32 s0, $0x0;
	_ =	strace $0x90000047  }
0x79: {  	s0 =	sadd.s32 @!p0 $0x100000, s1;
	[bflag:$0x2] =	sbarrier.arrive $0xFFFF  }
0x7a: {  	[sflag:s0] =	ssyncadd.tile.s32 @!p0 $0x1;
	_ =	shalt  }
.Lfunc_end2:
_tile_overlayer_lowered:
.L_overlay_start_2:
0x7b: {  	(tag) =	ssettag $0x2  }
0x7c: {  	s0 =	rddreg [dreg:$0x0];
	s2 =	stileid.u32  }
0x7d: {  	s1 =	rddreg [dreg:$0x1];
	p0 =	sne.s32 s2, $0x0  }
0x7e: {  	s3 =	rddreg [dreg:$0x2];
	[bflag:$0x3] =	sbarrier.arrive $0xFFFF;
	s2 =	simm.s32 @!p0 $0x1C02  }
0x7f: {  	[timem:s3], [sflag:s2] =	dma.local @!p0 [hbm:s0], s1  }
0x80: {  	s0 =	simm.s32 @!p0 $0x2  }
0x81: {  	_ =	swait.ge @!p0 [sflag:s0], s1  }
0x82: {  	s1 =	ssub.s32 @!p0 $0x0, s1;
	[sflag:s0] =	ssyncset.done @!p0 $0x0  }
0x83: {  	[sflag:s0] =	ssyncadd.s32 @!p0 s1  }
0x84: {  	[bflag:$0x3] =	sbarrier.arrive $0xFFFF  }
0x85: {  	_ =	shalt  }

// kernel: kernel.27.cloned.1.call-start
scs
__scs_entry_jumppad:
0x0: {  	(pc) =	sbr.rel $0x88, $3  }
0x1: {  	(tag) =	ssettag $0x0;
	lr =	simm.s32 $0x1  }
0x2: {  	[smem:$0x3F91] =	sst lr;
	_ =	strace $0xD0000000  }
0x3: {  	_ = 	snop  }
0x4: {  	_ = 	snop  }
0x5: {  	_ = 	snop  }
0x6: {  	_ = 	snop  }
0x7: {  	_ = 	snop  }
__scs_overlays_trampoline_lowered:
0x8: {  	[smem:$0x3FA0] =	sst s0  }
0x9: {  	[smem:$0x3FA1] =	sst s1  }
0xa: {  	[smem:$0x3FA2] =	sst s2  }
0xb: {  	[smem:$0x3FA3] =	sst s3  }
0xc: {  	[smem:$0x3FA4] =	sst s4  }
0xd: {  	[smem:$0x3FA5] =	sst s5  }
0xe: {  	[smem:$0x3FA6] =	sst s6  }
0xf: {  	[smem:$0x3FA7] =	sst s7  }
0x10: {  	[smem:$0x3FA8] =	sst s8  }
0x11: {  	[smem:$0x3FA9] =	sst s9;
	s0 =	simm.s32 @!p0 $0x0  }
0x12: {  	s1 =	sld [smem:$0x3F8F];
	s0 =	simm.s32 @p0 $0x1  }
0x13: {  	[smem:$0x3FAA] =	sst s0;
	s0 =	simm.s32 @!p1 $0x0  }
0x14: {  	s2 =	sld [smem:$0x3F8E];
	s0 =	simm.s32 @p1 $0x1  }
0x15: {  	[smem:$0x3FAB] =	sst s0;
	s0 =	simm.s32 @!p2 $0x0  }
0x16: {  	s3 =	sld [smem:$0x3FDB];
	s0 =	simm.s32 @p2 $0x1  }
0x17: {  	s4 =	simm.s32 $0x1BF5;
	[smem:$0x3FAD] =	sst s0  }
0x18: {  	s0 =	sld [smem:$0x3F90];
	_ =	swait.ge [sflag:s4], $0x0  }
0x19: {  	s7 =	sld [smem:$0x3F91]  }
0x1a: {  	s8 =	sadd.s32 $0xFFFFE003, lr  }
0x1b: {  	s9 =	sadd.s32 $0xFFFFFEF7, lr;
	s5 =	simm.s32 $0xFFFFFFFF;
	p2 =	slt.u32 s8, $0xFFFFF086  }
0x1c: {  	p1 =	slt.u32 s9, $0xF7A;
	s5 =	simm.s32 @!p2 $0x0  }
0x1d: {  	s5 =	simm.s32 @p1 $0x1;
	p0 =	seq.s32 s7, s2  }
0x1e: {  	s7 =	smul.u32 @!p0 $0xF7A, s2;
	p2 =	seq.s32 @!p0 s5, $0x0  }
0x1f: {  	s9 =	smul.u32 $0xF7A, s1;
	s8 =	simm.s32 @!p0 $0x1BF5;
	p2 =	por !p2, p0  }
0x20: {  	[sflag:s8] =	ssyncset.s32 @!p0 $0xFFFFF086;
	s6 =	sadd.s32 @!p0 s3, s7;
	s7 =	simm.s32 @!p0 $0x108  }
0x21: {  	s3 =	sadd.s32 s3, s9;
	s6 =	sadd.s32 @!p0 $0x88, s6;
	s7 =	simm.s32 @p2 $0x1082  }
0x22: {  	[simem:s7], [sflag:s8] =	dma.local @!p0 [hbm:s6], $0xF7A  }
0x23: {  	s9 =	sor.u32 $0xD0000000, s2;
	s6 =	simm.s32 $0x108;
	_ =	swait.ge @!p0 [sflag:s8], $0x0  }
0x24: {  	s3 =	sadd.s32 $0x88, s3;
	s6 =	simm.s32 @!p1 $0x1082;
	[sflag:s4] =	ssyncset.s32 $0xFFFFF086  }
0x25: {  	[simem:s6], [sflag:s4] =	dma.local [hbm:s3], $0xF7A  }
0x26: {  	[smem:$0x3F91] =	sst s1;
	(tag) =	ssettag s2;
	_ =	strace s9  }
0x27: {  	s1 =	sld [smem:$0x3FA1]  }
0x28: {  	s2 =	sld [smem:$0x3FA2]  }
0x29: {  	s4 =	sld [smem:$0x3FA4]  }
0x2a: {  	p0 =	seq.s32 s5, $0x0;
	s5 =	sld [smem:$0x3FA5]  }
0x2b: {  	s6 =	sld [smem:$0x3FA6]  }
0x2c: {  	s7 =	sld [smem:$0x3FA7]  }
0x2d: {  	s3 =	simm.s32 $0x108;
	s8 =	sld [smem:$0x3FA8]  }
0x2e: {  	s3 =	simm.s32 @!p0 $0x1082;
	s9 =	sld [smem:$0x3FA9]  }
0x2f: {  	lr =	sadd.s32 s0, s3;
	s0 =	sld [smem:$0x3FA0]  }
0x30: {  	s3 =	sld [smem:$0x3FA3]  }
0x31: {  	[smem:$0x3FAC] =	sst s10  }
0x32: {  	s10 =	sld [smem:$0x3FAA];
	_ =	sdelay $0x3  }
0x33: {  	p0 =	seq.s32 s10, $0x1;
	s10 =	sld [smem:$0x3FAC];
	_ =	sdelay $0x3  }
0x34: {  	[smem:$0x3FAC] =	sst s10  }
0x35: {  	s10 =	sld [smem:$0x3FAB];
	_ =	sdelay $0x3  }
0x36: {  	p1 =	seq.s32 s10, $0x1;
	s10 =	sld [smem:$0x3FAC];
	_ =	sdelay $0x3  }
0x37: {  	[smem:$0x3FAC] =	sst s10  }
0x38: {  	s10 =	sld [smem:$0x3FAD]  }
0x39: {  	_ = 	snop;
	(pc) =	sbr.ind lr, $3  }
0x3a: {  	_ = 	snop  }
0x3b: {  	_ = 	snop  }
0x3c: {  	p2 =	seq.s32 s10, $0x1;
	s10 =	sld [smem:$0x3FAC]  }
0x3d: {  	_ =	shalt  }
0x3e: {  	_ =	shalt  }
0x3f: {  	_ =	shalt  }
0x40: {  	_ =	shalt  }
0x41: {  	_ =	shalt  }
0x42: {  	_ =	shalt  }
0x43: {  	_ =	shalt  }
0x44: {  	_ =	shalt  }
0x45: {  	_ =	shalt  }
0x46: {  	_ =	shalt  }
0x47: {  	_ =	shalt  }
0x48: {  	_ =	shalt  }
0x49: {  	_ =	shalt  }
0x4a: {  	_ =	shalt  }
0x4b: {  	_ =	shalt  }
0x4c: {  	_ =	shalt  }
0x4d: {  	_ =	shalt  }
0x4e: {  	_ =	shalt  }
0x4f: {  	_ =	shalt  }
0x50: {  	_ =	shalt  }
0x51: {  	_ =	shalt  }
0x52: {  	_ =	shalt  }
0x53: {  	_ =	shalt  }
0x54: {  	_ =	shalt  }
0x55: {  	_ =	shalt  }
0x56: {  	_ =	shalt  }
0x57: {  	_ =	shalt  }
0x58: {  	_ =	shalt  }
0x59: {  	_ =	shalt  }
0x5a: {  	_ =	shalt  }
0x5b: {  	_ =	shalt  }
0x5c: {  	_ =	shalt  }
0x5d: {  	_ =	shalt  }
0x5e: {  	_ =	shalt  }
0x5f: {  	_ =	shalt  }
0x60: {  	_ =	shalt  }
0x61: {  	_ =	shalt  }
0x62: {  	_ =	shalt  }
0x63: {  	_ =	shalt  }
0x64: {  	_ =	shalt  }
0x65: {  	_ =	shalt  }
0x66: {  	_ =	shalt  }
0x67: {  	_ =	shalt  }
0x68: {  	_ =	shalt  }
0x69: {  	_ =	shalt  }
0x6a: {  	_ =	shalt  }
0x6b: {  	_ =	shalt  }
0x6c: {  	_ =	shalt  }
0x6d: {  	_ =	shalt  }
0x6e: {  	_ =	shalt  }
0x6f: {  	_ =	shalt  }
0x70: {  	_ =	shalt  }
0x71: {  	_ =	shalt  }
0x72: {  	_ =	shalt  }
0x73: {  	_ =	shalt  }
0x74: {  	_ =	shalt  }
0x75: {  	_ =	shalt  }
0x76: {  	_ =	shalt  }
0x77: {  	_ =	shalt  }
0x78: {  	_ =	shalt  }
0x79: {  	_ =	shalt  }
0x7a: {  	_ =	shalt  }
0x7b: {  	_ =	shalt  }
0x7c: {  	_ =	shalt  }
0x7d: {  	_ =	shalt  }
0x7e: {  	_ =	shalt  }
0x7f: {  	_ =	shalt  }
0x80: {  	_ =	shalt  }
0x81: {  	_ =	shalt  }
0x82: {  	_ =	shalt  }
0x83: {  	_ =	shalt  }
0x84: {  	_ =	shalt  }
0x85: {  	_ =	shalt  }
0x86: {  	_ =	shalt  }
0x87: {  	_ =	shalt  }
.Lfunc_end0:
.L_simem_size_0:
called_computation.5_lowered:
.L_overlay_start_0:
0x88: {  	s2 =	sld [smem:$0x3FD9]  }
0x89: {  	s3 =	sld [smem:$0x3FFE];
	_ =	sdelay $0x1  }
0x8a: {  	s1 =	srdreg.scid  }
0x8b: {  	s0 =	sand.u32 $0x1, s1  }
0x8c: {  	s17 =	sshll.u32 s0, $0xA;
	s2 =	sadd.s32 s3, s2  }
0x8d: {  	s2 =	sadd.s32 s2, s17  }
0x8e: {  	[smem:$0x3FB8] =	sst s2  }
0x8f: {  	_ = 	snop  }
0x90: {  	(tm) =	ssettm $0x1  }
0x91: {  	s18 =	sld [smem:$0x3FFB];
	_ =	sdelay $0x3  }
0x92: {  	_ =	strace s18  }
0x93: {  	s2 =	sld [smem:$0x3FFC];
	_ =	sdelay $0x3  }
0x94: {  	_ =	strace s2  }
0x95: {  	s2 =	sld [smem:$0x3FFD];
	_ =	sdelay $0x3  }
0x96: {  	_ =	strace s2  }
0x97: {  	_ =	strace $0x8FFFFFFF  }
0x98: {  	s19 =	sld [smem:$0x3FDB];
	_ =	sdelay $0x1  }
0x99: {  	s20 =	simm.s32 $_scs_section_size  }
0x9a: {  	s4 =	simm.s32 $_size__tile_overlayer_lowered;
	s5 =	simm.s32 $_tile_overlayer_lowered  }
0x9b: {  	s6 =	simm.s32 $0x1BFF;
	s21 =	sshll.u32 s5, $0x1;
	s3 =	sadd.s32 s20, s19  }
0x9c: {  	s22 =	simm.s32 $0x0;
	s4 =	sshll.u32 s4, $0x1;
	s5 =	sadd.s32 s21, s3  }
0x9d: {  	[timem:s22], [sflag:s6] =	dma.local [hbm:s5], s4  }
0x9e: {  	_ =	swait.ge [sflag:s6], s4  }
0x9f: {  	s4 =	ssub.s32 $0x0, s4;
	[sflag:s6] =	ssyncset.done $0x0  }
0xa0: {  	[sflag:s6] =	ssyncadd.s32 s4;
	_ =	sdelay $0x1  }
0xa1: {  	s23 =	simm.s32 $0x1B8B  }
0xa2: {  	_ =	swait.ge [sflag:s23], $0x1  }
0xa3: {  	[sflag:s23] =	ssyncset.done $0x0  }
0xa4: {  	[sflag:s23] =	ssyncadd.s32 $0xFFFFFFFF  }
0xa5: {  	s4 =	sld [smem:$0x0]  }
0xa6: {  	s5 =	sand.u32 $0xFFFFFFFE, s1  }
0xa7: {  	p0 =	sne.s32 s1, s5  }
0xa8: {  	s5 =	sshll.u32 @p0 s5, $0xE  }
0xa9: {  	s5 =	sadd.s32 @p0 $0x11B8D, s5;
	s6 =	sshll.u32 @p0 s4, $0x11  }
0xaa: {  	s5 =	sor.u32 @p0 s6, s5  }
0xab: {  	[sflag:s5] =	ssyncadd.remote.s32 @p0 $0x1;
	_ =	sdelay $0x1  }
0xac: {  	s5 =	simm.s32 @p0 $0x1B8D  }
0xad: {  	_ =	swait.eq @p0 [sflag:s5], $0x1  }
0xae: {  	[sflag:s5] =	ssyncadd.s32 @p0 $0xFFFFFFFF  }
0xaf: {  	s6 =	sshll.u32 @!p0 s1, $0xE  }
0xb0: {  	s6 =	sor.u32 @!p0 $0x4000, s6;
	s5 =	simm.s32 @!p0 $0x1B8D  }
0xb1: {  	s4 =	sshll.u32 @!p0 s4, $0x11;
	s6 =	sadd.s32 @!p0 $0x11B8D, s6;
	_ =	swait.eq @!p0 [sflag:s5], $0x1  }
0xb2: {  	s4 =	sor.u32 @!p0 s4, s6;
	[sflag:s5] =	ssyncadd.s32 @!p0 $0xFFFFFFFF  }
0xb3: {  	s25 =	simm.s32 $0x1B8E;
	s24 =	sld [smem:$0x3FFE];
	[sflag:s4] =	ssyncadd.remote.s32 @!p0 $0x1  }
0xb4: {  	s26 =	simm.s32 $execute0_lowered;
	[smem:$0x3FD2] =	sst s25  }
0xb5: {  	s5 =	sshll.u32 s26, $0x1;
	_ =	strace $0x80000052;
	[dreg:$0x1] =	wrdreg $0xFFFFFFFF  }
0xb6: {  	s28 =	simm.s32 $_size_execute0_lowered;
	s3 =	sadd.s32 s3, s5;
	[dreg:$0x0] =	wrdreg $0x0  }
0xb7: {  	s5 =	sshll.u32 s28, $0x1;
	[dreg:$0x2] =	wrdreg s3  }
0xb8: {  	[dreg:$0x3] =	wrdreg s5  }
0xb9: {  	[dreg:$0x4] =	wrdreg $0xC0  }
0xba: {  	_ =	task [dreg:s22], $0x5FFFF  }
0xbb: {  	[dreg:$0x1] =	wrdreg $0xFFFFFFFF  }
0xbc: {  	[dreg:$0x0] =	wrdreg $0x60  }
0xbd: {  	[dreg:$0x2] =	wrdreg s24  }
0xbe: {  	[dreg:$0x3] =	wrdreg $0x65000  }
0xbf: {  	[dreg:$0x4] =	wrdreg $0xB  }
0xc0: {  	_ =	task.clear_ibuf [dreg:s22], $0x5FFFF;
	_ =	strace $0x90000052  }
0xc1: {  	s29 =	simm.s32 $0xB;
	_ =	strace $0x80000054  }
0xc2: {  	_ =	swait.ge [sflag:s29], $0x1  }
0xc3: {  	[sflag:s29] =	ssyncadd.s32 $0xFFFFFFFF  }
0xc4: {  	_ =	strace $0x90000054  }
0xc5: {  	_ =	sfence  }
0xc6: {  	s30 =	sld [smem:$0x0];
	_ =	sdelay $0x2  }
0xc7: {  	s31 =	sshll.u32 s1, $0xD;
	s1 =	sshrl.u32 s1, $0x2  }
0xc8: {  	s4 =	sand.u32 $0x4000, s31;
	s1 =	sadd.s32 s1, s30  }
0xc9: {  	s0 =	sor.u32 s4, s0;
	s1 =	sshll.u32 s1, $0x11  }
0xca: {  	s0 =	sor.u32 s1, s0  }
0xcb: {  	s0 =	sadd.s32 $0x8F2B, s0  }
0xcc: {  	[sflag:s0] =	ssyncadd.remote.s32 $0x1  }
0xcd: {  	_ =	sfence.sel $0xFFFF  }
0xce: {  	[dreg:$0x0] =	wrdreg $0xFFFFFFFF;
	(pc) =	sbr.abs _section_cstart, $3  }
0xcf: {  	[dreg:$0x1] =	wrdreg $0xFFFFFFFF  }
0xd0: {  	_ =	task.clear_ibuf [dreg:s22], $0x2FFFF;
	_ =	strace $0x9FFFFFFF  }
0xd1: {  	(tm) =	ssettm $0x7FFFFFFF  }
tec
execute0_lowered:
.L_overlay_start_1:
0x0: {  	(tag) =	ssettag $0x1  }
0x1: {  	s0 =	stileid.u32;
	s1 =	srdreg.scid  }
0x2: {  	s5 =	rddreg [dreg:$0x0];
	s4 =	smul.u32 $0x27100, s0  }
0x3: {  	s2 =	rddreg [dreg:$0x1];
	s7 =	smul.u32 $0x2710, s0  }
0x4: {  	s3 =	simm.s32 $0x0;
	s13 =	simm.s32 $0x1;
	s10 =	smul.u32 $0x13C00, s0  }
0x5: {  	s14 =	simm.s32 $0xC8;
	s6 =	sand.u32 $0x1, s1;
	s29 =	smul.u32 $0x4F000, s0  }
0x6: {  	s15 =	simm.s32 $0x0;
	s1 =	rddreg [dreg:$0x2];
	s8 =	smul.u32 $0x1388, s6  }
0x7: {  	[smem:$0x7FF] =	sst s3;
	s31 =	sshll.u32 s0, $0x6;
	s9 =	smul.u32 $0x13C000, s6  }
0x8: {  	_ =	strace $0x80000053;
	s30 =	ssub.s32 $0x2, s6;
	s12 =	smul.u32 $0x13880, s6  }
0x9: {  	s24 =	sadd.s32 s4, s5;
	s4 =	sadd.s32 $0xB200, s5;
	s11 =	sshrl.u32 s30, $0x1  }
0xa: {  	s7 =	sadd.s32 s8, s7;
	s26 =	sadd.s32 s10, s9;
	s10 =	sshrl.u32 s29, $0x2  }
0xb: {  	s11 =	ssub.s32 s30, s11;
	s8 =	sadd.s32 s12, s24;
	s12 =	simm.s32 $0x100  }
0xc: {  	s25 =	sshrl.u32 s7, $0x3;
	s7 =	sshrl.u32 s26, $0x3;
	s10 =	sadd.s32 s10, s2  }
0xd: {  	s8 =	sadd.s32 $0x1954A00, s8;
	s28 =	sadd.s32 s25, s5;
	s7 =	sadd.s32 s7, s5  }
0xe: {  	s5 =	sor.u32 $0x1C02, s31;
	s10 =	sshrl.u32 s10, $0x3;
	s6 =	sadd.s32 $0x8D600, s7  }
0xf: {  	s7 =	smax.u32 s11, $0x1;
	s9 =	sadd.s32 $0x6200, s28;
	s11 =	simm.s32 $0x2  }
.LBB2_1:
0x10: {  	[spmem:s10], [sflag:s5] =	dma.local [hbm:s4], $0x2780  }
0x11: {  	_ =	swait.ge [sflag:s11], $0x2780  }
0x12: {  	[sflag:s11] =	ssyncset.done $0x0  }
0x13: {  	[sflag:s11] =	ssyncadd.s32 $0xFFFFD880  }
0x14: {  	s16 =	sadd.s32 $0x0, s9;
	[bflag:$0x0] =	sbarrier.arrive $0xFFFF  }
0x15: {  	[tilespmem:s3], [sflag:$0x2] =	stream.linear.gather [hbm4b:s16+s3], $0xC8, $0x38;
	[tilespmem:$0x1A100] =	vst v63  }
0x16: {  	_ =	swait.ge [sflag:s11], $0xC8  }
0x17: {  	[sflag:s11] =	ssyncset.done $0x0  }
0x18: {  	[sflag:s11] =	ssyncadd.s32 $0xFFFFFF38  }
0x19: {  	[tilespmem:s12], [sflag:$0x1] =	stream.linear.gather [hbm4b:s8+s3], $0x6400, $0x38;
	[tilespmem:$0x1A100] =	vst v63  }
0x1a: {  	_ =	swait.ge [sflag:s13], $0x6400  }
0x1b: {  	[sflag:s13] =	ssyncset.done $0x0  }
0x1c: {  	[sflag:s13] =	ssyncadd.s32 $0xFFFF9C00  }
0x1d: {  	[spmem:s2] =	stream.indirect.scatter.add.f32 [tilespmem:s12], [sflag:$0x2], $0x80, s3, s14, $0xb8;
	[tilespmem:$0x1A100] =	vst v63  }
0x1e: {  	s17 =	simm.s32 $0x19;
	_ =	swait.ge [sflag:s11], $0x6400  }
0x1f: {  	s18 =	simm.s32 $0x32;
	s16 =	sadd.s32 $0xC80, s8;
	[sflag:s11] =	ssyncset.done $0x0  }
.LBB2_2:
0x20: {  	s19 =	sadd.s32 s17, s9  }
0x21: {  	[sflag:s11] =	ssyncadd.s32 $0xFFFF9C00;
	s17 =	smov.u32 s18;
	s20 =	sadd.s32 $0x19, s18  }
0x22: {  	[tilespmem:s3], [sflag:$0x2] =	stream.linear.gather [hbm4b:s19+s3], $0xC8, $0x38;
	[tilespmem:$0x1A100] =	vst v63  }
0x23: {  	p0 =	sne.s32 s18, $0x258;
	_ =	swait.ge [sflag:s11], $0xC8  }
0x24: {  	[sflag:s11] =	ssyncset.done $0x0  }
0x25: {  	[sflag:s11] =	ssyncadd.s32 $0xFFFFFF38  }
0x26: {  	[tilespmem:s12], [sflag:$0x1] =	stream.linear.gather [hbm4b:s16+s3], $0x6400, $0x38;
	[tilespmem:$0x1A100] =	vst v63  }
0x27: {  	_ =	swait.ge [sflag:s13], $0x6400  }
.Ltmp0:
0x28: {  	[sflag:s13] =	ssyncset.done $0x0;
	(pc) =	sbr.rel @p0 .LBB2_2-.Ltmp0, $4  }
0x29: {  	[sflag:s13] =	ssyncadd.s32 $0xFFFF9C00  }
0x2a: {  	[spmem:s2] =	stream.indirect.scatter.add.f32 [tilespmem:s12], [sflag:$0x2], $0x80, s3, s14, $0xb8;
	[tilespmem:$0x1A100] =	vst v63  }
0x2b: {  	_ =	swait.ge [sflag:s11], $0x6400  }
0x2c: {  	s18 =	smov.u32 s20;
	s16 =	sadd.s32 $0xC80, s16;
	[sflag:s11] =	ssyncset.done $0x0  }
0x2d: {  	s17 =	sadd.s32 s17, s9;
	[sflag:s11] =	ssyncadd.s32 $0xFFFF9C00  }
0x2e: {  	[tilespmem:s3], [sflag:$0x2] =	stream.linear.gather [hbm4b:s17+s3], $0xC8, $0x38;
	[tilespmem:$0x1A100] =	vst v63  }
0x2f: {  	_ =	swait.ge [sflag:s11], $0xC8  }
0x30: {  	[sflag:s11] =	ssyncset.done $0x0  }
0x31: {  	[sflag:s11] =	ssyncadd.s32 $0xFFFFFF38  }
0x32: {  	[tilespmem:s12], [sflag:$0x1] =	stream.linear.gather [hbm4b:s16+s3], $0x6400, $0x38;
	[tilespmem:$0x1A100] =	vst v63  }
0x33: {  	_ =	swait.ge [sflag:s13], $0x6400  }
0x34: {  	[sflag:s13] =	ssyncset.done $0x0  }
0x35: {  	[sflag:s13] =	ssyncadd.s32 $0xFFFF9C00  }
0x36: {  	[spmem:s2] =	stream.indirect.scatter.add.f32 [tilespmem:s12], [sflag:$0x2], $0x80, s3, s14, $0xb8;
	[tilespmem:$0x1A100] =	vst v63  }
0x37: {  	_ =	swait.ge [sflag:s11], $0x6400  }
0x38: {  	s15 =	sadd.s32 $0x1, s15;
	[sflag:s11] =	ssyncset.done $0x0  }
0x39: {  	p0 =	sne.s32 s15, s7;
	[sflag:s11] =	ssyncadd.s32 $0xFFFF9C00  }
.Ltmp1:
0x3a: {  	[bflag:$0x0] =	sbarrier.arrive $0xFFFF;
	(pc) =	sbr.rel @p0 .LBB2_1-.Ltmp1, $4  }
0x3b: {  	[hbm:s6], [sflag:s5] =	dma.local [spmem:s10], $0x2780  }
0x3c: {  	_ =	swait.ge [sflag:s11], $0x2780  }
0x3d: {  	[sflag:s11] =	ssyncset.done $0x0  }
0x3e: {  	[sflag:s11] =	ssyncadd.s32 $0xFFFFD880  }
0x3f: {  	_ =	sfence.sel $0x180000  }
0x40: {  	[bflag:$0x0] =	sbarrier.arrive $0xFFFF  }
0x41: {  	p0 =	sne.s32 s0, $0x0;
	_ =	strace $0x90000053  }
0x42: {  	s0 =	sadd.s32 @!p0 $0x100000, s1;
	[bflag:$0x2] =	sbarrier.arrive $0xFFFF  }
0x43: {  	[sflag:s0] =	ssyncadd.tile.s32 @!p0 $0x1;
	_ =	shalt  }
.Lfunc_end2:
_tile_overlayer_lowered:
.L_overlay_start_2:
0x44: {  	(tag) =	ssettag $0x2  }
0x45: {  	s0 =	rddreg [dreg:$0x0];
	s2 =	stileid.u32  }
0x46: {  	s1 =	rddreg [dreg:$0x1];
	p0 =	sne.s32 s2, $0x0  }
0x47: {  	s3 =	rddreg [dreg:$0x2];
	[bflag:$0x3] =	sbarrier.arrive $0xFFFF;
	s2 =	simm.s32 @!p0 $0x1C02  }
0x48: {  	[timem:s3], [sflag:s2] =	dma.local @!p0 [hbm:s0], s1  }
0x49: {  	s0 =	simm.s32 @!p0 $0x2  }
0x4a: {  	_ =	swait.ge @!p0 [sflag:s0], s1  }
0x4b: {  	s1 =	ssub.s32 @!p0 $0x0, s1;
	[sflag:s0] =	ssyncset.done @!p0 $0x0  }
0x4c: {  	[sflag:s0] =	ssyncadd.s32 @!p0 s1  }
0x4d: {  	[bflag:$0x3] =	sbarrier.arrive $0xFFFF  }
0x4e: {  	_ =	shalt  }

</sc_bundles>
